<compile_context>
chip_gen: v7x
topology: tpu7x:2x2x1
jax: 0.10.2.dev20260603
libtpu: 0.0.44.dev20260713+nightly
codegen_flags: <defaults>
</compile_context>

<pallas_src>
import functools

import jax
import jax.numpy as jnp
from jax import lax
from jax.experimental import pallas as pl
from jax.experimental.pallas import tpu as pltpu
from jax.experimental.pallas import tpu_sc as plsc

_B, _K = 16384, 64
_NC, _NS, _L = 2, 16, 16
_NW = _NC * _NS
_CW = _B // _NW
_NSUB = 4
_SUBW = _CW // _NSUB


def _sc_body(u_hbm, v_hbm, out_hbm, u_v, v_v, o_v, sems):
    wid = lax.axis_index("s") * _NC + lax.axis_index("c")
    base = wid * _CW
    copies = []
    for t in range(_NSUB):
        cu = pltpu.make_async_copy(
            u_hbm.at[:, pl.ds(base + t * _SUBW, _SUBW)],
            u_v.at[:, pl.ds(t * _SUBW, _SUBW)],
            sems.at[0, t],
        )
        cv = pltpu.make_async_copy(
            v_hbm.at[:, pl.ds(base + t * _SUBW, _SUBW)],
            v_v.at[:, pl.ds(t * _SUBW, _SUBW)],
            sems.at[1, t],
        )
        cu.start()
        cv.start()
        copies.append((cu, cv))

    zero = jnp.zeros((_L,), jnp.float32)
    for t in range(_NSUB):
        cu, cv = copies[t]
        cu.wait()
        cv.wait()

        def group_body(g, carry, t=t):
            col = pl.multiple_of(t * _SUBW + g * _L, _L)
            accs = [zero, zero, zero, zero]
            for r in range(_K):
                accs[r % 4] = (
                    accs[r % 4] + u_v[r, pl.ds(col, _L)] * v_v[r, pl.ds(col, _L)]
                )
            o_v[pl.ds(col, _L)] = (accs[0] + accs[1]) + (accs[2] + accs[3])
            return carry

        lax.fori_loop(0, _SUBW // _L, group_body, 0)

    pltpu.sync_copy(o_v, out_hbm.at[pl.ds(base, _CW)])


_sc_dot = functools.partial(
    pl.kernel,
    out_type=jax.ShapeDtypeStruct((_B,), jnp.float32),
    mesh=plsc.VectorSubcoreMesh(
        core_axis_name="c", subcore_axis_name="s", num_cores=_NC
    ),
    scratch_types=[
        pltpu.VMEM((_K, _CW), jnp.float32),
        pltpu.VMEM((_K, _CW), jnp.float32),
        pltpu.VMEM((_CW,), jnp.float32),
        pltpu.SemaphoreType.DMA((2, _NSUB)),
    ],
)(_sc_body)


def kernel(gu, gi):
    return _sc_dot(gu.T, gi.T)

# --- scband reference (transcript-rebuilt; emitter-appended) ---
"""Pipeline reference for scband-kgtoremodel-64604898066610 (READ-ONLY COPY).

The authoritative reference and input builder live on the scoring server;
editing this copy changes nothing except your own understanding.
"""

import jax, jax.numpy as jnp
import numpy as np

B = 16384
EMBED_K = 64

def setup_inputs(seed: int = 0) -> dict:
    key = jax.random.key(seed)
    k1, k2 = jax.random.split(key)
    gu = jax.random.normal(k1, (B, EMBED_K), dtype=jnp.float32)
    gi = jax.random.normal(k2, (B, EMBED_K), dtype=jnp.float32)
    return {"gu": gu, "gi": gi}

def reference(gu, gi):
    # KGTOREModel.forward: inputs = (gu, gi); per-pair inner product (BPR scoring head)
    gamma_u = jnp.squeeze(gu)
    gamma_i = jnp.squeeze(gi)
    xui = jnp.sum(gamma_u * gamma_i, axis=1)
    return xui

if __name__ == "__main__":
    import jax
    _d = setup_inputs()
    print(jax.jit(kernel)(*tuple(_d.values())))

</pallas_src>

<mosaic_0001>
#map = affine_map<(d0, d1) -> (0, 0)>
#map1 = affine_map<(d0, d1) -> (0)>
module attributes {stable_mosaic.version = 14 : i64} {
  func.func @_sc_body(%arg0: i32, %arg1: i32, %arg2: memref<64x16384xf32, #tpu.memory_space<hbm>>, %arg3: memref<64x16384xf32, #tpu.memory_space<hbm>>, %arg4: memref<16384xf32, #tpu.memory_space<hbm>>, %arg5: memref<64x512xf32, #tpu.memory_space<vmem>>, %arg6: memref<64x512xf32, #tpu.memory_space<vmem>>, %arg7: memref<512xf32, #tpu.memory_space<vmem>>, %arg8: memref<2x4x!tpu.dma_semaphore, #tpu.memory_space<semaphore_mem>>) attributes {dimension_semantics = [#tpu.dimension_semantics<core_parallel>, #tpu.dimension_semantics<subcore_parallel>], iteration_bounds = array<i64: 2, 16>, scalar_prefetch = 0 : i64, scratch_operands = 4 : i64, tpu.core_type = #tpu.core_type<sc_vector_subcore>, window_params = [{transform_indices = #map}, {transform_indices = #map}, {transform_indices = #map1}]} {
    %mul3A = arith.constant 2 : i32
    %mul3A_0 = arith.muli %arg1, %mul3A : i32
    %add3A = arith.addi %mul3A_0, %arg0 : i32
    %mul3A_1 = arith.constant 512 : i32
    %mul3A_2 = arith.muli %add3A, %mul3A_1 : i32
    %add3A_3 = arith.constant 0 : i32
    %add3A_4 = arith.addi %mul3A_2, %add3A_3 : i32
    %add3A_5 = arith.constant 0 : i32
    %add3A_6 = arith.addi %mul3A_2, %add3A_5 : i32
    %dma_start3A = arith.constant 0 : i32
    %dma_start3A_7 = arith.constant 0 : i32
    %dma_start3A_8 = arith.constant 0 : i32
    %dma_start3A_9 = arith.constant 0 : i32
    %dma_start3A_10 = tpu.memref_slice %arg5[%dma_start3A_8, %dma_start3A_9] : memref<64x512xf32, #tpu.memory_space<vmem>> -> memref<64x128xf32, #tpu.memory_space<vmem>>
    %dma_start3A_11 = arith.constant 0 : i32
    %dma_start3A_12 = tpu.memref_slice %arg2[%dma_start3A_11, %add3A_4] : memref<64x16384xf32, #tpu.memory_space<hbm>> -> memref<64x128xf32, #tpu.memory_space<hbm>>
    %dma_start3A_13 = tpu.memref_slice %arg8[%dma_start3A, %dma_start3A_7] : memref<2x4x!tpu.dma_semaphore, #tpu.memory_space<semaphore_mem>> -> memref<1x1x!tpu.dma_semaphore, #tpu.memory_space<semaphore_mem>>
    %dma_start3A_14 = tpu.memref_squeeze %dma_start3A_13 : memref<1x1x!tpu.dma_semaphore, #tpu.memory_space<semaphore_mem>> -> memref<!tpu.dma_semaphore, #tpu.memory_space<semaphore_mem>>
    %dma_start3A_15 = arith.constant 0 : i32
    %dma_start3A_16 = arith.constant 0 : i32
    %dma_start3A_17 = tpu.memref_slice %arg5[%dma_start3A_15, %dma_start3A_16] : memref<64x512xf32, #tpu.memory_space<vmem>> -> memref<64x128xf32, #tpu.memory_space<vmem>>
    %dma_start3A_18 = arith.constant 0 : i32
    %dma_start3A_19 = tpu.memref_slice %arg2[%dma_start3A_18, %add3A_4] : memref<64x16384xf32, #tpu.memory_space<hbm>> -> memref<64x128xf32, #tpu.memory_space<hbm>>
    tpu.enqueue_dma source(%dma_start3A_19 : memref<64x128xf32, #tpu.memory_space<hbm>>) target(%dma_start3A_17 : memref<64x128xf32, #tpu.memory_space<vmem>>) target_semaphore(%dma_start3A_14 : memref<!tpu.dma_semaphore, #tpu.memory_space<semaphore_mem>>)
    %dma_start3A_20 = arith.constant 1 : i32
    %dma_start3A_21 = arith.constant 0 : i32
    %dma_start3A_22 = arith.constant 0 : i32
    %dma_start3A_23 = arith.constant 0 : i32
    %dma_start3A_24 = tpu.memref_slice %arg6[%dma_start3A_22, %dma_start3A_23] : memref<64x512xf32, #tpu.memory_space<vmem>> -> memref<64x128xf32, #tpu.memory_space<vmem>>
    %dma_start3A_25 = arith.constant 0 : i32
    %dma_start3A_26 = tpu.memref_slice %arg3[%dma_start3A_25, %add3A_6] : memref<64x16384xf32, #tpu.memory_space<hbm>> -> memref<64x128xf32, #tpu.memory_space<hbm>>
    %dma_start3A_27 = tpu.memref_slice %arg8[%dma_start3A_20, %dma_start3A_21] : memref<2x4x!tpu.dma_semaphore, #tpu.memory_space<semaphore_mem>> -> memref<1x1x!tpu.dma_semaphore, #tpu.memory_space<semaphore_mem>>
    %dma_start3A_28 = tpu.memref_squeeze %dma_start3A_27 : memref<1x1x!tpu.dma_semaphore, #tpu.memory_space<semaphore_mem>> -> memref<!tpu.dma_semaphore, #tpu.memory_space<semaphore_mem>>
    %dma_start3A_29 = arith.constant 0 : i32
    %dma_start3A_30 = arith.constant 0 : i32
    %dma_start3A_31 = tpu.memref_slice %arg6[%dma_start3A_29, %dma_start3A_30] : memref<64x512xf32, #tpu.memory_space<vmem>> -> memref<64x128xf32, #tpu.memory_space<vmem>>
    %dma_start3A_32 = arith.constant 0 : i32
    %dma_start3A_33 = tpu.memref_slice %arg3[%dma_start3A_32, %add3A_6] : memref<64x16384xf32, #tpu.memory_space<hbm>> -> memref<64x128xf32, #tpu.memory_space<hbm>>
    tpu.enqueue_dma source(%dma_start3A_33 : memref<64x128xf32, #tpu.memory_space<hbm>>) target(%dma_start3A_31 : memref<64x128xf32, #tpu.memory_space<vmem>>) target_semaphore(%dma_start3A_28 : memref<!tpu.dma_semaphore, #tpu.memory_space<semaphore_mem>>)
    %add3A_34 = arith.constant 128 : i32
    %add3A_35 = arith.addi %mul3A_2, %add3A_34 : i32
    %add3A_36 = arith.constant 128 : i32
    %add3A_37 = arith.addi %mul3A_2, %add3A_36 : i32
    %dma_start3A_38 = arith.constant 0 : i32
    %dma_start3A_39 = arith.constant 1 : i32
    %dma_start3A_40 = arith.constant 0 : i32
    %dma_start3A_41 = arith.constant 128 : i32
    %dma_start3A_42 = tpu.memref_slice %arg5[%dma_start3A_40, %dma_start3A_41] : memref<64x512xf32, #tpu.memory_space<vmem>> -> memref<64x128xf32, #tpu.memory_space<vmem>>
    %dma_start3A_43 = arith.constant 0 : i32
    %dma_start3A_44 = tpu.memref_slice %arg2[%dma_start3A_43, %add3A_35] : memref<64x16384xf32, #tpu.memory_space<hbm>> -> memref<64x128xf32, #tpu.memory_space<hbm>>
    %dma_start3A_45 = tpu.memref_slice %arg8[%dma_start3A_38, %dma_start3A_39] : memref<2x4x!tpu.dma_semaphore, #tpu.memory_space<semaphore_mem>> -> memref<1x1x!tpu.dma_semaphore, #tpu.memory_space<semaphore_mem>>
    %dma_start3A_46 = tpu.memref_squeeze %dma_start3A_45 : memref<1x1x!tpu.dma_semaphore, #tpu.memory_space<semaphore_mem>> -> memref<!tpu.dma_semaphore, #tpu.memory_space<semaphore_mem>>
    %dma_start3A_47 = arith.constant 0 : i32
    %dma_start3A_48 = arith.constant 128 : i32
    %dma_start3A_49 = tpu.memref_slice %arg5[%dma_start3A_47, %dma_start3A_48] : memref<64x512xf32, #tpu.memory_space<vmem>> -> memref<64x128xf32, #tpu.memory_space<vmem>>
    %dma_start3A_50 = arith.constant 0 : i32
    %dma_start3A_51 = tpu.memref_slice %arg2[%dma_start3A_50, %add3A_35] : memref<64x16384xf32, #tpu.memory_space<hbm>> -> memref<64x128xf32, #tpu.memory_space<hbm>>
    tpu.enqueue_dma source(%dma_start3A_51 : memref<64x128xf32, #tpu.memory_space<hbm>>) target(%dma_start3A_49 : memref<64x128xf32, #tpu.memory_space<vmem>>) target_semaphore(%dma_start3A_46 : memref<!tpu.dma_semaphore, #tpu.memory_space<semaphore_mem>>)
    %dma_start3A_52 = arith.constant 1 : i32
    %dma_start3A_53 = arith.constant 1 : i32
    %dma_start3A_54 = arith.constant 0 : i32
    %dma_start3A_55 = arith.constant 128 : i32
    %dma_start3A_56 = tpu.memref_slice %arg6[%dma_start3A_54, %dma_start3A_55] : memref<64x512xf32, #tpu.memory_space<vmem>> -> memref<64x128xf32, #tpu.memory_space<vmem>>
    %dma_start3A_57 = arith.constant 0 : i32
    %dma_start3A_58 = tpu.memref_slice %arg3[%dma_start3A_57, %add3A_37] : memref<64x16384xf32, #tpu.memory_space<hbm>> -> memref<64x128xf32, #tpu.memory_space<hbm>>
    %dma_start3A_59 = tpu.memref_slice %arg8[%dma_start3A_52, %dma_start3A_53] : memref<2x4x!tpu.dma_semaphore, #tpu.memory_space<semaphore_mem>> -> memref<1x1x!tpu.dma_semaphore, #tpu.memory_space<semaphore_mem>>
    %dma_start3A_60 = tpu.memref_squeeze %dma_start3A_59 : memref<1x1x!tpu.dma_semaphore, #tpu.memory_space<semaphore_mem>> -> memref<!tpu.dma_semaphore, #tpu.memory_space<semaphore_mem>>
    %dma_start3A_61 = arith.constant 0 : i32
    %dma_start3A_62 = arith.constant 128 : i32
    %dma_start3A_63 = tpu.memref_slice %arg6[%dma_start3A_61, %dma_start3A_62] : memref<64x512xf32, #tpu.memory_space<vmem>> -> memref<64x128xf32, #tpu.memory_space<vmem>>
    %dma_start3A_64 = arith.constant 0 : i32
    %dma_start3A_65 = tpu.memref_slice %arg3[%dma_start3A_64, %add3A_37] : memref<64x16384xf32, #tpu.memory_space<hbm>> -> memref<64x128xf32, #tpu.memory_space<hbm>>
    tpu.enqueue_dma source(%dma_start3A_65 : memref<64x128xf32, #tpu.memory_space<hbm>>) target(%dma_start3A_63 : memref<64x128xf32, #tpu.memory_space<vmem>>) target_semaphore(%dma_start3A_60 : memref<!tpu.dma_semaphore, #tpu.memory_space<semaphore_mem>>)
    %add3A_66 = arith.constant 256 : i32
    %add3A_67 = arith.addi %mul3A_2, %add3A_66 : i32
    %add3A_68 = arith.constant 256 : i32
    %add3A_69 = arith.addi %mul3A_2, %add3A_68 : i32
    %dma_start3A_70 = arith.constant 0 : i32
    %dma_start3A_71 = arith.constant 2 : i32
    %dma_start3A_72 = arith.constant 0 : i32
    %dma_start3A_73 = arith.constant 256 : i32
    %dma_start3A_74 = tpu.memref_slice %arg5[%dma_start3A_72, %dma_start3A_73] : memref<64x512xf32, #tpu.memory_space<vmem>> -> memref<64x128xf32, #tpu.memory_space<vmem>>
    %dma_start3A_75 = arith.constant 0 : i32
    %dma_start3A_76 = tpu.memref_slice %arg2[%dma_start3A_75, %add3A_67] : memref<64x16384xf32, #tpu.memory_space<hbm>> -> memref<64x128xf32, #tpu.memory_space<hbm>>
    %dma_start3A_77 = tpu.memref_slice %arg8[%dma_start3A_70, %dma_start3A_71] : memref<2x4x!tpu.dma_semaphore, #tpu.memory_space<semaphore_mem>> -> memref<1x1x!tpu.dma_semaphore, #tpu.memory_space<semaphore_mem>>
    %dma_start3A_78 = tpu.memref_squeeze %dma_start3A_77 : memref<1x1x!tpu.dma_semaphore, #tpu.memory_space<semaphore_mem>> -> memref<!tpu.dma_semaphore, #tpu.memory_space<semaphore_mem>>
    %dma_start3A_79 = arith.constant 0 : i32
    %dma_start3A_80 = arith.constant 256 : i32
    %dma_start3A_81 = tpu.memref_slice %arg5[%dma_start3A_79, %dma_start3A_80] : memref<64x512xf32, #tpu.memory_space<vmem>> -> memref<64x128xf32, #tpu.memory_space<vmem>>
    %dma_start3A_82 = arith.constant 0 : i32
    %dma_start3A_83 = tpu.memref_slice %arg2[%dma_start3A_82, %add3A_67] : memref<64x16384xf32, #tpu.memory_space<hbm>> -> memref<64x128xf32, #tpu.memory_space<hbm>>
    tpu.enqueue_dma source(%dma_start3A_83 : memref<64x128xf32, #tpu.memory_space<hbm>>) target(%dma_start3A_81 : memref<64x128xf32, #tpu.memory_space<vmem>>) target_semaphore(%dma_start3A_78 : memref<!tpu.dma_semaphore, #tpu.memory_space<semaphore_mem>>)
    %dma_start3A_84 = arith.constant 1 : i32
    %dma_start3A_85 = arith.constant 2 : i32
    %dma_start3A_86 = arith.constant 0 : i32
    %dma_start3A_87 = arith.constant 256 : i32
    %dma_start3A_88 = tpu.memref_slice %arg6[%dma_start3A_86, %dma_start3A_87] : memref<64x512xf32, #tpu.memory_space<vmem>> -> memref<64x128xf32, #tpu.memory_space<vmem>>
    %dma_start3A_89 = arith.constant 0 : i32
    %dma_start3A_90 = tpu.memref_slice %arg3[%dma_start3A_89, %add3A_69] : memref<64x16384xf32, #tpu.memory_space<hbm>> -> memref<64x128xf32, #tpu.memory_space<hbm>>
    %dma_start3A_91 = tpu.memref_slice %arg8[%dma_start3A_84, %dma_start3A_85] : memref<2x4x!tpu.dma_semaphore, #tpu.memory_space<semaphore_mem>> -> memref<1x1x!tpu.dma_semaphore, #tpu.memory_space<semaphore_mem>>
    %dma_start3A_92 = tpu.memref_squeeze %dma_start3A_91 : memref<1x1x!tpu.dma_semaphore, #tpu.memory_space<semaphore_mem>> -> memref<!tpu.dma_semaphore, #tpu.memory_space<semaphore_mem>>
    %dma_start3A_93 = arith.constant 0 : i32
    %dma_start3A_94 = arith.constant 256 : i32
    %dma_start3A_95 = tpu.memref_slice %arg6[%dma_start3A_93, %dma_start3A_94] : memref<64x512xf32, #tpu.memory_space<vmem>> -> memref<64x128xf32, #tpu.memory_space<vmem>>
    %dma_start3A_96 = arith.constant 0 : i32
    %dma_start3A_97 = tpu.memref_slice %arg3[%dma_start3A_96, %add3A_69] : memref<64x16384xf32, #tpu.memory_space<hbm>> -> memref<64x128xf32, #tpu.memory_space<hbm>>
    tpu.enqueue_dma source(%dma_start3A_97 : memref<64x128xf32, #tpu.memory_space<hbm>>) target(%dma_start3A_95 : memref<64x128xf32, #tpu.memory_space<vmem>>) target_semaphore(%dma_start3A_92 : memref<!tpu.dma_semaphore, #tpu.memory_space<semaphore_mem>>)
    %add3A_98 = arith.constant 384 : i32
    %add3A_99 = arith.addi %mul3A_2, %add3A_98 : i32
    %add3A_100 = arith.constant 384 : i32
    %add3A_101 = arith.addi %mul3A_2, %add3A_100 : i32
    %dma_start3A_102 = arith.constant 0 : i32
    %dma_start3A_103 = arith.constant 3 : i32
    %dma_start3A_104 = arith.constant 0 : i32
    %dma_start3A_105 = arith.constant 384 : i32
    %dma_start3A_106 = tpu.memref_slice %arg5[%dma_start3A_104, %dma_start3A_105] : memref<64x512xf32, #tpu.memory_space<vmem>> -> memref<64x128xf32, #tpu.memory_space<vmem>>
    %dma_start3A_107 = arith.constant 0 : i32
    %dma_start3A_108 = tpu.memref_slice %arg2[%dma_start3A_107, %add3A_99] : memref<64x16384xf32, #tpu.memory_space<hbm>> -> memref<64x128xf32, #tpu.memory_space<hbm>>
    %dma_start3A_109 = tpu.memref_slice %arg8[%dma_start3A_102, %dma_start3A_103] : memref<2x4x!tpu.dma_semaphore, #tpu.memory_space<semaphore_mem>> -> memref<1x1x!tpu.dma_semaphore, #tpu.memory_space<semaphore_mem>>
    %dma_start3A_110 = tpu.memref_squeeze %dma_start3A_109 : memref<1x1x!tpu.dma_semaphore, #tpu.memory_space<semaphore_mem>> -> memref<!tpu.dma_semaphore, #tpu.memory_space<semaphore_mem>>
    %dma_start3A_111 = arith.constant 0 : i32
    %dma_start3A_112 = arith.constant 384 : i32
    %dma_start3A_113 = tpu.memref_slice %arg5[%dma_start3A_111, %dma_start3A_112] : memref<64x512xf32, #tpu.memory_space<vmem>> -> memref<64x128xf32, #tpu.memory_space<vmem>>
    %dma_start3A_114 = arith.constant 0 : i32
    %dma_start3A_115 = tpu.memref_slice %arg2[%dma_start3A_114, %add3A_99] : memref<64x16384xf32, #tpu.memory_space<hbm>> -> memref<64x128xf32, #tpu.memory_space<hbm>>
    tpu.enqueue_dma source(%dma_start3A_115 : memref<64x128xf32, #tpu.memory_space<hbm>>) target(%dma_start3A_113 : memref<64x128xf32, #tpu.memory_space<vmem>>) target_semaphore(%dma_start3A_110 : memref<!tpu.dma_semaphore, #tpu.memory_space<semaphore_mem>>)
    %dma_start3A_116 = arith.constant 1 : i32
    %dma_start3A_117 = arith.constant 3 : i32
    %dma_start3A_118 = arith.constant 0 : i32
    %dma_start3A_119 = arith.constant 384 : i32
    %dma_start3A_120 = tpu.memref_slice %arg6[%dma_start3A_118, %dma_start3A_119] : memref<64x512xf32, #tpu.memory_space<vmem>> -> memref<64x128xf32, #tpu.memory_space<vmem>>
    %dma_start3A_121 = arith.constant 0 : i32
    %dma_start3A_122 = tpu.memref_slice %arg3[%dma_start3A_121, %add3A_101] : memref<64x16384xf32, #tpu.memory_space<hbm>> -> memref<64x128xf32, #tpu.memory_space<hbm>>
    %dma_start3A_123 = tpu.memref_slice %arg8[%dma_start3A_116, %dma_start3A_117] : memref<2x4x!tpu.dma_semaphore, #tpu.memory_space<semaphore_mem>> -> memref<1x1x!tpu.dma_semaphore, #tpu.memory_space<semaphore_mem>>
    %dma_start3A_124 = tpu.memref_squeeze %dma_start3A_123 : memref<1x1x!tpu.dma_semaphore, #tpu.memory_space<semaphore_mem>> -> memref<!tpu.dma_semaphore, #tpu.memory_space<semaphore_mem>>
    %dma_start3A_125 = arith.constant 0 : i32
    %dma_start3A_126 = arith.constant 384 : i32
    %dma_start3A_127 = tpu.memref_slice %arg6[%dma_start3A_125, %dma_start3A_126] : memref<64x512xf32, #tpu.memory_space<vmem>> -> memref<64x128xf32, #tpu.memory_space<vmem>>
    %dma_start3A_128 = arith.constant 0 : i32
    %dma_start3A_129 = tpu.memref_slice %arg3[%dma_start3A_128, %add3A_101] : memref<64x16384xf32, #tpu.memory_space<hbm>> -> memref<64x128xf32, #tpu.memory_space<hbm>>
    tpu.enqueue_dma source(%dma_start3A_129 : memref<64x128xf32, #tpu.memory_space<hbm>>) target(%dma_start3A_127 : memref<64x128xf32, #tpu.memory_space<vmem>>) target_semaphore(%dma_start3A_124 : memref<!tpu.dma_semaphore, #tpu.memory_space<semaphore_mem>>)
    %broadcast_in_dim3A = arith.constant 0.000000e+00 : f32
    %broadcast_in_dim3A_130 = vector.broadcast %broadcast_in_dim3A : f32 to vector<16xf32>
    %dma_wait3A = arith.constant 0 : i32
    %dma_wait3A_131 = arith.constant 0 : i32
    %dma_wait3A_132 = arith.constant 0 : i32
    %dma_wait3A_133 = arith.constant 0 : i32
    %dma_wait3A_134 = tpu.memref_slice %arg5[%dma_wait3A_132, %dma_wait3A_133] : memref<64x512xf32, #tpu.memory_space<vmem>> -> memref<64x128xf32, #tpu.memory_space<vmem>>
    %dma_wait3A_135 = arith.constant 0 : i32
    %dma_wait3A_136 = tpu.memref_slice %arg2[%dma_wait3A_135, %add3A_4] : memref<64x16384xf32, #tpu.memory_space<hbm>> -> memref<64x128xf32, #tpu.memory_space<hbm>>
    %dma_wait3A_137 = tpu.memref_slice %arg8[%dma_wait3A, %dma_wait3A_131] : memref<2x4x!tpu.dma_semaphore, #tpu.memory_space<semaphore_mem>> -> memref<1x1x!tpu.dma_semaphore, #tpu.memory_space<semaphore_mem>>
    %dma_wait3A_138 = tpu.memref_squeeze %dma_wait3A_137 : memref<1x1x!tpu.dma_semaphore, #tpu.memory_space<semaphore_mem>> -> memref<!tpu.dma_semaphore, #tpu.memory_space<semaphore_mem>>
    %dma_wait3A_139 = arith.constant 0 : i32
    %dma_wait3A_140 = arith.constant 0 : i32
    %dma_wait3A_141 = tpu.memref_slice %arg5[%dma_wait3A_139, %dma_wait3A_140] : memref<64x512xf32, #tpu.memory_space<vmem>> -> memref<64x128xf32, #tpu.memory_space<vmem>>
    %dma_wait3A_142 = arith.constant 0 : i32
    %dma_wait3A_143 = tpu.memref_slice %arg2[%dma_wait3A_142, %add3A_4] : memref<64x16384xf32, #tpu.memory_space<hbm>> -> memref<64x128xf32, #tpu.memory_space<hbm>>
    tpu.wait_dma2 semaphore(%dma_wait3A_138 : memref<!tpu.dma_semaphore, #tpu.memory_space<semaphore_mem>>) src(%dma_wait3A_143 : memref<64x128xf32, #tpu.memory_space<hbm>>) dst(%dma_wait3A_141 : memref<64x128xf32, #tpu.memory_space<vmem>>)
    %dma_wait3A_144 = arith.constant 1 : i32
    %dma_wait3A_145 = arith.constant 0 : i32
    %dma_wait3A_146 = arith.constant 0 : i32
    %dma_wait3A_147 = arith.constant 0 : i32
    %dma_wait3A_148 = tpu.memref_slice %arg6[%dma_wait3A_146, %dma_wait3A_147] : memref<64x512xf32, #tpu.memory_space<vmem>> -> memref<64x128xf32, #tpu.memory_space<vmem>>
    %dma_wait3A_149 = arith.constant 0 : i32
    %dma_wait3A_150 = tpu.memref_slice %arg3[%dma_wait3A_149, %add3A_6] : memref<64x16384xf32, #tpu.memory_space<hbm>> -> memref<64x128xf32, #tpu.memory_space<hbm>>
    %dma_wait3A_151 = tpu.memref_slice %arg8[%dma_wait3A_144, %dma_wait3A_145] : memref<2x4x!tpu.dma_semaphore, #tpu.memory_space<semaphore_mem>> -> memref<1x1x!tpu.dma_semaphore, #tpu.memory_space<semaphore_mem>>
    %dma_wait3A_152 = tpu.memref_squeeze %dma_wait3A_151 : memref<1x1x!tpu.dma_semaphore, #tpu.memory_space<semaphore_mem>> -> memref<!tpu.dma_semaphore, #tpu.memory_space<semaphore_mem>>
    %dma_wait3A_153 = arith.constant 0 : i32
    %dma_wait3A_154 = arith.constant 0 : i32
    %dma_wait3A_155 = tpu.memref_slice %arg6[%dma_wait3A_153, %dma_wait3A_154] : memref<64x512xf32, #tpu.memory_space<vmem>> -> memref<64x128xf32, #tpu.memory_space<vmem>>
    %dma_wait3A_156 = arith.constant 0 : i32
    %dma_wait3A_157 = tpu.memref_slice %arg3[%dma_wait3A_156, %add3A_6] : memref<64x16384xf32, #tpu.memory_space<hbm>> -> memref<64x128xf32, #tpu.memory_space<hbm>>
    tpu.wait_dma2 semaphore(%dma_wait3A_152 : memref<!tpu.dma_semaphore, #tpu.memory_space<semaphore_mem>>) src(%dma_wait3A_157 : memref<64x128xf32, #tpu.memory_space<hbm>>) dst(%dma_wait3A_155 : memref<64x128xf32, #tpu.memory_space<vmem>>)
    %scan3A = arith.constant 0 : i32
    %scan3A_158 = arith.constant 0 : i32
    %scan3A_159 = arith.constant 8 : i32
    %scan3A_160 = arith.addi %scan3A_158, %scan3A_159 : i32
    %scan3A_161 = arith.constant 1 : i32
    scf.for %scan3A_265 = %scan3A_158 to %scan3A_160 step %scan3A_161  : i32 {
      %mul3A_266 = arith.constant 16 : i32
      %mul3A_267 = arith.muli %scan3A_265, %mul3A_266 : i32
      %add3A_268 = arith.constant 0 : i32
      %add3A_269 = arith.addi %add3A_268, %mul3A_267 : i32
      %multiple_of3A = tpu.assume_multiple %add3A_269, 16 : i32
      %get3A = arith.constant 0 : i32
      %get3A_270 = arith.index_cast %get3A : i32 to index
      %get3A_271 = arith.index_cast %multiple_of3A : i32 to index
      %get3A_272 = tpu.vector_load %arg5[%get3A_270, %get3A_271] {strides = array<i32>} : memref<64x512xf32, #tpu.memory_space<vmem>>, vector<1x16xf32>,
      %get3A_273 = vector.shape_cast %get3A_272 : vector<1x16xf32> to vector<16xf32>
      %get3A_274 = arith.constant 0 : i32
      %get3A_275 = arith.index_cast %get3A_274 : i32 to index
      %get3A_276 = arith.index_cast %multiple_of3A : i32 to index
      %get3A_277 = tpu.vector_load %arg6[%get3A_275, %get3A_276] {strides = array<i32>} : memref<64x512xf32, #tpu.memory_space<vmem>>, vector<1x16xf32>,
      %get3A_278 = vector.shape_cast %get3A_277 : vector<1x16xf32> to vector<16xf32>
      %mul3A_279 = arith.mulf %get3A_273, %get3A_278 : vector<16xf32>
      %add3A_280 = arith.addf %broadcast_in_dim3A_130, %mul3A_279 : vector<16xf32>
      %get3A_281 = arith.constant 1 : i32
      %get3A_282 = arith.index_cast %get3A_281 : i32 to index
      %get3A_283 = arith.index_cast %multiple_of3A : i32 to index
      %get3A_284 = tpu.vector_load %arg5[%get3A_282, %get3A_283] {strides = array<i32>} : memref<64x512xf32, #tpu.memory_space<vmem>>, vector<1x16xf32>,
      %get3A_285 = vector.shape_cast %get3A_284 : vector<1x16xf32> to vector<16xf32>
      %get3A_286 = arith.constant 1 : i32
      %get3A_287 = arith.index_cast %get3A_286 : i32 to index
      %get3A_288 = arith.index_cast %multiple_of3A : i32 to index
      %get3A_289 = tpu.vector_load %arg6[%get3A_287, %get3A_288] {strides = array<i32>} : memref<64x512xf32, #tpu.memory_space<vmem>>, vector<1x16xf32>,
      %get3A_290 = vector.shape_cast %get3A_289 : vector<1x16xf32> to vector<16xf32>
      %mul3A_291 = arith.mulf %get3A_285, %get3A_290 : vector<16xf32>
      %add3A_292 = arith.addf %broadcast_in_dim3A_130, %mul3A_291 : vector<16xf32>
      %get3A_293 = arith.constant 2 : i32
      %get3A_294 = arith.index_cast %get3A_293 : i32 to index
      %get3A_295 = arith.index_cast %multiple_of3A : i32 to index
      %get3A_296 = tpu.vector_load %arg5[%get3A_294, %get3A_295] {strides = array<i32>} : memref<64x512xf32, #tpu.memory_space<vmem>>, vector<1x16xf32>,
      %get3A_297 = vector.shape_cast %get3A_296 : vector<1x16xf32> to vector<16xf32>
      %get3A_298 = arith.constant 2 : i32
      %get3A_299 = arith.index_cast %get3A_298 : i32 to index
      %get3A_300 = arith.index_cast %multiple_of3A : i32 to index
      %get3A_301 = tpu.vector_load %arg6[%get3A_299, %get3A_300] {strides = array<i32>} : memref<64x512xf32, #tpu.memory_space<vmem>>, vector<1x16xf32>,
      %get3A_302 = vector.shape_cast %get3A_301 : vector<1x16xf32> to vector<16xf32>
      %mul3A_303 = arith.mulf %get3A_297, %get3A_302 : vector<16xf32>
      %add3A_304 = arith.addf %broadcast_in_dim3A_130, %mul3A_303 : vector<16xf32>
      %get3A_305 = arith.constant 3 : i32
      %get3A_306 = arith.index_cast %get3A_305 : i32 to index
      %get3A_307 = arith.index_cast %multiple_of3A : i32 to index
      %get3A_308 = tpu.vector_load %arg5[%get3A_306, %get3A_307] {strides = array<i32>} : memref<64x512xf32, #tpu.memory_space<vmem>>, vector<1x16xf32>,
      %get3A_309 = vector.shape_cast %get3A_308 : vector<1x16xf32> to vector<16xf32>
      %get3A_310 = arith.constant 3 : i32
      %get3A_311 = arith.index_cast %get3A_310 : i32 to index
      %get3A_312 = arith.index_cast %multiple_of3A : i32 to index
      %get3A_313 = tpu.vector_load %arg6[%get3A_311, %get3A_312] {strides = array<i32>} : memref<64x512xf32, #tpu.memory_space<vmem>>, vector<1x16xf32>,
      %get3A_314 = vector.shape_cast %get3A_313 : vector<1x16xf32> to vector<16xf32>
      %mul3A_315 = arith.mulf %get3A_309, %get3A_314 : vector<16xf32>
      %add3A_316 = arith.addf %broadcast_in_dim3A_130, %mul3A_315 : vector<16xf32>
      %get3A_317 = arith.constant 4 : i32
      %get3A_318 = arith.index_cast %get3A_317 : i32 to index
      %get3A_319 = arith.index_cast %multiple_of3A : i32 to index
      %get3A_320 = tpu.vector_load %arg5[%get3A_318, %get3A_319] {strides = array<i32>} : memref<64x512xf32, #tpu.memory_space<vmem>>, vector<1x16xf32>,
      %get3A_321 = vector.shape_cast %get3A_320 : vector<1x16xf32> to vector<16xf32>
      %get3A_322 = arith.constant 4 : i32
      %get3A_323 = arith.index_cast %get3A_322 : i32 to index
      %get3A_324 = arith.index_cast %multiple_of3A : i32 to index
      %get3A_325 = tpu.vector_load %arg6[%get3A_323, %get3A_324] {strides = array<i32>} : memref<64x512xf32, #tpu.memory_space<vmem>>, vector<1x16xf32>,
      %get3A_326 = vector.shape_cast %get3A_325 : vector<1x16xf32> to vector<16xf32>
      %mul3A_327 = arith.mulf %get3A_321, %get3A_326 : vector<16xf32>
      %add3A_328 = arith.addf %add3A_280, %mul3A_327 : vector<16xf32>
      %get3A_329 = arith.constant 5 : i32
      %get3A_330 = arith.index_cast %get3A_329 : i32 to index
      %get3A_331 = arith.index_cast %multiple_of3A : i32 to index
      %get3A_332 = tpu.vector_load %arg5[%get3A_330, %get3A_331] {strides = array<i32>} : memref<64x512xf32, #tpu.memory_space<vmem>>, vector<1x16xf32>,
      %get3A_333 = vector.shape_cast %get3A_332 : vector<1x16xf32> to vector<16xf32>
      %get3A_334 = arith.constant 5 : i32
      %get3A_335 = arith.index_cast %get3A_334 : i32 to index
      %get3A_336 = arith.index_cast %multiple_of3A : i32 to index
      %get3A_337 = tpu.vector_load %arg6[%get3A_335, %get3A_336] {strides = array<i32>} : memref<64x512xf32, #tpu.memory_space<vmem>>, vector<1x16xf32>,
      %get3A_338 = vector.shape_cast %get3A_337 : vector<1x16xf32> to vector<16xf32>
      %mul3A_339 = arith.mulf %get3A_333, %get3A_338 : vector<16xf32>
      %add3A_340 = arith.addf %add3A_292, %mul3A_339 : vector<16xf32>
      %get3A_341 = arith.constant 6 : i32
      %get3A_342 = arith.index_cast %get3A_341 : i32 to index
      %get3A_343 = arith.index_cast %multiple_of3A : i32 to index
      %get3A_344 = tpu.vector_load %arg5[%get3A_342, %get3A_343] {strides = array<i32>} : memref<64x512xf32, #tpu.memory_space<vmem>>, vector<1x16xf32>,
      %get3A_345 = vector.shape_cast %get3A_344 : vector<1x16xf32> to vector<16xf32>
      %get3A_346 = arith.constant 6 : i32
      %get3A_347 = arith.index_cast %get3A_346 : i32 to index
      %get3A_348 = arith.index_cast %multiple_of3A : i32 to index
      %get3A_349 = tpu.vector_load %arg6[%get3A_347, %get3A_348] {strides = array<i32>} : memref<64x512xf32, #tpu.memory_space<vmem>>, vector<1x16xf32>,
      %get3A_350 = vector.shape_cast %get3A_349 : vector<1x16xf32> to vector<16xf32>
      %mul3A_351 = arith.mulf %get3A_345, %get3A_350 : vector<16xf32>
      %add3A_352 = arith.addf %add3A_304, %mul3A_351 : vector<16xf32>
      %get3A_353 = arith.constant 7 : i32
      %get3A_354 = arith.index_cast %get3A_353 : i32 to index
      %get3A_355 = arith.index_cast %multiple_of3A : i32 to index
      %get3A_356 = tpu.vector_load %arg5[%get3A_354, %get3A_355] {strides = array<i32>} : memref<64x512xf32, #tpu.memory_space<vmem>>, vector<1x16xf32>,
      %get3A_357 = vector.shape_cast %get3A_356 : vector<1x16xf32> to vector<16xf32>
      %get3A_358 = arith.constant 7 : i32
      %get3A_359 = arith.index_cast %get3A_358 : i32 to index
      %get3A_360 = arith.index_cast %multiple_of3A : i32 to index
      %get3A_361 = tpu.vector_load %arg6[%get3A_359, %get3A_360] {strides = array<i32>} : memref<64x512xf32, #tpu.memory_space<vmem>>, vector<1x16xf32>,
      %get3A_362 = vector.shape_cast %get3A_361 : vector<1x16xf32> to vector<16xf32>
      %mul3A_363 = arith.mulf %get3A_357, %get3A_362 : vector<16xf32>
      %add3A_364 = arith.addf %add3A_316, %mul3A_363 : vector<16xf32>
      %get3A_365 = arith.constant 8 : i32
      %get3A_366 = arith.index_cast %get3A_365 : i32 to index
      %get3A_367 = arith.index_cast %multiple_of3A : i32 to index
      %get3A_368 = tpu.vector_load %arg5[%get3A_366, %get3A_367] {strides = array<i32>} : memref<64x512xf32, #tpu.memory_space<vmem>>, vector<1x16xf32>,
      %get3A_369 = vector.shape_cast %get3A_368 : vector<1x16xf32> to vector<16xf32>
      %get3A_370 = arith.constant 8 : i32
      %get3A_371 = arith.index_cast %get3A_370 : i32 to index
      %get3A_372 = arith.index_cast %multiple_of3A : i32 to index
      %get3A_373 = tpu.vector_load %arg6[%get3A_371, %get3A_372] {strides = array<i32>} : memref<64x512xf32, #tpu.memory_space<vmem>>, vector<1x16xf32>,
      %get3A_374 = vector.shape_cast %get3A_373 : vector<1x16xf32> to vector<16xf32>
      %mul3A_375 = arith.mulf %get3A_369, %get3A_374 : vector<16xf32>
      %add3A_376 = arith.addf %add3A_328, %mul3A_375 : vector<16xf32>
      %get3A_377 = arith.constant 9 : i32
      %get3A_378 = arith.index_cast %get3A_377 : i32 to index
      %get3A_379 = arith.index_cast %multiple_of3A : i32 to index
      %get3A_380 = tpu.vector_load %arg5[%get3A_378, %get3A_379] {strides = array<i32>} : memref<64x512xf32, #tpu.memory_space<vmem>>, vector<1x16xf32>,
      %get3A_381 = vector.shape_cast %get3A_380 : vector<1x16xf32> to vector<16xf32>
      %get3A_382 = arith.constant 9 : i32
      %get3A_383 = arith.index_cast %get3A_382 : i32 to index
      %get3A_384 = arith.index_cast %multiple_of3A : i32 to index
      %get3A_385 = tpu.vector_load %arg6[%get3A_383, %get3A_384] {strides = array<i32>} : memref<64x512xf32, #tpu.memory_space<vmem>>, vector<1x16xf32>,
      %get3A_386 = vector.shape_cast %get3A_385 : vector<1x16xf32> to vector<16xf32>
      %mul3A_387 = arith.mulf %get3A_381, %get3A_386 : vector<16xf32>
      %add3A_388 = arith.addf %add3A_340, %mul3A_387 : vector<16xf32>
      %get3A_389 = arith.constant 10 : i32
      %get3A_390 = arith.index_cast %get3A_389 : i32 to index
      %get3A_391 = arith.index_cast %multiple_of3A : i32 to index
      %get3A_392 = tpu.vector_load %arg5[%get3A_390, %get3A_391] {strides = array<i32>} : memref<64x512xf32, #tpu.memory_space<vmem>>, vector<1x16xf32>,
      %get3A_393 = vector.shape_cast %get3A_392 : vector<1x16xf32> to vector<16xf32>
      %get3A_394 = arith.constant 10 : i32
      %get3A_395 = arith.index_cast %get3A_394 : i32 to index
      %get3A_396 = arith.index_cast %multiple_of3A : i32 to index
      %get3A_397 = tpu.vector_load %arg6[%get3A_395, %get3A_396] {strides = array<i32>} : memref<64x512xf32, #tpu.memory_space<vmem>>, vector<1x16xf32>,
      %get3A_398 = vector.shape_cast %get3A_397 : vector<1x16xf32> to vector<16xf32>
      %mul3A_399 = arith.mulf %get3A_393, %get3A_398 : vector<16xf32>
      %add3A_400 = arith.addf %add3A_352, %mul3A_399 : vector<16xf32>
      %get3A_401 = arith.constant 11 : i32
      %get3A_402 = arith.index_cast %get3A_401 : i32 to index
      %get3A_403 = arith.index_cast %multiple_of3A : i32 to index
      %get3A_404 = tpu.vector_load %arg5[%get3A_402, %get3A_403] {strides = array<i32>} : memref<64x512xf32, #tpu.memory_space<vmem>>, vector<1x16xf32>,
      %get3A_405 = vector.shape_cast %get3A_404 : vector<1x16xf32> to vector<16xf32>
      %get3A_406 = arith.constant 11 : i32
      %get3A_407 = arith.index_cast %get3A_406 : i32 to index
      %get3A_408 = arith.index_cast %multiple_of3A : i32 to index
      %get3A_409 = tpu.vector_load %arg6[%get3A_407, %get3A_408] {strides = array<i32>} : memref<64x512xf32, #tpu.memory_space<vmem>>, vector<1x16xf32>,
      %get3A_410 = vector.shape_cast %get3A_409 : vector<1x16xf32> to vector<16xf32>
      %mul3A_411 = arith.mulf %get3A_405, %get3A_410 : vector<16xf32>
      %add3A_412 = arith.addf %add3A_364, %mul3A_411 : vector<16xf32>
      %get3A_413 = arith.constant 12 : i32
      %get3A_414 = arith.index_cast %get3A_413 : i32 to index
      %get3A_415 = arith.index_cast %multiple_of3A : i32 to index
      %get3A_416 = tpu.vector_load %arg5[%get3A_414, %get3A_415] {strides = array<i32>} : memref<64x512xf32, #tpu.memory_space<vmem>>, vector<1x16xf32>,
      %get3A_417 = vector.shape_cast %get3A_416 : vector<1x16xf32> to vector<16xf32>
      %get3A_418 = arith.constant 12 : i32
      %get3A_419 = arith.index_cast %get3A_418 : i32 to index
      %get3A_420 = arith.index_cast %multiple_of3A : i32 to index
      %get3A_421 = tpu.vector_load %arg6[%get3A_419, %get3A_420] {strides = array<i32>} : memref<64x512xf32, #tpu.memory_space<vmem>>, vector<1x16xf32>,
      %get3A_422 = vector.shape_cast %get3A_421 : vector<1x16xf32> to vector<16xf32>
      %mul3A_423 = arith.mulf %get3A_417, %get3A_422 : vector<16xf32>
      %add3A_424 = arith.addf %add3A_376, %mul3A_423 : vector<16xf32>
      %get3A_425 = arith.constant 13 : i32
      %get3A_426 = arith.index_cast %get3A_425 : i32 to index
      %get3A_427 = arith.index_cast %multiple_of3A : i32 to index
      %get3A_428 = tpu.vector_load %arg5[%get3A_426, %get3A_427] {strides = array<i32>} : memref<64x512xf32, #tpu.memory_space<vmem>>, vector<1x16xf32>,
      %get3A_429 = vector.shape_cast %get3A_428 : vector<1x16xf32> to vector<16xf32>
      %get3A_430 = arith.constant 13 : i32
      %get3A_431 = arith.index_cast %get3A_430 : i32 to index
      %get3A_432 = arith.index_cast %multiple_of3A : i32 to index
      %get3A_433 = tpu.vector_load %arg6[%get3A_431, %get3A_432] {strides = array<i32>} : memref<64x512xf32, #tpu.memory_space<vmem>>, vector<1x16xf32>,
      %get3A_434 = vector.shape_cast %get3A_433 : vector<1x16xf32> to vector<16xf32>
      %mul3A_435 = arith.mulf %get3A_429, %get3A_434 : vector<16xf32>
      %add3A_436 = arith.addf %add3A_388, %mul3A_435 : vector<16xf32>
      %get3A_437 = arith.constant 14 : i32
      %get3A_438 = arith.index_cast %get3A_437 : i32 to index
      %get3A_439 = arith.index_cast %multiple_of3A : i32 to index
      %get3A_440 = tpu.vector_load %arg5[%get3A_438, %get3A_439] {strides = array<i32>} : memref<64x512xf32, #tpu.memory_space<vmem>>, vector<1x16xf32>,
      %get3A_441 = vector.shape_cast %get3A_440 : vector<1x16xf32> to vector<16xf32>
      %get3A_442 = arith.constant 14 : i32
      %get3A_443 = arith.index_cast %get3A_442 : i32 to index
      %get3A_444 = arith.index_cast %multiple_of3A : i32 to index
      %get3A_445 = tpu.vector_load %arg6[%get3A_443, %get3A_444] {strides = array<i32>} : memref<64x512xf32, #tpu.memory_space<vmem>>, vector<1x16xf32>,
      %get3A_446 = vector.shape_cast %get3A_445 : vector<1x16xf32> to vector<16xf32>
      %mul3A_447 = arith.mulf %get3A_441, %get3A_446 : vector<16xf32>
      %add3A_448 = arith.addf %add3A_400, %mul3A_447 : vector<16xf32>
      %get3A_449 = arith.constant 15 : i32
      %get3A_450 = arith.index_cast %get3A_449 : i32 to index
      %get3A_451 = arith.index_cast %multiple_of3A : i32 to index
      %get3A_452 = tpu.vector_load %arg5[%get3A_450, %get3A_451] {strides = array<i32>} : memref<64x512xf32, #tpu.memory_space<vmem>>, vector<1x16xf32>,
      %get3A_453 = vector.shape_cast %get3A_452 : vector<1x16xf32> to vector<16xf32>
      %get3A_454 = arith.constant 15 : i32
      %get3A_455 = arith.index_cast %get3A_454 : i32 to index
      %get3A_456 = arith.index_cast %multiple_of3A : i32 to index
      %get3A_457 = tpu.vector_load %arg6[%get3A_455, %get3A_456] {strides = array<i32>} : memref<64x512xf32, #tpu.memory_space<vmem>>, vector<1x16xf32>,
      %get3A_458 = vector.shape_cast %get3A_457 : vector<1x16xf32> to vector<16xf32>
      %mul3A_459 = arith.mulf %get3A_453, %get3A_458 : vector<16xf32>
      %add3A_460 = arith.addf %add3A_412, %mul3A_459 : vector<16xf32>
      %get3A_461 = arith.constant 16 : i32
      %get3A_462 = arith.index_cast %get3A_461 : i32 to index
      %get3A_463 = arith.index_cast %multiple_of3A : i32 to index
      %get3A_464 = tpu.vector_load %arg5[%get3A_462, %get3A_463] {strides = array<i32>} : memref<64x512xf32, #tpu.memory_space<vmem>>, vector<1x16xf32>,
      %get3A_465 = vector.shape_cast %get3A_464 : vector<1x16xf32> to vector<16xf32>
      %get3A_466 = arith.constant 16 : i32
      %get3A_467 = arith.index_cast %get3A_466 : i32 to index
      %get3A_468 = arith.index_cast %multiple_of3A : i32 to index
      %get3A_469 = tpu.vector_load %arg6[%get3A_467, %get3A_468] {strides = array<i32>} : memref<64x512xf32, #tpu.memory_space<vmem>>, vector<1x16xf32>,
      %get3A_470 = vector.shape_cast %get3A_469 : vector<1x16xf32> to vector<16xf32>
      %mul3A_471 = arith.mulf %get3A_465, %get3A_470 : vector<16xf32>
      %add3A_472 = arith.addf %add3A_424, %mul3A_471 : vector<16xf32>
      %get3A_473 = arith.constant 17 : i32
      %get3A_474 = arith.index_cast %get3A_473 : i32 to index
      %get3A_475 = arith.index_cast %multiple_of3A : i32 to index
      %get3A_476 = tpu.vector_load %arg5[%get3A_474, %get3A_475] {strides = array<i32>} : memref<64x512xf32, #tpu.memory_space<vmem>>, vector<1x16xf32>,
      %get3A_477 = vector.shape_cast %get3A_476 : vector<1x16xf32> to vector<16xf32>
      %get3A_478 = arith.constant 17 : i32
      %get3A_479 = arith.index_cast %get3A_478 : i32 to index
      %get3A_480 = arith.index_cast %multiple_of3A : i32 to index
      %get3A_481 = tpu.vector_load %arg6[%get3A_479, %get3A_480] {strides = array<i32>} : memref<64x512xf32, #tpu.memory_space<vmem>>, vector<1x16xf32>,
      %get3A_482 = vector.shape_cast %get3A_481 : vector<1x16xf32> to vector<16xf32>
      %mul3A_483 = arith.mulf %get3A_477, %get3A_482 : vector<16xf32>
      %add3A_484 = arith.addf %add3A_436, %mul3A_483 : vector<16xf32>
      %get3A_485 = arith.constant 18 : i32
      %get3A_486 = arith.index_cast %get3A_485 : i32 to index
      %get3A_487 = arith.index_cast %multiple_of3A : i32 to index
      %get3A_488 = tpu.vector_load %arg5[%get3A_486, %get3A_487] {strides = array<i32>} : memref<64x512xf32, #tpu.memory_space<vmem>>, vector<1x16xf32>,
      %get3A_489 = vector.shape_cast %get3A_488 : vector<1x16xf32> to vector<16xf32>
      %get3A_490 = arith.constant 18 : i32
      %get3A_491 = arith.index_cast %get3A_490 : i32 to index
      %get3A_492 = arith.index_cast %multiple_of3A : i32 to index
      %get3A_493 = tpu.vector_load %arg6[%get3A_491, %get3A_492] {strides = array<i32>} : memref<64x512xf32, #tpu.memory_space<vmem>>, vector<1x16xf32>,
      %get3A_494 = vector.shape_cast %get3A_493 : vector<1x16xf32> to vector<16xf32>
      %mul3A_495 = arith.mulf %get3A_489, %get3A_494 : vector<16xf32>
      %add3A_496 = arith.addf %add3A_448, %mul3A_495 : vector<16xf32>
      %get3A_497 = arith.constant 19 : i32
      %get3A_498 = arith.index_cast %get3A_497 : i32 to index
      %get3A_499 = arith.index_cast %multiple_of3A : i32 to index
      %get3A_500 = tpu.vector_load %arg5[%get3A_498, %get3A_499] {strides = array<i32>} : memref<64x512xf32, #tpu.memory_space<vmem>>, vector<1x16xf32>,
      %get3A_501 = vector.shape_cast %get3A_500 : vector<1x16xf32> to vector<16xf32>
      %get3A_502 = arith.constant 19 : i32
      %get3A_503 = arith.index_cast %get3A_502 : i32 to index
      %get3A_504 = arith.index_cast %multiple_of3A : i32 to index
      %get3A_505 = tpu.vector_load %arg6[%get3A_503, %get3A_504] {strides = array<i32>} : memref<64x512xf32, #tpu.memory_space<vmem>>, vector<1x16xf32>,
      %get3A_506 = vector.shape_cast %get3A_505 : vector<1x16xf32> to vector<16xf32>
      %mul3A_507 = arith.mulf %get3A_501, %get3A_506 : vector<16xf32>
      %add3A_508 = arith.addf %add3A_460, %mul3A_507 : vector<16xf32>
      %get3A_509 = arith.constant 20 : i32
      %get3A_510 = arith.index_cast %get3A_509 : i32 to index
      %get3A_511 = arith.index_cast %multiple_of3A : i32 to index
      %get3A_512 = tpu.vector_load %arg5[%get3A_510, %get3A_511] {strides = array<i32>} : memref<64x512xf32, #tpu.memory_space<vmem>>, vector<1x16xf32>,
      %get3A_513 = vector.shape_cast %get3A_512 : vector<1x16xf32> to vector<16xf32>
      %get3A_514 = arith.constant 20 : i32
      %get3A_515 = arith.index_cast %get3A_514 : i32 to index
      %get3A_516 = arith.index_cast %multiple_of3A : i32 to index
      %get3A_517 = tpu.vector_load %arg6[%get3A_515, %get3A_516] {strides = array<i32>} : memref<64x512xf32, #tpu.memory_space<vmem>>, vector<1x16xf32>,
      %get3A_518 = vector.shape_cast %get3A_517 : vector<1x16xf32> to vector<16xf32>
      %mul3A_519 = arith.mulf %get3A_513, %get3A_518 : vector<16xf32>
      %add3A_520 = arith.addf %add3A_472, %mul3A_519 : vector<16xf32>
      %get3A_521 = arith.constant 21 : i32
      %get3A_522 = arith.index_cast %get3A_521 : i32 to index
      %get3A_523 = arith.index_cast %multiple_of3A : i32 to index
      %get3A_524 = tpu.vector_load %arg5[%get3A_522, %get3A_523] {strides = array<i32>} : memref<64x512xf32, #tpu.memory_space<vmem>>, vector<1x16xf32>,
      %get3A_525 = vector.shape_cast %get3A_524 : vector<1x16xf32> to vector<16xf32>
      %get3A_526 = arith.constant 21 : i32
      %get3A_527 = arith.index_cast %get3A_526 : i32 to index
      %get3A_528 = arith.index_cast %multiple_of3A : i32 to index
      %get3A_529 = tpu.vector_load %arg6[%get3A_527, %get3A_528] {strides = array<i32>} : memref<64x512xf32, #tpu.memory_space<vmem>>, vector<1x16xf32>,
      %get3A_530 = vector.shape_cast %get3A_529 : vector<1x16xf32> to vector<16xf32>
      %mul3A_531 = arith.mulf %get3A_525, %get3A_530 : vector<16xf32>
      %add3A_532 = arith.addf %add3A_484, %mul3A_531 : vector<16xf32>
      %get3A_533 = arith.constant 22 : i32
      %get3A_534 = arith.index_cast %get3A_533 : i32 to index
      %get3A_535 = arith.index_cast %multiple_of3A : i32 to index
      %get3A_536 = tpu.vector_load %arg5[%get3A_534, %get3A_535] {strides = array<i32>} : memref<64x512xf32, #tpu.memory_space<vmem>>, vector<1x16xf32>,
      %get3A_537 = vector.shape_cast %get3A_536 : vector<1x16xf32> to vector<16xf32>
      %get3A_538 = arith.constant 22 : i32
      %get3A_539 = arith.index_cast %get3A_538 : i32 to index
      %get3A_540 = arith.index_cast %multiple_of3A : i32 to index
      %get3A_541 = tpu.vector_load %arg6[%get3A_539, %get3A_540] {strides = array<i32>} : memref<64x512xf32, #tpu.memory_space<vmem>>, vector<1x16xf32>,
      %get3A_542 = vector.shape_cast %get3A_541 : vector<1x16xf32> to vector<16xf32>
      %mul3A_543 = arith.mulf %get3A_537, %get3A_542 : vector<16xf32>
      %add3A_544 = arith.addf %add3A_496, %mul3A_543 : vector<16xf32>
      %get3A_545 = arith.constant 23 : i32
      %get3A_546 = arith.index_cast %get3A_545 : i32 to index
      %get3A_547 = arith.index_cast %multiple_of3A : i32 to index
      %get3A_548 = tpu.vector_load %arg5[%get3A_546, %get3A_547] {strides = array<i32>} : memref<64x512xf32, #tpu.memory_space<vmem>>, vector<1x16xf32>,
      %get3A_549 = vector.shape_cast %get3A_548 : vector<1x16xf32> to vector<16xf32>
      %get3A_550 = arith.constant 23 : i32
      %get3A_551 = arith.index_cast %get3A_550 : i32 to index
      %get3A_552 = arith.index_cast %multiple_of3A : i32 to index
      %get3A_553 = tpu.vector_load %arg6[%get3A_551, %get3A_552] {strides = array<i32>} : memref<64x512xf32, #tpu.memory_space<vmem>>, vector<1x16xf32>,
      %get3A_554 = vector.shape_cast %get3A_553 : vector<1x16xf32> to vector<16xf32>
      %mul3A_555 = arith.mulf %get3A_549, %get3A_554 : vector<16xf32>
      %add3A_556 = arith.addf %add3A_508, %mul3A_555 : vector<16xf32>
      %get3A_557 = arith.constant 24 : i32
      %get3A_558 = arith.index_cast %get3A_557 : i32 to index
      %get3A_559 = arith.index_cast %multiple_of3A : i32 to index
      %get3A_560 = tpu.vector_load %arg5[%get3A_558, %get3A_559] {strides = array<i32>} : memref<64x512xf32, #tpu.memory_space<vmem>>, vector<1x16xf32>,
      %get3A_561 = vector.shape_cast %get3A_560 : vector<1x16xf32> to vector<16xf32>
      %get3A_562 = arith.constant 24 : i32
      %get3A_563 = arith.index_cast %get3A_562 : i32 to index
      %get3A_564 = arith.index_cast %multiple_of3A : i32 to index
      %get3A_565 = tpu.vector_load %arg6[%get3A_563, %get3A_564] {strides = array<i32>} : memref<64x512xf32, #tpu.memory_space<vmem>>, vector<1x16xf32>,
      %get3A_566 = vector.shape_cast %get3A_565 : vector<1x16xf32> to vector<16xf32>
      %mul3A_567 = arith.mulf %get3A_561, %get3A_566 : vector<16xf32>
      %add3A_568 = arith.addf %add3A_520, %mul3A_567 : vector<16xf32>
      %get3A_569 = arith.constant 25 : i32
      %get3A_570 = arith.index_cast %get3A_569 : i32 to index
      %get3A_571 = arith.index_cast %multiple_of3A : i32 to index
      %get3A_572 = tpu.vector_load %arg5[%get3A_570, %get3A_571] {strides = array<i32>} : memref<64x512xf32, #tpu.memory_space<vmem>>, vector<1x16xf32>,
      %get3A_573 = vector.shape_cast %get3A_572 : vector<1x16xf32> to vector<16xf32>
      %get3A_574 = arith.constant 25 : i32
      %get3A_575 = arith.index_cast %get3A_574 : i32 to index
      %get3A_576 = arith.index_cast %multiple_of3A : i32 to index
      %get3A_577 = tpu.vector_load %arg6[%get3A_575, %get3A_576] {strides = array<i32>} : memref<64x512xf32, #tpu.memory_space<vmem>>, vector<1x16xf32>,
      %get3A_578 = vector.shape_cast %get3A_577 : vector<1x16xf32> to vector<16xf32>
      %mul3A_579 = arith.mulf %get3A_573, %get3A_578 : vector<16xf32>
      %add3A_580 = arith.addf %add3A_532, %mul3A_579 : vector<16xf32>
      %get3A_581 = arith.constant 26 : i32
      %get3A_582 = arith.index_cast %get3A_581 : i32 to index
      %get3A_583 = arith.index_cast %multiple_of3A : i32 to index
      %get3A_584 = tpu.vector_load %arg5[%get3A_582, %get3A_583] {strides = array<i32>} : memref<64x512xf32, #tpu.memory_space<vmem>>, vector<1x16xf32>,
      %get3A_585 = vector.shape_cast %get3A_584 : vector<1x16xf32> to vector<16xf32>
      %get3A_586 = arith.constant 26 : i32
      %get3A_587 = arith.index_cast %get3A_586 : i32 to index
      %get3A_588 = arith.index_cast %multiple_of3A : i32 to index
      %get3A_589 = tpu.vector_load %arg6[%get3A_587, %get3A_588] {strides = array<i32>} : memref<64x512xf32, #tpu.memory_space<vmem>>, vector<1x16xf32>,
      %get3A_590 = vector.shape_cast %get3A_589 : vector<1x16xf32> to vector<16xf32>
      %mul3A_591 = arith.mulf %get3A_585, %get3A_590 : vector<16xf32>
      %add3A_592 = arith.addf %add3A_544, %mul3A_591 : vector<16xf32>
      %get3A_593 = arith.constant 27 : i32
      %get3A_594 = arith.index_cast %get3A_593 : i32 to index
      %get3A_595 = arith.index_cast %multiple_of3A : i32 to index
      %get3A_596 = tpu.vector_load %arg5[%get3A_594, %get3A_595] {strides = array<i32>} : memref<64x512xf32, #tpu.memory_space<vmem>>, vector<1x16xf32>,
      %get3A_597 = vector.shape_cast %get3A_596 : vector<1x16xf32> to vector<16xf32>
      %get3A_598 = arith.constant 27 : i32
      %get3A_599 = arith.index_cast %get3A_598 : i32 to index
      %get3A_600 = arith.index_cast %multiple_of3A : i32 to index
      %get3A_601 = tpu.vector_load %arg6[%get3A_599, %get3A_600] {strides = array<i32>} : memref<64x512xf32, #tpu.memory_space<vmem>>, vector<1x16xf32>,
      %get3A_602 = vector.shape_cast %get3A_601 : vector<1x16xf32> to vector<16xf32>
      %mul3A_603 = arith.mulf %get3A_597, %get3A_602 : vector<16xf32>
      %add3A_604 = arith.addf %add3A_556, %mul3A_603 : vector<16xf32>
      %get3A_605 = arith.constant 28 : i32
      %get3A_606 = arith.index_cast %get3A_605 : i32 to index
      %get3A_607 = arith.index_cast %multiple_of3A : i32 to index
      %get3A_608 = tpu.vector_load %arg5[%get3A_606, %get3A_607] {strides = array<i32>} : memref<64x512xf32, #tpu.memory_space<vmem>>, vector<1x16xf32>,
      %get3A_609 = vector.shape_cast %get3A_608 : vector<1x16xf32> to vector<16xf32>
      %get3A_610 = arith.constant 28 : i32
      %get3A_611 = arith.index_cast %get3A_610 : i32 to index
      %get3A_612 = arith.index_cast %multiple_of3A : i32 to index
      %get3A_613 = tpu.vector_load %arg6[%get3A_611, %get3A_612] {strides = array<i32>} : memref<64x512xf32, #tpu.memory_space<vmem>>, vector<1x16xf32>,
      %get3A_614 = vector.shape_cast %get3A_613 : vector<1x16xf32> to vector<16xf32>
      %mul3A_615 = arith.mulf %get3A_609, %get3A_614 : vector<16xf32>
      %add3A_616 = arith.addf %add3A_568, %mul3A_615 : vector<16xf32>
      %get3A_617 = arith.constant 29 : i32
      %get3A_618 = arith.index_cast %get3A_617 : i32 to index
      %get3A_619 = arith.index_cast %multiple_of3A : i32 to index
      %get3A_620 = tpu.vector_load %arg5[%get3A_618, %get3A_619] {strides = array<i32>} : memref<64x512xf32, #tpu.memory_space<vmem>>, vector<1x16xf32>,
      %get3A_621 = vector.shape_cast %get3A_620 : vector<1x16xf32> to vector<16xf32>
      %get3A_622 = arith.constant 29 : i32
      %get3A_623 = arith.index_cast %get3A_622 : i32 to index
      %get3A_624 = arith.index_cast %multiple_of3A : i32 to index
      %get3A_625 = tpu.vector_load %arg6[%get3A_623, %get3A_624] {strides = array<i32>} : memref<64x512xf32, #tpu.memory_space<vmem>>, vector<1x16xf32>,
      %get3A_626 = vector.shape_cast %get3A_625 : vector<1x16xf32> to vector<16xf32>
      %mul3A_627 = arith.mulf %get3A_621, %get3A_626 : vector<16xf32>
      %add3A_628 = arith.addf %add3A_580, %mul3A_627 : vector<16xf32>
      %get3A_629 = arith.constant 30 : i32
      %get3A_630 = arith.index_cast %get3A_629 : i32 to index
      %get3A_631 = arith.index_cast %multiple_of3A : i32 to index
      %get3A_632 = tpu.vector_load %arg5[%get3A_630, %get3A_631] {strides = array<i32>} : memref<64x512xf32, #tpu.memory_space<vmem>>, vector<1x16xf32>,
      %get3A_633 = vector.shape_cast %get3A_632 : vector<1x16xf32> to vector<16xf32>
      %get3A_634 = arith.constant 30 : i32
      %get3A_635 = arith.index_cast %get3A_634 : i32 to index
      %get3A_636 = arith.index_cast %multiple_of3A : i32 to index
      %get3A_637 = tpu.vector_load %arg6[%get3A_635, %get3A_636] {strides = array<i32>} : memref<64x512xf32, #tpu.memory_space<vmem>>, vector<1x16xf32>,
      %get3A_638 = vector.shape_cast %get3A_637 : vector<1x16xf32> to vector<16xf32>
      %mul3A_639 = arith.mulf %get3A_633, %get3A_638 : vector<16xf32>
      %add3A_640 = arith.addf %add3A_592, %mul3A_639 : vector<16xf32>
      %get3A_641 = arith.constant 31 : i32
      %get3A_642 = arith.index_cast %get3A_641 : i32 to index
      %get3A_643 = arith.index_cast %multiple_of3A : i32 to index
      %get3A_644 = tpu.vector_load %arg5[%get3A_642, %get3A_643] {strides = array<i32>} : memref<64x512xf32, #tpu.memory_space<vmem>>, vector<1x16xf32>,
      %get3A_645 = vector.shape_cast %get3A_644 : vector<1x16xf32> to vector<16xf32>
      %get3A_646 = arith.constant 31 : i32
      %get3A_647 = arith.index_cast %get3A_646 : i32 to index
      %get3A_648 = arith.index_cast %multiple_of3A : i32 to index
      %get3A_649 = tpu.vector_load %arg6[%get3A_647, %get3A_648] {strides = array<i32>} : memref<64x512xf32, #tpu.memory_space<vmem>>, vector<1x16xf32>,
      %get3A_650 = vector.shape_cast %get3A_649 : vector<1x16xf32> to vector<16xf32>
      %mul3A_651 = arith.mulf %get3A_645, %get3A_650 : vector<16xf32>
      %add3A_652 = arith.addf %add3A_604, %mul3A_651 : vector<16xf32>
      %get3A_653 = arith.constant 32 : i32
      %get3A_654 = arith.index_cast %get3A_653 : i32 to index
      %get3A_655 = arith.index_cast %multiple_of3A : i32 to index
      %get3A_656 = tpu.vector_load %arg5[%get3A_654, %get3A_655] {strides = array<i32>} : memref<64x512xf32, #tpu.memory_space<vmem>>, vector<1x16xf32>,
      %get3A_657 = vector.shape_cast %get3A_656 : vector<1x16xf32> to vector<16xf32>
      %get3A_658 = arith.constant 32 : i32
      %get3A_659 = arith.index_cast %get3A_658 : i32 to index
      %get3A_660 = arith.index_cast %multiple_of3A : i32 to index
      %get3A_661 = tpu.vector_load %arg6[%get3A_659, %get3A_660] {strides = array<i32>} : memref<64x512xf32, #tpu.memory_space<vmem>>, vector<1x16xf32>,
      %get3A_662 = vector.shape_cast %get3A_661 : vector<1x16xf32> to vector<16xf32>
      %mul3A_663 = arith.mulf %get3A_657, %get3A_662 : vector<16xf32>
      %add3A_664 = arith.addf %add3A_616, %mul3A_663 : vector<16xf32>
      %get3A_665 = arith.constant 33 : i32
      %get3A_666 = arith.index_cast %get3A_665 : i32 to index
      %get3A_667 = arith.index_cast %multiple_of3A : i32 to index
      %get3A_668 = tpu.vector_load %arg5[%get3A_666, %get3A_667] {strides = array<i32>} : memref<64x512xf32, #tpu.memory_space<vmem>>, vector<1x16xf32>,
      %get3A_669 = vector.shape_cast %get3A_668 : vector<1x16xf32> to vector<16xf32>
      %get3A_670 = arith.constant 33 : i32
      %get3A_671 = arith.index_cast %get3A_670 : i32 to index
      %get3A_672 = arith.index_cast %multiple_of3A : i32 to index
      %get3A_673 = tpu.vector_load %arg6[%get3A_671, %get3A_672] {strides = array<i32>} : memref<64x512xf32, #tpu.memory_space<vmem>>, vector<1x16xf32>,
      %get3A_674 = vector.shape_cast %get3A_673 : vector<1x16xf32> to vector<16xf32>
      %mul3A_675 = arith.mulf %get3A_669, %get3A_674 : vector<16xf32>
      %add3A_676 = arith.addf %add3A_628, %mul3A_675 : vector<16xf32>
      %get3A_677 = arith.constant 34 : i32
      %get3A_678 = arith.index_cast %get3A_677 : i32 to index
      %get3A_679 = arith.index_cast %multiple_of3A : i32 to index
      %get3A_680 = tpu.vector_load %arg5[%get3A_678, %get3A_679] {strides = array<i32>} : memref<64x512xf32, #tpu.memory_space<vmem>>, vector<1x16xf32>,
      %get3A_681 = vector.shape_cast %get3A_680 : vector<1x16xf32> to vector<16xf32>
      %get3A_682 = arith.constant 34 : i32
      %get3A_683 = arith.index_cast %get3A_682 : i32 to index
      %get3A_684 = arith.index_cast %multiple_of3A : i32 to index
      %get3A_685 = tpu.vector_load %arg6[%get3A_683, %get3A_684] {strides = array<i32>} : memref<64x512xf32, #tpu.memory_space<vmem>>, vector<1x16xf32>,
      %get3A_686 = vector.shape_cast %get3A_685 : vector<1x16xf32> to vector<16xf32>
      %mul3A_687 = arith.mulf %get3A_681, %get3A_686 : vector<16xf32>
      %add3A_688 = arith.addf %add3A_640, %mul3A_687 : vector<16xf32>
      %get3A_689 = arith.constant 35 : i32
      %get3A_690 = arith.index_cast %get3A_689 : i32 to index
      %get3A_691 = arith.index_cast %multiple_of3A : i32 to index
      %get3A_692 = tpu.vector_load %arg5[%get3A_690, %get3A_691] {strides = array<i32>} : memref<64x512xf32, #tpu.memory_space<vmem>>, vector<1x16xf32>,
      %get3A_693 = vector.shape_cast %get3A_692 : vector<1x16xf32> to vector<16xf32>
      %get3A_694 = arith.constant 35 : i32
      %get3A_695 = arith.index_cast %get3A_694 : i32 to index
      %get3A_696 = arith.index_cast %multiple_of3A : i32 to index
      %get3A_697 = tpu.vector_load %arg6[%get3A_695, %get3A_696] {strides = array<i32>} : memref<64x512xf32, #tpu.memory_space<vmem>>, vector<1x16xf32>,
      %get3A_698 = vector.shape_cast %get3A_697 : vector<1x16xf32> to vector<16xf32>
      %mul3A_699 = arith.mulf %get3A_693, %get3A_698 : vector<16xf32>
      %add3A_700 = arith.addf %add3A_652, %mul3A_699 : vector<16xf32>
      %get3A_701 = arith.constant 36 : i32
      %get3A_702 = arith.index_cast %get3A_701 : i32 to index
      %get3A_703 = arith.index_cast %multiple_of3A : i32 to index
      %get3A_704 = tpu.vector_load %arg5[%get3A_702, %get3A_703] {strides = array<i32>} : memref<64x512xf32, #tpu.memory_space<vmem>>, vector<1x16xf32>,
      %get3A_705 = vector.shape_cast %get3A_704 : vector<1x16xf32> to vector<16xf32>
      %get3A_706 = arith.constant 36 : i32
      %get3A_707 = arith.index_cast %get3A_706 : i32 to index
      %get3A_708 = arith.index_cast %multiple_of3A : i32 to index
      %get3A_709 = tpu.vector_load %arg6[%get3A_707, %get3A_708] {strides = array<i32>} : memref<64x512xf32, #tpu.memory_space<vmem>>, vector<1x16xf32>,
      %get3A_710 = vector.shape_cast %get3A_709 : vector<1x16xf32> to vector<16xf32>
      %mul3A_711 = arith.mulf %get3A_705, %get3A_710 : vector<16xf32>
      %add3A_712 = arith.addf %add3A_664, %mul3A_711 : vector<16xf32>
      %get3A_713 = arith.constant 37 : i32
      %get3A_714 = arith.index_cast %get3A_713 : i32 to index
      %get3A_715 = arith.index_cast %multiple_of3A : i32 to index
      %get3A_716 = tpu.vector_load %arg5[%get3A_714, %get3A_715] {strides = array<i32>} : memref<64x512xf32, #tpu.memory_space<vmem>>, vector<1x16xf32>,
      %get3A_717 = vector.shape_cast %get3A_716 : vector<1x16xf32> to vector<16xf32>
      %get3A_718 = arith.constant 37 : i32
      %get3A_719 = arith.index_cast %get3A_718 : i32 to index
      %get3A_720 = arith.index_cast %multiple_of3A : i32 to index
      %get3A_721 = tpu.vector_load %arg6[%get3A_719, %get3A_720] {strides = array<i32>} : memref<64x512xf32, #tpu.memory_space<vmem>>, vector<1x16xf32>,
      %get3A_722 = vector.shape_cast %get3A_721 : vector<1x16xf32> to vector<16xf32>
      %mul3A_723 = arith.mulf %get3A_717, %get3A_722 : vector<16xf32>
      %add3A_724 = arith.addf %add3A_676, %mul3A_723 : vector<16xf32>
      %get3A_725 = arith.constant 38 : i32
      %get3A_726 = arith.index_cast %get3A_725 : i32 to index
      %get3A_727 = arith.index_cast %multiple_of3A : i32 to index
      %get3A_728 = tpu.vector_load %arg5[%get3A_726, %get3A_727] {strides = array<i32>} : memref<64x512xf32, #tpu.memory_space<vmem>>, vector<1x16xf32>,
      %get3A_729 = vector.shape_cast %get3A_728 : vector<1x16xf32> to vector<16xf32>
      %get3A_730 = arith.constant 38 : i32
      %get3A_731 = arith.index_cast %get3A_730 : i32 to index
      %get3A_732 = arith.index_cast %multiple_of3A : i32 to index
      %get3A_733 = tpu.vector_load %arg6[%get3A_731, %get3A_732] {strides = array<i32>} : memref<64x512xf32, #tpu.memory_space<vmem>>, vector<1x16xf32>,
      %get3A_734 = vector.shape_cast %get3A_733 : vector<1x16xf32> to vector<16xf32>
      %mul3A_735 = arith.mulf %get3A_729, %get3A_734 : vector<16xf32>
      %add3A_736 = arith.addf %add3A_688, %mul3A_735 : vector<16xf32>
      %get3A_737 = arith.constant 39 : i32
      %get3A_738 = arith.index_cast %get3A_737 : i32 to index
      %get3A_739 = arith.index_cast %multiple_of3A : i32 to index
      %get3A_740 = tpu.vector_load %arg5[%get3A_738, %get3A_739] {strides = array<i32>} : memref<64x512xf32, #tpu.memory_space<vmem>>, vector<1x16xf32>,
      %get3A_741 = vector.shape_cast %get3A_740 : vector<1x16xf32> to vector<16xf32>
      %get3A_742 = arith.constant 39 : i32
      %get3A_743 = arith.index_cast %get3A_742 : i32 to index
      %get3A_744 = arith.index_cast %multiple_of3A : i32 to index
      %get3A_745 = tpu.vector_load %arg6[%get3A_743, %get3A_744] {strides = array<i32>} : memref<64x512xf32, #tpu.memory_space<vmem>>, vector<1x16xf32>,
      %get3A_746 = vector.shape_cast %get3A_745 : vector<1x16xf32> to vector<16xf32>
      %mul3A_747 = arith.mulf %get3A_741, %get3A_746 : vector<16xf32>
      %add3A_748 = arith.addf %add3A_700, %mul3A_747 : vector<16xf32>
      %get3A_749 = arith.constant 40 : i32
      %get3A_750 = arith.index_cast %get3A_749 : i32 to index
      %get3A_751 = arith.index_cast %multiple_of3A : i32 to index
      %get3A_752 = tpu.vector_load %arg5[%get3A_750, %get3A_751] {strides = array<i32>} : memref<64x512xf32, #tpu.memory_space<vmem>>, vector<1x16xf32>,
      %get3A_753 = vector.shape_cast %get3A_752 : vector<1x16xf32> to vector<16xf32>
      %get3A_754 = arith.constant 40 : i32
      %get3A_755 = arith.index_cast %get3A_754 : i32 to index
      %get3A_756 = arith.index_cast %multiple_of3A : i32 to index
      %get3A_757 = tpu.vector_load %arg6[%get3A_755, %get3A_756] {strides = array<i32>} : memref<64x512xf32, #tpu.memory_space<vmem>>, vector<1x16xf32>,
      %get3A_758 = vector.shape_cast %get3A_757 : vector<1x16xf32> to vector<16xf32>
      %mul3A_759 = arith.mulf %get3A_753, %get3A_758 : vector<16xf32>
      %add3A_760 = arith.addf %add3A_712, %mul3A_759 : vector<16xf32>
      %get3A_761 = arith.constant 41 : i32
      %get3A_762 = arith.index_cast %get3A_761 : i32 to index
      %get3A_763 = arith.index_cast %multiple_of3A : i32 to index
      %get3A_764 = tpu.vector_load %arg5[%get3A_762, %get3A_763] {strides = array<i32>} : memref<64x512xf32, #tpu.memory_space<vmem>>, vector<1x16xf32>,
      %get3A_765 = vector.shape_cast %get3A_764 : vector<1x16xf32> to vector<16xf32>
      %get3A_766 = arith.constant 41 : i32
      %get3A_767 = arith.index_cast %get3A_766 : i32 to index
      %get3A_768 = arith.index_cast %multiple_of3A : i32 to index
      %get3A_769 = tpu.vector_load %arg6[%get3A_767, %get3A_768] {strides = array<i32>} : memref<64x512xf32, #tpu.memory_space<vmem>>, vector<1x16xf32>,
      %get3A_770 = vector.shape_cast %get3A_769 : vector<1x16xf32> to vector<16xf32>
      %mul3A_771 = arith.mulf %get3A_765, %get3A_770 : vector<16xf32>
      %add3A_772 = arith.addf %add3A_724, %mul3A_771 : vector<16xf32>
      %get3A_773 = arith.constant 42 : i32
      %get3A_774 = arith.index_cast %get3A_773 : i32 to index
      %get3A_775 = arith.index_cast %multiple_of3A : i32 to index
      %get3A_776 = tpu.vector_load %arg5[%get3A_774, %get3A_775] {strides = array<i32>} : memref<64x512xf32, #tpu.memory_space<vmem>>, vector<1x16xf32>,
      %get3A_777 = vector.shape_cast %get3A_776 : vector<1x16xf32> to vector<16xf32>
      %get3A_778 = arith.constant 42 : i32
      %get3A_779 = arith.index_cast %get3A_778 : i32 to index
      %get3A_780 = arith.index_cast %multiple_of3A : i32 to index
      %get3A_781 = tpu.vector_load %arg6[%get3A_779, %get3A_780] {strides = array<i32>} : memref<64x512xf32, #tpu.memory_space<vmem>>, vector<1x16xf32>,
      %get3A_782 = vector.shape_cast %get3A_781 : vector<1x16xf32> to vector<16xf32>
      %mul3A_783 = arith.mulf %get3A_777, %get3A_782 : vector<16xf32>
      %add3A_784 = arith.addf %add3A_736, %mul3A_783 : vector<16xf32>
      %get3A_785 = arith.constant 43 : i32
      %get3A_786 = arith.index_cast %get3A_785 : i32 to index
      %get3A_787 = arith.index_cast %multiple_of3A : i32 to index
      %get3A_788 = tpu.vector_load %arg5[%get3A_786, %get3A_787] {strides = array<i32>} : memref<64x512xf32, #tpu.memory_space<vmem>>, vector<1x16xf32>,
      %get3A_789 = vector.shape_cast %get3A_788 : vector<1x16xf32> to vector<16xf32>
      %get3A_790 = arith.constant 43 : i32
      %get3A_791 = arith.index_cast %get3A_790 : i32 to index
      %get3A_792 = arith.index_cast %multiple_of3A : i32 to index
      %get3A_793 = tpu.vector_load %arg6[%get3A_791, %get3A_792] {strides = array<i32>} : memref<64x512xf32, #tpu.memory_space<vmem>>, vector<1x16xf32>,
      %get3A_794 = vector.shape_cast %get3A_793 : vector<1x16xf32> to vector<16xf32>
      %mul3A_795 = arith.mulf %get3A_789, %get3A_794 : vector<16xf32>
      %add3A_796 = arith.addf %add3A_748, %mul3A_795 : vector<16xf32>
      %get3A_797 = arith.constant 44 : i32
      %get3A_798 = arith.index_cast %get3A_797 : i32 to index
      %get3A_799 = arith.index_cast %multiple_of3A : i32 to index
      %get3A_800 = tpu.vector_load %arg5[%get3A_798, %get3A_799] {strides = array<i32>} : memref<64x512xf32, #tpu.memory_space<vmem>>, vector<1x16xf32>,
      %get3A_801 = vector.shape_cast %get3A_800 : vector<1x16xf32> to vector<16xf32>
      %get3A_802 = arith.constant 44 : i32
      %get3A_803 = arith.index_cast %get3A_802 : i32 to index
      %get3A_804 = arith.index_cast %multiple_of3A : i32 to index
      %get3A_805 = tpu.vector_load %arg6[%get3A_803, %get3A_804] {strides = array<i32>} : memref<64x512xf32, #tpu.memory_space<vmem>>, vector<1x16xf32>,
      %get3A_806 = vector.shape_cast %get3A_805 : vector<1x16xf32> to vector<16xf32>
      %mul3A_807 = arith.mulf %get3A_801, %get3A_806 : vector<16xf32>
      %add3A_808 = arith.addf %add3A_760, %mul3A_807 : vector<16xf32>
      %get3A_809 = arith.constant 45 : i32
      %get3A_810 = arith.index_cast %get3A_809 : i32 to index
      %get3A_811 = arith.index_cast %multiple_of3A : i32 to index
      %get3A_812 = tpu.vector_load %arg5[%get3A_810, %get3A_811] {strides = array<i32>} : memref<64x512xf32, #tpu.memory_space<vmem>>, vector<1x16xf32>,
      %get3A_813 = vector.shape_cast %get3A_812 : vector<1x16xf32> to vector<16xf32>
      %get3A_814 = arith.constant 45 : i32
      %get3A_815 = arith.index_cast %get3A_814 : i32 to index
      %get3A_816 = arith.index_cast %multiple_of3A : i32 to index
      %get3A_817 = tpu.vector_load %arg6[%get3A_815, %get3A_816] {strides = array<i32>} : memref<64x512xf32, #tpu.memory_space<vmem>>, vector<1x16xf32>,
      %get3A_818 = vector.shape_cast %get3A_817 : vector<1x16xf32> to vector<16xf32>
      %mul3A_819 = arith.mulf %get3A_813, %get3A_818 : vector<16xf32>
      %add3A_820 = arith.addf %add3A_772, %mul3A_819 : vector<16xf32>
      %get3A_821 = arith.constant 46 : i32
      %get3A_822 = arith.index_cast %get3A_821 : i32 to index
      %get3A_823 = arith.index_cast %multiple_of3A : i32 to index
      %get3A_824 = tpu.vector_load %arg5[%get3A_822, %get3A_823] {strides = array<i32>} : memref<64x512xf32, #tpu.memory_space<vmem>>, vector<1x16xf32>,
      %get3A_825 = vector.shape_cast %get3A_824 : vector<1x16xf32> to vector<16xf32>
      %get3A_826 = arith.constant 46 : i32
      %get3A_827 = arith.index_cast %get3A_826 : i32 to index
      %get3A_828 = arith.index_cast %multiple_of3A : i32 to index
      %get3A_829 = tpu.vector_load %arg6[%get3A_827, %get3A_828] {strides = array<i32>} : memref<64x512xf32, #tpu.memory_space<vmem>>, vector<1x16xf32>,
      %get3A_830 = vector.shape_cast %get3A_829 : vector<1x16xf32> to vector<16xf32>
      %mul3A_831 = arith.mulf %get3A_825, %get3A_830 : vector<16xf32>
      %add3A_832 = arith.addf %add3A_784, %mul3A_831 : vector<16xf32>
      %get3A_833 = arith.constant 47 : i32
      %get3A_834 = arith.index_cast %get3A_833 : i32 to index
      %get3A_835 = arith.index_cast %multiple_of3A : i32 to index
      %get3A_836 = tpu.vector_load %arg5[%get3A_834, %get3A_835] {strides = array<i32>} : memref<64x512xf32, #tpu.memory_space<vmem>>, vector<1x16xf32>,
      %get3A_837 = vector.shape_cast %get3A_836 : vector<1x16xf32> to vector<16xf32>
      %get3A_838 = arith.constant 47 : i32
      %get3A_839 = arith.index_cast %get3A_838 : i32 to index
      %get3A_840 = arith.index_cast %multiple_of3A : i32 to index
      %get3A_841 = tpu.vector_load %arg6[%get3A_839, %get3A_840] {strides = array<i32>} : memref<64x512xf32, #tpu.memory_space<vmem>>, vector<1x16xf32>,
      %get3A_842 = vector.shape_cast %get3A_841 : vector<1x16xf32> to vector<16xf32>
      %mul3A_843 = arith.mulf %get3A_837, %get3A_842 : vector<16xf32>
      %add3A_844 = arith.addf %add3A_796, %mul3A_843 : vector<16xf32>
      %get3A_845 = arith.constant 48 : i32
      %get3A_846 = arith.index_cast %get3A_845 : i32 to index
      %get3A_847 = arith.index_cast %multiple_of3A : i32 to index
      %get3A_848 = tpu.vector_load %arg5[%get3A_846, %get3A_847] {strides = array<i32>} : memref<64x512xf32, #tpu.memory_space<vmem>>, vector<1x16xf32>,
      %get3A_849 = vector.shape_cast %get3A_848 : vector<1x16xf32> to vector<16xf32>
      %get3A_850 = arith.constant 48 : i32
      %get3A_851 = arith.index_cast %get3A_850 : i32 to index
      %get3A_852 = arith.index_cast %multiple_of3A : i32 to index
      %get3A_853 = tpu.vector_load %arg6[%get3A_851, %get3A_852] {strides = array<i32>} : memref<64x512xf32, #tpu.memory_space<vmem>>, vector<1x16xf32>,
      %get3A_854 = vector.shape_cast %get3A_853 : vector<1x16xf32> to vector<16xf32>
      %mul3A_855 = arith.mulf %get3A_849, %get3A_854 : vector<16xf32>
      %add3A_856 = arith.addf %add3A_808, %mul3A_855 : vector<16xf32>
      %get3A_857 = arith.constant 49 : i32
      %get3A_858 = arith.index_cast %get3A_857 : i32 to index
      %get3A_859 = arith.index_cast %multiple_of3A : i32 to index
      %get3A_860 = tpu.vector_load %arg5[%get3A_858, %get3A_859] {strides = array<i32>} : memref<64x512xf32, #tpu.memory_space<vmem>>, vector<1x16xf32>,
      %get3A_861 = vector.shape_cast %get3A_860 : vector<1x16xf32> to vector<16xf32>
      %get3A_862 = arith.constant 49 : i32
      %get3A_863 = arith.index_cast %get3A_862 : i32 to index
      %get3A_864 = arith.index_cast %multiple_of3A : i32 to index
      %get3A_865 = tpu.vector_load %arg6[%get3A_863, %get3A_864] {strides = array<i32>} : memref<64x512xf32, #tpu.memory_space<vmem>>, vector<1x16xf32>,
      %get3A_866 = vector.shape_cast %get3A_865 : vector<1x16xf32> to vector<16xf32>
      %mul3A_867 = arith.mulf %get3A_861, %get3A_866 : vector<16xf32>
      %add3A_868 = arith.addf %add3A_820, %mul3A_867 : vector<16xf32>
      %get3A_869 = arith.constant 50 : i32
      %get3A_870 = arith.index_cast %get3A_869 : i32 to index
      %get3A_871 = arith.index_cast %multiple_of3A : i32 to index
      %get3A_872 = tpu.vector_load %arg5[%get3A_870, %get3A_871] {strides = array<i32>} : memref<64x512xf32, #tpu.memory_space<vmem>>, vector<1x16xf32>,
      %get3A_873 = vector.shape_cast %get3A_872 : vector<1x16xf32> to vector<16xf32>
      %get3A_874 = arith.constant 50 : i32
      %get3A_875 = arith.index_cast %get3A_874 : i32 to index
      %get3A_876 = arith.index_cast %multiple_of3A : i32 to index
      %get3A_877 = tpu.vector_load %arg6[%get3A_875, %get3A_876] {strides = array<i32>} : memref<64x512xf32, #tpu.memory_space<vmem>>, vector<1x16xf32>,
      %get3A_878 = vector.shape_cast %get3A_877 : vector<1x16xf32> to vector<16xf32>
      %mul3A_879 = arith.mulf %get3A_873, %get3A_878 : vector<16xf32>
      %add3A_880 = arith.addf %add3A_832, %mul3A_879 : vector<16xf32>
      %get3A_881 = arith.constant 51 : i32
      %get3A_882 = arith.index_cast %get3A_881 : i32 to index
      %get3A_883 = arith.index_cast %multiple_of3A : i32 to index
      %get3A_884 = tpu.vector_load %arg5[%get3A_882, %get3A_883] {strides = array<i32>} : memref<64x512xf32, #tpu.memory_space<vmem>>, vector<1x16xf32>,
      %get3A_885 = vector.shape_cast %get3A_884 : vector<1x16xf32> to vector<16xf32>
      %get3A_886 = arith.constant 51 : i32
      %get3A_887 = arith.index_cast %get3A_886 : i32 to index
      %get3A_888 = arith.index_cast %multiple_of3A : i32 to index
      %get3A_889 = tpu.vector_load %arg6[%get3A_887, %get3A_888] {strides = array<i32>} : memref<64x512xf32, #tpu.memory_space<vmem>>, vector<1x16xf32>,
      %get3A_890 = vector.shape_cast %get3A_889 : vector<1x16xf32> to vector<16xf32>
      %mul3A_891 = arith.mulf %get3A_885, %get3A_890 : vector<16xf32>
      %add3A_892 = arith.addf %add3A_844, %mul3A_891 : vector<16xf32>
      %get3A_893 = arith.constant 52 : i32
      %get3A_894 = arith.index_cast %get3A_893 : i32 to index
      %get3A_895 = arith.index_cast %multiple_of3A : i32 to index
      %get3A_896 = tpu.vector_load %arg5[%get3A_894, %get3A_895] {strides = array<i32>} : memref<64x512xf32, #tpu.memory_space<vmem>>, vector<1x16xf32>,
      %get3A_897 = vector.shape_cast %get3A_896 : vector<1x16xf32> to vector<16xf32>
      %get3A_898 = arith.constant 52 : i32
      %get3A_899 = arith.index_cast %get3A_898 : i32 to index
      %get3A_900 = arith.index_cast %multiple_of3A : i32 to index
      %get3A_901 = tpu.vector_load %arg6[%get3A_899, %get3A_900] {strides = array<i32>} : memref<64x512xf32, #tpu.memory_space<vmem>>, vector<1x16xf32>,
      %get3A_902 = vector.shape_cast %get3A_901 : vector<1x16xf32> to vector<16xf32>
      %mul3A_903 = arith.mulf %get3A_897, %get3A_902 : vector<16xf32>
      %add3A_904 = arith.addf %add3A_856, %mul3A_903 : vector<16xf32>
      %get3A_905 = arith.constant 53 : i32
      %get3A_906 = arith.index_cast %get3A_905 : i32 to index
      %get3A_907 = arith.index_cast %multiple_of3A : i32 to index
      %get3A_908 = tpu.vector_load %arg5[%get3A_906, %get3A_907] {strides = array<i32>} : memref<64x512xf32, #tpu.memory_space<vmem>>, vector<1x16xf32>,
      %get3A_909 = vector.shape_cast %get3A_908 : vector<1x16xf32> to vector<16xf32>
      %get3A_910 = arith.constant 53 : i32
      %get3A_911 = arith.index_cast %get3A_910 : i32 to index
      %get3A_912 = arith.index_cast %multiple_of3A : i32 to index
      %get3A_913 = tpu.vector_load %arg6[%get3A_911, %get3A_912] {strides = array<i32>} : memref<64x512xf32, #tpu.memory_space<vmem>>, vector<1x16xf32>,
      %get3A_914 = vector.shape_cast %get3A_913 : vector<1x16xf32> to vector<16xf32>
      %mul3A_915 = arith.mulf %get3A_909, %get3A_914 : vector<16xf32>
      %add3A_916 = arith.addf %add3A_868, %mul3A_915 : vector<16xf32>
      %get3A_917 = arith.constant 54 : i32
      %get3A_918 = arith.index_cast %get3A_917 : i32 to index
      %get3A_919 = arith.index_cast %multiple_of3A : i32 to index
      %get3A_920 = tpu.vector_load %arg5[%get3A_918, %get3A_919] {strides = array<i32>} : memref<64x512xf32, #tpu.memory_space<vmem>>, vector<1x16xf32>,
      %get3A_921 = vector.shape_cast %get3A_920 : vector<1x16xf32> to vector<16xf32>
      %get3A_922 = arith.constant 54 : i32
      %get3A_923 = arith.index_cast %get3A_922 : i32 to index
      %get3A_924 = arith.index_cast %multiple_of3A : i32 to index
      %get3A_925 = tpu.vector_load %arg6[%get3A_923, %get3A_924] {strides = array<i32>} : memref<64x512xf32, #tpu.memory_space<vmem>>, vector<1x16xf32>,
      %get3A_926 = vector.shape_cast %get3A_925 : vector<1x16xf32> to vector<16xf32>
      %mul3A_927 = arith.mulf %get3A_921, %get3A_926 : vector<16xf32>
      %add3A_928 = arith.addf %add3A_880, %mul3A_927 : vector<16xf32>
      %get3A_929 = arith.constant 55 : i32
      %get3A_930 = arith.index_cast %get3A_929 : i32 to index
      %get3A_931 = arith.index_cast %multiple_of3A : i32 to index
      %get3A_932 = tpu.vector_load %arg5[%get3A_930, %get3A_931] {strides = array<i32>} : memref<64x512xf32, #tpu.memory_space<vmem>>, vector<1x16xf32>,
      %get3A_933 = vector.shape_cast %get3A_932 : vector<1x16xf32> to vector<16xf32>
      %get3A_934 = arith.constant 55 : i32
      %get3A_935 = arith.index_cast %get3A_934 : i32 to index
      %get3A_936 = arith.index_cast %multiple_of3A : i32 to index
      %get3A_937 = tpu.vector_load %arg6[%get3A_935, %get3A_936] {strides = array<i32>} : memref<64x512xf32, #tpu.memory_space<vmem>>, vector<1x16xf32>,
      %get3A_938 = vector.shape_cast %get3A_937 : vector<1x16xf32> to vector<16xf32>
      %mul3A_939 = arith.mulf %get3A_933, %get3A_938 : vector<16xf32>
      %add3A_940 = arith.addf %add3A_892, %mul3A_939 : vector<16xf32>
      %get3A_941 = arith.constant 56 : i32
      %get3A_942 = arith.index_cast %get3A_941 : i32 to index
      %get3A_943 = arith.index_cast %multiple_of3A : i32 to index
      %get3A_944 = tpu.vector_load %arg5[%get3A_942, %get3A_943] {strides = array<i32>} : memref<64x512xf32, #tpu.memory_space<vmem>>, vector<1x16xf32>,
      %get3A_945 = vector.shape_cast %get3A_944 : vector<1x16xf32> to vector<16xf32>
      %get3A_946 = arith.constant 56 : i32
      %get3A_947 = arith.index_cast %get3A_946 : i32 to index
      %get3A_948 = arith.index_cast %multiple_of3A : i32 to index
      %get3A_949 = tpu.vector_load %arg6[%get3A_947, %get3A_948] {strides = array<i32>} : memref<64x512xf32, #tpu.memory_space<vmem>>, vector<1x16xf32>,
      %get3A_950 = vector.shape_cast %get3A_949 : vector<1x16xf32> to vector<16xf32>
      %mul3A_951 = arith.mulf %get3A_945, %get3A_950 : vector<16xf32>
      %add3A_952 = arith.addf %add3A_904, %mul3A_951 : vector<16xf32>
      %get3A_953 = arith.constant 57 : i32
      %get3A_954 = arith.index_cast %get3A_953 : i32 to index
      %get3A_955 = arith.index_cast %multiple_of3A : i32 to index
      %get3A_956 = tpu.vector_load %arg5[%get3A_954, %get3A_955] {strides = array<i32>} : memref<64x512xf32, #tpu.memory_space<vmem>>, vector<1x16xf32>,
      %get3A_957 = vector.shape_cast %get3A_956 : vector<1x16xf32> to vector<16xf32>
      %get3A_958 = arith.constant 57 : i32
      %get3A_959 = arith.index_cast %get3A_958 : i32 to index
      %get3A_960 = arith.index_cast %multiple_of3A : i32 to index
      %get3A_961 = tpu.vector_load %arg6[%get3A_959, %get3A_960] {strides = array<i32>} : memref<64x512xf32, #tpu.memory_space<vmem>>, vector<1x16xf32>,
      %get3A_962 = vector.shape_cast %get3A_961 : vector<1x16xf32> to vector<16xf32>
      %mul3A_963 = arith.mulf %get3A_957, %get3A_962 : vector<16xf32>
      %add3A_964 = arith.addf %add3A_916, %mul3A_963 : vector<16xf32>
      %get3A_965 = arith.constant 58 : i32
      %get3A_966 = arith.index_cast %get3A_965 : i32 to index
      %get3A_967 = arith.index_cast %multiple_of3A : i32 to index
      %get3A_968 = tpu.vector_load %arg5[%get3A_966, %get3A_967] {strides = array<i32>} : memref<64x512xf32, #tpu.memory_space<vmem>>, vector<1x16xf32>,
      %get3A_969 = vector.shape_cast %get3A_968 : vector<1x16xf32> to vector<16xf32>
      %get3A_970 = arith.constant 58 : i32
      %get3A_971 = arith.index_cast %get3A_970 : i32 to index
      %get3A_972 = arith.index_cast %multiple_of3A : i32 to index
      %get3A_973 = tpu.vector_load %arg6[%get3A_971, %get3A_972] {strides = array<i32>} : memref<64x512xf32, #tpu.memory_space<vmem>>, vector<1x16xf32>,
      %get3A_974 = vector.shape_cast %get3A_973 : vector<1x16xf32> to vector<16xf32>
      %mul3A_975 = arith.mulf %get3A_969, %get3A_974 : vector<16xf32>
      %add3A_976 = arith.addf %add3A_928, %mul3A_975 : vector<16xf32>
      %get3A_977 = arith.constant 59 : i32
      %get3A_978 = arith.index_cast %get3A_977 : i32 to index
      %get3A_979 = arith.index_cast %multiple_of3A : i32 to index
      %get3A_980 = tpu.vector_load %arg5[%get3A_978, %get3A_979] {strides = array<i32>} : memref<64x512xf32, #tpu.memory_space<vmem>>, vector<1x16xf32>,
      %get3A_981 = vector.shape_cast %get3A_980 : vector<1x16xf32> to vector<16xf32>
      %get3A_982 = arith.constant 59 : i32
      %get3A_983 = arith.index_cast %get3A_982 : i32 to index
      %get3A_984 = arith.index_cast %multiple_of3A : i32 to index
      %get3A_985 = tpu.vector_load %arg6[%get3A_983, %get3A_984] {strides = array<i32>} : memref<64x512xf32, #tpu.memory_space<vmem>>, vector<1x16xf32>,
      %get3A_986 = vector.shape_cast %get3A_985 : vector<1x16xf32> to vector<16xf32>
      %mul3A_987 = arith.mulf %get3A_981, %get3A_986 : vector<16xf32>
      %add3A_988 = arith.addf %add3A_940, %mul3A_987 : vector<16xf32>
      %get3A_989 = arith.constant 60 : i32
      %get3A_990 = arith.index_cast %get3A_989 : i32 to index
      %get3A_991 = arith.index_cast %multiple_of3A : i32 to index
      %get3A_992 = tpu.vector_load %arg5[%get3A_990, %get3A_991] {strides = array<i32>} : memref<64x512xf32, #tpu.memory_space<vmem>>, vector<1x16xf32>,
      %get3A_993 = vector.shape_cast %get3A_992 : vector<1x16xf32> to vector<16xf32>
      %get3A_994 = arith.constant 60 : i32
      %get3A_995 = arith.index_cast %get3A_994 : i32 to index
      %get3A_996 = arith.index_cast %multiple_of3A : i32 to index
      %get3A_997 = tpu.vector_load %arg6[%get3A_995, %get3A_996] {strides = array<i32>} : memref<64x512xf32, #tpu.memory_space<vmem>>, vector<1x16xf32>,
      %get3A_998 = vector.shape_cast %get3A_997 : vector<1x16xf32> to vector<16xf32>
      %mul3A_999 = arith.mulf %get3A_993, %get3A_998 : vector<16xf32>
      %add3A_1000 = arith.addf %add3A_952, %mul3A_999 : vector<16xf32>
      %get3A_1001 = arith.constant 61 : i32
      %get3A_1002 = arith.index_cast %get3A_1001 : i32 to index
      %get3A_1003 = arith.index_cast %multiple_of3A : i32 to index
      %get3A_1004 = tpu.vector_load %arg5[%get3A_1002, %get3A_1003] {strides = array<i32>} : memref<64x512xf32, #tpu.memory_space<vmem>>, vector<1x16xf32>,
      %get3A_1005 = vector.shape_cast %get3A_1004 : vector<1x16xf32> to vector<16xf32>
      %get3A_1006 = arith.constant 61 : i32
      %get3A_1007 = arith.index_cast %get3A_1006 : i32 to index
      %get3A_1008 = arith.index_cast %multiple_of3A : i32 to index
      %get3A_1009 = tpu.vector_load %arg6[%get3A_1007, %get3A_1008] {strides = array<i32>} : memref<64x512xf32, #tpu.memory_space<vmem>>, vector<1x16xf32>,
      %get3A_1010 = vector.shape_cast %get3A_1009 : vector<1x16xf32> to vector<16xf32>
      %mul3A_1011 = arith.mulf %get3A_1005, %get3A_1010 : vector<16xf32>
      %add3A_1012 = arith.addf %add3A_964, %mul3A_1011 : vector<16xf32>
      %get3A_1013 = arith.constant 62 : i32
      %get3A_1014 = arith.index_cast %get3A_1013 : i32 to index
      %get3A_1015 = arith.index_cast %multiple_of3A : i32 to index
      %get3A_1016 = tpu.vector_load %arg5[%get3A_1014, %get3A_1015] {strides = array<i32>} : memref<64x512xf32, #tpu.memory_space<vmem>>, vector<1x16xf32>,
      %get3A_1017 = vector.shape_cast %get3A_1016 : vector<1x16xf32> to vector<16xf32>
      %get3A_1018 = arith.constant 62 : i32
      %get3A_1019 = arith.index_cast %get3A_1018 : i32 to index
      %get3A_1020 = arith.index_cast %multiple_of3A : i32 to index
      %get3A_1021 = tpu.vector_load %arg6[%get3A_1019, %get3A_1020] {strides = array<i32>} : memref<64x512xf32, #tpu.memory_space<vmem>>, vector<1x16xf32>,
      %get3A_1022 = vector.shape_cast %get3A_1021 : vector<1x16xf32> to vector<16xf32>
      %mul3A_1023 = arith.mulf %get3A_1017, %get3A_1022 : vector<16xf32>
      %add3A_1024 = arith.addf %add3A_976, %mul3A_1023 : vector<16xf32>
      %get3A_1025 = arith.constant 63 : i32
      %get3A_1026 = arith.index_cast %get3A_1025 : i32 to index
      %get3A_1027 = arith.index_cast %multiple_of3A : i32 to index
      %get3A_1028 = tpu.vector_load %arg5[%get3A_1026, %get3A_1027] {strides = array<i32>} : memref<64x512xf32, #tpu.memory_space<vmem>>, vector<1x16xf32>,
      %get3A_1029 = vector.shape_cast %get3A_1028 : vector<1x16xf32> to vector<16xf32>
      %get3A_1030 = arith.constant 63 : i32
      %get3A_1031 = arith.index_cast %get3A_1030 : i32 to index
      %get3A_1032 = arith.index_cast %multiple_of3A : i32 to index
      %get3A_1033 = tpu.vector_load %arg6[%get3A_1031, %get3A_1032] {strides = array<i32>} : memref<64x512xf32, #tpu.memory_space<vmem>>, vector<1x16xf32>,
      %get3A_1034 = vector.shape_cast %get3A_1033 : vector<1x16xf32> to vector<16xf32>
      %mul3A_1035 = arith.mulf %get3A_1029, %get3A_1034 : vector<16xf32>
      %add3A_1036 = arith.addf %add3A_988, %mul3A_1035 : vector<16xf32>
      %add3A_1037 = arith.addf %add3A_1000, %add3A_1012 : vector<16xf32>
      %add3A_1038 = arith.addf %add3A_1024, %add3A_1036 : vector<16xf32>
      %add3A_1039 = arith.addf %add3A_1037, %add3A_1038 : vector<16xf32>
      %swap3A = arith.index_cast %multiple_of3A : i32 to index
      %swap3A_1040 = tpu.vector_load %arg7[%swap3A] {strides = array<i32>} : memref<512xf32, #tpu.memory_space<vmem>>, vector<16xf32>,
      %swap3A_1041 = vector.shape_cast %swap3A_1040 : vector<16xf32> to vector<16xf32>
      %swap3A_1042 = vector.shape_cast %add3A_1039 : vector<16xf32> to vector<16xf32>
      tpu.vector_store %arg7[%swap3A], %swap3A_1042 {strides = array<i32>} : memref<512xf32, #tpu.memory_space<vmem>>, vector<16xf32>,
    }
    %scan3A_162 = arith.constant 8 : i32
    %dma_wait3A_163 = arith.constant 0 : i32
    %dma_wait3A_164 = arith.constant 1 : i32
    %dma_wait3A_165 = arith.constant 0 : i32
    %dma_wait3A_166 = arith.constant 128 : i32
    %dma_wait3A_167 = tpu.memref_slice %arg5[%dma_wait3A_165, %dma_wait3A_166] : memref<64x512xf32, #tpu.memory_space<vmem>> -> memref<64x128xf32, #tpu.memory_space<vmem>>
    %dma_wait3A_168 = arith.constant 0 : i32
    %dma_wait3A_169 = tpu.memref_slice %arg2[%dma_wait3A_168, %add3A_35] : memref<64x16384xf32, #tpu.memory_space<hbm>> -> memref<64x128xf32, #tpu.memory_space<hbm>>
    %dma_wait3A_170 = tpu.memref_slice %arg8[%dma_wait3A_163, %dma_wait3A_164] : memref<2x4x!tpu.dma_semaphore, #tpu.memory_space<semaphore_mem>> -> memref<1x1x!tpu.dma_semaphore, #tpu.memory_space<semaphore_mem>>
    %dma_wait3A_171 = tpu.memref_squeeze %dma_wait3A_170 : memref<1x1x!tpu.dma_semaphore, #tpu.memory_space<semaphore_mem>> -> memref<!tpu.dma_semaphore, #tpu.memory_space<semaphore_mem>>
    %dma_wait3A_172 = arith.constant 0 : i32
    %dma_wait3A_173 = arith.constant 128 : i32
    %dma_wait3A_174 = tpu.memref_slice %arg5[%dma_wait3A_172, %dma_wait3A_173] : memref<64x512xf32, #tpu.memory_space<vmem>> -> memref<64x128xf32, #tpu.memory_space<vmem>>
    %dma_wait3A_175 = arith.constant 0 : i32
    %dma_wait3A_176 = tpu.memref_slice %arg2[%dma_wait3A_175, %add3A_35] : memref<64x16384xf32, #tpu.memory_space<hbm>> -> memref<64x128xf32, #tpu.memory_space<hbm>>
    tpu.wait_dma2 semaphore(%dma_wait3A_171 : memref<!tpu.dma_semaphore, #tpu.memory_space<semaphore_mem>>) src(%dma_wait3A_176 : memref<64x128xf32, #tpu.memory_space<hbm>>) dst(%dma_wait3A_174 : memref<64x128xf32, #tpu.memory_space<vmem>>)
    %dma_wait3A_177 = arith.constant 1 : i32
    %dma_wait3A_178 = arith.constant 1 : i32
    %dma_wait3A_179 = arith.constant 0 : i32
    %dma_wait3A_180 = arith.constant 128 : i32
    %dma_wait3A_181 = tpu.memref_slice %arg6[%dma_wait3A_179, %dma_wait3A_180] : memref<64x512xf32, #tpu.memory_space<vmem>> -> memref<64x128xf32, #tpu.memory_space<vmem>>
    %dma_wait3A_182 = arith.constant 0 : i32
    %dma_wait3A_183 = tpu.memref_slice %arg3[%dma_wait3A_182, %add3A_37] : memref<64x16384xf32, #tpu.memory_space<hbm>> -> memref<64x128xf32, #tpu.memory_space<hbm>>
    %dma_wait3A_184 = tpu.memref_slice %arg8[%dma_wait3A_177, %dma_wait3A_178] : memref<2x4x!tpu.dma_semaphore, #tpu.memory_space<semaphore_mem>> -> memref<1x1x!tpu.dma_semaphore, #tpu.memory_space<semaphore_mem>>
    %dma_wait3A_185 = tpu.memref_squeeze %dma_wait3A_184 : memref<1x1x!tpu.dma_semaphore, #tpu.memory_space<semaphore_mem>> -> memref<!tpu.dma_semaphore, #tpu.memory_space<semaphore_mem>>
    %dma_wait3A_186 = arith.constant 0 : i32
    %dma_wait3A_187 = arith.constant 128 : i32
    %dma_wait3A_188 = tpu.memref_slice %arg6[%dma_wait3A_186, %dma_wait3A_187] : memref<64x512xf32, #tpu.memory_space<vmem>> -> memref<64x128xf32, #tpu.memory_space<vmem>>
    %dma_wait3A_189 = arith.constant 0 : i32
    %dma_wait3A_190 = tpu.memref_slice %arg3[%dma_wait3A_189, %add3A_37] : memref<64x16384xf32, #tpu.memory_space<hbm>> -> memref<64x128xf32, #tpu.memory_space<hbm>>
    tpu.wait_dma2 semaphore(%dma_wait3A_185 : memref<!tpu.dma_semaphore, #tpu.memory_space<semaphore_mem>>) src(%dma_wait3A_190 : memref<64x128xf32, #tpu.memory_space<hbm>>) dst(%dma_wait3A_188 : memref<64x128xf32, #tpu.memory_space<vmem>>)
    %scan3A_191 = arith.constant 0 : i32
    %scan3A_192 = arith.constant 0 : i32
    %scan3A_193 = arith.constant 8 : i32
    %scan3A_194 = arith.addi %scan3A_192, %scan3A_193 : i32
    %scan3A_195 = arith.constant 1 : i32
    scf.for %scan3A_265 = %scan3A_192 to %scan3A_194 step %scan3A_195  : i32 {
      %mul3A_266 = arith.constant 16 : i32
      %mul3A_267 = arith.muli %scan3A_265, %mul3A_266 : i32
      %add3A_268 = arith.constant 128 : i32
      %add3A_269 = arith.addi %add3A_268, %mul3A_267 : i32
      %multiple_of3A = tpu.assume_multiple %add3A_269, 16 : i32
      %get3A = arith.constant 0 : i32
      %get3A_270 = arith.index_cast %get3A : i32 to index
      %get3A_271 = arith.index_cast %multiple_of3A : i32 to index
      %get3A_272 = tpu.vector_load %arg5[%get3A_270, %get3A_271] {strides = array<i32>} : memref<64x512xf32, #tpu.memory_space<vmem>>, vector<1x16xf32>,
      %get3A_273 = vector.shape_cast %get3A_272 : vector<1x16xf32> to vector<16xf32>
      %get3A_274 = arith.constant 0 : i32
      %get3A_275 = arith.index_cast %get3A_274 : i32 to index
      %get3A_276 = arith.index_cast %multiple_of3A : i32 to index
      %get3A_277 = tpu.vector_load %arg6[%get3A_275, %get3A_276] {strides = array<i32>} : memref<64x512xf32, #tpu.memory_space<vmem>>, vector<1x16xf32>,
      %get3A_278 = vector.shape_cast %get3A_277 : vector<1x16xf32> to vector<16xf32>
      %mul3A_279 = arith.mulf %get3A_273, %get3A_278 : vector<16xf32>
      %add3A_280 = arith.addf %broadcast_in_dim3A_130, %mul3A_279 : vector<16xf32>
      %get3A_281 = arith.constant 1 : i32
      %get3A_282 = arith.index_cast %get3A_281 : i32 to index
      %get3A_283 = arith.index_cast %multiple_of3A : i32 to index
      %get3A_284 = tpu.vector_load %arg5[%get3A_282, %get3A_283] {strides = array<i32>} : memref<64x512xf32, #tpu.memory_space<vmem>>, vector<1x16xf32>,
      %get3A_285 = vector.shape_cast %get3A_284 : vector<1x16xf32> to vector<16xf32>
      %get3A_286 = arith.constant 1 : i32
      %get3A_287 = arith.index_cast %get3A_286 : i32 to index
      %get3A_288 = arith.index_cast %multiple_of3A : i32 to index
      %get3A_289 = tpu.vector_load %arg6[%get3A_287, %get3A_288] {strides = array<i32>} : memref<64x512xf32, #tpu.memory_space<vmem>>, vector<1x16xf32>,
      %get3A_290 = vector.shape_cast %get3A_289 : vector<1x16xf32> to vector<16xf32>
      %mul3A_291 = arith.mulf %get3A_285, %get3A_290 : vector<16xf32>
      %add3A_292 = arith.addf %broadcast_in_dim3A_130, %mul3A_291 : vector<16xf32>
      %get3A_293 = arith.constant 2 : i32
      %get3A_294 = arith.index_cast %get3A_293 : i32 to index
      %get3A_295 = arith.index_cast %multiple_of3A : i32 to index
      %get3A_296 = tpu.vector_load %arg5[%get3A_294, %get3A_295] {strides = array<i32>} : memref<64x512xf32, #tpu.memory_space<vmem>>, vector<1x16xf32>,
      %get3A_297 = vector.shape_cast %get3A_296 : vector<1x16xf32> to vector<16xf32>
      %get3A_298 = arith.constant 2 : i32
      %get3A_299 = arith.index_cast %get3A_298 : i32 to index
      %get3A_300 = arith.index_cast %multiple_of3A : i32 to index
      %get3A_301 = tpu.vector_load %arg6[%get3A_299, %get3A_300] {strides = array<i32>} : memref<64x512xf32, #tpu.memory_space<vmem>>, vector<1x16xf32>,
      %get3A_302 = vector.shape_cast %get3A_301 : vector<1x16xf32> to vector<16xf32>
      %mul3A_303 = arith.mulf %get3A_297, %get3A_302 : vector<16xf32>
      %add3A_304 = arith.addf %broadcast_in_dim3A_130, %mul3A_303 : vector<16xf32>
      %get3A_305 = arith.constant 3 : i32
      %get3A_306 = arith.index_cast %get3A_305 : i32 to index
      %get3A_307 = arith.index_cast %multiple_of3A : i32 to index
      %get3A_308 = tpu.vector_load %arg5[%get3A_306, %get3A_307] {strides = array<i32>} : memref<64x512xf32, #tpu.memory_space<vmem>>, vector<1x16xf32>,
      %get3A_309 = vector.shape_cast %get3A_308 : vector<1x16xf32> to vector<16xf32>
      %get3A_310 = arith.constant 3 : i32
      %get3A_311 = arith.index_cast %get3A_310 : i32 to index
      %get3A_312 = arith.index_cast %multiple_of3A : i32 to index
      %get3A_313 = tpu.vector_load %arg6[%get3A_311, %get3A_312] {strides = array<i32>} : memref<64x512xf32, #tpu.memory_space<vmem>>, vector<1x16xf32>,
      %get3A_314 = vector.shape_cast %get3A_313 : vector<1x16xf32> to vector<16xf32>
      %mul3A_315 = arith.mulf %get3A_309, %get3A_314 : vector<16xf32>
      %add3A_316 = arith.addf %broadcast_in_dim3A_130, %mul3A_315 : vector<16xf32>
      %get3A_317 = arith.constant 4 : i32
      %get3A_318 = arith.index_cast %get3A_317 : i32 to index
      %get3A_319 = arith.index_cast %multiple_of3A : i32 to index
      %get3A_320 = tpu.vector_load %arg5[%get3A_318, %get3A_319] {strides = array<i32>} : memref<64x512xf32, #tpu.memory_space<vmem>>, vector<1x16xf32>,
      %get3A_321 = vector.shape_cast %get3A_320 : vector<1x16xf32> to vector<16xf32>
      %get3A_322 = arith.constant 4 : i32
      %get3A_323 = arith.index_cast %get3A_322 : i32 to index
      %get3A_324 = arith.index_cast %multiple_of3A : i32 to index
      %get3A_325 = tpu.vector_load %arg6[%get3A_323, %get3A_324] {strides = array<i32>} : memref<64x512xf32, #tpu.memory_space<vmem>>, vector<1x16xf32>,
      %get3A_326 = vector.shape_cast %get3A_325 : vector<1x16xf32> to vector<16xf32>
      %mul3A_327 = arith.mulf %get3A_321, %get3A_326 : vector<16xf32>
      %add3A_328 = arith.addf %add3A_280, %mul3A_327 : vector<16xf32>
      %get3A_329 = arith.constant 5 : i32
      %get3A_330 = arith.index_cast %get3A_329 : i32 to index
      %get3A_331 = arith.index_cast %multiple_of3A : i32 to index
      %get3A_332 = tpu.vector_load %arg5[%get3A_330, %get3A_331] {strides = array<i32>} : memref<64x512xf32, #tpu.memory_space<vmem>>, vector<1x16xf32>,
      %get3A_333 = vector.shape_cast %get3A_332 : vector<1x16xf32> to vector<16xf32>
      %get3A_334 = arith.constant 5 : i32
      %get3A_335 = arith.index_cast %get3A_334 : i32 to index
      %get3A_336 = arith.index_cast %multiple_of3A : i32 to index
      %get3A_337 = tpu.vector_load %arg6[%get3A_335, %get3A_336] {strides = array<i32>} : memref<64x512xf32, #tpu.memory_space<vmem>>, vector<1x16xf32>,
      %get3A_338 = vector.shape_cast %get3A_337 : vector<1x16xf32> to vector<16xf32>
      %mul3A_339 = arith.mulf %get3A_333, %get3A_338 : vector<16xf32>
      %add3A_340 = arith.addf %add3A_292, %mul3A_339 : vector<16xf32>
      %get3A_341 = arith.constant 6 : i32
      %get3A_342 = arith.index_cast %get3A_341 : i32 to index
      %get3A_343 = arith.index_cast %multiple_of3A : i32 to index
      %get3A_344 = tpu.vector_load %arg5[%get3A_342, %get3A_343] {strides = array<i32>} : memref<64x512xf32, #tpu.memory_space<vmem>>, vector<1x16xf32>,
      %get3A_345 = vector.shape_cast %get3A_344 : vector<1x16xf32> to vector<16xf32>
      %get3A_346 = arith.constant 6 : i32
      %get3A_347 = arith.index_cast %get3A_346 : i32 to index
      %get3A_348 = arith.index_cast %multiple_of3A : i32 to index
      %get3A_349 = tpu.vector_load %arg6[%get3A_347, %get3A_348] {strides = array<i32>} : memref<64x512xf32, #tpu.memory_space<vmem>>, vector<1x16xf32>,
      %get3A_350 = vector.shape_cast %get3A_349 : vector<1x16xf32> to vector<16xf32>
      %mul3A_351 = arith.mulf %get3A_345, %get3A_350 : vector<16xf32>
      %add3A_352 = arith.addf %add3A_304, %mul3A_351 : vector<16xf32>
      %get3A_353 = arith.constant 7 : i32
      %get3A_354 = arith.index_cast %get3A_353 : i32 to index
      %get3A_355 = arith.index_cast %multiple_of3A : i32 to index
      %get3A_356 = tpu.vector_load %arg5[%get3A_354, %get3A_355] {strides = array<i32>} : memref<64x512xf32, #tpu.memory_space<vmem>>, vector<1x16xf32>,
      %get3A_357 = vector.shape_cast %get3A_356 : vector<1x16xf32> to vector<16xf32>
      %get3A_358 = arith.constant 7 : i32
      %get3A_359 = arith.index_cast %get3A_358 : i32 to index
      %get3A_360 = arith.index_cast %multiple_of3A : i32 to index
      %get3A_361 = tpu.vector_load %arg6[%get3A_359, %get3A_360] {strides = array<i32>} : memref<64x512xf32, #tpu.memory_space<vmem>>, vector<1x16xf32>,
      %get3A_362 = vector.shape_cast %get3A_361 : vector<1x16xf32> to vector<16xf32>
      %mul3A_363 = arith.mulf %get3A_357, %get3A_362 : vector<16xf32>
      %add3A_364 = arith.addf %add3A_316, %mul3A_363 : vector<16xf32>
      %get3A_365 = arith.constant 8 : i32
      %get3A_366 = arith.index_cast %get3A_365 : i32 to index
      %get3A_367 = arith.index_cast %multiple_of3A : i32 to index
      %get3A_368 = tpu.vector_load %arg5[%get3A_366, %get3A_367] {strides = array<i32>} : memref<64x512xf32, #tpu.memory_space<vmem>>, vector<1x16xf32>,
      %get3A_369 = vector.shape_cast %get3A_368 : vector<1x16xf32> to vector<16xf32>
      %get3A_370 = arith.constant 8 : i32
      %get3A_371 = arith.index_cast %get3A_370 : i32 to index
      %get3A_372 = arith.index_cast %multiple_of3A : i32 to index
      %get3A_373 = tpu.vector_load %arg6[%get3A_371, %get3A_372] {strides = array<i32>} : memref<64x512xf32, #tpu.memory_space<vmem>>, vector<1x16xf32>,
      %get3A_374 = vector.shape_cast %get3A_373 : vector<1x16xf32> to vector<16xf32>
      %mul3A_375 = arith.mulf %get3A_369, %get3A_374 : vector<16xf32>
      %add3A_376 = arith.addf %add3A_328, %mul3A_375 : vector<16xf32>
      %get3A_377 = arith.constant 9 : i32
      %get3A_378 = arith.index_cast %get3A_377 : i32 to index
      %get3A_379 = arith.index_cast %multiple_of3A : i32 to index
      %get3A_380 = tpu.vector_load %arg5[%get3A_378, %get3A_379] {strides = array<i32>} : memref<64x512xf32, #tpu.memory_space<vmem>>, vector<1x16xf32>,
      %get3A_381 = vector.shape_cast %get3A_380 : vector<1x16xf32> to vector<16xf32>
      %get3A_382 = arith.constant 9 : i32
      %get3A_383 = arith.index_cast %get3A_382 : i32 to index
      %get3A_384 = arith.index_cast %multiple_of3A : i32 to index
      %get3A_385 = tpu.vector_load %arg6[%get3A_383, %get3A_384] {strides = array<i32>} : memref<64x512xf32, #tpu.memory_space<vmem>>, vector<1x16xf32>,
      %get3A_386 = vector.shape_cast %get3A_385 : vector<1x16xf32> to vector<16xf32>
      %mul3A_387 = arith.mulf %get3A_381, %get3A_386 : vector<16xf32>
      %add3A_388 = arith.addf %add3A_340, %mul3A_387 : vector<16xf32>
      %get3A_389 = arith.constant 10 : i32
      %get3A_390 = arith.index_cast %get3A_389 : i32 to index
      %get3A_391 = arith.index_cast %multiple_of3A : i32 to index
      %get3A_392 = tpu.vector_load %arg5[%get3A_390, %get3A_391] {strides = array<i32>} : memref<64x512xf32, #tpu.memory_space<vmem>>, vector<1x16xf32>,
      %get3A_393 = vector.shape_cast %get3A_392 : vector<1x16xf32> to vector<16xf32>
      %get3A_394 = arith.constant 10 : i32
      %get3A_395 = arith.index_cast %get3A_394 : i32 to index
      %get3A_396 = arith.index_cast %multiple_of3A : i32 to index
      %get3A_397 = tpu.vector_load %arg6[%get3A_395, %get3A_396] {strides = array<i32>} : memref<64x512xf32, #tpu.memory_space<vmem>>, vector<1x16xf32>,
      %get3A_398 = vector.shape_cast %get3A_397 : vector<1x16xf32> to vector<16xf32>
      %mul3A_399 = arith.mulf %get3A_393, %get3A_398 : vector<16xf32>
      %add3A_400 = arith.addf %add3A_352, %mul3A_399 : vector<16xf32>
      %get3A_401 = arith.constant 11 : i32
      %get3A_402 = arith.index_cast %get3A_401 : i32 to index
      %get3A_403 = arith.index_cast %multiple_of3A : i32 to index
      %get3A_404 = tpu.vector_load %arg5[%get3A_402, %get3A_403] {strides = array<i32>} : memref<64x512xf32, #tpu.memory_space<vmem>>, vector<1x16xf32>,
      %get3A_405 = vector.shape_cast %get3A_404 : vector<1x16xf32> to vector<16xf32>
      %get3A_406 = arith.constant 11 : i32
      %get3A_407 = arith.index_cast %get3A_406 : i32 to index
      %get3A_408 = arith.index_cast %multiple_of3A : i32 to index
      %get3A_409 = tpu.vector_load %arg6[%get3A_407, %get3A_408] {strides = array<i32>} : memref<64x512xf32, #tpu.memory_space<vmem>>, vector<1x16xf32>,
      %get3A_410 = vector.shape_cast %get3A_409 : vector<1x16xf32> to vector<16xf32>
      %mul3A_411 = arith.mulf %get3A_405, %get3A_410 : vector<16xf32>
      %add3A_412 = arith.addf %add3A_364, %mul3A_411 : vector<16xf32>
      %get3A_413 = arith.constant 12 : i32
      %get3A_414 = arith.index_cast %get3A_413 : i32 to index
      %get3A_415 = arith.index_cast %multiple_of3A : i32 to index
      %get3A_416 = tpu.vector_load %arg5[%get3A_414, %get3A_415] {strides = array<i32>} : memref<64x512xf32, #tpu.memory_space<vmem>>, vector<1x16xf32>,
      %get3A_417 = vector.shape_cast %get3A_416 : vector<1x16xf32> to vector<16xf32>
      %get3A_418 = arith.constant 12 : i32
      %get3A_419 = arith.index_cast %get3A_418 : i32 to index
      %get3A_420 = arith.index_cast %multiple_of3A : i32 to index
      %get3A_421 = tpu.vector_load %arg6[%get3A_419, %get3A_420] {strides = array<i32>} : memref<64x512xf32, #tpu.memory_space<vmem>>, vector<1x16xf32>,
      %get3A_422 = vector.shape_cast %get3A_421 : vector<1x16xf32> to vector<16xf32>
      %mul3A_423 = arith.mulf %get3A_417, %get3A_422 : vector<16xf32>
      %add3A_424 = arith.addf %add3A_376, %mul3A_423 : vector<16xf32>
      %get3A_425 = arith.constant 13 : i32
      %get3A_426 = arith.index_cast %get3A_425 : i32 to index
      %get3A_427 = arith.index_cast %multiple_of3A : i32 to index
      %get3A_428 = tpu.vector_load %arg5[%get3A_426, %get3A_427] {strides = array<i32>} : memref<64x512xf32, #tpu.memory_space<vmem>>, vector<1x16xf32>,
      %get3A_429 = vector.shape_cast %get3A_428 : vector<1x16xf32> to vector<16xf32>
      %get3A_430 = arith.constant 13 : i32
      %get3A_431 = arith.index_cast %get3A_430 : i32 to index
      %get3A_432 = arith.index_cast %multiple_of3A : i32 to index
      %get3A_433 = tpu.vector_load %arg6[%get3A_431, %get3A_432] {strides = array<i32>} : memref<64x512xf32, #tpu.memory_space<vmem>>, vector<1x16xf32>,
      %get3A_434 = vector.shape_cast %get3A_433 : vector<1x16xf32> to vector<16xf32>
      %mul3A_435 = arith.mulf %get3A_429, %get3A_434 : vector<16xf32>
      %add3A_436 = arith.addf %add3A_388, %mul3A_435 : vector<16xf32>
      %get3A_437 = arith.constant 14 : i32
      %get3A_438 = arith.index_cast %get3A_437 : i32 to index
      %get3A_439 = arith.index_cast %multiple_of3A : i32 to index
      %get3A_440 = tpu.vector_load %arg5[%get3A_438, %get3A_439] {strides = array<i32>} : memref<64x512xf32, #tpu.memory_space<vmem>>, vector<1x16xf32>,
      %get3A_441 = vector.shape_cast %get3A_440 : vector<1x16xf32> to vector<16xf32>
      %get3A_442 = arith.constant 14 : i32
      %get3A_443 = arith.index_cast %get3A_442 : i32 to index
      %get3A_444 = arith.index_cast %multiple_of3A : i32 to index
      %get3A_445 = tpu.vector_load %arg6[%get3A_443, %get3A_444] {strides = array<i32>} : memref<64x512xf32, #tpu.memory_space<vmem>>, vector<1x16xf32>,
      %get3A_446 = vector.shape_cast %get3A_445 : vector<1x16xf32> to vector<16xf32>
      %mul3A_447 = arith.mulf %get3A_441, %get3A_446 : vector<16xf32>
      %add3A_448 = arith.addf %add3A_400, %mul3A_447 : vector<16xf32>
      %get3A_449 = arith.constant 15 : i32
      %get3A_450 = arith.index_cast %get3A_449 : i32 to index
      %get3A_451 = arith.index_cast %multiple_of3A : i32 to index
      %get3A_452 = tpu.vector_load %arg5[%get3A_450, %get3A_451] {strides = array<i32>} : memref<64x512xf32, #tpu.memory_space<vmem>>, vector<1x16xf32>,
      %get3A_453 = vector.shape_cast %get3A_452 : vector<1x16xf32> to vector<16xf32>
      %get3A_454 = arith.constant 15 : i32
      %get3A_455 = arith.index_cast %get3A_454 : i32 to index
      %get3A_456 = arith.index_cast %multiple_of3A : i32 to index
      %get3A_457 = tpu.vector_load %arg6[%get3A_455, %get3A_456] {strides = array<i32>} : memref<64x512xf32, #tpu.memory_space<vmem>>, vector<1x16xf32>,
      %get3A_458 = vector.shape_cast %get3A_457 : vector<1x16xf32> to vector<16xf32>
      %mul3A_459 = arith.mulf %get3A_453, %get3A_458 : vector<16xf32>
      %add3A_460 = arith.addf %add3A_412, %mul3A_459 : vector<16xf32>
      %get3A_461 = arith.constant 16 : i32
      %get3A_462 = arith.index_cast %get3A_461 : i32 to index
      %get3A_463 = arith.index_cast %multiple_of3A : i32 to index
      %get3A_464 = tpu.vector_load %arg5[%get3A_462, %get3A_463] {strides = array<i32>} : memref<64x512xf32, #tpu.memory_space<vmem>>, vector<1x16xf32>,
      %get3A_465 = vector.shape_cast %get3A_464 : vector<1x16xf32> to vector<16xf32>
      %get3A_466 = arith.constant 16 : i32
      %get3A_467 = arith.index_cast %get3A_466 : i32 to index
      %get3A_468 = arith.index_cast %multiple_of3A : i32 to index
      %get3A_469 = tpu.vector_load %arg6[%get3A_467, %get3A_468] {strides = array<i32>} : memref<64x512xf32, #tpu.memory_space<vmem>>, vector<1x16xf32>,
      %get3A_470 = vector.shape_cast %get3A_469 : vector<1x16xf32> to vector<16xf32>
      %mul3A_471 = arith.mulf %get3A_465, %get3A_470 : vector<16xf32>
      %add3A_472 = arith.addf %add3A_424, %mul3A_471 : vector<16xf32>
      %get3A_473 = arith.constant 17 : i32
      %get3A_474 = arith.index_cast %get3A_473 : i32 to index
      %get3A_475 = arith.index_cast %multiple_of3A : i32 to index
      %get3A_476 = tpu.vector_load %arg5[%get3A_474, %get3A_475] {strides = array<i32>} : memref<64x512xf32, #tpu.memory_space<vmem>>, vector<1x16xf32>,
      %get3A_477 = vector.shape_cast %get3A_476 : vector<1x16xf32> to vector<16xf32>
      %get3A_478 = arith.constant 17 : i32
      %get3A_479 = arith.index_cast %get3A_478 : i32 to index
      %get3A_480 = arith.index_cast %multiple_of3A : i32 to index
      %get3A_481 = tpu.vector_load %arg6[%get3A_479, %get3A_480] {strides = array<i32>} : memref<64x512xf32, #tpu.memory_space<vmem>>, vector<1x16xf32>,
      %get3A_482 = vector.shape_cast %get3A_481 : vector<1x16xf32> to vector<16xf32>
      %mul3A_483 = arith.mulf %get3A_477, %get3A_482 : vector<16xf32>
      %add3A_484 = arith.addf %add3A_436, %mul3A_483 : vector<16xf32>
      %get3A_485 = arith.constant 18 : i32
      %get3A_486 = arith.index_cast %get3A_485 : i32 to index
      %get3A_487 = arith.index_cast %multiple_of3A : i32 to index
      %get3A_488 = tpu.vector_load %arg5[%get3A_486, %get3A_487] {strides = array<i32>} : memref<64x512xf32, #tpu.memory_space<vmem>>, vector<1x16xf32>,
      %get3A_489 = vector.shape_cast %get3A_488 : vector<1x16xf32> to vector<16xf32>
      %get3A_490 = arith.constant 18 : i32
      %get3A_491 = arith.index_cast %get3A_490 : i32 to index
      %get3A_492 = arith.index_cast %multiple_of3A : i32 to index
      %get3A_493 = tpu.vector_load %arg6[%get3A_491, %get3A_492] {strides = array<i32>} : memref<64x512xf32, #tpu.memory_space<vmem>>, vector<1x16xf32>,
      %get3A_494 = vector.shape_cast %get3A_493 : vector<1x16xf32> to vector<16xf32>
      %mul3A_495 = arith.mulf %get3A_489, %get3A_494 : vector<16xf32>
      %add3A_496 = arith.addf %add3A_448, %mul3A_495 : vector<16xf32>
      %get3A_497 = arith.constant 19 : i32
      %get3A_498 = arith.index_cast %get3A_497 : i32 to index
      %get3A_499 = arith.index_cast %multiple_of3A : i32 to index
      %get3A_500 = tpu.vector_load %arg5[%get3A_498, %get3A_499] {strides = array<i32>} : memref<64x512xf32, #tpu.memory_space<vmem>>, vector<1x16xf32>,
      %get3A_501 = vector.shape_cast %get3A_500 : vector<1x16xf32> to vector<16xf32>
      %get3A_502 = arith.constant 19 : i32
      %get3A_503 = arith.index_cast %get3A_502 : i32 to index
      %get3A_504 = arith.index_cast %multiple_of3A : i32 to index
      %get3A_505 = tpu.vector_load %arg6[%get3A_503, %get3A_504] {strides = array<i32>} : memref<64x512xf32, #tpu.memory_space<vmem>>, vector<1x16xf32>,
      %get3A_506 = vector.shape_cast %get3A_505 : vector<1x16xf32> to vector<16xf32>
      %mul3A_507 = arith.mulf %get3A_501, %get3A_506 : vector<16xf32>
      %add3A_508 = arith.addf %add3A_460, %mul3A_507 : vector<16xf32>
      %get3A_509 = arith.constant 20 : i32
      %get3A_510 = arith.index_cast %get3A_509 : i32 to index
      %get3A_511 = arith.index_cast %multiple_of3A : i32 to index
      %get3A_512 = tpu.vector_load %arg5[%get3A_510, %get3A_511] {strides = array<i32>} : memref<64x512xf32, #tpu.memory_space<vmem>>, vector<1x16xf32>,
      %get3A_513 = vector.shape_cast %get3A_512 : vector<1x16xf32> to vector<16xf32>
      %get3A_514 = arith.constant 20 : i32
      %get3A_515 = arith.index_cast %get3A_514 : i32 to index
      %get3A_516 = arith.index_cast %multiple_of3A : i32 to index
      %get3A_517 = tpu.vector_load %arg6[%get3A_515, %get3A_516] {strides = array<i32>} : memref<64x512xf32, #tpu.memory_space<vmem>>, vector<1x16xf32>,
      %get3A_518 = vector.shape_cast %get3A_517 : vector<1x16xf32> to vector<16xf32>
      %mul3A_519 = arith.mulf %get3A_513, %get3A_518 : vector<16xf32>
      %add3A_520 = arith.addf %add3A_472, %mul3A_519 : vector<16xf32>
      %get3A_521 = arith.constant 21 : i32
      %get3A_522 = arith.index_cast %get3A_521 : i32 to index
      %get3A_523 = arith.index_cast %multiple_of3A : i32 to index
      %get3A_524 = tpu.vector_load %arg5[%get3A_522, %get3A_523] {strides = array<i32>} : memref<64x512xf32, #tpu.memory_space<vmem>>, vector<1x16xf32>,
      %get3A_525 = vector.shape_cast %get3A_524 : vector<1x16xf32> to vector<16xf32>
      %get3A_526 = arith.constant 21 : i32
      %get3A_527 = arith.index_cast %get3A_526 : i32 to index
      %get3A_528 = arith.index_cast %multiple_of3A : i32 to index
      %get3A_529 = tpu.vector_load %arg6[%get3A_527, %get3A_528] {strides = array<i32>} : memref<64x512xf32, #tpu.memory_space<vmem>>, vector<1x16xf32>,
      %get3A_530 = vector.shape_cast %get3A_529 : vector<1x16xf32> to vector<16xf32>
      %mul3A_531 = arith.mulf %get3A_525, %get3A_530 : vector<16xf32>
      %add3A_532 = arith.addf %add3A_484, %mul3A_531 : vector<16xf32>
      %get3A_533 = arith.constant 22 : i32
      %get3A_534 = arith.index_cast %get3A_533 : i32 to index
      %get3A_535 = arith.index_cast %multiple_of3A : i32 to index
      %get3A_536 = tpu.vector_load %arg5[%get3A_534, %get3A_535] {strides = array<i32>} : memref<64x512xf32, #tpu.memory_space<vmem>>, vector<1x16xf32>,
      %get3A_537 = vector.shape_cast %get3A_536 : vector<1x16xf32> to vector<16xf32>
      %get3A_538 = arith.constant 22 : i32
      %get3A_539 = arith.index_cast %get3A_538 : i32 to index
      %get3A_540 = arith.index_cast %multiple_of3A : i32 to index
      %get3A_541 = tpu.vector_load %arg6[%get3A_539, %get3A_540] {strides = array<i32>} : memref<64x512xf32, #tpu.memory_space<vmem>>, vector<1x16xf32>,
      %get3A_542 = vector.shape_cast %get3A_541 : vector<1x16xf32> to vector<16xf32>
      %mul3A_543 = arith.mulf %get3A_537, %get3A_542 : vector<16xf32>
      %add3A_544 = arith.addf %add3A_496, %mul3A_543 : vector<16xf32>
      %get3A_545 = arith.constant 23 : i32
      %get3A_546 = arith.index_cast %get3A_545 : i32 to index
      %get3A_547 = arith.index_cast %multiple_of3A : i32 to index
      %get3A_548 = tpu.vector_load %arg5[%get3A_546, %get3A_547] {strides = array<i32>} : memref<64x512xf32, #tpu.memory_space<vmem>>, vector<1x16xf32>,
      %get3A_549 = vector.shape_cast %get3A_548 : vector<1x16xf32> to vector<16xf32>
      %get3A_550 = arith.constant 23 : i32
      %get3A_551 = arith.index_cast %get3A_550 : i32 to index
      %get3A_552 = arith.index_cast %multiple_of3A : i32 to index
      %get3A_553 = tpu.vector_load %arg6[%get3A_551, %get3A_552] {strides = array<i32>} : memref<64x512xf32, #tpu.memory_space<vmem>>, vector<1x16xf32>,
      %get3A_554 = vector.shape_cast %get3A_553 : vector<1x16xf32> to vector<16xf32>
      %mul3A_555 = arith.mulf %get3A_549, %get3A_554 : vector<16xf32>
      %add3A_556 = arith.addf %add3A_508, %mul3A_555 : vector<16xf32>
      %get3A_557 = arith.constant 24 : i32
      %get3A_558 = arith.index_cast %get3A_557 : i32 to index
      %get3A_559 = arith.index_cast %multiple_of3A : i32 to index
      %get3A_560 = tpu.vector_load %arg5[%get3A_558, %get3A_559] {strides = array<i32>} : memref<64x512xf32, #tpu.memory_space<vmem>>, vector<1x16xf32>,
      %get3A_561 = vector.shape_cast %get3A_560 : vector<1x16xf32> to vector<16xf32>
      %get3A_562 = arith.constant 24 : i32
      %get3A_563 = arith.index_cast %get3A_562 : i32 to index
      %get3A_564 = arith.index_cast %multiple_of3A : i32 to index
      %get3A_565 = tpu.vector_load %arg6[%get3A_563, %get3A_564] {strides = array<i32>} : memref<64x512xf32, #tpu.memory_space<vmem>>, vector<1x16xf32>,
      %get3A_566 = vector.shape_cast %get3A_565 : vector<1x16xf32> to vector<16xf32>
      %mul3A_567 = arith.mulf %get3A_561, %get3A_566 : vector<16xf32>
      %add3A_568 = arith.addf %add3A_520, %mul3A_567 : vector<16xf32>
      %get3A_569 = arith.constant 25 : i32
      %get3A_570 = arith.index_cast %get3A_569 : i32 to index
      %get3A_571 = arith.index_cast %multiple_of3A : i32 to index
      %get3A_572 = tpu.vector_load %arg5[%get3A_570, %get3A_571] {strides = array<i32>} : memref<64x512xf32, #tpu.memory_space<vmem>>, vector<1x16xf32>,
      %get3A_573 = vector.shape_cast %get3A_572 : vector<1x16xf32> to vector<16xf32>
      %get3A_574 = arith.constant 25 : i32
      %get3A_575 = arith.index_cast %get3A_574 : i32 to index
      %get3A_576 = arith.index_cast %multiple_of3A : i32 to index
      %get3A_577 = tpu.vector_load %arg6[%get3A_575, %get3A_576] {strides = array<i32>} : memref<64x512xf32, #tpu.memory_space<vmem>>, vector<1x16xf32>,
      %get3A_578 = vector.shape_cast %get3A_577 : vector<1x16xf32> to vector<16xf32>
      %mul3A_579 = arith.mulf %get3A_573, %get3A_578 : vector<16xf32>
      %add3A_580 = arith.addf %add3A_532, %mul3A_579 : vector<16xf32>
      %get3A_581 = arith.constant 26 : i32
      %get3A_582 = arith.index_cast %get3A_581 : i32 to index
      %get3A_583 = arith.index_cast %multiple_of3A : i32 to index
      %get3A_584 = tpu.vector_load %arg5[%get3A_582, %get3A_583] {strides = array<i32>} : memref<64x512xf32, #tpu.memory_space<vmem>>, vector<1x16xf32>,
      %get3A_585 = vector.shape_cast %get3A_584 : vector<1x16xf32> to vector<16xf32>
      %get3A_586 = arith.constant 26 : i32
      %get3A_587 = arith.index_cast %get3A_586 : i32 to index
      %get3A_588 = arith.index_cast %multiple_of3A : i32 to index
      %get3A_589 = tpu.vector_load %arg6[%get3A_587, %get3A_588] {strides = array<i32>} : memref<64x512xf32, #tpu.memory_space<vmem>>, vector<1x16xf32>,
      %get3A_590 = vector.shape_cast %get3A_589 : vector<1x16xf32> to vector<16xf32>
      %mul3A_591 = arith.mulf %get3A_585, %get3A_590 : vector<16xf32>
      %add3A_592 = arith.addf %add3A_544, %mul3A_591 : vector<16xf32>
      %get3A_593 = arith.constant 27 : i32
      %get3A_594 = arith.index_cast %get3A_593 : i32 to index
      %get3A_595 = arith.index_cast %multiple_of3A : i32 to index
      %get3A_596 = tpu.vector_load %arg5[%get3A_594, %get3A_595] {strides = array<i32>} : memref<64x512xf32, #tpu.memory_space<vmem>>, vector<1x16xf32>,
      %get3A_597 = vector.shape_cast %get3A_596 : vector<1x16xf32> to vector<16xf32>
      %get3A_598 = arith.constant 27 : i32
      %get3A_599 = arith.index_cast %get3A_598 : i32 to index
      %get3A_600 = arith.index_cast %multiple_of3A : i32 to index
      %get3A_601 = tpu.vector_load %arg6[%get3A_599, %get3A_600] {strides = array<i32>} : memref<64x512xf32, #tpu.memory_space<vmem>>, vector<1x16xf32>,
      %get3A_602 = vector.shape_cast %get3A_601 : vector<1x16xf32> to vector<16xf32>
      %mul3A_603 = arith.mulf %get3A_597, %get3A_602 : vector<16xf32>
      %add3A_604 = arith.addf %add3A_556, %mul3A_603 : vector<16xf32>
      %get3A_605 = arith.constant 28 : i32
      %get3A_606 = arith.index_cast %get3A_605 : i32 to index
      %get3A_607 = arith.index_cast %multiple_of3A : i32 to index
      %get3A_608 = tpu.vector_load %arg5[%get3A_606, %get3A_607] {strides = array<i32>} : memref<64x512xf32, #tpu.memory_space<vmem>>, vector<1x16xf32>,
      %get3A_609 = vector.shape_cast %get3A_608 : vector<1x16xf32> to vector<16xf32>
      %get3A_610 = arith.constant 28 : i32
      %get3A_611 = arith.index_cast %get3A_610 : i32 to index
      %get3A_612 = arith.index_cast %multiple_of3A : i32 to index
      %get3A_613 = tpu.vector_load %arg6[%get3A_611, %get3A_612] {strides = array<i32>} : memref<64x512xf32, #tpu.memory_space<vmem>>, vector<1x16xf32>,
      %get3A_614 = vector.shape_cast %get3A_613 : vector<1x16xf32> to vector<16xf32>
      %mul3A_615 = arith.mulf %get3A_609, %get3A_614 : vector<16xf32>
      %add3A_616 = arith.addf %add3A_568, %mul3A_615 : vector<16xf32>
      %get3A_617 = arith.constant 29 : i32
      %get3A_618 = arith.index_cast %get3A_617 : i32 to index
      %get3A_619 = arith.index_cast %multiple_of3A : i32 to index
      %get3A_620 = tpu.vector_load %arg5[%get3A_618, %get3A_619] {strides = array<i32>} : memref<64x512xf32, #tpu.memory_space<vmem>>, vector<1x16xf32>,
      %get3A_621 = vector.shape_cast %get3A_620 : vector<1x16xf32> to vector<16xf32>
      %get3A_622 = arith.constant 29 : i32
      %get3A_623 = arith.index_cast %get3A_622 : i32 to index
      %get3A_624 = arith.index_cast %multiple_of3A : i32 to index
      %get3A_625 = tpu.vector_load %arg6[%get3A_623, %get3A_624] {strides = array<i32>} : memref<64x512xf32, #tpu.memory_space<vmem>>, vector<1x16xf32>,
      %get3A_626 = vector.shape_cast %get3A_625 : vector<1x16xf32> to vector<16xf32>
      %mul3A_627 = arith.mulf %get3A_621, %get3A_626 : vector<16xf32>
      %add3A_628 = arith.addf %add3A_580, %mul3A_627 : vector<16xf32>
      %get3A_629 = arith.constant 30 : i32
      %get3A_630 = arith.index_cast %get3A_629 : i32 to index
      %get3A_631 = arith.index_cast %multiple_of3A : i32 to index
      %get3A_632 = tpu.vector_load %arg5[%get3A_630, %get3A_631] {strides = array<i32>} : memref<64x512xf32, #tpu.memory_space<vmem>>, vector<1x16xf32>,
      %get3A_633 = vector.shape_cast %get3A_632 : vector<1x16xf32> to vector<16xf32>
      %get3A_634 = arith.constant 30 : i32
      %get3A_635 = arith.index_cast %get3A_634 : i32 to index
      %get3A_636 = arith.index_cast %multiple_of3A : i32 to index
      %get3A_637 = tpu.vector_load %arg6[%get3A_635, %get3A_636] {strides = array<i32>} : memref<64x512xf32, #tpu.memory_space<vmem>>, vector<1x16xf32>,
      %get3A_638 = vector.shape_cast %get3A_637 : vector<1x16xf32> to vector<16xf32>
      %mul3A_639 = arith.mulf %get3A_633, %get3A_638 : vector<16xf32>
      %add3A_640 = arith.addf %add3A_592, %mul3A_639 : vector<16xf32>
      %get3A_641 = arith.constant 31 : i32
      %get3A_642 = arith.index_cast %get3A_641 : i32 to index
      %get3A_643 = arith.index_cast %multiple_of3A : i32 to index
      %get3A_644 = tpu.vector_load %arg5[%get3A_642, %get3A_643] {strides = array<i32>} : memref<64x512xf32, #tpu.memory_space<vmem>>, vector<1x16xf32>,
      %get3A_645 = vector.shape_cast %get3A_644 : vector<1x16xf32> to vector<16xf32>
      %get3A_646 = arith.constant 31 : i32
      %get3A_647 = arith.index_cast %get3A_646 : i32 to index
      %get3A_648 = arith.index_cast %multiple_of3A : i32 to index
      %get3A_649 = tpu.vector_load %arg6[%get3A_647, %get3A_648] {strides = array<i32>} : memref<64x512xf32, #tpu.memory_space<vmem>>, vector<1x16xf32>,
      %get3A_650 = vector.shape_cast %get3A_649 : vector<1x16xf32> to vector<16xf32>
      %mul3A_651 = arith.mulf %get3A_645, %get3A_650 : vector<16xf32>
      %add3A_652 = arith.addf %add3A_604, %mul3A_651 : vector<16xf32>
      %get3A_653 = arith.constant 32 : i32
      %get3A_654 = arith.index_cast %get3A_653 : i32 to index
      %get3A_655 = arith.index_cast %multiple_of3A : i32 to index
      %get3A_656 = tpu.vector_load %arg5[%get3A_654, %get3A_655] {strides = array<i32>} : memref<64x512xf32, #tpu.memory_space<vmem>>, vector<1x16xf32>,
      %get3A_657 = vector.shape_cast %get3A_656 : vector<1x16xf32> to vector<16xf32>
      %get3A_658 = arith.constant 32 : i32
      %get3A_659 = arith.index_cast %get3A_658 : i32 to index
      %get3A_660 = arith.index_cast %multiple_of3A : i32 to index
      %get3A_661 = tpu.vector_load %arg6[%get3A_659, %get3A_660] {strides = array<i32>} : memref<64x512xf32, #tpu.memory_space<vmem>>, vector<1x16xf32>,
      %get3A_662 = vector.shape_cast %get3A_661 : vector<1x16xf32> to vector<16xf32>
      %mul3A_663 = arith.mulf %get3A_657, %get3A_662 : vector<16xf32>
      %add3A_664 = arith.addf %add3A_616, %mul3A_663 : vector<16xf32>
      %get3A_665 = arith.constant 33 : i32
      %get3A_666 = arith.index_cast %get3A_665 : i32 to index
      %get3A_667 = arith.index_cast %multiple_of3A : i32 to index
      %get3A_668 = tpu.vector_load %arg5[%get3A_666, %get3A_667] {strides = array<i32>} : memref<64x512xf32, #tpu.memory_space<vmem>>, vector<1x16xf32>,
      %get3A_669 = vector.shape_cast %get3A_668 : vector<1x16xf32> to vector<16xf32>
      %get3A_670 = arith.constant 33 : i32
      %get3A_671 = arith.index_cast %get3A_670 : i32 to index
      %get3A_672 = arith.index_cast %multiple_of3A : i32 to index
      %get3A_673 = tpu.vector_load %arg6[%get3A_671, %get3A_672] {strides = array<i32>} : memref<64x512xf32, #tpu.memory_space<vmem>>, vector<1x16xf32>,
      %get3A_674 = vector.shape_cast %get3A_673 : vector<1x16xf32> to vector<16xf32>
      %mul3A_675 = arith.mulf %get3A_669, %get3A_674 : vector<16xf32>
      %add3A_676 = arith.addf %add3A_628, %mul3A_675 : vector<16xf32>
      %get3A_677 = arith.constant 34 : i32
      %get3A_678 = arith.index_cast %get3A_677 : i32 to index
      %get3A_679 = arith.index_cast %multiple_of3A : i32 to index
      %get3A_680 = tpu.vector_load %arg5[%get3A_678, %get3A_679] {strides = array<i32>} : memref<64x512xf32, #tpu.memory_space<vmem>>, vector<1x16xf32>,
      %get3A_681 = vector.shape_cast %get3A_680 : vector<1x16xf32> to vector<16xf32>
      %get3A_682 = arith.constant 34 : i32
      %get3A_683 = arith.index_cast %get3A_682 : i32 to index
      %get3A_684 = arith.index_cast %multiple_of3A : i32 to index
      %get3A_685 = tpu.vector_load %arg6[%get3A_683, %get3A_684] {strides = array<i32>} : memref<64x512xf32, #tpu.memory_space<vmem>>, vector<1x16xf32>,
      %get3A_686 = vector.shape_cast %get3A_685 : vector<1x16xf32> to vector<16xf32>
      %mul3A_687 = arith.mulf %get3A_681, %get3A_686 : vector<16xf32>
      %add3A_688 = arith.addf %add3A_640, %mul3A_687 : vector<16xf32>
      %get3A_689 = arith.constant 35 : i32
      %get3A_690 = arith.index_cast %get3A_689 : i32 to index
      %get3A_691 = arith.index_cast %multiple_of3A : i32 to index
      %get3A_692 = tpu.vector_load %arg5[%get3A_690, %get3A_691] {strides = array<i32>} : memref<64x512xf32, #tpu.memory_space<vmem>>, vector<1x16xf32>,
      %get3A_693 = vector.shape_cast %get3A_692 : vector<1x16xf32> to vector<16xf32>
      %get3A_694 = arith.constant 35 : i32
      %get3A_695 = arith.index_cast %get3A_694 : i32 to index
      %get3A_696 = arith.index_cast %multiple_of3A : i32 to index
      %get3A_697 = tpu.vector_load %arg6[%get3A_695, %get3A_696] {strides = array<i32>} : memref<64x512xf32, #tpu.memory_space<vmem>>, vector<1x16xf32>,
      %get3A_698 = vector.shape_cast %get3A_697 : vector<1x16xf32> to vector<16xf32>
      %mul3A_699 = arith.mulf %get3A_693, %get3A_698 : vector<16xf32>
      %add3A_700 = arith.addf %add3A_652, %mul3A_699 : vector<16xf32>
      %get3A_701 = arith.constant 36 : i32
      %get3A_702 = arith.index_cast %get3A_701 : i32 to index
      %get3A_703 = arith.index_cast %multiple_of3A : i32 to index
      %get3A_704 = tpu.vector_load %arg5[%get3A_702, %get3A_703] {strides = array<i32>} : memref<64x512xf32, #tpu.memory_space<vmem>>, vector<1x16xf32>,
      %get3A_705 = vector.shape_cast %get3A_704 : vector<1x16xf32> to vector<16xf32>
      %get3A_706 = arith.constant 36 : i32
      %get3A_707 = arith.index_cast %get3A_706 : i32 to index
      %get3A_708 = arith.index_cast %multiple_of3A : i32 to index
      %get3A_709 = tpu.vector_load %arg6[%get3A_707, %get3A_708] {strides = array<i32>} : memref<64x512xf32, #tpu.memory_space<vmem>>, vector<1x16xf32>,
      %get3A_710 = vector.shape_cast %get3A_709 : vector<1x16xf32> to vector<16xf32>
      %mul3A_711 = arith.mulf %get3A_705, %get3A_710 : vector<16xf32>
      %add3A_712 = arith.addf %add3A_664, %mul3A_711 : vector<16xf32>
      %get3A_713 = arith.constant 37 : i32
      %get3A_714 = arith.index_cast %get3A_713 : i32 to index
      %get3A_715 = arith.index_cast %multiple_of3A : i32 to index
      %get3A_716 = tpu.vector_load %arg5[%get3A_714, %get3A_715] {strides = array<i32>} : memref<64x512xf32, #tpu.memory_space<vmem>>, vector<1x16xf32>,
      %get3A_717 = vector.shape_cast %get3A_716 : vector<1x16xf32> to vector<16xf32>
      %get3A_718 = arith.constant 37 : i32
      %get3A_719 = arith.index_cast %get3A_718 : i32 to index
      %get3A_720 = arith.index_cast %multiple_of3A : i32 to index
      %get3A_721 = tpu.vector_load %arg6[%get3A_719, %get3A_720] {strides = array<i32>} : memref<64x512xf32, #tpu.memory_space<vmem>>, vector<1x16xf32>,
      %get3A_722 = vector.shape_cast %get3A_721 : vector<1x16xf32> to vector<16xf32>
      %mul3A_723 = arith.mulf %get3A_717, %get3A_722 : vector<16xf32>
      %add3A_724 = arith.addf %add3A_676, %mul3A_723 : vector<16xf32>
      %get3A_725 = arith.constant 38 : i32
      %get3A_726 = arith.index_cast %get3A_725 : i32 to index
      %get3A_727 = arith.index_cast %multiple_of3A : i32 to index
      %get3A_728 = tpu.vector_load %arg5[%get3A_726, %get3A_727] {strides = array<i32>} : memref<64x512xf32, #tpu.memory_space<vmem>>, vector<1x16xf32>,
      %get3A_729 = vector.shape_cast %get3A_728 : vector<1x16xf32> to vector<16xf32>
      %get3A_730 = arith.constant 38 : i32
      %get3A_731 = arith.index_cast %get3A_730 : i32 to index
      %get3A_732 = arith.index_cast %multiple_of3A : i32 to index
      %get3A_733 = tpu.vector_load %arg6[%get3A_731, %get3A_732] {strides = array<i32>} : memref<64x512xf32, #tpu.memory_space<vmem>>, vector<1x16xf32>,
      %get3A_734 = vector.shape_cast %get3A_733 : vector<1x16xf32> to vector<16xf32>
      %mul3A_735 = arith.mulf %get3A_729, %get3A_734 : vector<16xf32>
      %add3A_736 = arith.addf %add3A_688, %mul3A_735 : vector<16xf32>
      %get3A_737 = arith.constant 39 : i32
      %get3A_738 = arith.index_cast %get3A_737 : i32 to index
      %get3A_739 = arith.index_cast %multiple_of3A : i32 to index
      %get3A_740 = tpu.vector_load %arg5[%get3A_738, %get3A_739] {strides = array<i32>} : memref<64x512xf32, #tpu.memory_space<vmem>>, vector<1x16xf32>,
      %get3A_741 = vector.shape_cast %get3A_740 : vector<1x16xf32> to vector<16xf32>
      %get3A_742 = arith.constant 39 : i32
      %get3A_743 = arith.index_cast %get3A_742 : i32 to index
      %get3A_744 = arith.index_cast %multiple_of3A : i32 to index
      %get3A_745 = tpu.vector_load %arg6[%get3A_743, %get3A_744] {strides = array<i32>} : memref<64x512xf32, #tpu.memory_space<vmem>>, vector<1x16xf32>,
      %get3A_746 = vector.shape_cast %get3A_745 : vector<1x16xf32> to vector<16xf32>
      %mul3A_747 = arith.mulf %get3A_741, %get3A_746 : vector<16xf32>
      %add3A_748 = arith.addf %add3A_700, %mul3A_747 : vector<16xf32>
      %get3A_749 = arith.constant 40 : i32
      %get3A_750 = arith.index_cast %get3A_749 : i32 to index
      %get3A_751 = arith.index_cast %multiple_of3A : i32 to index
      %get3A_752 = tpu.vector_load %arg5[%get3A_750, %get3A_751] {strides = array<i32>} : memref<64x512xf32, #tpu.memory_space<vmem>>, vector<1x16xf32>,
      %get3A_753 = vector.shape_cast %get3A_752 : vector<1x16xf32> to vector<16xf32>
      %get3A_754 = arith.constant 40 : i32
      %get3A_755 = arith.index_cast %get3A_754 : i32 to index
      %get3A_756 = arith.index_cast %multiple_of3A : i32 to index
      %get3A_757 = tpu.vector_load %arg6[%get3A_755, %get3A_756] {strides = array<i32>} : memref<64x512xf32, #tpu.memory_space<vmem>>, vector<1x16xf32>,
      %get3A_758 = vector.shape_cast %get3A_757 : vector<1x16xf32> to vector<16xf32>
      %mul3A_759 = arith.mulf %get3A_753, %get3A_758 : vector<16xf32>
      %add3A_760 = arith.addf %add3A_712, %mul3A_759 : vector<16xf32>
      %get3A_761 = arith.constant 41 : i32
      %get3A_762 = arith.index_cast %get3A_761 : i32 to index
      %get3A_763 = arith.index_cast %multiple_of3A : i32 to index
      %get3A_764 = tpu.vector_load %arg5[%get3A_762, %get3A_763] {strides = array<i32>} : memref<64x512xf32, #tpu.memory_space<vmem>>, vector<1x16xf32>,
      %get3A_765 = vector.shape_cast %get3A_764 : vector<1x16xf32> to vector<16xf32>
      %get3A_766 = arith.constant 41 : i32
      %get3A_767 = arith.index_cast %get3A_766 : i32 to index
      %get3A_768 = arith.index_cast %multiple_of3A : i32 to index
      %get3A_769 = tpu.vector_load %arg6[%get3A_767, %get3A_768] {strides = array<i32>} : memref<64x512xf32, #tpu.memory_space<vmem>>, vector<1x16xf32>,
      %get3A_770 = vector.shape_cast %get3A_769 : vector<1x16xf32> to vector<16xf32>
      %mul3A_771 = arith.mulf %get3A_765, %get3A_770 : vector<16xf32>
      %add3A_772 = arith.addf %add3A_724, %mul3A_771 : vector<16xf32>
      %get3A_773 = arith.constant 42 : i32
      %get3A_774 = arith.index_cast %get3A_773 : i32 to index
      %get3A_775 = arith.index_cast %multiple_of3A : i32 to index
      %get3A_776 = tpu.vector_load %arg5[%get3A_774, %get3A_775] {strides = array<i32>} : memref<64x512xf32, #tpu.memory_space<vmem>>, vector<1x16xf32>,
      %get3A_777 = vector.shape_cast %get3A_776 : vector<1x16xf32> to vector<16xf32>
      %get3A_778 = arith.constant 42 : i32
      %get3A_779 = arith.index_cast %get3A_778 : i32 to index
      %get3A_780 = arith.index_cast %multiple_of3A : i32 to index
      %get3A_781 = tpu.vector_load %arg6[%get3A_779, %get3A_780] {strides = array<i32>} : memref<64x512xf32, #tpu.memory_space<vmem>>, vector<1x16xf32>,
      %get3A_782 = vector.shape_cast %get3A_781 : vector<1x16xf32> to vector<16xf32>
      %mul3A_783 = arith.mulf %get3A_777, %get3A_782 : vector<16xf32>
      %add3A_784 = arith.addf %add3A_736, %mul3A_783 : vector<16xf32>
      %get3A_785 = arith.constant 43 : i32
      %get3A_786 = arith.index_cast %get3A_785 : i32 to index
      %get3A_787 = arith.index_cast %multiple_of3A : i32 to index
      %get3A_788 = tpu.vector_load %arg5[%get3A_786, %get3A_787] {strides = array<i32>} : memref<64x512xf32, #tpu.memory_space<vmem>>, vector<1x16xf32>,
      %get3A_789 = vector.shape_cast %get3A_788 : vector<1x16xf32> to vector<16xf32>
      %get3A_790 = arith.constant 43 : i32
      %get3A_791 = arith.index_cast %get3A_790 : i32 to index
      %get3A_792 = arith.index_cast %multiple_of3A : i32 to index
      %get3A_793 = tpu.vector_load %arg6[%get3A_791, %get3A_792] {strides = array<i32>} : memref<64x512xf32, #tpu.memory_space<vmem>>, vector<1x16xf32>,
      %get3A_794 = vector.shape_cast %get3A_793 : vector<1x16xf32> to vector<16xf32>
      %mul3A_795 = arith.mulf %get3A_789, %get3A_794 : vector<16xf32>
      %add3A_796 = arith.addf %add3A_748, %mul3A_795 : vector<16xf32>
      %get3A_797 = arith.constant 44 : i32
      %get3A_798 = arith.index_cast %get3A_797 : i32 to index
      %get3A_799 = arith.index_cast %multiple_of3A : i32 to index
      %get3A_800 = tpu.vector_load %arg5[%get3A_798, %get3A_799] {strides = array<i32>} : memref<64x512xf32, #tpu.memory_space<vmem>>, vector<1x16xf32>,
      %get3A_801 = vector.shape_cast %get3A_800 : vector<1x16xf32> to vector<16xf32>
      %get3A_802 = arith.constant 44 : i32
      %get3A_803 = arith.index_cast %get3A_802 : i32 to index
      %get3A_804 = arith.index_cast %multiple_of3A : i32 to index
      %get3A_805 = tpu.vector_load %arg6[%get3A_803, %get3A_804] {strides = array<i32>} : memref<64x512xf32, #tpu.memory_space<vmem>>, vector<1x16xf32>,
      %get3A_806 = vector.shape_cast %get3A_805 : vector<1x16xf32> to vector<16xf32>
      %mul3A_807 = arith.mulf %get3A_801, %get3A_806 : vector<16xf32>
      %add3A_808 = arith.addf %add3A_760, %mul3A_807 : vector<16xf32>
      %get3A_809 = arith.constant 45 : i32
      %get3A_810 = arith.index_cast %get3A_809 : i32 to index
      %get3A_811 = arith.index_cast %multiple_of3A : i32 to index
      %get3A_812 = tpu.vector_load %arg5[%get3A_810, %get3A_811] {strides = array<i32>} : memref<64x512xf32, #tpu.memory_space<vmem>>, vector<1x16xf32>,
      %get3A_813 = vector.shape_cast %get3A_812 : vector<1x16xf32> to vector<16xf32>
      %get3A_814 = arith.constant 45 : i32
      %get3A_815 = arith.index_cast %get3A_814 : i32 to index
      %get3A_816 = arith.index_cast %multiple_of3A : i32 to index
      %get3A_817 = tpu.vector_load %arg6[%get3A_815, %get3A_816] {strides = array<i32>} : memref<64x512xf32, #tpu.memory_space<vmem>>, vector<1x16xf32>,
      %get3A_818 = vector.shape_cast %get3A_817 : vector<1x16xf32> to vector<16xf32>
      %mul3A_819 = arith.mulf %get3A_813, %get3A_818 : vector<16xf32>
      %add3A_820 = arith.addf %add3A_772, %mul3A_819 : vector<16xf32>
      %get3A_821 = arith.constant 46 : i32
      %get3A_822 = arith.index_cast %get3A_821 : i32 to index
      %get3A_823 = arith.index_cast %multiple_of3A : i32 to index
      %get3A_824 = tpu.vector_load %arg5[%get3A_822, %get3A_823] {strides = array<i32>} : memref<64x512xf32, #tpu.memory_space<vmem>>, vector<1x16xf32>,
      %get3A_825 = vector.shape_cast %get3A_824 : vector<1x16xf32> to vector<16xf32>
      %get3A_826 = arith.constant 46 : i32
      %get3A_827 = arith.index_cast %get3A_826 : i32 to index
      %get3A_828 = arith.index_cast %multiple_of3A : i32 to index
      %get3A_829 = tpu.vector_load %arg6[%get3A_827, %get3A_828] {strides = array<i32>} : memref<64x512xf32, #tpu.memory_space<vmem>>, vector<1x16xf32>,
      %get3A_830 = vector.shape_cast %get3A_829 : vector<1x16xf32> to vector<16xf32>
      %mul3A_831 = arith.mulf %get3A_825, %get3A_830 : vector<16xf32>
      %add3A_832 = arith.addf %add3A_784, %mul3A_831 : vector<16xf32>
      %get3A_833 = arith.constant 47 : i32
      %get3A_834 = arith.index_cast %get3A_833 : i32 to index
      %get3A_835 = arith.index_cast %multiple_of3A : i32 to index
      %get3A_836 = tpu.vector_load %arg5[%get3A_834, %get3A_835] {strides = array<i32>} : memref<64x512xf32, #tpu.memory_space<vmem>>, vector<1x16xf32>,
      %get3A_837 = vector.shape_cast %get3A_836 : vector<1x16xf32> to vector<16xf32>
      %get3A_838 = arith.constant 47 : i32
      %get3A_839 = arith.index_cast %get3A_838 : i32 to index
      %get3A_840 = arith.index_cast %multiple_of3A : i32 to index
      %get3A_841 = tpu.vector_load %arg6[%get3A_839, %get3A_840] {strides = array<i32>} : memref<64x512xf32, #tpu.memory_space<vmem>>, vector<1x16xf32>,
      %get3A_842 = vector.shape_cast %get3A_841 : vector<1x16xf32> to vector<16xf32>
      %mul3A_843 = arith.mulf %get3A_837, %get3A_842 : vector<16xf32>
      %add3A_844 = arith.addf %add3A_796, %mul3A_843 : vector<16xf32>
      %get3A_845 = arith.constant 48 : i32
      %get3A_846 = arith.index_cast %get3A_845 : i32 to index
      %get3A_847 = arith.index_cast %multiple_of3A : i32 to index
      %get3A_848 = tpu.vector_load %arg5[%get3A_846, %get3A_847] {strides = array<i32>} : memref<64x512xf32, #tpu.memory_space<vmem>>, vector<1x16xf32>,
      %get3A_849 = vector.shape_cast %get3A_848 : vector<1x16xf32> to vector<16xf32>
      %get3A_850 = arith.constant 48 : i32
      %get3A_851 = arith.index_cast %get3A_850 : i32 to index
      %get3A_852 = arith.index_cast %multiple_of3A : i32 to index
      %get3A_853 = tpu.vector_load %arg6[%get3A_851, %get3A_852] {strides = array<i32>} : memref<64x512xf32, #tpu.memory_space<vmem>>, vector<1x16xf32>,
      %get3A_854 = vector.shape_cast %get3A_853 : vector<1x16xf32> to vector<16xf32>
      %mul3A_855 = arith.mulf %get3A_849, %get3A_854 : vector<16xf32>
      %add3A_856 = arith.addf %add3A_808, %mul3A_855 : vector<16xf32>
      %get3A_857 = arith.constant 49 : i32
      %get3A_858 = arith.index_cast %get3A_857 : i32 to index
      %get3A_859 = arith.index_cast %multiple_of3A : i32 to index
      %get3A_860 = tpu.vector_load %arg5[%get3A_858, %get3A_859] {strides = array<i32>} : memref<64x512xf32, #tpu.memory_space<vmem>>, vector<1x16xf32>,
      %get3A_861 = vector.shape_cast %get3A_860 : vector<1x16xf32> to vector<16xf32>
      %get3A_862 = arith.constant 49 : i32
      %get3A_863 = arith.index_cast %get3A_862 : i32 to index
      %get3A_864 = arith.index_cast %multiple_of3A : i32 to index
      %get3A_865 = tpu.vector_load %arg6[%get3A_863, %get3A_864] {strides = array<i32>} : memref<64x512xf32, #tpu.memory_space<vmem>>, vector<1x16xf32>,
      %get3A_866 = vector.shape_cast %get3A_865 : vector<1x16xf32> to vector<16xf32>
      %mul3A_867 = arith.mulf %get3A_861, %get3A_866 : vector<16xf32>
      %add3A_868 = arith.addf %add3A_820, %mul3A_867 : vector<16xf32>
      %get3A_869 = arith.constant 50 : i32
      %get3A_870 = arith.index_cast %get3A_869 : i32 to index
      %get3A_871 = arith.index_cast %multiple_of3A : i32 to index
      %get3A_872 = tpu.vector_load %arg5[%get3A_870, %get3A_871] {strides = array<i32>} : memref<64x512xf32, #tpu.memory_space<vmem>>, vector<1x16xf32>,
      %get3A_873 = vector.shape_cast %get3A_872 : vector<1x16xf32> to vector<16xf32>
      %get3A_874 = arith.constant 50 : i32
      %get3A_875 = arith.index_cast %get3A_874 : i32 to index
      %get3A_876 = arith.index_cast %multiple_of3A : i32 to index
      %get3A_877 = tpu.vector_load %arg6[%get3A_875, %get3A_876] {strides = array<i32>} : memref<64x512xf32, #tpu.memory_space<vmem>>, vector<1x16xf32>,
      %get3A_878 = vector.shape_cast %get3A_877 : vector<1x16xf32> to vector<16xf32>
      %mul3A_879 = arith.mulf %get3A_873, %get3A_878 : vector<16xf32>
      %add3A_880 = arith.addf %add3A_832, %mul3A_879 : vector<16xf32>
      %get3A_881 = arith.constant 51 : i32
      %get3A_882 = arith.index_cast %get3A_881 : i32 to index
      %get3A_883 = arith.index_cast %multiple_of3A : i32 to index
      %get3A_884 = tpu.vector_load %arg5[%get3A_882, %get3A_883] {strides = array<i32>} : memref<64x512xf32, #tpu.memory_space<vmem>>, vector<1x16xf32>,
      %get3A_885 = vector.shape_cast %get3A_884 : vector<1x16xf32> to vector<16xf32>
      %get3A_886 = arith.constant 51 : i32
      %get3A_887 = arith.index_cast %get3A_886 : i32 to index
      %get3A_888 = arith.index_cast %multiple_of3A : i32 to index
      %get3A_889 = tpu.vector_load %arg6[%get3A_887, %get3A_888] {strides = array<i32>} : memref<64x512xf32, #tpu.memory_space<vmem>>, vector<1x16xf32>,
      %get3A_890 = vector.shape_cast %get3A_889 : vector<1x16xf32> to vector<16xf32>
      %mul3A_891 = arith.mulf %get3A_885, %get3A_890 : vector<16xf32>
      %add3A_892 = arith.addf %add3A_844, %mul3A_891 : vector<16xf32>
      %get3A_893 = arith.constant 52 : i32
      %get3A_894 = arith.index_cast %get3A_893 : i32 to index
      %get3A_895 = arith.index_cast %multiple_of3A : i32 to index
      %get3A_896 = tpu.vector_load %arg5[%get3A_894, %get3A_895] {strides = array<i32>} : memref<64x512xf32, #tpu.memory_space<vmem>>, vector<1x16xf32>,
      %get3A_897 = vector.shape_cast %get3A_896 : vector<1x16xf32> to vector<16xf32>
      %get3A_898 = arith.constant 52 : i32
      %get3A_899 = arith.index_cast %get3A_898 : i32 to index
      %get3A_900 = arith.index_cast %multiple_of3A : i32 to index
      %get3A_901 = tpu.vector_load %arg6[%get3A_899, %get3A_900] {strides = array<i32>} : memref<64x512xf32, #tpu.memory_space<vmem>>, vector<1x16xf32>,
      %get3A_902 = vector.shape_cast %get3A_901 : vector<1x16xf32> to vector<16xf32>
      %mul3A_903 = arith.mulf %get3A_897, %get3A_902 : vector<16xf32>
      %add3A_904 = arith.addf %add3A_856, %mul3A_903 : vector<16xf32>
      %get3A_905 = arith.constant 53 : i32
      %get3A_906 = arith.index_cast %get3A_905 : i32 to index
      %get3A_907 = arith.index_cast %multiple_of3A : i32 to index
      %get3A_908 = tpu.vector_load %arg5[%get3A_906, %get3A_907] {strides = array<i32>} : memref<64x512xf32, #tpu.memory_space<vmem>>, vector<1x16xf32>,
      %get3A_909 = vector.shape_cast %get3A_908 : vector<1x16xf32> to vector<16xf32>
      %get3A_910 = arith.constant 53 : i32
      %get3A_911 = arith.index_cast %get3A_910 : i32 to index
      %get3A_912 = arith.index_cast %multiple_of3A : i32 to index
      %get3A_913 = tpu.vector_load %arg6[%get3A_911, %get3A_912] {strides = array<i32>} : memref<64x512xf32, #tpu.memory_space<vmem>>, vector<1x16xf32>,
      %get3A_914 = vector.shape_cast %get3A_913 : vector<1x16xf32> to vector<16xf32>
      %mul3A_915 = arith.mulf %get3A_909, %get3A_914 : vector<16xf32>
      %add3A_916 = arith.addf %add3A_868, %mul3A_915 : vector<16xf32>
      %get3A_917 = arith.constant 54 : i32
      %get3A_918 = arith.index_cast %get3A_917 : i32 to index
      %get3A_919 = arith.index_cast %multiple_of3A : i32 to index
      %get3A_920 = tpu.vector_load %arg5[%get3A_918, %get3A_919] {strides = array<i32>} : memref<64x512xf32, #tpu.memory_space<vmem>>, vector<1x16xf32>,
      %get3A_921 = vector.shape_cast %get3A_920 : vector<1x16xf32> to vector<16xf32>
      %get3A_922 = arith.constant 54 : i32
      %get3A_923 = arith.index_cast %get3A_922 : i32 to index
      %get3A_924 = arith.index_cast %multiple_of3A : i32 to index
      %get3A_925 = tpu.vector_load %arg6[%get3A_923, %get3A_924] {strides = array<i32>} : memref<64x512xf32, #tpu.memory_space<vmem>>, vector<1x16xf32>,
      %get3A_926 = vector.shape_cast %get3A_925 : vector<1x16xf32> to vector<16xf32>
      %mul3A_927 = arith.mulf %get3A_921, %get3A_926 : vector<16xf32>
      %add3A_928 = arith.addf %add3A_880, %mul3A_927 : vector<16xf32>
      %get3A_929 = arith.constant 55 : i32
      %get3A_930 = arith.index_cast %get3A_929 : i32 to index
      %get3A_931 = arith.index_cast %multiple_of3A : i32 to index
      %get3A_932 = tpu.vector_load %arg5[%get3A_930, %get3A_931] {strides = array<i32>} : memref<64x512xf32, #tpu.memory_space<vmem>>, vector<1x16xf32>,
      %get3A_933 = vector.shape_cast %get3A_932 : vector<1x16xf32> to vector<16xf32>
      %get3A_934 = arith.constant 55 : i32
      %get3A_935 = arith.index_cast %get3A_934 : i32 to index
      %get3A_936 = arith.index_cast %multiple_of3A : i32 to index
      %get3A_937 = tpu.vector_load %arg6[%get3A_935, %get3A_936] {strides = array<i32>} : memref<64x512xf32, #tpu.memory_space<vmem>>, vector<1x16xf32>,
      %get3A_938 = vector.shape_cast %get3A_937 : vector<1x16xf32> to vector<16xf32>
      %mul3A_939 = arith.mulf %get3A_933, %get3A_938 : vector<16xf32>
      %add3A_940 = arith.addf %add3A_892, %mul3A_939 : vector<16xf32>
      %get3A_941 = arith.constant 56 : i32
      %get3A_942 = arith.index_cast %get3A_941 : i32 to index
      %get3A_943 = arith.index_cast %multiple_of3A : i32 to index
      %get3A_944 = tpu.vector_load %arg5[%get3A_942, %get3A_943] {strides = array<i32>} : memref<64x512xf32, #tpu.memory_space<vmem>>, vector<1x16xf32>,
      %get3A_945 = vector.shape_cast %get3A_944 : vector<1x16xf32> to vector<16xf32>
      %get3A_946 = arith.constant 56 : i32
      %get3A_947 = arith.index_cast %get3A_946 : i32 to index
      %get3A_948 = arith.index_cast %multiple_of3A : i32 to index
      %get3A_949 = tpu.vector_load %arg6[%get3A_947, %get3A_948] {strides = array<i32>} : memref<64x512xf32, #tpu.memory_space<vmem>>, vector<1x16xf32>,
      %get3A_950 = vector.shape_cast %get3A_949 : vector<1x16xf32> to vector<16xf32>
      %mul3A_951 = arith.mulf %get3A_945, %get3A_950 : vector<16xf32>
      %add3A_952 = arith.addf %add3A_904, %mul3A_951 : vector<16xf32>
      %get3A_953 = arith.constant 57 : i32
      %get3A_954 = arith.index_cast %get3A_953 : i32 to index
      %get3A_955 = arith.index_cast %multiple_of3A : i32 to index
      %get3A_956 = tpu.vector_load %arg5[%get3A_954, %get3A_955] {strides = array<i32>} : memref<64x512xf32, #tpu.memory_space<vmem>>, vector<1x16xf32>,
      %get3A_957 = vector.shape_cast %get3A_956 : vector<1x16xf32> to vector<16xf32>
      %get3A_958 = arith.constant 57 : i32
      %get3A_959 = arith.index_cast %get3A_958 : i32 to index
      %get3A_960 = arith.index_cast %multiple_of3A : i32 to index
      %get3A_961 = tpu.vector_load %arg6[%get3A_959, %get3A_960] {strides = array<i32>} : memref<64x512xf32, #tpu.memory_space<vmem>>, vector<1x16xf32>,
      %get3A_962 = vector.shape_cast %get3A_961 : vector<1x16xf32> to vector<16xf32>
      %mul3A_963 = arith.mulf %get3A_957, %get3A_962 : vector<16xf32>
      %add3A_964 = arith.addf %add3A_916, %mul3A_963 : vector<16xf32>
      %get3A_965 = arith.constant 58 : i32
      %get3A_966 = arith.index_cast %get3A_965 : i32 to index
      %get3A_967 = arith.index_cast %multiple_of3A : i32 to index
      %get3A_968 = tpu.vector_load %arg5[%get3A_966, %get3A_967] {strides = array<i32>} : memref<64x512xf32, #tpu.memory_space<vmem>>, vector<1x16xf32>,
      %get3A_969 = vector.shape_cast %get3A_968 : vector<1x16xf32> to vector<16xf32>
      %get3A_970 = arith.constant 58 : i32
      %get3A_971 = arith.index_cast %get3A_970 : i32 to index
      %get3A_972 = arith.index_cast %multiple_of3A : i32 to index
      %get3A_973 = tpu.vector_load %arg6[%get3A_971, %get3A_972] {strides = array<i32>} : memref<64x512xf32, #tpu.memory_space<vmem>>, vector<1x16xf32>,
      %get3A_974 = vector.shape_cast %get3A_973 : vector<1x16xf32> to vector<16xf32>
      %mul3A_975 = arith.mulf %get3A_969, %get3A_974 : vector<16xf32>
      %add3A_976 = arith.addf %add3A_928, %mul3A_975 : vector<16xf32>
      %get3A_977 = arith.constant 59 : i32
      %get3A_978 = arith.index_cast %get3A_977 : i32 to index
      %get3A_979 = arith.index_cast %multiple_of3A : i32 to index
      %get3A_980 = tpu.vector_load %arg5[%get3A_978, %get3A_979] {strides = array<i32>} : memref<64x512xf32, #tpu.memory_space<vmem>>, vector<1x16xf32>,
      %get3A_981 = vector.shape_cast %get3A_980 : vector<1x16xf32> to vector<16xf32>
      %get3A_982 = arith.constant 59 : i32
      %get3A_983 = arith.index_cast %get3A_982 : i32 to index
      %get3A_984 = arith.index_cast %multiple_of3A : i32 to index
      %get3A_985 = tpu.vector_load %arg6[%get3A_983, %get3A_984] {strides = array<i32>} : memref<64x512xf32, #tpu.memory_space<vmem>>, vector<1x16xf32>,
      %get3A_986 = vector.shape_cast %get3A_985 : vector<1x16xf32> to vector<16xf32>
      %mul3A_987 = arith.mulf %get3A_981, %get3A_986 : vector<16xf32>
      %add3A_988 = arith.addf %add3A_940, %mul3A_987 : vector<16xf32>
      %get3A_989 = arith.constant 60 : i32
      %get3A_990 = arith.index_cast %get3A_989 : i32 to index
      %get3A_991 = arith.index_cast %multiple_of3A : i32 to index
      %get3A_992 = tpu.vector_load %arg5[%get3A_990, %get3A_991] {strides = array<i32>} : memref<64x512xf32, #tpu.memory_space<vmem>>, vector<1x16xf32>,
      %get3A_993 = vector.shape_cast %get3A_992 : vector<1x16xf32> to vector<16xf32>
      %get3A_994 = arith.constant 60 : i32
      %get3A_995 = arith.index_cast %get3A_994 : i32 to index
      %get3A_996 = arith.index_cast %multiple_of3A : i32 to index
      %get3A_997 = tpu.vector_load %arg6[%get3A_995, %get3A_996] {strides = array<i32>} : memref<64x512xf32, #tpu.memory_space<vmem>>, vector<1x16xf32>,
      %get3A_998 = vector.shape_cast %get3A_997 : vector<1x16xf32> to vector<16xf32>
      %mul3A_999 = arith.mulf %get3A_993, %get3A_998 : vector<16xf32>
      %add3A_1000 = arith.addf %add3A_952, %mul3A_999 : vector<16xf32>
      %get3A_1001 = arith.constant 61 : i32
      %get3A_1002 = arith.index_cast %get3A_1001 : i32 to index
      %get3A_1003 = arith.index_cast %multiple_of3A : i32 to index
      %get3A_1004 = tpu.vector_load %arg5[%get3A_1002, %get3A_1003] {strides = array<i32>} : memref<64x512xf32, #tpu.memory_space<vmem>>, vector<1x16xf32>,
      %get3A_1005 = vector.shape_cast %get3A_1004 : vector<1x16xf32> to vector<16xf32>
      %get3A_1006 = arith.constant 61 : i32
      %get3A_1007 = arith.index_cast %get3A_1006 : i32 to index
      %get3A_1008 = arith.index_cast %multiple_of3A : i32 to index
      %get3A_1009 = tpu.vector_load %arg6[%get3A_1007, %get3A_1008] {strides = array<i32>} : memref<64x512xf32, #tpu.memory_space<vmem>>, vector<1x16xf32>,
      %get3A_1010 = vector.shape_cast %get3A_1009 : vector<1x16xf32> to vector<16xf32>
      %mul3A_1011 = arith.mulf %get3A_1005, %get3A_1010 : vector<16xf32>
      %add3A_1012 = arith.addf %add3A_964, %mul3A_1011 : vector<16xf32>
      %get3A_1013 = arith.constant 62 : i32
      %get3A_1014 = arith.index_cast %get3A_1013 : i32 to index
      %get3A_1015 = arith.index_cast %multiple_of3A : i32 to index
      %get3A_1016 = tpu.vector_load %arg5[%get3A_1014, %get3A_1015] {strides = array<i32>} : memref<64x512xf32, #tpu.memory_space<vmem>>, vector<1x16xf32>,
      %get3A_1017 = vector.shape_cast %get3A_1016 : vector<1x16xf32> to vector<16xf32>
      %get3A_1018 = arith.constant 62 : i32
      %get3A_1019 = arith.index_cast %get3A_1018 : i32 to index
      %get3A_1020 = arith.index_cast %multiple_of3A : i32 to index
      %get3A_1021 = tpu.vector_load %arg6[%get3A_1019, %get3A_1020] {strides = array<i32>} : memref<64x512xf32, #tpu.memory_space<vmem>>, vector<1x16xf32>,
      %get3A_1022 = vector.shape_cast %get3A_1021 : vector<1x16xf32> to vector<16xf32>
      %mul3A_1023 = arith.mulf %get3A_1017, %get3A_1022 : vector<16xf32>
      %add3A_1024 = arith.addf %add3A_976, %mul3A_1023 : vector<16xf32>
      %get3A_1025 = arith.constant 63 : i32
      %get3A_1026 = arith.index_cast %get3A_1025 : i32 to index
      %get3A_1027 = arith.index_cast %multiple_of3A : i32 to index
      %get3A_1028 = tpu.vector_load %arg5[%get3A_1026, %get3A_1027] {strides = array<i32>} : memref<64x512xf32, #tpu.memory_space<vmem>>, vector<1x16xf32>,
      %get3A_1029 = vector.shape_cast %get3A_1028 : vector<1x16xf32> to vector<16xf32>
      %get3A_1030 = arith.constant 63 : i32
      %get3A_1031 = arith.index_cast %get3A_1030 : i32 to index
      %get3A_1032 = arith.index_cast %multiple_of3A : i32 to index
      %get3A_1033 = tpu.vector_load %arg6[%get3A_1031, %get3A_1032] {strides = array<i32>} : memref<64x512xf32, #tpu.memory_space<vmem>>, vector<1x16xf32>,
      %get3A_1034 = vector.shape_cast %get3A_1033 : vector<1x16xf32> to vector<16xf32>
      %mul3A_1035 = arith.mulf %get3A_1029, %get3A_1034 : vector<16xf32>
      %add3A_1036 = arith.addf %add3A_988, %mul3A_1035 : vector<16xf32>
      %add3A_1037 = arith.addf %add3A_1000, %add3A_1012 : vector<16xf32>
      %add3A_1038 = arith.addf %add3A_1024, %add3A_1036 : vector<16xf32>
      %add3A_1039 = arith.addf %add3A_1037, %add3A_1038 : vector<16xf32>
      %swap3A = arith.index_cast %multiple_of3A : i32 to index
      %swap3A_1040 = tpu.vector_load %arg7[%swap3A] {strides = array<i32>} : memref<512xf32, #tpu.memory_space<vmem>>, vector<16xf32>,
      %swap3A_1041 = vector.shape_cast %swap3A_1040 : vector<16xf32> to vector<16xf32>
      %swap3A_1042 = vector.shape_cast %add3A_1039 : vector<16xf32> to vector<16xf32>
      tpu.vector_store %arg7[%swap3A], %swap3A_1042 {strides = array<i32>} : memref<512xf32, #tpu.memory_space<vmem>>, vector<16xf32>,
    }
    %scan3A_196 = arith.constant 8 : i32
    %dma_wait3A_197 = arith.constant 0 : i32
    %dma_wait3A_198 = arith.constant 2 : i32
    %dma_wait3A_199 = arith.constant 0 : i32
    %dma_wait3A_200 = arith.constant 256 : i32
    %dma_wait3A_201 = tpu.memref_slice %arg5[%dma_wait3A_199, %dma_wait3A_200] : memref<64x512xf32, #tpu.memory_space<vmem>> -> memref<64x128xf32, #tpu.memory_space<vmem>>
    %dma_wait3A_202 = arith.constant 0 : i32
    %dma_wait3A_203 = tpu.memref_slice %arg2[%dma_wait3A_202, %add3A_67] : memref<64x16384xf32, #tpu.memory_space<hbm>> -> memref<64x128xf32, #tpu.memory_space<hbm>>
    %dma_wait3A_204 = tpu.memref_slice %arg8[%dma_wait3A_197, %dma_wait3A_198] : memref<2x4x!tpu.dma_semaphore, #tpu.memory_space<semaphore_mem>> -> memref<1x1x!tpu.dma_semaphore, #tpu.memory_space<semaphore_mem>>
    %dma_wait3A_205 = tpu.memref_squeeze %dma_wait3A_204 : memref<1x1x!tpu.dma_semaphore, #tpu.memory_space<semaphore_mem>> -> memref<!tpu.dma_semaphore, #tpu.memory_space<semaphore_mem>>
    %dma_wait3A_206 = arith.constant 0 : i32
    %dma_wait3A_207 = arith.constant 256 : i32
    %dma_wait3A_208 = tpu.memref_slice %arg5[%dma_wait3A_206, %dma_wait3A_207] : memref<64x512xf32, #tpu.memory_space<vmem>> -> memref<64x128xf32, #tpu.memory_space<vmem>>
    %dma_wait3A_209 = arith.constant 0 : i32
    %dma_wait3A_210 = tpu.memref_slice %arg2[%dma_wait3A_209, %add3A_67] : memref<64x16384xf32, #tpu.memory_space<hbm>> -> memref<64x128xf32, #tpu.memory_space<hbm>>
    tpu.wait_dma2 semaphore(%dma_wait3A_205 : memref<!tpu.dma_semaphore, #tpu.memory_space<semaphore_mem>>) src(%dma_wait3A_210 : memref<64x128xf32, #tpu.memory_space<hbm>>) dst(%dma_wait3A_208 : memref<64x128xf32, #tpu.memory_space<vmem>>)
    %dma_wait3A_211 = arith.constant 1 : i32
    %dma_wait3A_212 = arith.constant 2 : i32
    %dma_wait3A_213 = arith.constant 0 : i32
    %dma_wait3A_214 = arith.constant 256 : i32
    %dma_wait3A_215 = tpu.memref_slice %arg6[%dma_wait3A_213, %dma_wait3A_214] : memref<64x512xf32, #tpu.memory_space<vmem>> -> memref<64x128xf32, #tpu.memory_space<vmem>>
    %dma_wait3A_216 = arith.constant 0 : i32
    %dma_wait3A_217 = tpu.memref_slice %arg3[%dma_wait3A_216, %add3A_69] : memref<64x16384xf32, #tpu.memory_space<hbm>> -> memref<64x128xf32, #tpu.memory_space<hbm>>
    %dma_wait3A_218 = tpu.memref_slice %arg8[%dma_wait3A_211, %dma_wait3A_212] : memref<2x4x!tpu.dma_semaphore, #tpu.memory_space<semaphore_mem>> -> memref<1x1x!tpu.dma_semaphore, #tpu.memory_space<semaphore_mem>>
    %dma_wait3A_219 = tpu.memref_squeeze %dma_wait3A_218 : memref<1x1x!tpu.dma_semaphore, #tpu.memory_space<semaphore_mem>> -> memref<!tpu.dma_semaphore, #tpu.memory_space<semaphore_mem>>
    %dma_wait3A_220 = arith.constant 0 : i32
    %dma_wait3A_221 = arith.constant 256 : i32
    %dma_wait3A_222 = tpu.memref_slice %arg6[%dma_wait3A_220, %dma_wait3A_221] : memref<64x512xf32, #tpu.memory_space<vmem>> -> memref<64x128xf32, #tpu.memory_space<vmem>>
    %dma_wait3A_223 = arith.constant 0 : i32
    %dma_wait3A_224 = tpu.memref_slice %arg3[%dma_wait3A_223, %add3A_69] : memref<64x16384xf32, #tpu.memory_space<hbm>> -> memref<64x128xf32, #tpu.memory_space<hbm>>
    tpu.wait_dma2 semaphore(%dma_wait3A_219 : memref<!tpu.dma_semaphore, #tpu.memory_space<semaphore_mem>>) src(%dma_wait3A_224 : memref<64x128xf32, #tpu.memory_space<hbm>>) dst(%dma_wait3A_222 : memref<64x128xf32, #tpu.memory_space<vmem>>)
    %scan3A_225 = arith.constant 0 : i32
    %scan3A_226 = arith.constant 0 : i32
    %scan3A_227 = arith.constant 8 : i32
    %scan3A_228 = arith.addi %scan3A_226, %scan3A_227 : i32
    %scan3A_229 = arith.constant 1 : i32
    scf.for %scan3A_265 = %scan3A_226 to %scan3A_228 step %scan3A_229  : i32 {
      %mul3A_266 = arith.constant 16 : i32
      %mul3A_267 = arith.muli %scan3A_265, %mul3A_266 : i32
      %add3A_268 = arith.constant 256 : i32
      %add3A_269 = arith.addi %add3A_268, %mul3A_267 : i32
      %multiple_of3A = tpu.assume_multiple %add3A_269, 16 : i32
      %get3A = arith.constant 0 : i32
      %get3A_270 = arith.index_cast %get3A : i32 to index
      %get3A_271 = arith.index_cast %multiple_of3A : i32 to index
      %get3A_272 = tpu.vector_load %arg5[%get3A_270, %get3A_271] {strides = array<i32>} : memref<64x512xf32, #tpu.memory_space<vmem>>, vector<1x16xf32>,
      %get3A_273 = vector.shape_cast %get3A_272 : vector<1x16xf32> to vector<16xf32>
      %get3A_274 = arith.constant 0 : i32
      %get3A_275 = arith.index_cast %get3A_274 : i32 to index
      %get3A_276 = arith.index_cast %multiple_of3A : i32 to index
      %get3A_277 = tpu.vector_load %arg6[%get3A_275, %get3A_276] {strides = array<i32>} : memref<64x512xf32, #tpu.memory_space<vmem>>, vector<1x16xf32>,
      %get3A_278 = vector.shape_cast %get3A_277 : vector<1x16xf32> to vector<16xf32>
      %mul3A_279 = arith.mulf %get3A_273, %get3A_278 : vector<16xf32>
      %add3A_280 = arith.addf %broadcast_in_dim3A_130, %mul3A_279 : vector<16xf32>
      %get3A_281 = arith.constant 1 : i32
      %get3A_282 = arith.index_cast %get3A_281 : i32 to index
      %get3A_283 = arith.index_cast %multiple_of3A : i32 to index
      %get3A_284 = tpu.vector_load %arg5[%get3A_282, %get3A_283] {strides = array<i32>} : memref<64x512xf32, #tpu.memory_space<vmem>>, vector<1x16xf32>,
      %get3A_285 = vector.shape_cast %get3A_284 : vector<1x16xf32> to vector<16xf32>
      %get3A_286 = arith.constant 1 : i32
      %get3A_287 = arith.index_cast %get3A_286 : i32 to index
      %get3A_288 = arith.index_cast %multiple_of3A : i32 to index
      %get3A_289 = tpu.vector_load %arg6[%get3A_287, %get3A_288] {strides = array<i32>} : memref<64x512xf32, #tpu.memory_space<vmem>>, vector<1x16xf32>,
      %get3A_290 = vector.shape_cast %get3A_289 : vector<1x16xf32> to vector<16xf32>
      %mul3A_291 = arith.mulf %get3A_285, %get3A_290 : vector<16xf32>
      %add3A_292 = arith.addf %broadcast_in_dim3A_130, %mul3A_291 : vector<16xf32>
      %get3A_293 = arith.constant 2 : i32
      %get3A_294 = arith.index_cast %get3A_293 : i32 to index
      %get3A_295 = arith.index_cast %multiple_of3A : i32 to index
      %get3A_296 = tpu.vector_load %arg5[%get3A_294, %get3A_295] {strides = array<i32>} : memref<64x512xf32, #tpu.memory_space<vmem>>, vector<1x16xf32>,
      %get3A_297 = vector.shape_cast %get3A_296 : vector<1x16xf32> to vector<16xf32>
      %get3A_298 = arith.constant 2 : i32
      %get3A_299 = arith.index_cast %get3A_298 : i32 to index
      %get3A_300 = arith.index_cast %multiple_of3A : i32 to index
      %get3A_301 = tpu.vector_load %arg6[%get3A_299, %get3A_300] {strides = array<i32>} : memref<64x512xf32, #tpu.memory_space<vmem>>, vector<1x16xf32>,
      %get3A_302 = vector.shape_cast %get3A_301 : vector<1x16xf32> to vector<16xf32>
      %mul3A_303 = arith.mulf %get3A_297, %get3A_302 : vector<16xf32>
      %add3A_304 = arith.addf %broadcast_in_dim3A_130, %mul3A_303 : vector<16xf32>
      %get3A_305 = arith.constant 3 : i32
      %get3A_306 = arith.index_cast %get3A_305 : i32 to index
      %get3A_307 = arith.index_cast %multiple_of3A : i32 to index
      %get3A_308 = tpu.vector_load %arg5[%get3A_306, %get3A_307] {strides = array<i32>} : memref<64x512xf32, #tpu.memory_space<vmem>>, vector<1x16xf32>,
      %get3A_309 = vector.shape_cast %get3A_308 : vector<1x16xf32> to vector<16xf32>
      %get3A_310 = arith.constant 3 : i32
      %get3A_311 = arith.index_cast %get3A_310 : i32 to index
      %get3A_312 = arith.index_cast %multiple_of3A : i32 to index
      %get3A_313 = tpu.vector_load %arg6[%get3A_311, %get3A_312] {strides = array<i32>} : memref<64x512xf32, #tpu.memory_space<vmem>>, vector<1x16xf32>,
      %get3A_314 = vector.shape_cast %get3A_313 : vector<1x16xf32> to vector<16xf32>
      %mul3A_315 = arith.mulf %get3A_309, %get3A_314 : vector<16xf32>
      %add3A_316 = arith.addf %broadcast_in_dim3A_130, %mul3A_315 : vector<16xf32>
      %get3A_317 = arith.constant 4 : i32
      %get3A_318 = arith.index_cast %get3A_317 : i32 to index
      %get3A_319 = arith.index_cast %multiple_of3A : i32 to index
      %get3A_320 = tpu.vector_load %arg5[%get3A_318, %get3A_319] {strides = array<i32>} : memref<64x512xf32, #tpu.memory_space<vmem>>, vector<1x16xf32>,
      %get3A_321 = vector.shape_cast %get3A_320 : vector<1x16xf32> to vector<16xf32>
      %get3A_322 = arith.constant 4 : i32
      %get3A_323 = arith.index_cast %get3A_322 : i32 to index
      %get3A_324 = arith.index_cast %multiple_of3A : i32 to index
      %get3A_325 = tpu.vector_load %arg6[%get3A_323, %get3A_324] {strides = array<i32>} : memref<64x512xf32, #tpu.memory_space<vmem>>, vector<1x16xf32>,
      %get3A_326 = vector.shape_cast %get3A_325 : vector<1x16xf32> to vector<16xf32>
      %mul3A_327 = arith.mulf %get3A_321, %get3A_326 : vector<16xf32>
      %add3A_328 = arith.addf %add3A_280, %mul3A_327 : vector<16xf32>
      %get3A_329 = arith.constant 5 : i32
      %get3A_330 = arith.index_cast %get3A_329 : i32 to index
      %get3A_331 = arith.index_cast %multiple_of3A : i32 to index
      %get3A_332 = tpu.vector_load %arg5[%get3A_330, %get3A_331] {strides = array<i32>} : memref<64x512xf32, #tpu.memory_space<vmem>>, vector<1x16xf32>,
      %get3A_333 = vector.shape_cast %get3A_332 : vector<1x16xf32> to vector<16xf32>
      %get3A_334 = arith.constant 5 : i32
      %get3A_335 = arith.index_cast %get3A_334 : i32 to index
      %get3A_336 = arith.index_cast %multiple_of3A : i32 to index
      %get3A_337 = tpu.vector_load %arg6[%get3A_335, %get3A_336] {strides = array<i32>} : memref<64x512xf32, #tpu.memory_space<vmem>>, vector<1x16xf32>,
      %get3A_338 = vector.shape_cast %get3A_337 : vector<1x16xf32> to vector<16xf32>
      %mul3A_339 = arith.mulf %get3A_333, %get3A_338 : vector<16xf32>
      %add3A_340 = arith.addf %add3A_292, %mul3A_339 : vector<16xf32>
      %get3A_341 = arith.constant 6 : i32
      %get3A_342 = arith.index_cast %get3A_341 : i32 to index
      %get3A_343 = arith.index_cast %multiple_of3A : i32 to index
      %get3A_344 = tpu.vector_load %arg5[%get3A_342, %get3A_343] {strides = array<i32>} : memref<64x512xf32, #tpu.memory_space<vmem>>, vector<1x16xf32>,
      %get3A_345 = vector.shape_cast %get3A_344 : vector<1x16xf32> to vector<16xf32>
      %get3A_346 = arith.constant 6 : i32
      %get3A_347 = arith.index_cast %get3A_346 : i32 to index
      %get3A_348 = arith.index_cast %multiple_of3A : i32 to index
      %get3A_349 = tpu.vector_load %arg6[%get3A_347, %get3A_348] {strides = array<i32>} : memref<64x512xf32, #tpu.memory_space<vmem>>, vector<1x16xf32>,
      %get3A_350 = vector.shape_cast %get3A_349 : vector<1x16xf32> to vector<16xf32>
      %mul3A_351 = arith.mulf %get3A_345, %get3A_350 : vector<16xf32>
      %add3A_352 = arith.addf %add3A_304, %mul3A_351 : vector<16xf32>
      %get3A_353 = arith.constant 7 : i32
      %get3A_354 = arith.index_cast %get3A_353 : i32 to index
      %get3A_355 = arith.index_cast %multiple_of3A : i32 to index
      %get3A_356 = tpu.vector_load %arg5[%get3A_354, %get3A_355] {strides = array<i32>} : memref<64x512xf32, #tpu.memory_space<vmem>>, vector<1x16xf32>,
      %get3A_357 = vector.shape_cast %get3A_356 : vector<1x16xf32> to vector<16xf32>
      %get3A_358 = arith.constant 7 : i32
      %get3A_359 = arith.index_cast %get3A_358 : i32 to index
      %get3A_360 = arith.index_cast %multiple_of3A : i32 to index
      %get3A_361 = tpu.vector_load %arg6[%get3A_359, %get3A_360] {strides = array<i32>} : memref<64x512xf32, #tpu.memory_space<vmem>>, vector<1x16xf32>,
      %get3A_362 = vector.shape_cast %get3A_361 : vector<1x16xf32> to vector<16xf32>
      %mul3A_363 = arith.mulf %get3A_357, %get3A_362 : vector<16xf32>
      %add3A_364 = arith.addf %add3A_316, %mul3A_363 : vector<16xf32>
      %get3A_365 = arith.constant 8 : i32
      %get3A_366 = arith.index_cast %get3A_365 : i32 to index
      %get3A_367 = arith.index_cast %multiple_of3A : i32 to index
      %get3A_368 = tpu.vector_load %arg5[%get3A_366, %get3A_367] {strides = array<i32>} : memref<64x512xf32, #tpu.memory_space<vmem>>, vector<1x16xf32>,
      %get3A_369 = vector.shape_cast %get3A_368 : vector<1x16xf32> to vector<16xf32>
      %get3A_370 = arith.constant 8 : i32
      %get3A_371 = arith.index_cast %get3A_370 : i32 to index
      %get3A_372 = arith.index_cast %multiple_of3A : i32 to index
      %get3A_373 = tpu.vector_load %arg6[%get3A_371, %get3A_372] {strides = array<i32>} : memref<64x512xf32, #tpu.memory_space<vmem>>, vector<1x16xf32>,
      %get3A_374 = vector.shape_cast %get3A_373 : vector<1x16xf32> to vector<16xf32>
      %mul3A_375 = arith.mulf %get3A_369, %get3A_374 : vector<16xf32>
      %add3A_376 = arith.addf %add3A_328, %mul3A_375 : vector<16xf32>
      %get3A_377 = arith.constant 9 : i32
      %get3A_378 = arith.index_cast %get3A_377 : i32 to index
      %get3A_379 = arith.index_cast %multiple_of3A : i32 to index
      %get3A_380 = tpu.vector_load %arg5[%get3A_378, %get3A_379] {strides = array<i32>} : memref<64x512xf32, #tpu.memory_space<vmem>>, vector<1x16xf32>,
      %get3A_381 = vector.shape_cast %get3A_380 : vector<1x16xf32> to vector<16xf32>
      %get3A_382 = arith.constant 9 : i32
      %get3A_383 = arith.index_cast %get3A_382 : i32 to index
      %get3A_384 = arith.index_cast %multiple_of3A : i32 to index
      %get3A_385 = tpu.vector_load %arg6[%get3A_383, %get3A_384] {strides = array<i32>} : memref<64x512xf32, #tpu.memory_space<vmem>>, vector<1x16xf32>,
      %get3A_386 = vector.shape_cast %get3A_385 : vector<1x16xf32> to vector<16xf32>
      %mul3A_387 = arith.mulf %get3A_381, %get3A_386 : vector<16xf32>
      %add3A_388 = arith.addf %add3A_340, %mul3A_387 : vector<16xf32>
      %get3A_389 = arith.constant 10 : i32
      %get3A_390 = arith.index_cast %get3A_389 : i32 to index
      %get3A_391 = arith.index_cast %multiple_of3A : i32 to index
      %get3A_392 = tpu.vector_load %arg5[%get3A_390, %get3A_391] {strides = array<i32>} : memref<64x512xf32, #tpu.memory_space<vmem>>, vector<1x16xf32>,
      %get3A_393 = vector.shape_cast %get3A_392 : vector<1x16xf32> to vector<16xf32>
      %get3A_394 = arith.constant 10 : i32
      %get3A_395 = arith.index_cast %get3A_394 : i32 to index
      %get3A_396 = arith.index_cast %multiple_of3A : i32 to index
      %get3A_397 = tpu.vector_load %arg6[%get3A_395, %get3A_396] {strides = array<i32>} : memref<64x512xf32, #tpu.memory_space<vmem>>, vector<1x16xf32>,
      %get3A_398 = vector.shape_cast %get3A_397 : vector<1x16xf32> to vector<16xf32>
      %mul3A_399 = arith.mulf %get3A_393, %get3A_398 : vector<16xf32>
      %add3A_400 = arith.addf %add3A_352, %mul3A_399 : vector<16xf32>
      %get3A_401 = arith.constant 11 : i32
      %get3A_402 = arith.index_cast %get3A_401 : i32 to index
      %get3A_403 = arith.index_cast %multiple_of3A : i32 to index
      %get3A_404 = tpu.vector_load %arg5[%get3A_402, %get3A_403] {strides = array<i32>} : memref<64x512xf32, #tpu.memory_space<vmem>>, vector<1x16xf32>,
      %get3A_405 = vector.shape_cast %get3A_404 : vector<1x16xf32> to vector<16xf32>
      %get3A_406 = arith.constant 11 : i32
      %get3A_407 = arith.index_cast %get3A_406 : i32 to index
      %get3A_408 = arith.index_cast %multiple_of3A : i32 to index
      %get3A_409 = tpu.vector_load %arg6[%get3A_407, %get3A_408] {strides = array<i32>} : memref<64x512xf32, #tpu.memory_space<vmem>>, vector<1x16xf32>,
      %get3A_410 = vector.shape_cast %get3A_409 : vector<1x16xf32> to vector<16xf32>
      %mul3A_411 = arith.mulf %get3A_405, %get3A_410 : vector<16xf32>
      %add3A_412 = arith.addf %add3A_364, %mul3A_411 : vector<16xf32>
      %get3A_413 = arith.constant 12 : i32
      %get3A_414 = arith.index_cast %get3A_413 : i32 to index
      %get3A_415 = arith.index_cast %multiple_of3A : i32 to index
      %get3A_416 = tpu.vector_load %arg5[%get3A_414, %get3A_415] {strides = array<i32>} : memref<64x512xf32, #tpu.memory_space<vmem>>, vector<1x16xf32>,
      %get3A_417 = vector.shape_cast %get3A_416 : vector<1x16xf32> to vector<16xf32>
      %get3A_418 = arith.constant 12 : i32
      %get3A_419 = arith.index_cast %get3A_418 : i32 to index
      %get3A_420 = arith.index_cast %multiple_of3A : i32 to index
      %get3A_421 = tpu.vector_load %arg6[%get3A_419, %get3A_420] {strides = array<i32>} : memref<64x512xf32, #tpu.memory_space<vmem>>, vector<1x16xf32>,
      %get3A_422 = vector.shape_cast %get3A_421 : vector<1x16xf32> to vector<16xf32>
      %mul3A_423 = arith.mulf %get3A_417, %get3A_422 : vector<16xf32>
      %add3A_424 = arith.addf %add3A_376, %mul3A_423 : vector<16xf32>
      %get3A_425 = arith.constant 13 : i32
      %get3A_426 = arith.index_cast %get3A_425 : i32 to index
      %get3A_427 = arith.index_cast %multiple_of3A : i32 to index
      %get3A_428 = tpu.vector_load %arg5[%get3A_426, %get3A_427] {strides = array<i32>} : memref<64x512xf32, #tpu.memory_space<vmem>>, vector<1x16xf32>,
      %get3A_429 = vector.shape_cast %get3A_428 : vector<1x16xf32> to vector<16xf32>
      %get3A_430 = arith.constant 13 : i32
      %get3A_431 = arith.index_cast %get3A_430 : i32 to index
      %get3A_432 = arith.index_cast %multiple_of3A : i32 to index
      %get3A_433 = tpu.vector_load %arg6[%get3A_431, %get3A_432] {strides = array<i32>} : memref<64x512xf32, #tpu.memory_space<vmem>>, vector<1x16xf32>,
      %get3A_434 = vector.shape_cast %get3A_433 : vector<1x16xf32> to vector<16xf32>
      %mul3A_435 = arith.mulf %get3A_429, %get3A_434 : vector<16xf32>
      %add3A_436 = arith.addf %add3A_388, %mul3A_435 : vector<16xf32>
      %get3A_437 = arith.constant 14 : i32
      %get3A_438 = arith.index_cast %get3A_437 : i32 to index
      %get3A_439 = arith.index_cast %multiple_of3A : i32 to index
      %get3A_440 = tpu.vector_load %arg5[%get3A_438, %get3A_439] {strides = array<i32>} : memref<64x512xf32, #tpu.memory_space<vmem>>, vector<1x16xf32>,
      %get3A_441 = vector.shape_cast %get3A_440 : vector<1x16xf32> to vector<16xf32>
      %get3A_442 = arith.constant 14 : i32
      %get3A_443 = arith.index_cast %get3A_442 : i32 to index
      %get3A_444 = arith.index_cast %multiple_of3A : i32 to index
      %get3A_445 = tpu.vector_load %arg6[%get3A_443, %get3A_444] {strides = array<i32>} : memref<64x512xf32, #tpu.memory_space<vmem>>, vector<1x16xf32>,
      %get3A_446 = vector.shape_cast %get3A_445 : vector<1x16xf32> to vector<16xf32>
      %mul3A_447 = arith.mulf %get3A_441, %get3A_446 : vector<16xf32>
      %add3A_448 = arith.addf %add3A_400, %mul3A_447 : vector<16xf32>
      %get3A_449 = arith.constant 15 : i32
      %get3A_450 = arith.index_cast %get3A_449 : i32 to index
      %get3A_451 = arith.index_cast %multiple_of3A : i32 to index
      %get3A_452 = tpu.vector_load %arg5[%get3A_450, %get3A_451] {strides = array<i32>} : memref<64x512xf32, #tpu.memory_space<vmem>>, vector<1x16xf32>,
      %get3A_453 = vector.shape_cast %get3A_452 : vector<1x16xf32> to vector<16xf32>
      %get3A_454 = arith.constant 15 : i32
      %get3A_455 = arith.index_cast %get3A_454 : i32 to index
      %get3A_456 = arith.index_cast %multiple_of3A : i32 to index
      %get3A_457 = tpu.vector_load %arg6[%get3A_455, %get3A_456] {strides = array<i32>} : memref<64x512xf32, #tpu.memory_space<vmem>>, vector<1x16xf32>,
      %get3A_458 = vector.shape_cast %get3A_457 : vector<1x16xf32> to vector<16xf32>
      %mul3A_459 = arith.mulf %get3A_453, %get3A_458 : vector<16xf32>
      %add3A_460 = arith.addf %add3A_412, %mul3A_459 : vector<16xf32>
      %get3A_461 = arith.constant 16 : i32
      %get3A_462 = arith.index_cast %get3A_461 : i32 to index
      %get3A_463 = arith.index_cast %multiple_of3A : i32 to index
      %get3A_464 = tpu.vector_load %arg5[%get3A_462, %get3A_463] {strides = array<i32>} : memref<64x512xf32, #tpu.memory_space<vmem>>, vector<1x16xf32>,
      %get3A_465 = vector.shape_cast %get3A_464 : vector<1x16xf32> to vector<16xf32>
      %get3A_466 = arith.constant 16 : i32
      %get3A_467 = arith.index_cast %get3A_466 : i32 to index
      %get3A_468 = arith.index_cast %multiple_of3A : i32 to index
      %get3A_469 = tpu.vector_load %arg6[%get3A_467, %get3A_468] {strides = array<i32>} : memref<64x512xf32, #tpu.memory_space<vmem>>, vector<1x16xf32>,
      %get3A_470 = vector.shape_cast %get3A_469 : vector<1x16xf32> to vector<16xf32>
      %mul3A_471 = arith.mulf %get3A_465, %get3A_470 : vector<16xf32>
      %add3A_472 = arith.addf %add3A_424, %mul3A_471 : vector<16xf32>
      %get3A_473 = arith.constant 17 : i32
      %get3A_474 = arith.index_cast %get3A_473 : i32 to index
      %get3A_475 = arith.index_cast %multiple_of3A : i32 to index
      %get3A_476 = tpu.vector_load %arg5[%get3A_474, %get3A_475] {strides = array<i32>} : memref<64x512xf32, #tpu.memory_space<vmem>>, vector<1x16xf32>,
      %get3A_477 = vector.shape_cast %get3A_476 : vector<1x16xf32> to vector<16xf32>
      %get3A_478 = arith.constant 17 : i32
      %get3A_479 = arith.index_cast %get3A_478 : i32 to index
      %get3A_480 = arith.index_cast %multiple_of3A : i32 to index
      %get3A_481 = tpu.vector_load %arg6[%get3A_479, %get3A_480] {strides = array<i32>} : memref<64x512xf32, #tpu.memory_space<vmem>>, vector<1x16xf32>,
      %get3A_482 = vector.shape_cast %get3A_481 : vector<1x16xf32> to vector<16xf32>
      %mul3A_483 = arith.mulf %get3A_477, %get3A_482 : vector<16xf32>
      %add3A_484 = arith.addf %add3A_436, %mul3A_483 : vector<16xf32>
      %get3A_485 = arith.constant 18 : i32
      %get3A_486 = arith.index_cast %get3A_485 : i32 to index
      %get3A_487 = arith.index_cast %multiple_of3A : i32 to index
      %get3A_488 = tpu.vector_load %arg5[%get3A_486, %get3A_487] {strides = array<i32>} : memref<64x512xf32, #tpu.memory_space<vmem>>, vector<1x16xf32>,
      %get3A_489 = vector.shape_cast %get3A_488 : vector<1x16xf32> to vector<16xf32>
      %get3A_490 = arith.constant 18 : i32
      %get3A_491 = arith.index_cast %get3A_490 : i32 to index
      %get3A_492 = arith.index_cast %multiple_of3A : i32 to index
      %get3A_493 = tpu.vector_load %arg6[%get3A_491, %get3A_492] {strides = array<i32>} : memref<64x512xf32, #tpu.memory_space<vmem>>, vector<1x16xf32>,
      %get3A_494 = vector.shape_cast %get3A_493 : vector<1x16xf32> to vector<16xf32>
      %mul3A_495 = arith.mulf %get3A_489, %get3A_494 : vector<16xf32>
      %add3A_496 = arith.addf %add3A_448, %mul3A_495 : vector<16xf32>
      %get3A_497 = arith.constant 19 : i32
      %get3A_498 = arith.index_cast %get3A_497 : i32 to index
      %get3A_499 = arith.index_cast %multiple_of3A : i32 to index
      %get3A_500 = tpu.vector_load %arg5[%get3A_498, %get3A_499] {strides = array<i32>} : memref<64x512xf32, #tpu.memory_space<vmem>>, vector<1x16xf32>,
      %get3A_501 = vector.shape_cast %get3A_500 : vector<1x16xf32> to vector<16xf32>
      %get3A_502 = arith.constant 19 : i32
      %get3A_503 = arith.index_cast %get3A_502 : i32 to index
      %get3A_504 = arith.index_cast %multiple_of3A : i32 to index
      %get3A_505 = tpu.vector_load %arg6[%get3A_503, %get3A_504] {strides = array<i32>} : memref<64x512xf32, #tpu.memory_space<vmem>>, vector<1x16xf32>,
      %get3A_506 = vector.shape_cast %get3A_505 : vector<1x16xf32> to vector<16xf32>
      %mul3A_507 = arith.mulf %get3A_501, %get3A_506 : vector<16xf32>
      %add3A_508 = arith.addf %add3A_460, %mul3A_507 : vector<16xf32>
      %get3A_509 = arith.constant 20 : i32
      %get3A_510 = arith.index_cast %get3A_509 : i32 to index
      %get3A_511 = arith.index_cast %multiple_of3A : i32 to index
      %get3A_512 = tpu.vector_load %arg5[%get3A_510, %get3A_511] {strides = array<i32>} : memref<64x512xf32, #tpu.memory_space<vmem>>, vector<1x16xf32>,
      %get3A_513 = vector.shape_cast %get3A_512 : vector<1x16xf32> to vector<16xf32>
      %get3A_514 = arith.constant 20 : i32
      %get3A_515 = arith.index_cast %get3A_514 : i32 to index
      %get3A_516 = arith.index_cast %multiple_of3A : i32 to index
      %get3A_517 = tpu.vector_load %arg6[%get3A_515, %get3A_516] {strides = array<i32>} : memref<64x512xf32, #tpu.memory_space<vmem>>, vector<1x16xf32>,
      %get3A_518 = vector.shape_cast %get3A_517 : vector<1x16xf32> to vector<16xf32>
      %mul3A_519 = arith.mulf %get3A_513, %get3A_518 : vector<16xf32>
      %add3A_520 = arith.addf %add3A_472, %mul3A_519 : vector<16xf32>
      %get3A_521 = arith.constant 21 : i32
      %get3A_522 = arith.index_cast %get3A_521 : i32 to index
      %get3A_523 = arith.index_cast %multiple_of3A : i32 to index
      %get3A_524 = tpu.vector_load %arg5[%get3A_522, %get3A_523] {strides = array<i32>} : memref<64x512xf32, #tpu.memory_space<vmem>>, vector<1x16xf32>,
      %get3A_525 = vector.shape_cast %get3A_524 : vector<1x16xf32> to vector<16xf32>
      %get3A_526 = arith.constant 21 : i32
      %get3A_527 = arith.index_cast %get3A_526 : i32 to index
      %get3A_528 = arith.index_cast %multiple_of3A : i32 to index
      %get3A_529 = tpu.vector_load %arg6[%get3A_527, %get3A_528] {strides = array<i32>} : memref<64x512xf32, #tpu.memory_space<vmem>>, vector<1x16xf32>,
      %get3A_530 = vector.shape_cast %get3A_529 : vector<1x16xf32> to vector<16xf32>
      %mul3A_531 = arith.mulf %get3A_525, %get3A_530 : vector<16xf32>
      %add3A_532 = arith.addf %add3A_484, %mul3A_531 : vector<16xf32>
      %get3A_533 = arith.constant 22 : i32
      %get3A_534 = arith.index_cast %get3A_533 : i32 to index
      %get3A_535 = arith.index_cast %multiple_of3A : i32 to index
      %get3A_536 = tpu.vector_load %arg5[%get3A_534, %get3A_535] {strides = array<i32>} : memref<64x512xf32, #tpu.memory_space<vmem>>, vector<1x16xf32>,
      %get3A_537 = vector.shape_cast %get3A_536 : vector<1x16xf32> to vector<16xf32>
      %get3A_538 = arith.constant 22 : i32
      %get3A_539 = arith.index_cast %get3A_538 : i32 to index
      %get3A_540 = arith.index_cast %multiple_of3A : i32 to index
      %get3A_541 = tpu.vector_load %arg6[%get3A_539, %get3A_540] {strides = array<i32>} : memref<64x512xf32, #tpu.memory_space<vmem>>, vector<1x16xf32>,
      %get3A_542 = vector.shape_cast %get3A_541 : vector<1x16xf32> to vector<16xf32>
      %mul3A_543 = arith.mulf %get3A_537, %get3A_542 : vector<16xf32>
      %add3A_544 = arith.addf %add3A_496, %mul3A_543 : vector<16xf32>
      %get3A_545 = arith.constant 23 : i32
      %get3A_546 = arith.index_cast %get3A_545 : i32 to index
      %get3A_547 = arith.index_cast %multiple_of3A : i32 to index
      %get3A_548 = tpu.vector_load %arg5[%get3A_546, %get3A_547] {strides = array<i32>} : memref<64x512xf32, #tpu.memory_space<vmem>>, vector<1x16xf32>,
      %get3A_549 = vector.shape_cast %get3A_548 : vector<1x16xf32> to vector<16xf32>
      %get3A_550 = arith.constant 23 : i32
      %get3A_551 = arith.index_cast %get3A_550 : i32 to index
      %get3A_552 = arith.index_cast %multiple_of3A : i32 to index
      %get3A_553 = tpu.vector_load %arg6[%get3A_551, %get3A_552] {strides = array<i32>} : memref<64x512xf32, #tpu.memory_space<vmem>>, vector<1x16xf32>,
      %get3A_554 = vector.shape_cast %get3A_553 : vector<1x16xf32> to vector<16xf32>
      %mul3A_555 = arith.mulf %get3A_549, %get3A_554 : vector<16xf32>
      %add3A_556 = arith.addf %add3A_508, %mul3A_555 : vector<16xf32>
      %get3A_557 = arith.constant 24 : i32
      %get3A_558 = arith.index_cast %get3A_557 : i32 to index
      %get3A_559 = arith.index_cast %multiple_of3A : i32 to index
      %get3A_560 = tpu.vector_load %arg5[%get3A_558, %get3A_559] {strides = array<i32>} : memref<64x512xf32, #tpu.memory_space<vmem>>, vector<1x16xf32>,
      %get3A_561 = vector.shape_cast %get3A_560 : vector<1x16xf32> to vector<16xf32>
      %get3A_562 = arith.constant 24 : i32
      %get3A_563 = arith.index_cast %get3A_562 : i32 to index
      %get3A_564 = arith.index_cast %multiple_of3A : i32 to index
      %get3A_565 = tpu.vector_load %arg6[%get3A_563, %get3A_564] {strides = array<i32>} : memref<64x512xf32, #tpu.memory_space<vmem>>, vector<1x16xf32>,
      %get3A_566 = vector.shape_cast %get3A_565 : vector<1x16xf32> to vector<16xf32>
      %mul3A_567 = arith.mulf %get3A_561, %get3A_566 : vector<16xf32>
      %add3A_568 = arith.addf %add3A_520, %mul3A_567 : vector<16xf32>
      %get3A_569 = arith.constant 25 : i32
      %get3A_570 = arith.index_cast %get3A_569 : i32 to index
      %get3A_571 = arith.index_cast %multiple_of3A : i32 to index
      %get3A_572 = tpu.vector_load %arg5[%get3A_570, %get3A_571] {strides = array<i32>} : memref<64x512xf32, #tpu.memory_space<vmem>>, vector<1x16xf32>,
      %get3A_573 = vector.shape_cast %get3A_572 : vector<1x16xf32> to vector<16xf32>
      %get3A_574 = arith.constant 25 : i32
      %get3A_575 = arith.index_cast %get3A_574 : i32 to index
      %get3A_576 = arith.index_cast %multiple_of3A : i32 to index
      %get3A_577 = tpu.vector_load %arg6[%get3A_575, %get3A_576] {strides = array<i32>} : memref<64x512xf32, #tpu.memory_space<vmem>>, vector<1x16xf32>,
      %get3A_578 = vector.shape_cast %get3A_577 : vector<1x16xf32> to vector<16xf32>
      %mul3A_579 = arith.mulf %get3A_573, %get3A_578 : vector<16xf32>
      %add3A_580 = arith.addf %add3A_532, %mul3A_579 : vector<16xf32>
      %get3A_581 = arith.constant 26 : i32
      %get3A_582 = arith.index_cast %get3A_581 : i32 to index
      %get3A_583 = arith.index_cast %multiple_of3A : i32 to index
      %get3A_584 = tpu.vector_load %arg5[%get3A_582, %get3A_583] {strides = array<i32>} : memref<64x512xf32, #tpu.memory_space<vmem>>, vector<1x16xf32>,
      %get3A_585 = vector.shape_cast %get3A_584 : vector<1x16xf32> to vector<16xf32>
      %get3A_586 = arith.constant 26 : i32
      %get3A_587 = arith.index_cast %get3A_586 : i32 to index
      %get3A_588 = arith.index_cast %multiple_of3A : i32 to index
      %get3A_589 = tpu.vector_load %arg6[%get3A_587, %get3A_588] {strides = array<i32>} : memref<64x512xf32, #tpu.memory_space<vmem>>, vector<1x16xf32>,
      %get3A_590 = vector.shape_cast %get3A_589 : vector<1x16xf32> to vector<16xf32>
      %mul3A_591 = arith.mulf %get3A_585, %get3A_590 : vector<16xf32>
      %add3A_592 = arith.addf %add3A_544, %mul3A_591 : vector<16xf32>
      %get3A_593 = arith.constant 27 : i32
      %get3A_594 = arith.index_cast %get3A_593 : i32 to index
      %get3A_595 = arith.index_cast %multiple_of3A : i32 to index
      %get3A_596 = tpu.vector_load %arg5[%get3A_594, %get3A_595] {strides = array<i32>} : memref<64x512xf32, #tpu.memory_space<vmem>>, vector<1x16xf32>,
      %get3A_597 = vector.shape_cast %get3A_596 : vector<1x16xf32> to vector<16xf32>
      %get3A_598 = arith.constant 27 : i32
      %get3A_599 = arith.index_cast %get3A_598 : i32 to index
      %get3A_600 = arith.index_cast %multiple_of3A : i32 to index
      %get3A_601 = tpu.vector_load %arg6[%get3A_599, %get3A_600] {strides = array<i32>} : memref<64x512xf32, #tpu.memory_space<vmem>>, vector<1x16xf32>,
      %get3A_602 = vector.shape_cast %get3A_601 : vector<1x16xf32> to vector<16xf32>
      %mul3A_603 = arith.mulf %get3A_597, %get3A_602 : vector<16xf32>
      %add3A_604 = arith.addf %add3A_556, %mul3A_603 : vector<16xf32>
      %get3A_605 = arith.constant 28 : i32
      %get3A_606 = arith.index_cast %get3A_605 : i32 to index
      %get3A_607 = arith.index_cast %multiple_of3A : i32 to index
      %get3A_608 = tpu.vector_load %arg5[%get3A_606, %get3A_607] {strides = array<i32>} : memref<64x512xf32, #tpu.memory_space<vmem>>, vector<1x16xf32>,
      %get3A_609 = vector.shape_cast %get3A_608 : vector<1x16xf32> to vector<16xf32>
      %get3A_610 = arith.constant 28 : i32
      %get3A_611 = arith.index_cast %get3A_610 : i32 to index
      %get3A_612 = arith.index_cast %multiple_of3A : i32 to index
      %get3A_613 = tpu.vector_load %arg6[%get3A_611, %get3A_612] {strides = array<i32>} : memref<64x512xf32, #tpu.memory_space<vmem>>, vector<1x16xf32>,
      %get3A_614 = vector.shape_cast %get3A_613 : vector<1x16xf32> to vector<16xf32>
      %mul3A_615 = arith.mulf %get3A_609, %get3A_614 : vector<16xf32>
      %add3A_616 = arith.addf %add3A_568, %mul3A_615 : vector<16xf32>
      %get3A_617 = arith.constant 29 : i32
      %get3A_618 = arith.index_cast %get3A_617 : i32 to index
      %get3A_619 = arith.index_cast %multiple_of3A : i32 to index
      %get3A_620 = tpu.vector_load %arg5[%get3A_618, %get3A_619] {strides = array<i32>} : memref<64x512xf32, #tpu.memory_space<vmem>>, vector<1x16xf32>,
      %get3A_621 = vector.shape_cast %get3A_620 : vector<1x16xf32> to vector<16xf32>
      %get3A_622 = arith.constant 29 : i32
      %get3A_623 = arith.index_cast %get3A_622 : i32 to index
      %get3A_624 = arith.index_cast %multiple_of3A : i32 to index
      %get3A_625 = tpu.vector_load %arg6[%get3A_623, %get3A_624] {strides = array<i32>} : memref<64x512xf32, #tpu.memory_space<vmem>>, vector<1x16xf32>,
      %get3A_626 = vector.shape_cast %get3A_625 : vector<1x16xf32> to vector<16xf32>
      %mul3A_627 = arith.mulf %get3A_621, %get3A_626 : vector<16xf32>
      %add3A_628 = arith.addf %add3A_580, %mul3A_627 : vector<16xf32>
      %get3A_629 = arith.constant 30 : i32
      %get3A_630 = arith.index_cast %get3A_629 : i32 to index
      %get3A_631 = arith.index_cast %multiple_of3A : i32 to index
      %get3A_632 = tpu.vector_load %arg5[%get3A_630, %get3A_631] {strides = array<i32>} : memref<64x512xf32, #tpu.memory_space<vmem>>, vector<1x16xf32>,
      %get3A_633 = vector.shape_cast %get3A_632 : vector<1x16xf32> to vector<16xf32>
      %get3A_634 = arith.constant 30 : i32
      %get3A_635 = arith.index_cast %get3A_634 : i32 to index
      %get3A_636 = arith.index_cast %multiple_of3A : i32 to index
      %get3A_637 = tpu.vector_load %arg6[%get3A_635, %get3A_636] {strides = array<i32>} : memref<64x512xf32, #tpu.memory_space<vmem>>, vector<1x16xf32>,
      %get3A_638 = vector.shape_cast %get3A_637 : vector<1x16xf32> to vector<16xf32>
      %mul3A_639 = arith.mulf %get3A_633, %get3A_638 : vector<16xf32>
      %add3A_640 = arith.addf %add3A_592, %mul3A_639 : vector<16xf32>
      %get3A_641 = arith.constant 31 : i32
      %get3A_642 = arith.index_cast %get3A_641 : i32 to index
      %get3A_643 = arith.index_cast %multiple_of3A : i32 to index
      %get3A_644 = tpu.vector_load %arg5[%get3A_642, %get3A_643] {strides = array<i32>} : memref<64x512xf32, #tpu.memory_space<vmem>>, vector<1x16xf32>,
      %get3A_645 = vector.shape_cast %get3A_644 : vector<1x16xf32> to vector<16xf32>
      %get3A_646 = arith.constant 31 : i32
      %get3A_647 = arith.index_cast %get3A_646 : i32 to index
      %get3A_648 = arith.index_cast %multiple_of3A : i32 to index
      %get3A_649 = tpu.vector_load %arg6[%get3A_647, %get3A_648] {strides = array<i32>} : memref<64x512xf32, #tpu.memory_space<vmem>>, vector<1x16xf32>,
      %get3A_650 = vector.shape_cast %get3A_649 : vector<1x16xf32> to vector<16xf32>
      %mul3A_651 = arith.mulf %get3A_645, %get3A_650 : vector<16xf32>
      %add3A_652 = arith.addf %add3A_604, %mul3A_651 : vector<16xf32>
      %get3A_653 = arith.constant 32 : i32
      %get3A_654 = arith.index_cast %get3A_653 : i32 to index
      %get3A_655 = arith.index_cast %multiple_of3A : i32 to index
      %get3A_656 = tpu.vector_load %arg5[%get3A_654, %get3A_655] {strides = array<i32>} : memref<64x512xf32, #tpu.memory_space<vmem>>, vector<1x16xf32>,
      %get3A_657 = vector.shape_cast %get3A_656 : vector<1x16xf32> to vector<16xf32>
      %get3A_658 = arith.constant 32 : i32
      %get3A_659 = arith.index_cast %get3A_658 : i32 to index
      %get3A_660 = arith.index_cast %multiple_of3A : i32 to index
      %get3A_661 = tpu.vector_load %arg6[%get3A_659, %get3A_660] {strides = array<i32>} : memref<64x512xf32, #tpu.memory_space<vmem>>, vector<1x16xf32>,
      %get3A_662 = vector.shape_cast %get3A_661 : vector<1x16xf32> to vector<16xf32>
      %mul3A_663 = arith.mulf %get3A_657, %get3A_662 : vector<16xf32>
      %add3A_664 = arith.addf %add3A_616, %mul3A_663 : vector<16xf32>
      %get3A_665 = arith.constant 33 : i32
      %get3A_666 = arith.index_cast %get3A_665 : i32 to index
      %get3A_667 = arith.index_cast %multiple_of3A : i32 to index
      %get3A_668 = tpu.vector_load %arg5[%get3A_666, %get3A_667] {strides = array<i32>} : memref<64x512xf32, #tpu.memory_space<vmem>>, vector<1x16xf32>,
      %get3A_669 = vector.shape_cast %get3A_668 : vector<1x16xf32> to vector<16xf32>
      %get3A_670 = arith.constant 33 : i32
      %get3A_671 = arith.index_cast %get3A_670 : i32 to index
      %get3A_672 = arith.index_cast %multiple_of3A : i32 to index
      %get3A_673 = tpu.vector_load %arg6[%get3A_671, %get3A_672] {strides = array<i32>} : memref<64x512xf32, #tpu.memory_space<vmem>>, vector<1x16xf32>,
      %get3A_674 = vector.shape_cast %get3A_673 : vector<1x16xf32> to vector<16xf32>
      %mul3A_675 = arith.mulf %get3A_669, %get3A_674 : vector<16xf32>
      %add3A_676 = arith.addf %add3A_628, %mul3A_675 : vector<16xf32>
      %get3A_677 = arith.constant 34 : i32
      %get3A_678 = arith.index_cast %get3A_677 : i32 to index
      %get3A_679 = arith.index_cast %multiple_of3A : i32 to index
      %get3A_680 = tpu.vector_load %arg5[%get3A_678, %get3A_679] {strides = array<i32>} : memref<64x512xf32, #tpu.memory_space<vmem>>, vector<1x16xf32>,
      %get3A_681 = vector.shape_cast %get3A_680 : vector<1x16xf32> to vector<16xf32>
      %get3A_682 = arith.constant 34 : i32
      %get3A_683 = arith.index_cast %get3A_682 : i32 to index
      %get3A_684 = arith.index_cast %multiple_of3A : i32 to index
      %get3A_685 = tpu.vector_load %arg6[%get3A_683, %get3A_684] {strides = array<i32>} : memref<64x512xf32, #tpu.memory_space<vmem>>, vector<1x16xf32>,
      %get3A_686 = vector.shape_cast %get3A_685 : vector<1x16xf32> to vector<16xf32>
      %mul3A_687 = arith.mulf %get3A_681, %get3A_686 : vector<16xf32>
      %add3A_688 = arith.addf %add3A_640, %mul3A_687 : vector<16xf32>
      %get3A_689 = arith.constant 35 : i32
      %get3A_690 = arith.index_cast %get3A_689 : i32 to index
      %get3A_691 = arith.index_cast %multiple_of3A : i32 to index
      %get3A_692 = tpu.vector_load %arg5[%get3A_690, %get3A_691] {strides = array<i32>} : memref<64x512xf32, #tpu.memory_space<vmem>>, vector<1x16xf32>,
      %get3A_693 = vector.shape_cast %get3A_692 : vector<1x16xf32> to vector<16xf32>
      %get3A_694 = arith.constant 35 : i32
      %get3A_695 = arith.index_cast %get3A_694 : i32 to index
      %get3A_696 = arith.index_cast %multiple_of3A : i32 to index
      %get3A_697 = tpu.vector_load %arg6[%get3A_695, %get3A_696] {strides = array<i32>} : memref<64x512xf32, #tpu.memory_space<vmem>>, vector<1x16xf32>,
      %get3A_698 = vector.shape_cast %get3A_697 : vector<1x16xf32> to vector<16xf32>
      %mul3A_699 = arith.mulf %get3A_693, %get3A_698 : vector<16xf32>
      %add3A_700 = arith.addf %add3A_652, %mul3A_699 : vector<16xf32>
      %get3A_701 = arith.constant 36 : i32
      %get3A_702 = arith.index_cast %get3A_701 : i32 to index
      %get3A_703 = arith.index_cast %multiple_of3A : i32 to index
      %get3A_704 = tpu.vector_load %arg5[%get3A_702, %get3A_703] {strides = array<i32>} : memref<64x512xf32, #tpu.memory_space<vmem>>, vector<1x16xf32>,
      %get3A_705 = vector.shape_cast %get3A_704 : vector<1x16xf32> to vector<16xf32>
      %get3A_706 = arith.constant 36 : i32
      %get3A_707 = arith.index_cast %get3A_706 : i32 to index
      %get3A_708 = arith.index_cast %multiple_of3A : i32 to index
      %get3A_709 = tpu.vector_load %arg6[%get3A_707, %get3A_708] {strides = array<i32>} : memref<64x512xf32, #tpu.memory_space<vmem>>, vector<1x16xf32>,
      %get3A_710 = vector.shape_cast %get3A_709 : vector<1x16xf32> to vector<16xf32>
      %mul3A_711 = arith.mulf %get3A_705, %get3A_710 : vector<16xf32>
      %add3A_712 = arith.addf %add3A_664, %mul3A_711 : vector<16xf32>
      %get3A_713 = arith.constant 37 : i32
      %get3A_714 = arith.index_cast %get3A_713 : i32 to index
      %get3A_715 = arith.index_cast %multiple_of3A : i32 to index
      %get3A_716 = tpu.vector_load %arg5[%get3A_714, %get3A_715] {strides = array<i32>} : memref<64x512xf32, #tpu.memory_space<vmem>>, vector<1x16xf32>,
      %get3A_717 = vector.shape_cast %get3A_716 : vector<1x16xf32> to vector<16xf32>
      %get3A_718 = arith.constant 37 : i32
      %get3A_719 = arith.index_cast %get3A_718 : i32 to index
      %get3A_720 = arith.index_cast %multiple_of3A : i32 to index
      %get3A_721 = tpu.vector_load %arg6[%get3A_719, %get3A_720] {strides = array<i32>} : memref<64x512xf32, #tpu.memory_space<vmem>>, vector<1x16xf32>,
      %get3A_722 = vector.shape_cast %get3A_721 : vector<1x16xf32> to vector<16xf32>
      %mul3A_723 = arith.mulf %get3A_717, %get3A_722 : vector<16xf32>
      %add3A_724 = arith.addf %add3A_676, %mul3A_723 : vector<16xf32>
      %get3A_725 = arith.constant 38 : i32
      %get3A_726 = arith.index_cast %get3A_725 : i32 to index
      %get3A_727 = arith.index_cast %multiple_of3A : i32 to index
      %get3A_728 = tpu.vector_load %arg5[%get3A_726, %get3A_727] {strides = array<i32>} : memref<64x512xf32, #tpu.memory_space<vmem>>, vector<1x16xf32>,
      %get3A_729 = vector.shape_cast %get3A_728 : vector<1x16xf32> to vector<16xf32>
      %get3A_730 = arith.constant 38 : i32
      %get3A_731 = arith.index_cast %get3A_730 : i32 to index
      %get3A_732 = arith.index_cast %multiple_of3A : i32 to index
      %get3A_733 = tpu.vector_load %arg6[%get3A_731, %get3A_732] {strides = array<i32>} : memref<64x512xf32, #tpu.memory_space<vmem>>, vector<1x16xf32>,
      %get3A_734 = vector.shape_cast %get3A_733 : vector<1x16xf32> to vector<16xf32>
      %mul3A_735 = arith.mulf %get3A_729, %get3A_734 : vector<16xf32>
      %add3A_736 = arith.addf %add3A_688, %mul3A_735 : vector<16xf32>
      %get3A_737 = arith.constant 39 : i32
      %get3A_738 = arith.index_cast %get3A_737 : i32 to index
      %get3A_739 = arith.index_cast %multiple_of3A : i32 to index
      %get3A_740 = tpu.vector_load %arg5[%get3A_738, %get3A_739] {strides = array<i32>} : memref<64x512xf32, #tpu.memory_space<vmem>>, vector<1x16xf32>,
      %get3A_741 = vector.shape_cast %get3A_740 : vector<1x16xf32> to vector<16xf32>
      %get3A_742 = arith.constant 39 : i32
      %get3A_743 = arith.index_cast %get3A_742 : i32 to index
      %get3A_744 = arith.index_cast %multiple_of3A : i32 to index
      %get3A_745 = tpu.vector_load %arg6[%get3A_743, %get3A_744] {strides = array<i32>} : memref<64x512xf32, #tpu.memory_space<vmem>>, vector<1x16xf32>,
      %get3A_746 = vector.shape_cast %get3A_745 : vector<1x16xf32> to vector<16xf32>
      %mul3A_747 = arith.mulf %get3A_741, %get3A_746 : vector<16xf32>
      %add3A_748 = arith.addf %add3A_700, %mul3A_747 : vector<16xf32>
      %get3A_749 = arith.constant 40 : i32
      %get3A_750 = arith.index_cast %get3A_749 : i32 to index
      %get3A_751 = arith.index_cast %multiple_of3A : i32 to index
      %get3A_752 = tpu.vector_load %arg5[%get3A_750, %get3A_751] {strides = array<i32>} : memref<64x512xf32, #tpu.memory_space<vmem>>, vector<1x16xf32>,
      %get3A_753 = vector.shape_cast %get3A_752 : vector<1x16xf32> to vector<16xf32>
      %get3A_754 = arith.constant 40 : i32
      %get3A_755 = arith.index_cast %get3A_754 : i32 to index
      %get3A_756 = arith.index_cast %multiple_of3A : i32 to index
      %get3A_757 = tpu.vector_load %arg6[%get3A_755, %get3A_756] {strides = array<i32>} : memref<64x512xf32, #tpu.memory_space<vmem>>, vector<1x16xf32>,
      %get3A_758 = vector.shape_cast %get3A_757 : vector<1x16xf32> to vector<16xf32>
      %mul3A_759 = arith.mulf %get3A_753, %get3A_758 : vector<16xf32>
      %add3A_760 = arith.addf %add3A_712, %mul3A_759 : vector<16xf32>
      %get3A_761 = arith.constant 41 : i32
      %get3A_762 = arith.index_cast %get3A_761 : i32 to index
      %get3A_763 = arith.index_cast %multiple_of3A : i32 to index
      %get3A_764 = tpu.vector_load %arg5[%get3A_762, %get3A_763] {strides = array<i32>} : memref<64x512xf32, #tpu.memory_space<vmem>>, vector<1x16xf32>,
      %get3A_765 = vector.shape_cast %get3A_764 : vector<1x16xf32> to vector<16xf32>
      %get3A_766 = arith.constant 41 : i32
      %get3A_767 = arith.index_cast %get3A_766 : i32 to index
      %get3A_768 = arith.index_cast %multiple_of3A : i32 to index
      %get3A_769 = tpu.vector_load %arg6[%get3A_767, %get3A_768] {strides = array<i32>} : memref<64x512xf32, #tpu.memory_space<vmem>>, vector<1x16xf32>,
      %get3A_770 = vector.shape_cast %get3A_769 : vector<1x16xf32> to vector<16xf32>
      %mul3A_771 = arith.mulf %get3A_765, %get3A_770 : vector<16xf32>
      %add3A_772 = arith.addf %add3A_724, %mul3A_771 : vector<16xf32>
      %get3A_773 = arith.constant 42 : i32
      %get3A_774 = arith.index_cast %get3A_773 : i32 to index
      %get3A_775 = arith.index_cast %multiple_of3A : i32 to index
      %get3A_776 = tpu.vector_load %arg5[%get3A_774, %get3A_775] {strides = array<i32>} : memref<64x512xf32, #tpu.memory_space<vmem>>, vector<1x16xf32>,
      %get3A_777 = vector.shape_cast %get3A_776 : vector<1x16xf32> to vector<16xf32>
      %get3A_778 = arith.constant 42 : i32
      %get3A_779 = arith.index_cast %get3A_778 : i32 to index
      %get3A_780 = arith.index_cast %multiple_of3A : i32 to index
      %get3A_781 = tpu.vector_load %arg6[%get3A_779, %get3A_780] {strides = array<i32>} : memref<64x512xf32, #tpu.memory_space<vmem>>, vector<1x16xf32>,
      %get3A_782 = vector.shape_cast %get3A_781 : vector<1x16xf32> to vector<16xf32>
      %mul3A_783 = arith.mulf %get3A_777, %get3A_782 : vector<16xf32>
      %add3A_784 = arith.addf %add3A_736, %mul3A_783 : vector<16xf32>
      %get3A_785 = arith.constant 43 : i32
      %get3A_786 = arith.index_cast %get3A_785 : i32 to index
      %get3A_787 = arith.index_cast %multiple_of3A : i32 to index
      %get3A_788 = tpu.vector_load %arg5[%get3A_786, %get3A_787] {strides = array<i32>} : memref<64x512xf32, #tpu.memory_space<vmem>>, vector<1x16xf32>,
      %get3A_789 = vector.shape_cast %get3A_788 : vector<1x16xf32> to vector<16xf32>
      %get3A_790 = arith.constant 43 : i32
      %get3A_791 = arith.index_cast %get3A_790 : i32 to index
      %get3A_792 = arith.index_cast %multiple_of3A : i32 to index
      %get3A_793 = tpu.vector_load %arg6[%get3A_791, %get3A_792] {strides = array<i32>} : memref<64x512xf32, #tpu.memory_space<vmem>>, vector<1x16xf32>,
      %get3A_794 = vector.shape_cast %get3A_793 : vector<1x16xf32> to vector<16xf32>
      %mul3A_795 = arith.mulf %get3A_789, %get3A_794 : vector<16xf32>
      %add3A_796 = arith.addf %add3A_748, %mul3A_795 : vector<16xf32>
      %get3A_797 = arith.constant 44 : i32
      %get3A_798 = arith.index_cast %get3A_797 : i32 to index
      %get3A_799 = arith.index_cast %multiple_of3A : i32 to index
      %get3A_800 = tpu.vector_load %arg5[%get3A_798, %get3A_799] {strides = array<i32>} : memref<64x512xf32, #tpu.memory_space<vmem>>, vector<1x16xf32>,
      %get3A_801 = vector.shape_cast %get3A_800 : vector<1x16xf32> to vector<16xf32>
      %get3A_802 = arith.constant 44 : i32
      %get3A_803 = arith.index_cast %get3A_802 : i32 to index
      %get3A_804 = arith.index_cast %multiple_of3A : i32 to index
      %get3A_805 = tpu.vector_load %arg6[%get3A_803, %get3A_804] {strides = array<i32>} : memref<64x512xf32, #tpu.memory_space<vmem>>, vector<1x16xf32>,
      %get3A_806 = vector.shape_cast %get3A_805 : vector<1x16xf32> to vector<16xf32>
      %mul3A_807 = arith.mulf %get3A_801, %get3A_806 : vector<16xf32>
      %add3A_808 = arith.addf %add3A_760, %mul3A_807 : vector<16xf32>
      %get3A_809 = arith.constant 45 : i32
      %get3A_810 = arith.index_cast %get3A_809 : i32 to index
      %get3A_811 = arith.index_cast %multiple_of3A : i32 to index
      %get3A_812 = tpu.vector_load %arg5[%get3A_810, %get3A_811] {strides = array<i32>} : memref<64x512xf32, #tpu.memory_space<vmem>>, vector<1x16xf32>,
      %get3A_813 = vector.shape_cast %get3A_812 : vector<1x16xf32> to vector<16xf32>
      %get3A_814 = arith.constant 45 : i32
      %get3A_815 = arith.index_cast %get3A_814 : i32 to index
      %get3A_816 = arith.index_cast %multiple_of3A : i32 to index
      %get3A_817 = tpu.vector_load %arg6[%get3A_815, %get3A_816] {strides = array<i32>} : memref<64x512xf32, #tpu.memory_space<vmem>>, vector<1x16xf32>,
      %get3A_818 = vector.shape_cast %get3A_817 : vector<1x16xf32> to vector<16xf32>
      %mul3A_819 = arith.mulf %get3A_813, %get3A_818 : vector<16xf32>
      %add3A_820 = arith.addf %add3A_772, %mul3A_819 : vector<16xf32>
      %get3A_821 = arith.constant 46 : i32
      %get3A_822 = arith.index_cast %get3A_821 : i32 to index
      %get3A_823 = arith.index_cast %multiple_of3A : i32 to index
      %get3A_824 = tpu.vector_load %arg5[%get3A_822, %get3A_823] {strides = array<i32>} : memref<64x512xf32, #tpu.memory_space<vmem>>, vector<1x16xf32>,
      %get3A_825 = vector.shape_cast %get3A_824 : vector<1x16xf32> to vector<16xf32>
      %get3A_826 = arith.constant 46 : i32
      %get3A_827 = arith.index_cast %get3A_826 : i32 to index
      %get3A_828 = arith.index_cast %multiple_of3A : i32 to index
      %get3A_829 = tpu.vector_load %arg6[%get3A_827, %get3A_828] {strides = array<i32>} : memref<64x512xf32, #tpu.memory_space<vmem>>, vector<1x16xf32>,
      %get3A_830 = vector.shape_cast %get3A_829 : vector<1x16xf32> to vector<16xf32>
      %mul3A_831 = arith.mulf %get3A_825, %get3A_830 : vector<16xf32>
      %add3A_832 = arith.addf %add3A_784, %mul3A_831 : vector<16xf32>
      %get3A_833 = arith.constant 47 : i32
      %get3A_834 = arith.index_cast %get3A_833 : i32 to index
      %get3A_835 = arith.index_cast %multiple_of3A : i32 to index
      %get3A_836 = tpu.vector_load %arg5[%get3A_834, %get3A_835] {strides = array<i32>} : memref<64x512xf32, #tpu.memory_space<vmem>>, vector<1x16xf32>,
      %get3A_837 = vector.shape_cast %get3A_836 : vector<1x16xf32> to vector<16xf32>
      %get3A_838 = arith.constant 47 : i32
      %get3A_839 = arith.index_cast %get3A_838 : i32 to index
      %get3A_840 = arith.index_cast %multiple_of3A : i32 to index
      %get3A_841 = tpu.vector_load %arg6[%get3A_839, %get3A_840] {strides = array<i32>} : memref<64x512xf32, #tpu.memory_space<vmem>>, vector<1x16xf32>,
      %get3A_842 = vector.shape_cast %get3A_841 : vector<1x16xf32> to vector<16xf32>
      %mul3A_843 = arith.mulf %get3A_837, %get3A_842 : vector<16xf32>
      %add3A_844 = arith.addf %add3A_796, %mul3A_843 : vector<16xf32>
      %get3A_845 = arith.constant 48 : i32
      %get3A_846 = arith.index_cast %get3A_845 : i32 to index
      %get3A_847 = arith.index_cast %multiple_of3A : i32 to index
      %get3A_848 = tpu.vector_load %arg5[%get3A_846, %get3A_847] {strides = array<i32>} : memref<64x512xf32, #tpu.memory_space<vmem>>, vector<1x16xf32>,
      %get3A_849 = vector.shape_cast %get3A_848 : vector<1x16xf32> to vector<16xf32>
      %get3A_850 = arith.constant 48 : i32
      %get3A_851 = arith.index_cast %get3A_850 : i32 to index
      %get3A_852 = arith.index_cast %multiple_of3A : i32 to index
      %get3A_853 = tpu.vector_load %arg6[%get3A_851, %get3A_852] {strides = array<i32>} : memref<64x512xf32, #tpu.memory_space<vmem>>, vector<1x16xf32>,
      %get3A_854 = vector.shape_cast %get3A_853 : vector<1x16xf32> to vector<16xf32>
      %mul3A_855 = arith.mulf %get3A_849, %get3A_854 : vector<16xf32>
      %add3A_856 = arith.addf %add3A_808, %mul3A_855 : vector<16xf32>
      %get3A_857 = arith.constant 49 : i32
      %get3A_858 = arith.index_cast %get3A_857 : i32 to index
      %get3A_859 = arith.index_cast %multiple_of3A : i32 to index
      %get3A_860 = tpu.vector_load %arg5[%get3A_858, %get3A_859] {strides = array<i32>} : memref<64x512xf32, #tpu.memory_space<vmem>>, vector<1x16xf32>,
      %get3A_861 = vector.shape_cast %get3A_860 : vector<1x16xf32> to vector<16xf32>
      %get3A_862 = arith.constant 49 : i32
      %get3A_863 = arith.index_cast %get3A_862 : i32 to index
      %get3A_864 = arith.index_cast %multiple_of3A : i32 to index
      %get3A_865 = tpu.vector_load %arg6[%get3A_863, %get3A_864] {strides = array<i32>} : memref<64x512xf32, #tpu.memory_space<vmem>>, vector<1x16xf32>,
      %get3A_866 = vector.shape_cast %get3A_865 : vector<1x16xf32> to vector<16xf32>
      %mul3A_867 = arith.mulf %get3A_861, %get3A_866 : vector<16xf32>
      %add3A_868 = arith.addf %add3A_820, %mul3A_867 : vector<16xf32>
      %get3A_869 = arith.constant 50 : i32
      %get3A_870 = arith.index_cast %get3A_869 : i32 to index
      %get3A_871 = arith.index_cast %multiple_of3A : i32 to index
      %get3A_872 = tpu.vector_load %arg5[%get3A_870, %get3A_871] {strides = array<i32>} : memref<64x512xf32, #tpu.memory_space<vmem>>, vector<1x16xf32>,
      %get3A_873 = vector.shape_cast %get3A_872 : vector<1x16xf32> to vector<16xf32>
      %get3A_874 = arith.constant 50 : i32
      %get3A_875 = arith.index_cast %get3A_874 : i32 to index
      %get3A_876 = arith.index_cast %multiple_of3A : i32 to index
      %get3A_877 = tpu.vector_load %arg6[%get3A_875, %get3A_876] {strides = array<i32>} : memref<64x512xf32, #tpu.memory_space<vmem>>, vector<1x16xf32>,
      %get3A_878 = vector.shape_cast %get3A_877 : vector<1x16xf32> to vector<16xf32>
      %mul3A_879 = arith.mulf %get3A_873, %get3A_878 : vector<16xf32>
      %add3A_880 = arith.addf %add3A_832, %mul3A_879 : vector<16xf32>
      %get3A_881 = arith.constant 51 : i32
      %get3A_882 = arith.index_cast %get3A_881 : i32 to index
      %get3A_883 = arith.index_cast %multiple_of3A : i32 to index
      %get3A_884 = tpu.vector_load %arg5[%get3A_882, %get3A_883] {strides = array<i32>} : memref<64x512xf32, #tpu.memory_space<vmem>>, vector<1x16xf32>,
      %get3A_885 = vector.shape_cast %get3A_884 : vector<1x16xf32> to vector<16xf32>
      %get3A_886 = arith.constant 51 : i32
      %get3A_887 = arith.index_cast %get3A_886 : i32 to index
      %get3A_888 = arith.index_cast %multiple_of3A : i32 to index
      %get3A_889 = tpu.vector_load %arg6[%get3A_887, %get3A_888] {strides = array<i32>} : memref<64x512xf32, #tpu.memory_space<vmem>>, vector<1x16xf32>,
      %get3A_890 = vector.shape_cast %get3A_889 : vector<1x16xf32> to vector<16xf32>
      %mul3A_891 = arith.mulf %get3A_885, %get3A_890 : vector<16xf32>
      %add3A_892 = arith.addf %add3A_844, %mul3A_891 : vector<16xf32>
      %get3A_893 = arith.constant 52 : i32
      %get3A_894 = arith.index_cast %get3A_893 : i32 to index
      %get3A_895 = arith.index_cast %multiple_of3A : i32 to index
      %get3A_896 = tpu.vector_load %arg5[%get3A_894, %get3A_895] {strides = array<i32>} : memref<64x512xf32, #tpu.memory_space<vmem>>, vector<1x16xf32>,
      %get3A_897 = vector.shape_cast %get3A_896 : vector<1x16xf32> to vector<16xf32>
      %get3A_898 = arith.constant 52 : i32
      %get3A_899 = arith.index_cast %get3A_898 : i32 to index
      %get3A_900 = arith.index_cast %multiple_of3A : i32 to index
      %get3A_901 = tpu.vector_load %arg6[%get3A_899, %get3A_900] {strides = array<i32>} : memref<64x512xf32, #tpu.memory_space<vmem>>, vector<1x16xf32>,
      %get3A_902 = vector.shape_cast %get3A_901 : vector<1x16xf32> to vector<16xf32>
      %mul3A_903 = arith.mulf %get3A_897, %get3A_902 : vector<16xf32>
      %add3A_904 = arith.addf %add3A_856, %mul3A_903 : vector<16xf32>
      %get3A_905 = arith.constant 53 : i32
      %get3A_906 = arith.index_cast %get3A_905 : i32 to index
      %get3A_907 = arith.index_cast %multiple_of3A : i32 to index
      %get3A_908 = tpu.vector_load %arg5[%get3A_906, %get3A_907] {strides = array<i32>} : memref<64x512xf32, #tpu.memory_space<vmem>>, vector<1x16xf32>,
      %get3A_909 = vector.shape_cast %get3A_908 : vector<1x16xf32> to vector<16xf32>
      %get3A_910 = arith.constant 53 : i32
      %get3A_911 = arith.index_cast %get3A_910 : i32 to index
      %get3A_912 = arith.index_cast %multiple_of3A : i32 to index
      %get3A_913 = tpu.vector_load %arg6[%get3A_911, %get3A_912] {strides = array<i32>} : memref<64x512xf32, #tpu.memory_space<vmem>>, vector<1x16xf32>,
      %get3A_914 = vector.shape_cast %get3A_913 : vector<1x16xf32> to vector<16xf32>
      %mul3A_915 = arith.mulf %get3A_909, %get3A_914 : vector<16xf32>
      %add3A_916 = arith.addf %add3A_868, %mul3A_915 : vector<16xf32>
      %get3A_917 = arith.constant 54 : i32
      %get3A_918 = arith.index_cast %get3A_917 : i32 to index
      %get3A_919 = arith.index_cast %multiple_of3A : i32 to index
      %get3A_920 = tpu.vector_load %arg5[%get3A_918, %get3A_919] {strides = array<i32>} : memref<64x512xf32, #tpu.memory_space<vmem>>, vector<1x16xf32>,
      %get3A_921 = vector.shape_cast %get3A_920 : vector<1x16xf32> to vector<16xf32>
      %get3A_922 = arith.constant 54 : i32
      %get3A_923 = arith.index_cast %get3A_922 : i32 to index
      %get3A_924 = arith.index_cast %multiple_of3A : i32 to index
      %get3A_925 = tpu.vector_load %arg6[%get3A_923, %get3A_924] {strides = array<i32>} : memref<64x512xf32, #tpu.memory_space<vmem>>, vector<1x16xf32>,
      %get3A_926 = vector.shape_cast %get3A_925 : vector<1x16xf32> to vector<16xf32>
      %mul3A_927 = arith.mulf %get3A_921, %get3A_926 : vector<16xf32>
      %add3A_928 = arith.addf %add3A_880, %mul3A_927 : vector<16xf32>
      %get3A_929 = arith.constant 55 : i32
      %get3A_930 = arith.index_cast %get3A_929 : i32 to index
      %get3A_931 = arith.index_cast %multiple_of3A : i32 to index
      %get3A_932 = tpu.vector_load %arg5[%get3A_930, %get3A_931] {strides = array<i32>} : memref<64x512xf32, #tpu.memory_space<vmem>>, vector<1x16xf32>,
      %get3A_933 = vector.shape_cast %get3A_932 : vector<1x16xf32> to vector<16xf32>
      %get3A_934 = arith.constant 55 : i32
      %get3A_935 = arith.index_cast %get3A_934 : i32 to index
      %get3A_936 = arith.index_cast %multiple_of3A : i32 to index
      %get3A_937 = tpu.vector_load %arg6[%get3A_935, %get3A_936] {strides = array<i32>} : memref<64x512xf32, #tpu.memory_space<vmem>>, vector<1x16xf32>,
      %get3A_938 = vector.shape_cast %get3A_937 : vector<1x16xf32> to vector<16xf32>
      %mul3A_939 = arith.mulf %get3A_933, %get3A_938 : vector<16xf32>
      %add3A_940 = arith.addf %add3A_892, %mul3A_939 : vector<16xf32>
      %get3A_941 = arith.constant 56 : i32
      %get3A_942 = arith.index_cast %get3A_941 : i32 to index
      %get3A_943 = arith.index_cast %multiple_of3A : i32 to index
      %get3A_944 = tpu.vector_load %arg5[%get3A_942, %get3A_943] {strides = array<i32>} : memref<64x512xf32, #tpu.memory_space<vmem>>, vector<1x16xf32>,
      %get3A_945 = vector.shape_cast %get3A_944 : vector<1x16xf32> to vector<16xf32>
      %get3A_946 = arith.constant 56 : i32
      %get3A_947 = arith.index_cast %get3A_946 : i32 to index
      %get3A_948 = arith.index_cast %multiple_of3A : i32 to index
      %get3A_949 = tpu.vector_load %arg6[%get3A_947, %get3A_948] {strides = array<i32>} : memref<64x512xf32, #tpu.memory_space<vmem>>, vector<1x16xf32>,
      %get3A_950 = vector.shape_cast %get3A_949 : vector<1x16xf32> to vector<16xf32>
      %mul3A_951 = arith.mulf %get3A_945, %get3A_950 : vector<16xf32>
      %add3A_952 = arith.addf %add3A_904, %mul3A_951 : vector<16xf32>
      %get3A_953 = arith.constant 57 : i32
      %get3A_954 = arith.index_cast %get3A_953 : i32 to index
      %get3A_955 = arith.index_cast %multiple_of3A : i32 to index
      %get3A_956 = tpu.vector_load %arg5[%get3A_954, %get3A_955] {strides = array<i32>} : memref<64x512xf32, #tpu.memory_space<vmem>>, vector<1x16xf32>,
      %get3A_957 = vector.shape_cast %get3A_956 : vector<1x16xf32> to vector<16xf32>
      %get3A_958 = arith.constant 57 : i32
      %get3A_959 = arith.index_cast %get3A_958 : i32 to index
      %get3A_960 = arith.index_cast %multiple_of3A : i32 to index
      %get3A_961 = tpu.vector_load %arg6[%get3A_959, %get3A_960] {strides = array<i32>} : memref<64x512xf32, #tpu.memory_space<vmem>>, vector<1x16xf32>,
      %get3A_962 = vector.shape_cast %get3A_961 : vector<1x16xf32> to vector<16xf32>
      %mul3A_963 = arith.mulf %get3A_957, %get3A_962 : vector<16xf32>
      %add3A_964 = arith.addf %add3A_916, %mul3A_963 : vector<16xf32>
      %get3A_965 = arith.constant 58 : i32
      %get3A_966 = arith.index_cast %get3A_965 : i32 to index
      %get3A_967 = arith.index_cast %multiple_of3A : i32 to index
      %get3A_968 = tpu.vector_load %arg5[%get3A_966, %get3A_967] {strides = array<i32>} : memref<64x512xf32, #tpu.memory_space<vmem>>, vector<1x16xf32>,
      %get3A_969 = vector.shape_cast %get3A_968 : vector<1x16xf32> to vector<16xf32>
      %get3A_970 = arith.constant 58 : i32
      %get3A_971 = arith.index_cast %get3A_970 : i32 to index
      %get3A_972 = arith.index_cast %multiple_of3A : i32 to index
      %get3A_973 = tpu.vector_load %arg6[%get3A_971, %get3A_972] {strides = array<i32>} : memref<64x512xf32, #tpu.memory_space<vmem>>, vector<1x16xf32>,
      %get3A_974 = vector.shape_cast %get3A_973 : vector<1x16xf32> to vector<16xf32>
      %mul3A_975 = arith.mulf %get3A_969, %get3A_974 : vector<16xf32>
      %add3A_976 = arith.addf %add3A_928, %mul3A_975 : vector<16xf32>
      %get3A_977 = arith.constant 59 : i32
      %get3A_978 = arith.index_cast %get3A_977 : i32 to index
      %get3A_979 = arith.index_cast %multiple_of3A : i32 to index
      %get3A_980 = tpu.vector_load %arg5[%get3A_978, %get3A_979] {strides = array<i32>} : memref<64x512xf32, #tpu.memory_space<vmem>>, vector<1x16xf32>,
      %get3A_981 = vector.shape_cast %get3A_980 : vector<1x16xf32> to vector<16xf32>
      %get3A_982 = arith.constant 59 : i32
      %get3A_983 = arith.index_cast %get3A_982 : i32 to index
      %get3A_984 = arith.index_cast %multiple_of3A : i32 to index
      %get3A_985 = tpu.vector_load %arg6[%get3A_983, %get3A_984] {strides = array<i32>} : memref<64x512xf32, #tpu.memory_space<vmem>>, vector<1x16xf32>,
      %get3A_986 = vector.shape_cast %get3A_985 : vector<1x16xf32> to vector<16xf32>
      %mul3A_987 = arith.mulf %get3A_981, %get3A_986 : vector<16xf32>
      %add3A_988 = arith.addf %add3A_940, %mul3A_987 : vector<16xf32>
      %get3A_989 = arith.constant 60 : i32
      %get3A_990 = arith.index_cast %get3A_989 : i32 to index
      %get3A_991 = arith.index_cast %multiple_of3A : i32 to index
      %get3A_992 = tpu.vector_load %arg5[%get3A_990, %get3A_991] {strides = array<i32>} : memref<64x512xf32, #tpu.memory_space<vmem>>, vector<1x16xf32>,
      %get3A_993 = vector.shape_cast %get3A_992 : vector<1x16xf32> to vector<16xf32>
      %get3A_994 = arith.constant 60 : i32
      %get3A_995 = arith.index_cast %get3A_994 : i32 to index
      %get3A_996 = arith.index_cast %multiple_of3A : i32 to index
      %get3A_997 = tpu.vector_load %arg6[%get3A_995, %get3A_996] {strides = array<i32>} : memref<64x512xf32, #tpu.memory_space<vmem>>, vector<1x16xf32>,
      %get3A_998 = vector.shape_cast %get3A_997 : vector<1x16xf32> to vector<16xf32>
      %mul3A_999 = arith.mulf %get3A_993, %get3A_998 : vector<16xf32>
      %add3A_1000 = arith.addf %add3A_952, %mul3A_999 : vector<16xf32>
      %get3A_1001 = arith.constant 61 : i32
      %get3A_1002 = arith.index_cast %get3A_1001 : i32 to index
      %get3A_1003 = arith.index_cast %multiple_of3A : i32 to index
      %get3A_1004 = tpu.vector_load %arg5[%get3A_1002, %get3A_1003] {strides = array<i32>} : memref<64x512xf32, #tpu.memory_space<vmem>>, vector<1x16xf32>,
      %get3A_1005 = vector.shape_cast %get3A_1004 : vector<1x16xf32> to vector<16xf32>
      %get3A_1006 = arith.constant 61 : i32
      %get3A_1007 = arith.index_cast %get3A_1006 : i32 to index
      %get3A_1008 = arith.index_cast %multiple_of3A : i32 to index
      %get3A_1009 = tpu.vector_load %arg6[%get3A_1007, %get3A_1008] {strides = array<i32>} : memref<64x512xf32, #tpu.memory_space<vmem>>, vector<1x16xf32>,
      %get3A_1010 = vector.shape_cast %get3A_1009 : vector<1x16xf32> to vector<16xf32>
      %mul3A_1011 = arith.mulf %get3A_1005, %get3A_1010 : vector<16xf32>
      %add3A_1012 = arith.addf %add3A_964, %mul3A_1011 : vector<16xf32>
      %get3A_1013 = arith.constant 62 : i32
      %get3A_1014 = arith.index_cast %get3A_1013 : i32 to index
      %get3A_1015 = arith.index_cast %multiple_of3A : i32 to index
      %get3A_1016 = tpu.vector_load %arg5[%get3A_1014, %get3A_1015] {strides = array<i32>} : memref<64x512xf32, #tpu.memory_space<vmem>>, vector<1x16xf32>,
      %get3A_1017 = vector.shape_cast %get3A_1016 : vector<1x16xf32> to vector<16xf32>
      %get3A_1018 = arith.constant 62 : i32
      %get3A_1019 = arith.index_cast %get3A_1018 : i32 to index
      %get3A_1020 = arith.index_cast %multiple_of3A : i32 to index
      %get3A_1021 = tpu.vector_load %arg6[%get3A_1019, %get3A_1020] {strides = array<i32>} : memref<64x512xf32, #tpu.memory_space<vmem>>, vector<1x16xf32>,
      %get3A_1022 = vector.shape_cast %get3A_1021 : vector<1x16xf32> to vector<16xf32>
      %mul3A_1023 = arith.mulf %get3A_1017, %get3A_1022 : vector<16xf32>
      %add3A_1024 = arith.addf %add3A_976, %mul3A_1023 : vector<16xf32>
      %get3A_1025 = arith.constant 63 : i32
      %get3A_1026 = arith.index_cast %get3A_1025 : i32 to index
      %get3A_1027 = arith.index_cast %multiple_of3A : i32 to index
      %get3A_1028 = tpu.vector_load %arg5[%get3A_1026, %get3A_1027] {strides = array<i32>} : memref<64x512xf32, #tpu.memory_space<vmem>>, vector<1x16xf32>,
      %get3A_1029 = vector.shape_cast %get3A_1028 : vector<1x16xf32> to vector<16xf32>
      %get3A_1030 = arith.constant 63 : i32
      %get3A_1031 = arith.index_cast %get3A_1030 : i32 to index
      %get3A_1032 = arith.index_cast %multiple_of3A : i32 to index
      %get3A_1033 = tpu.vector_load %arg6[%get3A_1031, %get3A_1032] {strides = array<i32>} : memref<64x512xf32, #tpu.memory_space<vmem>>, vector<1x16xf32>,
      %get3A_1034 = vector.shape_cast %get3A_1033 : vector<1x16xf32> to vector<16xf32>
      %mul3A_1035 = arith.mulf %get3A_1029, %get3A_1034 : vector<16xf32>
      %add3A_1036 = arith.addf %add3A_988, %mul3A_1035 : vector<16xf32>
      %add3A_1037 = arith.addf %add3A_1000, %add3A_1012 : vector<16xf32>
      %add3A_1038 = arith.addf %add3A_1024, %add3A_1036 : vector<16xf32>
      %add3A_1039 = arith.addf %add3A_1037, %add3A_1038 : vector<16xf32>
      %swap3A = arith.index_cast %multiple_of3A : i32 to index
      %swap3A_1040 = tpu.vector_load %arg7[%swap3A] {strides = array<i32>} : memref<512xf32, #tpu.memory_space<vmem>>, vector<16xf32>,
      %swap3A_1041 = vector.shape_cast %swap3A_1040 : vector<16xf32> to vector<16xf32>
      %swap3A_1042 = vector.shape_cast %add3A_1039 : vector<16xf32> to vector<16xf32>
      tpu.vector_store %arg7[%swap3A], %swap3A_1042 {strides = array<i32>} : memref<512xf32, #tpu.memory_space<vmem>>, vector<16xf32>,
    }
    %scan3A_230 = arith.constant 8 : i32
    %dma_wait3A_231 = arith.constant 0 : i32
    %dma_wait3A_232 = arith.constant 3 : i32
    %dma_wait3A_233 = arith.constant 0 : i32
    %dma_wait3A_234 = arith.constant 384 : i32
    %dma_wait3A_235 = tpu.memref_slice %arg5[%dma_wait3A_233, %dma_wait3A_234] : memref<64x512xf32, #tpu.memory_space<vmem>> -> memref<64x128xf32, #tpu.memory_space<vmem>>
    %dma_wait3A_236 = arith.constant 0 : i32
    %dma_wait3A_237 = tpu.memref_slice %arg2[%dma_wait3A_236, %add3A_99] : memref<64x16384xf32, #tpu.memory_space<hbm>> -> memref<64x128xf32, #tpu.memory_space<hbm>>
    %dma_wait3A_238 = tpu.memref_slice %arg8[%dma_wait3A_231, %dma_wait3A_232] : memref<2x4x!tpu.dma_semaphore, #tpu.memory_space<semaphore_mem>> -> memref<1x1x!tpu.dma_semaphore, #tpu.memory_space<semaphore_mem>>
    %dma_wait3A_239 = tpu.memref_squeeze %dma_wait3A_238 : memref<1x1x!tpu.dma_semaphore, #tpu.memory_space<semaphore_mem>> -> memref<!tpu.dma_semaphore, #tpu.memory_space<semaphore_mem>>
    %dma_wait3A_240 = arith.constant 0 : i32
    %dma_wait3A_241 = arith.constant 384 : i32
    %dma_wait3A_242 = tpu.memref_slice %arg5[%dma_wait3A_240, %dma_wait3A_241] : memref<64x512xf32, #tpu.memory_space<vmem>> -> memref<64x128xf32, #tpu.memory_space<vmem>>
    %dma_wait3A_243 = arith.constant 0 : i32
    %dma_wait3A_244 = tpu.memref_slice %arg2[%dma_wait3A_243, %add3A_99] : memref<64x16384xf32, #tpu.memory_space<hbm>> -> memref<64x128xf32, #tpu.memory_space<hbm>>
    tpu.wait_dma2 semaphore(%dma_wait3A_239 : memref<!tpu.dma_semaphore, #tpu.memory_space<semaphore_mem>>) src(%dma_wait3A_244 : memref<64x128xf32, #tpu.memory_space<hbm>>) dst(%dma_wait3A_242 : memref<64x128xf32, #tpu.memory_space<vmem>>)
    %dma_wait3A_245 = arith.constant 1 : i32
    %dma_wait3A_246 = arith.constant 3 : i32
    %dma_wait3A_247 = arith.constant 0 : i32
    %dma_wait3A_248 = arith.constant 384 : i32
    %dma_wait3A_249 = tpu.memref_slice %arg6[%dma_wait3A_247, %dma_wait3A_248] : memref<64x512xf32, #tpu.memory_space<vmem>> -> memref<64x128xf32, #tpu.memory_space<vmem>>
    %dma_wait3A_250 = arith.constant 0 : i32
    %dma_wait3A_251 = tpu.memref_slice %arg3[%dma_wait3A_250, %add3A_101] : memref<64x16384xf32, #tpu.memory_space<hbm>> -> memref<64x128xf32, #tpu.memory_space<hbm>>
    %dma_wait3A_252 = tpu.memref_slice %arg8[%dma_wait3A_245, %dma_wait3A_246] : memref<2x4x!tpu.dma_semaphore, #tpu.memory_space<semaphore_mem>> -> memref<1x1x!tpu.dma_semaphore, #tpu.memory_space<semaphore_mem>>
    %dma_wait3A_253 = tpu.memref_squeeze %dma_wait3A_252 : memref<1x1x!tpu.dma_semaphore, #tpu.memory_space<semaphore_mem>> -> memref<!tpu.dma_semaphore, #tpu.memory_space<semaphore_mem>>
    %dma_wait3A_254 = arith.constant 0 : i32
    %dma_wait3A_255 = arith.constant 384 : i32
    %dma_wait3A_256 = tpu.memref_slice %arg6[%dma_wait3A_254, %dma_wait3A_255] : memref<64x512xf32, #tpu.memory_space<vmem>> -> memref<64x128xf32, #tpu.memory_space<vmem>>
    %dma_wait3A_257 = arith.constant 0 : i32
    %dma_wait3A_258 = tpu.memref_slice %arg3[%dma_wait3A_257, %add3A_101] : memref<64x16384xf32, #tpu.memory_space<hbm>> -> memref<64x128xf32, #tpu.memory_space<hbm>>
    tpu.wait_dma2 semaphore(%dma_wait3A_253 : memref<!tpu.dma_semaphore, #tpu.memory_space<semaphore_mem>>) src(%dma_wait3A_258 : memref<64x128xf32, #tpu.memory_space<hbm>>) dst(%dma_wait3A_256 : memref<64x128xf32, #tpu.memory_space<vmem>>)
    %scan3A_259 = arith.constant 0 : i32
    %scan3A_260 = arith.constant 0 : i32
    %scan3A_261 = arith.constant 8 : i32
    %scan3A_262 = arith.addi %scan3A_260, %scan3A_261 : i32
    %scan3A_263 = arith.constant 1 : i32
    scf.for %scan3A_265 = %scan3A_260 to %scan3A_262 step %scan3A_263  : i32 {
      %mul3A_266 = arith.constant 16 : i32
      %mul3A_267 = arith.muli %scan3A_265, %mul3A_266 : i32
      %add3A_268 = arith.constant 384 : i32
      %add3A_269 = arith.addi %add3A_268, %mul3A_267 : i32
      %multiple_of3A = tpu.assume_multiple %add3A_269, 16 : i32
      %get3A = arith.constant 0 : i32
      %get3A_270 = arith.index_cast %get3A : i32 to index
      %get3A_271 = arith.index_cast %multiple_of3A : i32 to index
      %get3A_272 = tpu.vector_load %arg5[%get3A_270, %get3A_271] {strides = array<i32>} : memref<64x512xf32, #tpu.memory_space<vmem>>, vector<1x16xf32>,
      %get3A_273 = vector.shape_cast %get3A_272 : vector<1x16xf32> to vector<16xf32>
      %get3A_274 = arith.constant 0 : i32
      %get3A_275 = arith.index_cast %get3A_274 : i32 to index
      %get3A_276 = arith.index_cast %multiple_of3A : i32 to index
      %get3A_277 = tpu.vector_load %arg6[%get3A_275, %get3A_276] {strides = array<i32>} : memref<64x512xf32, #tpu.memory_space<vmem>>, vector<1x16xf32>,
      %get3A_278 = vector.shape_cast %get3A_277 : vector<1x16xf32> to vector<16xf32>
      %mul3A_279 = arith.mulf %get3A_273, %get3A_278 : vector<16xf32>
      %add3A_280 = arith.addf %broadcast_in_dim3A_130, %mul3A_279 : vector<16xf32>
      %get3A_281 = arith.constant 1 : i32
      %get3A_282 = arith.index_cast %get3A_281 : i32 to index
      %get3A_283 = arith.index_cast %multiple_of3A : i32 to index
      %get3A_284 = tpu.vector_load %arg5[%get3A_282, %get3A_283] {strides = array<i32>} : memref<64x512xf32, #tpu.memory_space<vmem>>, vector<1x16xf32>,
      %get3A_285 = vector.shape_cast %get3A_284 : vector<1x16xf32> to vector<16xf32>
      %get3A_286 = arith.constant 1 : i32
      %get3A_287 = arith.index_cast %get3A_286 : i32 to index
      %get3A_288 = arith.index_cast %multiple_of3A : i32 to index
      %get3A_289 = tpu.vector_load %arg6[%get3A_287, %get3A_288] {strides = array<i32>} : memref<64x512xf32, #tpu.memory_space<vmem>>, vector<1x16xf32>,
      %get3A_290 = vector.shape_cast %get3A_289 : vector<1x16xf32> to vector<16xf32>
      %mul3A_291 = arith.mulf %get3A_285, %get3A_290 : vector<16xf32>
      %add3A_292 = arith.addf %broadcast_in_dim3A_130, %mul3A_291 : vector<16xf32>
      %get3A_293 = arith.constant 2 : i32
      %get3A_294 = arith.index_cast %get3A_293 : i32 to index
      %get3A_295 = arith.index_cast %multiple_of3A : i32 to index
      %get3A_296 = tpu.vector_load %arg5[%get3A_294, %get3A_295] {strides = array<i32>} : memref<64x512xf32, #tpu.memory_space<vmem>>, vector<1x16xf32>,
      %get3A_297 = vector.shape_cast %get3A_296 : vector<1x16xf32> to vector<16xf32>
      %get3A_298 = arith.constant 2 : i32
      %get3A_299 = arith.index_cast %get3A_298 : i32 to index
      %get3A_300 = arith.index_cast %multiple_of3A : i32 to index
      %get3A_301 = tpu.vector_load %arg6[%get3A_299, %get3A_300] {strides = array<i32>} : memref<64x512xf32, #tpu.memory_space<vmem>>, vector<1x16xf32>,
      %get3A_302 = vector.shape_cast %get3A_301 : vector<1x16xf32> to vector<16xf32>
      %mul3A_303 = arith.mulf %get3A_297, %get3A_302 : vector<16xf32>
      %add3A_304 = arith.addf %broadcast_in_dim3A_130, %mul3A_303 : vector<16xf32>
      %get3A_305 = arith.constant 3 : i32
      %get3A_306 = arith.index_cast %get3A_305 : i32 to index
      %get3A_307 = arith.index_cast %multiple_of3A : i32 to index
      %get3A_308 = tpu.vector_load %arg5[%get3A_306, %get3A_307] {strides = array<i32>} : memref<64x512xf32, #tpu.memory_space<vmem>>, vector<1x16xf32>,
      %get3A_309 = vector.shape_cast %get3A_308 : vector<1x16xf32> to vector<16xf32>
      %get3A_310 = arith.constant 3 : i32
      %get3A_311 = arith.index_cast %get3A_310 : i32 to index
      %get3A_312 = arith.index_cast %multiple_of3A : i32 to index
      %get3A_313 = tpu.vector_load %arg6[%get3A_311, %get3A_312] {strides = array<i32>} : memref<64x512xf32, #tpu.memory_space<vmem>>, vector<1x16xf32>,
      %get3A_314 = vector.shape_cast %get3A_313 : vector<1x16xf32> to vector<16xf32>
      %mul3A_315 = arith.mulf %get3A_309, %get3A_314 : vector<16xf32>
      %add3A_316 = arith.addf %broadcast_in_dim3A_130, %mul3A_315 : vector<16xf32>
      %get3A_317 = arith.constant 4 : i32
      %get3A_318 = arith.index_cast %get3A_317 : i32 to index
      %get3A_319 = arith.index_cast %multiple_of3A : i32 to index
      %get3A_320 = tpu.vector_load %arg5[%get3A_318, %get3A_319] {strides = array<i32>} : memref<64x512xf32, #tpu.memory_space<vmem>>, vector<1x16xf32>,
      %get3A_321 = vector.shape_cast %get3A_320 : vector<1x16xf32> to vector<16xf32>
      %get3A_322 = arith.constant 4 : i32
      %get3A_323 = arith.index_cast %get3A_322 : i32 to index
      %get3A_324 = arith.index_cast %multiple_of3A : i32 to index
      %get3A_325 = tpu.vector_load %arg6[%get3A_323, %get3A_324] {strides = array<i32>} : memref<64x512xf32, #tpu.memory_space<vmem>>, vector<1x16xf32>,
      %get3A_326 = vector.shape_cast %get3A_325 : vector<1x16xf32> to vector<16xf32>
      %mul3A_327 = arith.mulf %get3A_321, %get3A_326 : vector<16xf32>
      %add3A_328 = arith.addf %add3A_280, %mul3A_327 : vector<16xf32>
      %get3A_329 = arith.constant 5 : i32
      %get3A_330 = arith.index_cast %get3A_329 : i32 to index
      %get3A_331 = arith.index_cast %multiple_of3A : i32 to index
      %get3A_332 = tpu.vector_load %arg5[%get3A_330, %get3A_331] {strides = array<i32>} : memref<64x512xf32, #tpu.memory_space<vmem>>, vector<1x16xf32>,
      %get3A_333 = vector.shape_cast %get3A_332 : vector<1x16xf32> to vector<16xf32>
      %get3A_334 = arith.constant 5 : i32
      %get3A_335 = arith.index_cast %get3A_334 : i32 to index
      %get3A_336 = arith.index_cast %multiple_of3A : i32 to index
      %get3A_337 = tpu.vector_load %arg6[%get3A_335, %get3A_336] {strides = array<i32>} : memref<64x512xf32, #tpu.memory_space<vmem>>, vector<1x16xf32>,
      %get3A_338 = vector.shape_cast %get3A_337 : vector<1x16xf32> to vector<16xf32>
      %mul3A_339 = arith.mulf %get3A_333, %get3A_338 : vector<16xf32>
      %add3A_340 = arith.addf %add3A_292, %mul3A_339 : vector<16xf32>
      %get3A_341 = arith.constant 6 : i32
      %get3A_342 = arith.index_cast %get3A_341 : i32 to index
      %get3A_343 = arith.index_cast %multiple_of3A : i32 to index
      %get3A_344 = tpu.vector_load %arg5[%get3A_342, %get3A_343] {strides = array<i32>} : memref<64x512xf32, #tpu.memory_space<vmem>>, vector<1x16xf32>,
      %get3A_345 = vector.shape_cast %get3A_344 : vector<1x16xf32> to vector<16xf32>
      %get3A_346 = arith.constant 6 : i32
      %get3A_347 = arith.index_cast %get3A_346 : i32 to index
      %get3A_348 = arith.index_cast %multiple_of3A : i32 to index
      %get3A_349 = tpu.vector_load %arg6[%get3A_347, %get3A_348] {strides = array<i32>} : memref<64x512xf32, #tpu.memory_space<vmem>>, vector<1x16xf32>,
      %get3A_350 = vector.shape_cast %get3A_349 : vector<1x16xf32> to vector<16xf32>
      %mul3A_351 = arith.mulf %get3A_345, %get3A_350 : vector<16xf32>
      %add3A_352 = arith.addf %add3A_304, %mul3A_351 : vector<16xf32>
      %get3A_353 = arith.constant 7 : i32
      %get3A_354 = arith.index_cast %get3A_353 : i32 to index
      %get3A_355 = arith.index_cast %multiple_of3A : i32 to index
      %get3A_356 = tpu.vector_load %arg5[%get3A_354, %get3A_355] {strides = array<i32>} : memref<64x512xf32, #tpu.memory_space<vmem>>, vector<1x16xf32>,
      %get3A_357 = vector.shape_cast %get3A_356 : vector<1x16xf32> to vector<16xf32>
      %get3A_358 = arith.constant 7 : i32
      %get3A_359 = arith.index_cast %get3A_358 : i32 to index
      %get3A_360 = arith.index_cast %multiple_of3A : i32 to index
      %get3A_361 = tpu.vector_load %arg6[%get3A_359, %get3A_360] {strides = array<i32>} : memref<64x512xf32, #tpu.memory_space<vmem>>, vector<1x16xf32>,
      %get3A_362 = vector.shape_cast %get3A_361 : vector<1x16xf32> to vector<16xf32>
      %mul3A_363 = arith.mulf %get3A_357, %get3A_362 : vector<16xf32>
      %add3A_364 = arith.addf %add3A_316, %mul3A_363 : vector<16xf32>
      %get3A_365 = arith.constant 8 : i32
      %get3A_366 = arith.index_cast %get3A_365 : i32 to index
      %get3A_367 = arith.index_cast %multiple_of3A : i32 to index
      %get3A_368 = tpu.vector_load %arg5[%get3A_366, %get3A_367] {strides = array<i32>} : memref<64x512xf32, #tpu.memory_space<vmem>>, vector<1x16xf32>,
      %get3A_369 = vector.shape_cast %get3A_368 : vector<1x16xf32> to vector<16xf32>
      %get3A_370 = arith.constant 8 : i32
      %get3A_371 = arith.index_cast %get3A_370 : i32 to index
      %get3A_372 = arith.index_cast %multiple_of3A : i32 to index
      %get3A_373 = tpu.vector_load %arg6[%get3A_371, %get3A_372] {strides = array<i32>} : memref<64x512xf32, #tpu.memory_space<vmem>>, vector<1x16xf32>,
      %get3A_374 = vector.shape_cast %get3A_373 : vector<1x16xf32> to vector<16xf32>
      %mul3A_375 = arith.mulf %get3A_369, %get3A_374 : vector<16xf32>
      %add3A_376 = arith.addf %add3A_328, %mul3A_375 : vector<16xf32>
      %get3A_377 = arith.constant 9 : i32
      %get3A_378 = arith.index_cast %get3A_377 : i32 to index
      %get3A_379 = arith.index_cast %multiple_of3A : i32 to index
      %get3A_380 = tpu.vector_load %arg5[%get3A_378, %get3A_379] {strides = array<i32>} : memref<64x512xf32, #tpu.memory_space<vmem>>, vector<1x16xf32>,
      %get3A_381 = vector.shape_cast %get3A_380 : vector<1x16xf32> to vector<16xf32>
      %get3A_382 = arith.constant 9 : i32
      %get3A_383 = arith.index_cast %get3A_382 : i32 to index
      %get3A_384 = arith.index_cast %multiple_of3A : i32 to index
      %get3A_385 = tpu.vector_load %arg6[%get3A_383, %get3A_384] {strides = array<i32>} : memref<64x512xf32, #tpu.memory_space<vmem>>, vector<1x16xf32>,
      %get3A_386 = vector.shape_cast %get3A_385 : vector<1x16xf32> to vector<16xf32>
      %mul3A_387 = arith.mulf %get3A_381, %get3A_386 : vector<16xf32>
      %add3A_388 = arith.addf %add3A_340, %mul3A_387 : vector<16xf32>
      %get3A_389 = arith.constant 10 : i32
      %get3A_390 = arith.index_cast %get3A_389 : i32 to index
      %get3A_391 = arith.index_cast %multiple_of3A : i32 to index
      %get3A_392 = tpu.vector_load %arg5[%get3A_390, %get3A_391] {strides = array<i32>} : memref<64x512xf32, #tpu.memory_space<vmem>>, vector<1x16xf32>,
      %get3A_393 = vector.shape_cast %get3A_392 : vector<1x16xf32> to vector<16xf32>
      %get3A_394 = arith.constant 10 : i32
      %get3A_395 = arith.index_cast %get3A_394 : i32 to index
      %get3A_396 = arith.index_cast %multiple_of3A : i32 to index
      %get3A_397 = tpu.vector_load %arg6[%get3A_395, %get3A_396] {strides = array<i32>} : memref<64x512xf32, #tpu.memory_space<vmem>>, vector<1x16xf32>,
      %get3A_398 = vector.shape_cast %get3A_397 : vector<1x16xf32> to vector<16xf32>
      %mul3A_399 = arith.mulf %get3A_393, %get3A_398 : vector<16xf32>
      %add3A_400 = arith.addf %add3A_352, %mul3A_399 : vector<16xf32>
      %get3A_401 = arith.constant 11 : i32
      %get3A_402 = arith.index_cast %get3A_401 : i32 to index
      %get3A_403 = arith.index_cast %multiple_of3A : i32 to index
      %get3A_404 = tpu.vector_load %arg5[%get3A_402, %get3A_403] {strides = array<i32>} : memref<64x512xf32, #tpu.memory_space<vmem>>, vector<1x16xf32>,
      %get3A_405 = vector.shape_cast %get3A_404 : vector<1x16xf32> to vector<16xf32>
      %get3A_406 = arith.constant 11 : i32
      %get3A_407 = arith.index_cast %get3A_406 : i32 to index
      %get3A_408 = arith.index_cast %multiple_of3A : i32 to index
      %get3A_409 = tpu.vector_load %arg6[%get3A_407, %get3A_408] {strides = array<i32>} : memref<64x512xf32, #tpu.memory_space<vmem>>, vector<1x16xf32>,
      %get3A_410 = vector.shape_cast %get3A_409 : vector<1x16xf32> to vector<16xf32>
      %mul3A_411 = arith.mulf %get3A_405, %get3A_410 : vector<16xf32>
      %add3A_412 = arith.addf %add3A_364, %mul3A_411 : vector<16xf32>
      %get3A_413 = arith.constant 12 : i32
      %get3A_414 = arith.index_cast %get3A_413 : i32 to index
      %get3A_415 = arith.index_cast %multiple_of3A : i32 to index
      %get3A_416 = tpu.vector_load %arg5[%get3A_414, %get3A_415] {strides = array<i32>} : memref<64x512xf32, #tpu.memory_space<vmem>>, vector<1x16xf32>,
      %get3A_417 = vector.shape_cast %get3A_416 : vector<1x16xf32> to vector<16xf32>
      %get3A_418 = arith.constant 12 : i32
      %get3A_419 = arith.index_cast %get3A_418 : i32 to index
      %get3A_420 = arith.index_cast %multiple_of3A : i32 to index
      %get3A_421 = tpu.vector_load %arg6[%get3A_419, %get3A_420] {strides = array<i32>} : memref<64x512xf32, #tpu.memory_space<vmem>>, vector<1x16xf32>,
      %get3A_422 = vector.shape_cast %get3A_421 : vector<1x16xf32> to vector<16xf32>
      %mul3A_423 = arith.mulf %get3A_417, %get3A_422 : vector<16xf32>
      %add3A_424 = arith.addf %add3A_376, %mul3A_423 : vector<16xf32>
      %get3A_425 = arith.constant 13 : i32
      %get3A_426 = arith.index_cast %get3A_425 : i32 to index
      %get3A_427 = arith.index_cast %multiple_of3A : i32 to index
      %get3A_428 = tpu.vector_load %arg5[%get3A_426, %get3A_427] {strides = array<i32>} : memref<64x512xf32, #tpu.memory_space<vmem>>, vector<1x16xf32>,
      %get3A_429 = vector.shape_cast %get3A_428 : vector<1x16xf32> to vector<16xf32>
      %get3A_430 = arith.constant 13 : i32
      %get3A_431 = arith.index_cast %get3A_430 : i32 to index
      %get3A_432 = arith.index_cast %multiple_of3A : i32 to index
      %get3A_433 = tpu.vector_load %arg6[%get3A_431, %get3A_432] {strides = array<i32>} : memref<64x512xf32, #tpu.memory_space<vmem>>, vector<1x16xf32>,
      %get3A_434 = vector.shape_cast %get3A_433 : vector<1x16xf32> to vector<16xf32>
      %mul3A_435 = arith.mulf %get3A_429, %get3A_434 : vector<16xf32>
      %add3A_436 = arith.addf %add3A_388, %mul3A_435 : vector<16xf32>
      %get3A_437 = arith.constant 14 : i32
      %get3A_438 = arith.index_cast %get3A_437 : i32 to index
      %get3A_439 = arith.index_cast %multiple_of3A : i32 to index
      %get3A_440 = tpu.vector_load %arg5[%get3A_438, %get3A_439] {strides = array<i32>} : memref<64x512xf32, #tpu.memory_space<vmem>>, vector<1x16xf32>,
      %get3A_441 = vector.shape_cast %get3A_440 : vector<1x16xf32> to vector<16xf32>
      %get3A_442 = arith.constant 14 : i32
      %get3A_443 = arith.index_cast %get3A_442 : i32 to index
      %get3A_444 = arith.index_cast %multiple_of3A : i32 to index
      %get3A_445 = tpu.vector_load %arg6[%get3A_443, %get3A_444] {strides = array<i32>} : memref<64x512xf32, #tpu.memory_space<vmem>>, vector<1x16xf32>,
      %get3A_446 = vector.shape_cast %get3A_445 : vector<1x16xf32> to vector<16xf32>
      %mul3A_447 = arith.mulf %get3A_441, %get3A_446 : vector<16xf32>
      %add3A_448 = arith.addf %add3A_400, %mul3A_447 : vector<16xf32>
      %get3A_449 = arith.constant 15 : i32
      %get3A_450 = arith.index_cast %get3A_449 : i32 to index
      %get3A_451 = arith.index_cast %multiple_of3A : i32 to index
      %get3A_452 = tpu.vector_load %arg5[%get3A_450, %get3A_451] {strides = array<i32>} : memref<64x512xf32, #tpu.memory_space<vmem>>, vector<1x16xf32>,
      %get3A_453 = vector.shape_cast %get3A_452 : vector<1x16xf32> to vector<16xf32>
      %get3A_454 = arith.constant 15 : i32
      %get3A_455 = arith.index_cast %get3A_454 : i32 to index
      %get3A_456 = arith.index_cast %multiple_of3A : i32 to index
      %get3A_457 = tpu.vector_load %arg6[%get3A_455, %get3A_456] {strides = array<i32>} : memref<64x512xf32, #tpu.memory_space<vmem>>, vector<1x16xf32>,
      %get3A_458 = vector.shape_cast %get3A_457 : vector<1x16xf32> to vector<16xf32>
      %mul3A_459 = arith.mulf %get3A_453, %get3A_458 : vector<16xf32>
      %add3A_460 = arith.addf %add3A_412, %mul3A_459 : vector<16xf32>
      %get3A_461 = arith.constant 16 : i32
      %get3A_462 = arith.index_cast %get3A_461 : i32 to index
      %get3A_463 = arith.index_cast %multiple_of3A : i32 to index
      %get3A_464 = tpu.vector_load %arg5[%get3A_462, %get3A_463] {strides = array<i32>} : memref<64x512xf32, #tpu.memory_space<vmem>>, vector<1x16xf32>,
      %get3A_465 = vector.shape_cast %get3A_464 : vector<1x16xf32> to vector<16xf32>
      %get3A_466 = arith.constant 16 : i32
      %get3A_467 = arith.index_cast %get3A_466 : i32 to index
      %get3A_468 = arith.index_cast %multiple_of3A : i32 to index
      %get3A_469 = tpu.vector_load %arg6[%get3A_467, %get3A_468] {strides = array<i32>} : memref<64x512xf32, #tpu.memory_space<vmem>>, vector<1x16xf32>,
      %get3A_470 = vector.shape_cast %get3A_469 : vector<1x16xf32> to vector<16xf32>
      %mul3A_471 = arith.mulf %get3A_465, %get3A_470 : vector<16xf32>
      %add3A_472 = arith.addf %add3A_424, %mul3A_471 : vector<16xf32>
      %get3A_473 = arith.constant 17 : i32
      %get3A_474 = arith.index_cast %get3A_473 : i32 to index
      %get3A_475 = arith.index_cast %multiple_of3A : i32 to index
      %get3A_476 = tpu.vector_load %arg5[%get3A_474, %get3A_475] {strides = array<i32>} : memref<64x512xf32, #tpu.memory_space<vmem>>, vector<1x16xf32>,
      %get3A_477 = vector.shape_cast %get3A_476 : vector<1x16xf32> to vector<16xf32>
      %get3A_478 = arith.constant 17 : i32
      %get3A_479 = arith.index_cast %get3A_478 : i32 to index
      %get3A_480 = arith.index_cast %multiple_of3A : i32 to index
      %get3A_481 = tpu.vector_load %arg6[%get3A_479, %get3A_480] {strides = array<i32>} : memref<64x512xf32, #tpu.memory_space<vmem>>, vector<1x16xf32>,
      %get3A_482 = vector.shape_cast %get3A_481 : vector<1x16xf32> to vector<16xf32>
      %mul3A_483 = arith.mulf %get3A_477, %get3A_482 : vector<16xf32>
      %add3A_484 = arith.addf %add3A_436, %mul3A_483 : vector<16xf32>
      %get3A_485 = arith.constant 18 : i32
      %get3A_486 = arith.index_cast %get3A_485 : i32 to index
      %get3A_487 = arith.index_cast %multiple_of3A : i32 to index
      %get3A_488 = tpu.vector_load %arg5[%get3A_486, %get3A_487] {strides = array<i32>} : memref<64x512xf32, #tpu.memory_space<vmem>>, vector<1x16xf32>,
      %get3A_489 = vector.shape_cast %get3A_488 : vector<1x16xf32> to vector<16xf32>
      %get3A_490 = arith.constant 18 : i32
      %get3A_491 = arith.index_cast %get3A_490 : i32 to index
      %get3A_492 = arith.index_cast %multiple_of3A : i32 to index
      %get3A_493 = tpu.vector_load %arg6[%get3A_491, %get3A_492] {strides = array<i32>} : memref<64x512xf32, #tpu.memory_space<vmem>>, vector<1x16xf32>,
      %get3A_494 = vector.shape_cast %get3A_493 : vector<1x16xf32> to vector<16xf32>
      %mul3A_495 = arith.mulf %get3A_489, %get3A_494 : vector<16xf32>
      %add3A_496 = arith.addf %add3A_448, %mul3A_495 : vector<16xf32>
      %get3A_497 = arith.constant 19 : i32
      %get3A_498 = arith.index_cast %get3A_497 : i32 to index
      %get3A_499 = arith.index_cast %multiple_of3A : i32 to index
      %get3A_500 = tpu.vector_load %arg5[%get3A_498, %get3A_499] {strides = array<i32>} : memref<64x512xf32, #tpu.memory_space<vmem>>, vector<1x16xf32>,
      %get3A_501 = vector.shape_cast %get3A_500 : vector<1x16xf32> to vector<16xf32>
      %get3A_502 = arith.constant 19 : i32
      %get3A_503 = arith.index_cast %get3A_502 : i32 to index
      %get3A_504 = arith.index_cast %multiple_of3A : i32 to index
      %get3A_505 = tpu.vector_load %arg6[%get3A_503, %get3A_504] {strides = array<i32>} : memref<64x512xf32, #tpu.memory_space<vmem>>, vector<1x16xf32>,
      %get3A_506 = vector.shape_cast %get3A_505 : vector<1x16xf32> to vector<16xf32>
      %mul3A_507 = arith.mulf %get3A_501, %get3A_506 : vector<16xf32>
      %add3A_508 = arith.addf %add3A_460, %mul3A_507 : vector<16xf32>
      %get3A_509 = arith.constant 20 : i32
      %get3A_510 = arith.index_cast %get3A_509 : i32 to index
      %get3A_511 = arith.index_cast %multiple_of3A : i32 to index
      %get3A_512 = tpu.vector_load %arg5[%get3A_510, %get3A_511] {strides = array<i32>} : memref<64x512xf32, #tpu.memory_space<vmem>>, vector<1x16xf32>,
      %get3A_513 = vector.shape_cast %get3A_512 : vector<1x16xf32> to vector<16xf32>
      %get3A_514 = arith.constant 20 : i32
      %get3A_515 = arith.index_cast %get3A_514 : i32 to index
      %get3A_516 = arith.index_cast %multiple_of3A : i32 to index
      %get3A_517 = tpu.vector_load %arg6[%get3A_515, %get3A_516] {strides = array<i32>} : memref<64x512xf32, #tpu.memory_space<vmem>>, vector<1x16xf32>,
      %get3A_518 = vector.shape_cast %get3A_517 : vector<1x16xf32> to vector<16xf32>
      %mul3A_519 = arith.mulf %get3A_513, %get3A_518 : vector<16xf32>
      %add3A_520 = arith.addf %add3A_472, %mul3A_519 : vector<16xf32>
      %get3A_521 = arith.constant 21 : i32
      %get3A_522 = arith.index_cast %get3A_521 : i32 to index
      %get3A_523 = arith.index_cast %multiple_of3A : i32 to index
      %get3A_524 = tpu.vector_load %arg5[%get3A_522, %get3A_523] {strides = array<i32>} : memref<64x512xf32, #tpu.memory_space<vmem>>, vector<1x16xf32>,
      %get3A_525 = vector.shape_cast %get3A_524 : vector<1x16xf32> to vector<16xf32>
      %get3A_526 = arith.constant 21 : i32
      %get3A_527 = arith.index_cast %get3A_526 : i32 to index
      %get3A_528 = arith.index_cast %multiple_of3A : i32 to index
      %get3A_529 = tpu.vector_load %arg6[%get3A_527, %get3A_528] {strides = array<i32>} : memref<64x512xf32, #tpu.memory_space<vmem>>, vector<1x16xf32>,
      %get3A_530 = vector.shape_cast %get3A_529 : vector<1x16xf32> to vector<16xf32>
      %mul3A_531 = arith.mulf %get3A_525, %get3A_530 : vector<16xf32>
      %add3A_532 = arith.addf %add3A_484, %mul3A_531 : vector<16xf32>
      %get3A_533 = arith.constant 22 : i32
      %get3A_534 = arith.index_cast %get3A_533 : i32 to index
      %get3A_535 = arith.index_cast %multiple_of3A : i32 to index
      %get3A_536 = tpu.vector_load %arg5[%get3A_534, %get3A_535] {strides = array<i32>} : memref<64x512xf32, #tpu.memory_space<vmem>>, vector<1x16xf32>,
      %get3A_537 = vector.shape_cast %get3A_536 : vector<1x16xf32> to vector<16xf32>
      %get3A_538 = arith.constant 22 : i32
      %get3A_539 = arith.index_cast %get3A_538 : i32 to index
      %get3A_540 = arith.index_cast %multiple_of3A : i32 to index
      %get3A_541 = tpu.vector_load %arg6[%get3A_539, %get3A_540] {strides = array<i32>} : memref<64x512xf32, #tpu.memory_space<vmem>>, vector<1x16xf32>,
      %get3A_542 = vector.shape_cast %get3A_541 : vector<1x16xf32> to vector<16xf32>
      %mul3A_543 = arith.mulf %get3A_537, %get3A_542 : vector<16xf32>
      %add3A_544 = arith.addf %add3A_496, %mul3A_543 : vector<16xf32>
      %get3A_545 = arith.constant 23 : i32
      %get3A_546 = arith.index_cast %get3A_545 : i32 to index
      %get3A_547 = arith.index_cast %multiple_of3A : i32 to index
      %get3A_548 = tpu.vector_load %arg5[%get3A_546, %get3A_547] {strides = array<i32>} : memref<64x512xf32, #tpu.memory_space<vmem>>, vector<1x16xf32>,
      %get3A_549 = vector.shape_cast %get3A_548 : vector<1x16xf32> to vector<16xf32>
      %get3A_550 = arith.constant 23 : i32
      %get3A_551 = arith.index_cast %get3A_550 : i32 to index
      %get3A_552 = arith.index_cast %multiple_of3A : i32 to index
      %get3A_553 = tpu.vector_load %arg6[%get3A_551, %get3A_552] {strides = array<i32>} : memref<64x512xf32, #tpu.memory_space<vmem>>, vector<1x16xf32>,
      %get3A_554 = vector.shape_cast %get3A_553 : vector<1x16xf32> to vector<16xf32>
      %mul3A_555 = arith.mulf %get3A_549, %get3A_554 : vector<16xf32>
      %add3A_556 = arith.addf %add3A_508, %mul3A_555 : vector<16xf32>
      %get3A_557 = arith.constant 24 : i32
      %get3A_558 = arith.index_cast %get3A_557 : i32 to index
      %get3A_559 = arith.index_cast %multiple_of3A : i32 to index
      %get3A_560 = tpu.vector_load %arg5[%get3A_558, %get3A_559] {strides = array<i32>} : memref<64x512xf32, #tpu.memory_space<vmem>>, vector<1x16xf32>,
      %get3A_561 = vector.shape_cast %get3A_560 : vector<1x16xf32> to vector<16xf32>
      %get3A_562 = arith.constant 24 : i32
      %get3A_563 = arith.index_cast %get3A_562 : i32 to index
      %get3A_564 = arith.index_cast %multiple_of3A : i32 to index
      %get3A_565 = tpu.vector_load %arg6[%get3A_563, %get3A_564] {strides = array<i32>} : memref<64x512xf32, #tpu.memory_space<vmem>>, vector<1x16xf32>,
      %get3A_566 = vector.shape_cast %get3A_565 : vector<1x16xf32> to vector<16xf32>
      %mul3A_567 = arith.mulf %get3A_561, %get3A_566 : vector<16xf32>
      %add3A_568 = arith.addf %add3A_520, %mul3A_567 : vector<16xf32>
      %get3A_569 = arith.constant 25 : i32
      %get3A_570 = arith.index_cast %get3A_569 : i32 to index
      %get3A_571 = arith.index_cast %multiple_of3A : i32 to index
      %get3A_572 = tpu.vector_load %arg5[%get3A_570, %get3A_571] {strides = array<i32>} : memref<64x512xf32, #tpu.memory_space<vmem>>, vector<1x16xf32>,
      %get3A_573 = vector.shape_cast %get3A_572 : vector<1x16xf32> to vector<16xf32>
      %get3A_574 = arith.constant 25 : i32
      %get3A_575 = arith.index_cast %get3A_574 : i32 to index
      %get3A_576 = arith.index_cast %multiple_of3A : i32 to index
      %get3A_577 = tpu.vector_load %arg6[%get3A_575, %get3A_576] {strides = array<i32>} : memref<64x512xf32, #tpu.memory_space<vmem>>, vector<1x16xf32>,
      %get3A_578 = vector.shape_cast %get3A_577 : vector<1x16xf32> to vector<16xf32>
      %mul3A_579 = arith.mulf %get3A_573, %get3A_578 : vector<16xf32>
      %add3A_580 = arith.addf %add3A_532, %mul3A_579 : vector<16xf32>
      %get3A_581 = arith.constant 26 : i32
      %get3A_582 = arith.index_cast %get3A_581 : i32 to index
      %get3A_583 = arith.index_cast %multiple_of3A : i32 to index
      %get3A_584 = tpu.vector_load %arg5[%get3A_582, %get3A_583] {strides = array<i32>} : memref<64x512xf32, #tpu.memory_space<vmem>>, vector<1x16xf32>,
      %get3A_585 = vector.shape_cast %get3A_584 : vector<1x16xf32> to vector<16xf32>
      %get3A_586 = arith.constant 26 : i32
      %get3A_587 = arith.index_cast %get3A_586 : i32 to index
      %get3A_588 = arith.index_cast %multiple_of3A : i32 to index
      %get3A_589 = tpu.vector_load %arg6[%get3A_587, %get3A_588] {strides = array<i32>} : memref<64x512xf32, #tpu.memory_space<vmem>>, vector<1x16xf32>,
      %get3A_590 = vector.shape_cast %get3A_589 : vector<1x16xf32> to vector<16xf32>
      %mul3A_591 = arith.mulf %get3A_585, %get3A_590 : vector<16xf32>
      %add3A_592 = arith.addf %add3A_544, %mul3A_591 : vector<16xf32>
      %get3A_593 = arith.constant 27 : i32
      %get3A_594 = arith.index_cast %get3A_593 : i32 to index
      %get3A_595 = arith.index_cast %multiple_of3A : i32 to index
      %get3A_596 = tpu.vector_load %arg5[%get3A_594, %get3A_595] {strides = array<i32>} : memref<64x512xf32, #tpu.memory_space<vmem>>, vector<1x16xf32>,
      %get3A_597 = vector.shape_cast %get3A_596 : vector<1x16xf32> to vector<16xf32>
      %get3A_598 = arith.constant 27 : i32
      %get3A_599 = arith.index_cast %get3A_598 : i32 to index
      %get3A_600 = arith.index_cast %multiple_of3A : i32 to index
      %get3A_601 = tpu.vector_load %arg6[%get3A_599, %get3A_600] {strides = array<i32>} : memref<64x512xf32, #tpu.memory_space<vmem>>, vector<1x16xf32>,
      %get3A_602 = vector.shape_cast %get3A_601 : vector<1x16xf32> to vector<16xf32>
      %mul3A_603 = arith.mulf %get3A_597, %get3A_602 : vector<16xf32>
      %add3A_604 = arith.addf %add3A_556, %mul3A_603 : vector<16xf32>
      %get3A_605 = arith.constant 28 : i32
      %get3A_606 = arith.index_cast %get3A_605 : i32 to index
      %get3A_607 = arith.index_cast %multiple_of3A : i32 to index
      %get3A_608 = tpu.vector_load %arg5[%get3A_606, %get3A_607] {strides = array<i32>} : memref<64x512xf32, #tpu.memory_space<vmem>>, vector<1x16xf32>,
      %get3A_609 = vector.shape_cast %get3A_608 : vector<1x16xf32> to vector<16xf32>
      %get3A_610 = arith.constant 28 : i32
      %get3A_611 = arith.index_cast %get3A_610 : i32 to index
      %get3A_612 = arith.index_cast %multiple_of3A : i32 to index
      %get3A_613 = tpu.vector_load %arg6[%get3A_611, %get3A_612] {strides = array<i32>} : memref<64x512xf32, #tpu.memory_space<vmem>>, vector<1x16xf32>,
      %get3A_614 = vector.shape_cast %get3A_613 : vector<1x16xf32> to vector<16xf32>
      %mul3A_615 = arith.mulf %get3A_609, %get3A_614 : vector<16xf32>
      %add3A_616 = arith.addf %add3A_568, %mul3A_615 : vector<16xf32>
      %get3A_617 = arith.constant 29 : i32
      %get3A_618 = arith.index_cast %get3A_617 : i32 to index
      %get3A_619 = arith.index_cast %multiple_of3A : i32 to index
      %get3A_620 = tpu.vector_load %arg5[%get3A_618, %get3A_619] {strides = array<i32>} : memref<64x512xf32, #tpu.memory_space<vmem>>, vector<1x16xf32>,
      %get3A_621 = vector.shape_cast %get3A_620 : vector<1x16xf32> to vector<16xf32>
      %get3A_622 = arith.constant 29 : i32
      %get3A_623 = arith.index_cast %get3A_622 : i32 to index
      %get3A_624 = arith.index_cast %multiple_of3A : i32 to index
      %get3A_625 = tpu.vector_load %arg6[%get3A_623, %get3A_624] {strides = array<i32>} : memref<64x512xf32, #tpu.memory_space<vmem>>, vector<1x16xf32>,
      %get3A_626 = vector.shape_cast %get3A_625 : vector<1x16xf32> to vector<16xf32>
      %mul3A_627 = arith.mulf %get3A_621, %get3A_626 : vector<16xf32>
      %add3A_628 = arith.addf %add3A_580, %mul3A_627 : vector<16xf32>
      %get3A_629 = arith.constant 30 : i32
      %get3A_630 = arith.index_cast %get3A_629 : i32 to index
      %get3A_631 = arith.index_cast %multiple_of3A : i32 to index
      %get3A_632 = tpu.vector_load %arg5[%get3A_630, %get3A_631] {strides = array<i32>} : memref<64x512xf32, #tpu.memory_space<vmem>>, vector<1x16xf32>,
      %get3A_633 = vector.shape_cast %get3A_632 : vector<1x16xf32> to vector<16xf32>
      %get3A_634 = arith.constant 30 : i32
      %get3A_635 = arith.index_cast %get3A_634 : i32 to index
      %get3A_636 = arith.index_cast %multiple_of3A : i32 to index
      %get3A_637 = tpu.vector_load %arg6[%get3A_635, %get3A_636] {strides = array<i32>} : memref<64x512xf32, #tpu.memory_space<vmem>>, vector<1x16xf32>,
      %get3A_638 = vector.shape_cast %get3A_637 : vector<1x16xf32> to vector<16xf32>
      %mul3A_639 = arith.mulf %get3A_633, %get3A_638 : vector<16xf32>
      %add3A_640 = arith.addf %add3A_592, %mul3A_639 : vector<16xf32>
      %get3A_641 = arith.constant 31 : i32
      %get3A_642 = arith.index_cast %get3A_641 : i32 to index
      %get3A_643 = arith.index_cast %multiple_of3A : i32 to index
      %get3A_644 = tpu.vector_load %arg5[%get3A_642, %get3A_643] {strides = array<i32>} : memref<64x512xf32, #tpu.memory_space<vmem>>, vector<1x16xf32>,
      %get3A_645 = vector.shape_cast %get3A_644 : vector<1x16xf32> to vector<16xf32>
      %get3A_646 = arith.constant 31 : i32
      %get3A_647 = arith.index_cast %get3A_646 : i32 to index
      %get3A_648 = arith.index_cast %multiple_of3A : i32 to index
      %get3A_649 = tpu.vector_load %arg6[%get3A_647, %get3A_648] {strides = array<i32>} : memref<64x512xf32, #tpu.memory_space<vmem>>, vector<1x16xf32>,
      %get3A_650 = vector.shape_cast %get3A_649 : vector<1x16xf32> to vector<16xf32>
      %mul3A_651 = arith.mulf %get3A_645, %get3A_650 : vector<16xf32>
      %add3A_652 = arith.addf %add3A_604, %mul3A_651 : vector<16xf32>
      %get3A_653 = arith.constant 32 : i32
      %get3A_654 = arith.index_cast %get3A_653 : i32 to index
      %get3A_655 = arith.index_cast %multiple_of3A : i32 to index
      %get3A_656 = tpu.vector_load %arg5[%get3A_654, %get3A_655] {strides = array<i32>} : memref<64x512xf32, #tpu.memory_space<vmem>>, vector<1x16xf32>,
      %get3A_657 = vector.shape_cast %get3A_656 : vector<1x16xf32> to vector<16xf32>
      %get3A_658 = arith.constant 32 : i32
      %get3A_659 = arith.index_cast %get3A_658 : i32 to index
      %get3A_660 = arith.index_cast %multiple_of3A : i32 to index
      %get3A_661 = tpu.vector_load %arg6[%get3A_659, %get3A_660] {strides = array<i32>} : memref<64x512xf32, #tpu.memory_space<vmem>>, vector<1x16xf32>,
      %get3A_662 = vector.shape_cast %get3A_661 : vector<1x16xf32> to vector<16xf32>
      %mul3A_663 = arith.mulf %get3A_657, %get3A_662 : vector<16xf32>
      %add3A_664 = arith.addf %add3A_616, %mul3A_663 : vector<16xf32>
      %get3A_665 = arith.constant 33 : i32
      %get3A_666 = arith.index_cast %get3A_665 : i32 to index
      %get3A_667 = arith.index_cast %multiple_of3A : i32 to index
      %get3A_668 = tpu.vector_load %arg5[%get3A_666, %get3A_667] {strides = array<i32>} : memref<64x512xf32, #tpu.memory_space<vmem>>, vector<1x16xf32>,
      %get3A_669 = vector.shape_cast %get3A_668 : vector<1x16xf32> to vector<16xf32>
      %get3A_670 = arith.constant 33 : i32
      %get3A_671 = arith.index_cast %get3A_670 : i32 to index
      %get3A_672 = arith.index_cast %multiple_of3A : i32 to index
      %get3A_673 = tpu.vector_load %arg6[%get3A_671, %get3A_672] {strides = array<i32>} : memref<64x512xf32, #tpu.memory_space<vmem>>, vector<1x16xf32>,
      %get3A_674 = vector.shape_cast %get3A_673 : vector<1x16xf32> to vector<16xf32>
      %mul3A_675 = arith.mulf %get3A_669, %get3A_674 : vector<16xf32>
      %add3A_676 = arith.addf %add3A_628, %mul3A_675 : vector<16xf32>
      %get3A_677 = arith.constant 34 : i32
      %get3A_678 = arith.index_cast %get3A_677 : i32 to index
      %get3A_679 = arith.index_cast %multiple_of3A : i32 to index
      %get3A_680 = tpu.vector_load %arg5[%get3A_678, %get3A_679] {strides = array<i32>} : memref<64x512xf32, #tpu.memory_space<vmem>>, vector<1x16xf32>,
      %get3A_681 = vector.shape_cast %get3A_680 : vector<1x16xf32> to vector<16xf32>
      %get3A_682 = arith.constant 34 : i32
      %get3A_683 = arith.index_cast %get3A_682 : i32 to index
      %get3A_684 = arith.index_cast %multiple_of3A : i32 to index
      %get3A_685 = tpu.vector_load %arg6[%get3A_683, %get3A_684] {strides = array<i32>} : memref<64x512xf32, #tpu.memory_space<vmem>>, vector<1x16xf32>,
      %get3A_686 = vector.shape_cast %get3A_685 : vector<1x16xf32> to vector<16xf32>
      %mul3A_687 = arith.mulf %get3A_681, %get3A_686 : vector<16xf32>
      %add3A_688 = arith.addf %add3A_640, %mul3A_687 : vector<16xf32>
      %get3A_689 = arith.constant 35 : i32
      %get3A_690 = arith.index_cast %get3A_689 : i32 to index
      %get3A_691 = arith.index_cast %multiple_of3A : i32 to index
      %get3A_692 = tpu.vector_load %arg5[%get3A_690, %get3A_691] {strides = array<i32>} : memref<64x512xf32, #tpu.memory_space<vmem>>, vector<1x16xf32>,
      %get3A_693 = vector.shape_cast %get3A_692 : vector<1x16xf32> to vector<16xf32>
      %get3A_694 = arith.constant 35 : i32
      %get3A_695 = arith.index_cast %get3A_694 : i32 to index
      %get3A_696 = arith.index_cast %multiple_of3A : i32 to index
      %get3A_697 = tpu.vector_load %arg6[%get3A_695, %get3A_696] {strides = array<i32>} : memref<64x512xf32, #tpu.memory_space<vmem>>, vector<1x16xf32>,
      %get3A_698 = vector.shape_cast %get3A_697 : vector<1x16xf32> to vector<16xf32>
      %mul3A_699 = arith.mulf %get3A_693, %get3A_698 : vector<16xf32>
      %add3A_700 = arith.addf %add3A_652, %mul3A_699 : vector<16xf32>
      %get3A_701 = arith.constant 36 : i32
      %get3A_702 = arith.index_cast %get3A_701 : i32 to index
      %get3A_703 = arith.index_cast %multiple_of3A : i32 to index
      %get3A_704 = tpu.vector_load %arg5[%get3A_702, %get3A_703] {strides = array<i32>} : memref<64x512xf32, #tpu.memory_space<vmem>>, vector<1x16xf32>,
      %get3A_705 = vector.shape_cast %get3A_704 : vector<1x16xf32> to vector<16xf32>
      %get3A_706 = arith.constant 36 : i32
      %get3A_707 = arith.index_cast %get3A_706 : i32 to index
      %get3A_708 = arith.index_cast %multiple_of3A : i32 to index
      %get3A_709 = tpu.vector_load %arg6[%get3A_707, %get3A_708] {strides = array<i32>} : memref<64x512xf32, #tpu.memory_space<vmem>>, vector<1x16xf32>,
      %get3A_710 = vector.shape_cast %get3A_709 : vector<1x16xf32> to vector<16xf32>
      %mul3A_711 = arith.mulf %get3A_705, %get3A_710 : vector<16xf32>
      %add3A_712 = arith.addf %add3A_664, %mul3A_711 : vector<16xf32>
      %get3A_713 = arith.constant 37 : i32
      %get3A_714 = arith.index_cast %get3A_713 : i32 to index
      %get3A_715 = arith.index_cast %multiple_of3A : i32 to index
      %get3A_716 = tpu.vector_load %arg5[%get3A_714, %get3A_715] {strides = array<i32>} : memref<64x512xf32, #tpu.memory_space<vmem>>, vector<1x16xf32>,
      %get3A_717 = vector.shape_cast %get3A_716 : vector<1x16xf32> to vector<16xf32>
      %get3A_718 = arith.constant 37 : i32
      %get3A_719 = arith.index_cast %get3A_718 : i32 to index
      %get3A_720 = arith.index_cast %multiple_of3A : i32 to index
      %get3A_721 = tpu.vector_load %arg6[%get3A_719, %get3A_720] {strides = array<i32>} : memref<64x512xf32, #tpu.memory_space<vmem>>, vector<1x16xf32>,
      %get3A_722 = vector.shape_cast %get3A_721 : vector<1x16xf32> to vector<16xf32>
      %mul3A_723 = arith.mulf %get3A_717, %get3A_722 : vector<16xf32>
      %add3A_724 = arith.addf %add3A_676, %mul3A_723 : vector<16xf32>
      %get3A_725 = arith.constant 38 : i32
      %get3A_726 = arith.index_cast %get3A_725 : i32 to index
      %get3A_727 = arith.index_cast %multiple_of3A : i32 to index
      %get3A_728 = tpu.vector_load %arg5[%get3A_726, %get3A_727] {strides = array<i32>} : memref<64x512xf32, #tpu.memory_space<vmem>>, vector<1x16xf32>,
      %get3A_729 = vector.shape_cast %get3A_728 : vector<1x16xf32> to vector<16xf32>
      %get3A_730 = arith.constant 38 : i32
      %get3A_731 = arith.index_cast %get3A_730 : i32 to index
      %get3A_732 = arith.index_cast %multiple_of3A : i32 to index
      %get3A_733 = tpu.vector_load %arg6[%get3A_731, %get3A_732] {strides = array<i32>} : memref<64x512xf32, #tpu.memory_space<vmem>>, vector<1x16xf32>,
      %get3A_734 = vector.shape_cast %get3A_733 : vector<1x16xf32> to vector<16xf32>
      %mul3A_735 = arith.mulf %get3A_729, %get3A_734 : vector<16xf32>
      %add3A_736 = arith.addf %add3A_688, %mul3A_735 : vector<16xf32>
      %get3A_737 = arith.constant 39 : i32
      %get3A_738 = arith.index_cast %get3A_737 : i32 to index
      %get3A_739 = arith.index_cast %multiple_of3A : i32 to index
      %get3A_740 = tpu.vector_load %arg5[%get3A_738, %get3A_739] {strides = array<i32>} : memref<64x512xf32, #tpu.memory_space<vmem>>, vector<1x16xf32>,
      %get3A_741 = vector.shape_cast %get3A_740 : vector<1x16xf32> to vector<16xf32>
      %get3A_742 = arith.constant 39 : i32
      %get3A_743 = arith.index_cast %get3A_742 : i32 to index
      %get3A_744 = arith.index_cast %multiple_of3A : i32 to index
      %get3A_745 = tpu.vector_load %arg6[%get3A_743, %get3A_744] {strides = array<i32>} : memref<64x512xf32, #tpu.memory_space<vmem>>, vector<1x16xf32>,
      %get3A_746 = vector.shape_cast %get3A_745 : vector<1x16xf32> to vector<16xf32>
      %mul3A_747 = arith.mulf %get3A_741, %get3A_746 : vector<16xf32>
      %add3A_748 = arith.addf %add3A_700, %mul3A_747 : vector<16xf32>
      %get3A_749 = arith.constant 40 : i32
      %get3A_750 = arith.index_cast %get3A_749 : i32 to index
      %get3A_751 = arith.index_cast %multiple_of3A : i32 to index
      %get3A_752 = tpu.vector_load %arg5[%get3A_750, %get3A_751] {strides = array<i32>} : memref<64x512xf32, #tpu.memory_space<vmem>>, vector<1x16xf32>,
      %get3A_753 = vector.shape_cast %get3A_752 : vector<1x16xf32> to vector<16xf32>
      %get3A_754 = arith.constant 40 : i32
      %get3A_755 = arith.index_cast %get3A_754 : i32 to index
      %get3A_756 = arith.index_cast %multiple_of3A : i32 to index
      %get3A_757 = tpu.vector_load %arg6[%get3A_755, %get3A_756] {strides = array<i32>} : memref<64x512xf32, #tpu.memory_space<vmem>>, vector<1x16xf32>,
      %get3A_758 = vector.shape_cast %get3A_757 : vector<1x16xf32> to vector<16xf32>
      %mul3A_759 = arith.mulf %get3A_753, %get3A_758 : vector<16xf32>
      %add3A_760 = arith.addf %add3A_712, %mul3A_759 : vector<16xf32>
      %get3A_761 = arith.constant 41 : i32
      %get3A_762 = arith.index_cast %get3A_761 : i32 to index
      %get3A_763 = arith.index_cast %multiple_of3A : i32 to index
      %get3A_764 = tpu.vector_load %arg5[%get3A_762, %get3A_763] {strides = array<i32>} : memref<64x512xf32, #tpu.memory_space<vmem>>, vector<1x16xf32>,
      %get3A_765 = vector.shape_cast %get3A_764 : vector<1x16xf32> to vector<16xf32>
      %get3A_766 = arith.constant 41 : i32
      %get3A_767 = arith.index_cast %get3A_766 : i32 to index
      %get3A_768 = arith.index_cast %multiple_of3A : i32 to index
      %get3A_769 = tpu.vector_load %arg6[%get3A_767, %get3A_768] {strides = array<i32>} : memref<64x512xf32, #tpu.memory_space<vmem>>, vector<1x16xf32>,
      %get3A_770 = vector.shape_cast %get3A_769 : vector<1x16xf32> to vector<16xf32>
      %mul3A_771 = arith.mulf %get3A_765, %get3A_770 : vector<16xf32>
      %add3A_772 = arith.addf %add3A_724, %mul3A_771 : vector<16xf32>
      %get3A_773 = arith.constant 42 : i32
      %get3A_774 = arith.index_cast %get3A_773 : i32 to index
      %get3A_775 = arith.index_cast %multiple_of3A : i32 to index
      %get3A_776 = tpu.vector_load %arg5[%get3A_774, %get3A_775] {strides = array<i32>} : memref<64x512xf32, #tpu.memory_space<vmem>>, vector<1x16xf32>,
      %get3A_777 = vector.shape_cast %get3A_776 : vector<1x16xf32> to vector<16xf32>
      %get3A_778 = arith.constant 42 : i32
      %get3A_779 = arith.index_cast %get3A_778 : i32 to index
      %get3A_780 = arith.index_cast %multiple_of3A : i32 to index
      %get3A_781 = tpu.vector_load %arg6[%get3A_779, %get3A_780] {strides = array<i32>} : memref<64x512xf32, #tpu.memory_space<vmem>>, vector<1x16xf32>,
      %get3A_782 = vector.shape_cast %get3A_781 : vector<1x16xf32> to vector<16xf32>
      %mul3A_783 = arith.mulf %get3A_777, %get3A_782 : vector<16xf32>
      %add3A_784 = arith.addf %add3A_736, %mul3A_783 : vector<16xf32>
      %get3A_785 = arith.constant 43 : i32
      %get3A_786 = arith.index_cast %get3A_785 : i32 to index
      %get3A_787 = arith.index_cast %multiple_of3A : i32 to index
      %get3A_788 = tpu.vector_load %arg5[%get3A_786, %get3A_787] {strides = array<i32>} : memref<64x512xf32, #tpu.memory_space<vmem>>, vector<1x16xf32>,
      %get3A_789 = vector.shape_cast %get3A_788 : vector<1x16xf32> to vector<16xf32>
      %get3A_790 = arith.constant 43 : i32
      %get3A_791 = arith.index_cast %get3A_790 : i32 to index
      %get3A_792 = arith.index_cast %multiple_of3A : i32 to index
      %get3A_793 = tpu.vector_load %arg6[%get3A_791, %get3A_792] {strides = array<i32>} : memref<64x512xf32, #tpu.memory_space<vmem>>, vector<1x16xf32>,
      %get3A_794 = vector.shape_cast %get3A_793 : vector<1x16xf32> to vector<16xf32>
      %mul3A_795 = arith.mulf %get3A_789, %get3A_794 : vector<16xf32>
      %add3A_796 = arith.addf %add3A_748, %mul3A_795 : vector<16xf32>
      %get3A_797 = arith.constant 44 : i32
      %get3A_798 = arith.index_cast %get3A_797 : i32 to index
      %get3A_799 = arith.index_cast %multiple_of3A : i32 to index
      %get3A_800 = tpu.vector_load %arg5[%get3A_798, %get3A_799] {strides = array<i32>} : memref<64x512xf32, #tpu.memory_space<vmem>>, vector<1x16xf32>,
      %get3A_801 = vector.shape_cast %get3A_800 : vector<1x16xf32> to vector<16xf32>
      %get3A_802 = arith.constant 44 : i32
      %get3A_803 = arith.index_cast %get3A_802 : i32 to index
      %get3A_804 = arith.index_cast %multiple_of3A : i32 to index
      %get3A_805 = tpu.vector_load %arg6[%get3A_803, %get3A_804] {strides = array<i32>} : memref<64x512xf32, #tpu.memory_space<vmem>>, vector<1x16xf32>,
      %get3A_806 = vector.shape_cast %get3A_805 : vector<1x16xf32> to vector<16xf32>
      %mul3A_807 = arith.mulf %get3A_801, %get3A_806 : vector<16xf32>
      %add3A_808 = arith.addf %add3A_760, %mul3A_807 : vector<16xf32>
      %get3A_809 = arith.constant 45 : i32
      %get3A_810 = arith.index_cast %get3A_809 : i32 to index
      %get3A_811 = arith.index_cast %multiple_of3A : i32 to index
      %get3A_812 = tpu.vector_load %arg5[%get3A_810, %get3A_811] {strides = array<i32>} : memref<64x512xf32, #tpu.memory_space<vmem>>, vector<1x16xf32>,
      %get3A_813 = vector.shape_cast %get3A_812 : vector<1x16xf32> to vector<16xf32>
      %get3A_814 = arith.constant 45 : i32
      %get3A_815 = arith.index_cast %get3A_814 : i32 to index
      %get3A_816 = arith.index_cast %multiple_of3A : i32 to index
      %get3A_817 = tpu.vector_load %arg6[%get3A_815, %get3A_816] {strides = array<i32>} : memref<64x512xf32, #tpu.memory_space<vmem>>, vector<1x16xf32>,
      %get3A_818 = vector.shape_cast %get3A_817 : vector<1x16xf32> to vector<16xf32>
      %mul3A_819 = arith.mulf %get3A_813, %get3A_818 : vector<16xf32>
      %add3A_820 = arith.addf %add3A_772, %mul3A_819 : vector<16xf32>
      %get3A_821 = arith.constant 46 : i32
      %get3A_822 = arith.index_cast %get3A_821 : i32 to index
      %get3A_823 = arith.index_cast %multiple_of3A : i32 to index
      %get3A_824 = tpu.vector_load %arg5[%get3A_822, %get3A_823] {strides = array<i32>} : memref<64x512xf32, #tpu.memory_space<vmem>>, vector<1x16xf32>,
      %get3A_825 = vector.shape_cast %get3A_824 : vector<1x16xf32> to vector<16xf32>
      %get3A_826 = arith.constant 46 : i32
      %get3A_827 = arith.index_cast %get3A_826 : i32 to index
      %get3A_828 = arith.index_cast %multiple_of3A : i32 to index
      %get3A_829 = tpu.vector_load %arg6[%get3A_827, %get3A_828] {strides = array<i32>} : memref<64x512xf32, #tpu.memory_space<vmem>>, vector<1x16xf32>,
      %get3A_830 = vector.shape_cast %get3A_829 : vector<1x16xf32> to vector<16xf32>
      %mul3A_831 = arith.mulf %get3A_825, %get3A_830 : vector<16xf32>
      %add3A_832 = arith.addf %add3A_784, %mul3A_831 : vector<16xf32>
      %get3A_833 = arith.constant 47 : i32
      %get3A_834 = arith.index_cast %get3A_833 : i32 to index
      %get3A_835 = arith.index_cast %multiple_of3A : i32 to index
      %get3A_836 = tpu.vector_load %arg5[%get3A_834, %get3A_835] {strides = array<i32>} : memref<64x512xf32, #tpu.memory_space<vmem>>, vector<1x16xf32>,
      %get3A_837 = vector.shape_cast %get3A_836 : vector<1x16xf32> to vector<16xf32>
      %get3A_838 = arith.constant 47 : i32
      %get3A_839 = arith.index_cast %get3A_838 : i32 to index
      %get3A_840 = arith.index_cast %multiple_of3A : i32 to index
      %get3A_841 = tpu.vector_load %arg6[%get3A_839, %get3A_840] {strides = array<i32>} : memref<64x512xf32, #tpu.memory_space<vmem>>, vector<1x16xf32>,
      %get3A_842 = vector.shape_cast %get3A_841 : vector<1x16xf32> to vector<16xf32>
      %mul3A_843 = arith.mulf %get3A_837, %get3A_842 : vector<16xf32>
      %add3A_844 = arith.addf %add3A_796, %mul3A_843 : vector<16xf32>
      %get3A_845 = arith.constant 48 : i32
      %get3A_846 = arith.index_cast %get3A_845 : i32 to index
      %get3A_847 = arith.index_cast %multiple_of3A : i32 to index
      %get3A_848 = tpu.vector_load %arg5[%get3A_846, %get3A_847] {strides = array<i32>} : memref<64x512xf32, #tpu.memory_space<vmem>>, vector<1x16xf32>,
      %get3A_849 = vector.shape_cast %get3A_848 : vector<1x16xf32> to vector<16xf32>
      %get3A_850 = arith.constant 48 : i32
      %get3A_851 = arith.index_cast %get3A_850 : i32 to index
      %get3A_852 = arith.index_cast %multiple_of3A : i32 to index
      %get3A_853 = tpu.vector_load %arg6[%get3A_851, %get3A_852] {strides = array<i32>} : memref<64x512xf32, #tpu.memory_space<vmem>>, vector<1x16xf32>,
      %get3A_854 = vector.shape_cast %get3A_853 : vector<1x16xf32> to vector<16xf32>
      %mul3A_855 = arith.mulf %get3A_849, %get3A_854 : vector<16xf32>
      %add3A_856 = arith.addf %add3A_808, %mul3A_855 : vector<16xf32>
      %get3A_857 = arith.constant 49 : i32
      %get3A_858 = arith.index_cast %get3A_857 : i32 to index
      %get3A_859 = arith.index_cast %multiple_of3A : i32 to index
      %get3A_860 = tpu.vector_load %arg5[%get3A_858, %get3A_859] {strides = array<i32>} : memref<64x512xf32, #tpu.memory_space<vmem>>, vector<1x16xf32>,
      %get3A_861 = vector.shape_cast %get3A_860 : vector<1x16xf32> to vector<16xf32>
      %get3A_862 = arith.constant 49 : i32
      %get3A_863 = arith.index_cast %get3A_862 : i32 to index
      %get3A_864 = arith.index_cast %multiple_of3A : i32 to index
      %get3A_865 = tpu.vector_load %arg6[%get3A_863, %get3A_864] {strides = array<i32>} : memref<64x512xf32, #tpu.memory_space<vmem>>, vector<1x16xf32>,
      %get3A_866 = vector.shape_cast %get3A_865 : vector<1x16xf32> to vector<16xf32>
      %mul3A_867 = arith.mulf %get3A_861, %get3A_866 : vector<16xf32>
      %add3A_868 = arith.addf %add3A_820, %mul3A_867 : vector<16xf32>
      %get3A_869 = arith.constant 50 : i32
      %get3A_870 = arith.index_cast %get3A_869 : i32 to index
      %get3A_871 = arith.index_cast %multiple_of3A : i32 to index
      %get3A_872 = tpu.vector_load %arg5[%get3A_870, %get3A_871] {strides = array<i32>} : memref<64x512xf32, #tpu.memory_space<vmem>>, vector<1x16xf32>,
      %get3A_873 = vector.shape_cast %get3A_872 : vector<1x16xf32> to vector<16xf32>
      %get3A_874 = arith.constant 50 : i32
      %get3A_875 = arith.index_cast %get3A_874 : i32 to index
      %get3A_876 = arith.index_cast %multiple_of3A : i32 to index
      %get3A_877 = tpu.vector_load %arg6[%get3A_875, %get3A_876] {strides = array<i32>} : memref<64x512xf32, #tpu.memory_space<vmem>>, vector<1x16xf32>,
      %get3A_878 = vector.shape_cast %get3A_877 : vector<1x16xf32> to vector<16xf32>
      %mul3A_879 = arith.mulf %get3A_873, %get3A_878 : vector<16xf32>
      %add3A_880 = arith.addf %add3A_832, %mul3A_879 : vector<16xf32>
      %get3A_881 = arith.constant 51 : i32
      %get3A_882 = arith.index_cast %get3A_881 : i32 to index
      %get3A_883 = arith.index_cast %multiple_of3A : i32 to index
      %get3A_884 = tpu.vector_load %arg5[%get3A_882, %get3A_883] {strides = array<i32>} : memref<64x512xf32, #tpu.memory_space<vmem>>, vector<1x16xf32>,
      %get3A_885 = vector.shape_cast %get3A_884 : vector<1x16xf32> to vector<16xf32>
      %get3A_886 = arith.constant 51 : i32
      %get3A_887 = arith.index_cast %get3A_886 : i32 to index
      %get3A_888 = arith.index_cast %multiple_of3A : i32 to index
      %get3A_889 = tpu.vector_load %arg6[%get3A_887, %get3A_888] {strides = array<i32>} : memref<64x512xf32, #tpu.memory_space<vmem>>, vector<1x16xf32>,
      %get3A_890 = vector.shape_cast %get3A_889 : vector<1x16xf32> to vector<16xf32>
      %mul3A_891 = arith.mulf %get3A_885, %get3A_890 : vector<16xf32>
      %add3A_892 = arith.addf %add3A_844, %mul3A_891 : vector<16xf32>
      %get3A_893 = arith.constant 52 : i32
      %get3A_894 = arith.index_cast %get3A_893 : i32 to index
      %get3A_895 = arith.index_cast %multiple_of3A : i32 to index
      %get3A_896 = tpu.vector_load %arg5[%get3A_894, %get3A_895] {strides = array<i32>} : memref<64x512xf32, #tpu.memory_space<vmem>>, vector<1x16xf32>,
      %get3A_897 = vector.shape_cast %get3A_896 : vector<1x16xf32> to vector<16xf32>
      %get3A_898 = arith.constant 52 : i32
      %get3A_899 = arith.index_cast %get3A_898 : i32 to index
      %get3A_900 = arith.index_cast %multiple_of3A : i32 to index
      %get3A_901 = tpu.vector_load %arg6[%get3A_899, %get3A_900] {strides = array<i32>} : memref<64x512xf32, #tpu.memory_space<vmem>>, vector<1x16xf32>,
      %get3A_902 = vector.shape_cast %get3A_901 : vector<1x16xf32> to vector<16xf32>
      %mul3A_903 = arith.mulf %get3A_897, %get3A_902 : vector<16xf32>
      %add3A_904 = arith.addf %add3A_856, %mul3A_903 : vector<16xf32>
      %get3A_905 = arith.constant 53 : i32
      %get3A_906 = arith.index_cast %get3A_905 : i32 to index
      %get3A_907 = arith.index_cast %multiple_of3A : i32 to index
      %get3A_908 = tpu.vector_load %arg5[%get3A_906, %get3A_907] {strides = array<i32>} : memref<64x512xf32, #tpu.memory_space<vmem>>, vector<1x16xf32>,
      %get3A_909 = vector.shape_cast %get3A_908 : vector<1x16xf32> to vector<16xf32>
      %get3A_910 = arith.constant 53 : i32
      %get3A_911 = arith.index_cast %get3A_910 : i32 to index
      %get3A_912 = arith.index_cast %multiple_of3A : i32 to index
      %get3A_913 = tpu.vector_load %arg6[%get3A_911, %get3A_912] {strides = array<i32>} : memref<64x512xf32, #tpu.memory_space<vmem>>, vector<1x16xf32>,
      %get3A_914 = vector.shape_cast %get3A_913 : vector<1x16xf32> to vector<16xf32>
      %mul3A_915 = arith.mulf %get3A_909, %get3A_914 : vector<16xf32>
      %add3A_916 = arith.addf %add3A_868, %mul3A_915 : vector<16xf32>
      %get3A_917 = arith.constant 54 : i32
      %get3A_918 = arith.index_cast %get3A_917 : i32 to index
      %get3A_919 = arith.index_cast %multiple_of3A : i32 to index
      %get3A_920 = tpu.vector_load %arg5[%get3A_918, %get3A_919] {strides = array<i32>} : memref<64x512xf32, #tpu.memory_space<vmem>>, vector<1x16xf32>,
      %get3A_921 = vector.shape_cast %get3A_920 : vector<1x16xf32> to vector<16xf32>
      %get3A_922 = arith.constant 54 : i32
      %get3A_923 = arith.index_cast %get3A_922 : i32 to index
      %get3A_924 = arith.index_cast %multiple_of3A : i32 to index
      %get3A_925 = tpu.vector_load %arg6[%get3A_923, %get3A_924] {strides = array<i32>} : memref<64x512xf32, #tpu.memory_space<vmem>>, vector<1x16xf32>,
      %get3A_926 = vector.shape_cast %get3A_925 : vector<1x16xf32> to vector<16xf32>
      %mul3A_927 = arith.mulf %get3A_921, %get3A_926 : vector<16xf32>
      %add3A_928 = arith.addf %add3A_880, %mul3A_927 : vector<16xf32>
      %get3A_929 = arith.constant 55 : i32
      %get3A_930 = arith.index_cast %get3A_929 : i32 to index
      %get3A_931 = arith.index_cast %multiple_of3A : i32 to index
      %get3A_932 = tpu.vector_load %arg5[%get3A_930, %get3A_931] {strides = array<i32>} : memref<64x512xf32, #tpu.memory_space<vmem>>, vector<1x16xf32>,
      %get3A_933 = vector.shape_cast %get3A_932 : vector<1x16xf32> to vector<16xf32>
      %get3A_934 = arith.constant 55 : i32
      %get3A_935 = arith.index_cast %get3A_934 : i32 to index
      %get3A_936 = arith.index_cast %multiple_of3A : i32 to index
      %get3A_937 = tpu.vector_load %arg6[%get3A_935, %get3A_936] {strides = array<i32>} : memref<64x512xf32, #tpu.memory_space<vmem>>, vector<1x16xf32>,
      %get3A_938 = vector.shape_cast %get3A_937 : vector<1x16xf32> to vector<16xf32>
      %mul3A_939 = arith.mulf %get3A_933, %get3A_938 : vector<16xf32>
      %add3A_940 = arith.addf %add3A_892, %mul3A_939 : vector<16xf32>
      %get3A_941 = arith.constant 56 : i32
      %get3A_942 = arith.index_cast %get3A_941 : i32 to index
      %get3A_943 = arith.index_cast %multiple_of3A : i32 to index
      %get3A_944 = tpu.vector_load %arg5[%get3A_942, %get3A_943] {strides = array<i32>} : memref<64x512xf32, #tpu.memory_space<vmem>>, vector<1x16xf32>,
      %get3A_945 = vector.shape_cast %get3A_944 : vector<1x16xf32> to vector<16xf32>
      %get3A_946 = arith.constant 56 : i32
      %get3A_947 = arith.index_cast %get3A_946 : i32 to index
      %get3A_948 = arith.index_cast %multiple_of3A : i32 to index
      %get3A_949 = tpu.vector_load %arg6[%get3A_947, %get3A_948] {strides = array<i32>} : memref<64x512xf32, #tpu.memory_space<vmem>>, vector<1x16xf32>,
      %get3A_950 = vector.shape_cast %get3A_949 : vector<1x16xf32> to vector<16xf32>
      %mul3A_951 = arith.mulf %get3A_945, %get3A_950 : vector<16xf32>
      %add3A_952 = arith.addf %add3A_904, %mul3A_951 : vector<16xf32>
      %get3A_953 = arith.constant 57 : i32
      %get3A_954 = arith.index_cast %get3A_953 : i32 to index
      %get3A_955 = arith.index_cast %multiple_of3A : i32 to index
      %get3A_956 = tpu.vector_load %arg5[%get3A_954, %get3A_955] {strides = array<i32>} : memref<64x512xf32, #tpu.memory_space<vmem>>, vector<1x16xf32>,
      %get3A_957 = vector.shape_cast %get3A_956 : vector<1x16xf32> to vector<16xf32>
      %get3A_958 = arith.constant 57 : i32
      %get3A_959 = arith.index_cast %get3A_958 : i32 to index
      %get3A_960 = arith.index_cast %multiple_of3A : i32 to index
      %get3A_961 = tpu.vector_load %arg6[%get3A_959, %get3A_960] {strides = array<i32>} : memref<64x512xf32, #tpu.memory_space<vmem>>, vector<1x16xf32>,
      %get3A_962 = vector.shape_cast %get3A_961 : vector<1x16xf32> to vector<16xf32>
      %mul3A_963 = arith.mulf %get3A_957, %get3A_962 : vector<16xf32>
      %add3A_964 = arith.addf %add3A_916, %mul3A_963 : vector<16xf32>
      %get3A_965 = arith.constant 58 : i32
      %get3A_966 = arith.index_cast %get3A_965 : i32 to index
      %get3A_967 = arith.index_cast %multiple_of3A : i32 to index
      %get3A_968 = tpu.vector_load %arg5[%get3A_966, %get3A_967] {strides = array<i32>} : memref<64x512xf32, #tpu.memory_space<vmem>>, vector<1x16xf32>,
      %get3A_969 = vector.shape_cast %get3A_968 : vector<1x16xf32> to vector<16xf32>
      %get3A_970 = arith.constant 58 : i32
      %get3A_971 = arith.index_cast %get3A_970 : i32 to index
      %get3A_972 = arith.index_cast %multiple_of3A : i32 to index
      %get3A_973 = tpu.vector_load %arg6[%get3A_971, %get3A_972] {strides = array<i32>} : memref<64x512xf32, #tpu.memory_space<vmem>>, vector<1x16xf32>,
      %get3A_974 = vector.shape_cast %get3A_973 : vector<1x16xf32> to vector<16xf32>
      %mul3A_975 = arith.mulf %get3A_969, %get3A_974 : vector<16xf32>
      %add3A_976 = arith.addf %add3A_928, %mul3A_975 : vector<16xf32>
      %get3A_977 = arith.constant 59 : i32
      %get3A_978 = arith.index_cast %get3A_977 : i32 to index
      %get3A_979 = arith.index_cast %multiple_of3A : i32 to index
      %get3A_980 = tpu.vector_load %arg5[%get3A_978, %get3A_979] {strides = array<i32>} : memref<64x512xf32, #tpu.memory_space<vmem>>, vector<1x16xf32>,
      %get3A_981 = vector.shape_cast %get3A_980 : vector<1x16xf32> to vector<16xf32>
      %get3A_982 = arith.constant 59 : i32
      %get3A_983 = arith.index_cast %get3A_982 : i32 to index
      %get3A_984 = arith.index_cast %multiple_of3A : i32 to index
      %get3A_985 = tpu.vector_load %arg6[%get3A_983, %get3A_984] {strides = array<i32>} : memref<64x512xf32, #tpu.memory_space<vmem>>, vector<1x16xf32>,
      %get3A_986 = vector.shape_cast %get3A_985 : vector<1x16xf32> to vector<16xf32>
      %mul3A_987 = arith.mulf %get3A_981, %get3A_986 : vector<16xf32>
      %add3A_988 = arith.addf %add3A_940, %mul3A_987 : vector<16xf32>
      %get3A_989 = arith.constant 60 : i32
      %get3A_990 = arith.index_cast %get3A_989 : i32 to index
      %get3A_991 = arith.index_cast %multiple_of3A : i32 to index
      %get3A_992 = tpu.vector_load %arg5[%get3A_990, %get3A_991] {strides = array<i32>} : memref<64x512xf32, #tpu.memory_space<vmem>>, vector<1x16xf32>,
      %get3A_993 = vector.shape_cast %get3A_992 : vector<1x16xf32> to vector<16xf32>
      %get3A_994 = arith.constant 60 : i32
      %get3A_995 = arith.index_cast %get3A_994 : i32 to index
      %get3A_996 = arith.index_cast %multiple_of3A : i32 to index
      %get3A_997 = tpu.vector_load %arg6[%get3A_995, %get3A_996] {strides = array<i32>} : memref<64x512xf32, #tpu.memory_space<vmem>>, vector<1x16xf32>,
      %get3A_998 = vector.shape_cast %get3A_997 : vector<1x16xf32> to vector<16xf32>
      %mul3A_999 = arith.mulf %get3A_993, %get3A_998 : vector<16xf32>
      %add3A_1000 = arith.addf %add3A_952, %mul3A_999 : vector<16xf32>
      %get3A_1001 = arith.constant 61 : i32
      %get3A_1002 = arith.index_cast %get3A_1001 : i32 to index
      %get3A_1003 = arith.index_cast %multiple_of3A : i32 to index
      %get3A_1004 = tpu.vector_load %arg5[%get3A_1002, %get3A_1003] {strides = array<i32>} : memref<64x512xf32, #tpu.memory_space<vmem>>, vector<1x16xf32>,
      %get3A_1005 = vector.shape_cast %get3A_1004 : vector<1x16xf32> to vector<16xf32>
      %get3A_1006 = arith.constant 61 : i32
      %get3A_1007 = arith.index_cast %get3A_1006 : i32 to index
      %get3A_1008 = arith.index_cast %multiple_of3A : i32 to index
      %get3A_1009 = tpu.vector_load %arg6[%get3A_1007, %get3A_1008] {strides = array<i32>} : memref<64x512xf32, #tpu.memory_space<vmem>>, vector<1x16xf32>,
      %get3A_1010 = vector.shape_cast %get3A_1009 : vector<1x16xf32> to vector<16xf32>
      %mul3A_1011 = arith.mulf %get3A_1005, %get3A_1010 : vector<16xf32>
      %add3A_1012 = arith.addf %add3A_964, %mul3A_1011 : vector<16xf32>
      %get3A_1013 = arith.constant 62 : i32
      %get3A_1014 = arith.index_cast %get3A_1013 : i32 to index
      %get3A_1015 = arith.index_cast %multiple_of3A : i32 to index
      %get3A_1016 = tpu.vector_load %arg5[%get3A_1014, %get3A_1015] {strides = array<i32>} : memref<64x512xf32, #tpu.memory_space<vmem>>, vector<1x16xf32>,
      %get3A_1017 = vector.shape_cast %get3A_1016 : vector<1x16xf32> to vector<16xf32>
      %get3A_1018 = arith.constant 62 : i32
      %get3A_1019 = arith.index_cast %get3A_1018 : i32 to index
      %get3A_1020 = arith.index_cast %multiple_of3A : i32 to index
      %get3A_1021 = tpu.vector_load %arg6[%get3A_1019, %get3A_1020] {strides = array<i32>} : memref<64x512xf32, #tpu.memory_space<vmem>>, vector<1x16xf32>,
      %get3A_1022 = vector.shape_cast %get3A_1021 : vector<1x16xf32> to vector<16xf32>
      %mul3A_1023 = arith.mulf %get3A_1017, %get3A_1022 : vector<16xf32>
      %add3A_1024 = arith.addf %add3A_976, %mul3A_1023 : vector<16xf32>
      %get3A_1025 = arith.constant 63 : i32
      %get3A_1026 = arith.index_cast %get3A_1025 : i32 to index
      %get3A_1027 = arith.index_cast %multiple_of3A : i32 to index
      %get3A_1028 = tpu.vector_load %arg5[%get3A_1026, %get3A_1027] {strides = array<i32>} : memref<64x512xf32, #tpu.memory_space<vmem>>, vector<1x16xf32>,
      %get3A_1029 = vector.shape_cast %get3A_1028 : vector<1x16xf32> to vector<16xf32>
      %get3A_1030 = arith.constant 63 : i32
      %get3A_1031 = arith.index_cast %get3A_1030 : i32 to index
      %get3A_1032 = arith.index_cast %multiple_of3A : i32 to index
      %get3A_1033 = tpu.vector_load %arg6[%get3A_1031, %get3A_1032] {strides = array<i32>} : memref<64x512xf32, #tpu.memory_space<vmem>>, vector<1x16xf32>,
      %get3A_1034 = vector.shape_cast %get3A_1033 : vector<1x16xf32> to vector<16xf32>
      %mul3A_1035 = arith.mulf %get3A_1029, %get3A_1034 : vector<16xf32>
      %add3A_1036 = arith.addf %add3A_988, %mul3A_1035 : vector<16xf32>
      %add3A_1037 = arith.addf %add3A_1000, %add3A_1012 : vector<16xf32>
      %add3A_1038 = arith.addf %add3A_1024, %add3A_1036 : vector<16xf32>
      %add3A_1039 = arith.addf %add3A_1037, %add3A_1038 : vector<16xf32>
      %swap3A = arith.index_cast %multiple_of3A : i32 to index
      %swap3A_1040 = tpu.vector_load %arg7[%swap3A] {strides = array<i32>} : memref<512xf32, #tpu.memory_space<vmem>>, vector<16xf32>,
      %swap3A_1041 = vector.shape_cast %swap3A_1040 : vector<16xf32> to vector<16xf32>
      %swap3A_1042 = vector.shape_cast %add3A_1039 : vector<16xf32> to vector<16xf32>
      tpu.vector_store %arg7[%swap3A], %swap3A_1042 {strides = array<i32>} : memref<512xf32, #tpu.memory_space<vmem>>, vector<16xf32>,
    }
    %scan3A_264 = arith.constant 8 : i32
    "tpu.region"() ({
      %run_scoped3A = tpu.sem_alloc : memref<!tpu.dma_semaphore, #tpu.memory_space<semaphore_mem>>
      %dma_start3A_265 = tpu.memref_slice %arg4[%mul3A_2] : memref<16384xf32, #tpu.memory_space<hbm>> -> memref<512xf32, #tpu.memory_space<hbm>>
      %dma_start3A_266 = tpu.memref_slice %arg4[%mul3A_2] : memref<16384xf32, #tpu.memory_space<hbm>> -> memref<512xf32, #tpu.memory_space<hbm>>
      tpu.enqueue_dma source(%arg7 : memref<512xf32, #tpu.memory_space<vmem>>) target(%dma_start3A_266 : memref<512xf32, #tpu.memory_space<hbm>>) target_semaphore(%run_scoped3A : memref<!tpu.dma_semaphore, #tpu.memory_space<semaphore_mem>>)
      %dma_wait3A_267 = tpu.memref_slice %arg4[%mul3A_2] : memref<16384xf32, #tpu.memory_space<hbm>> -> memref<512xf32, #tpu.memory_space<hbm>>
      %dma_wait3A_268 = tpu.memref_slice %arg4[%mul3A_2] : memref<16384xf32, #tpu.memory_space<hbm>> -> memref<512xf32, #tpu.memory_space<hbm>>
      tpu.wait_dma2 semaphore(%run_scoped3A : memref<!tpu.dma_semaphore, #tpu.memory_space<semaphore_mem>>) src(%arg7 : memref<512xf32, #tpu.memory_space<vmem>>) dst(%dma_wait3A_268 : memref<512xf32, #tpu.memory_space<hbm>>)
      tpu.yield
    }) : () -> ()
    return
  }
}

</mosaic_0001>

<sc_bundles>
// kernel: kernel.3.cloned.1.call-start
scs
__scs_entry_jumppad:
0x0: {  	(pc) =	sbr.rel $0x88, $3  }
0x1: {  	(tag) =	ssettag $0x0;
	lr =	simm.s32 $0x1  }
0x2: {  	[smem:$0x3F9F] =	sst lr;
	_ =	strace $0xD0000000  }
0x3: {  	_ = 	snop  }
0x4: {  	_ = 	snop  }
0x5: {  	_ = 	snop  }
0x6: {  	_ = 	snop  }
0x7: {  	_ = 	snop  }
__scs_overlays_trampoline_lowered:
0x8: {  	[smem:$0x3FAE] =	sst s0  }
0x9: {  	[smem:$0x3FAF] =	sst s1  }
0xa: {  	[smem:$0x3FB0] =	sst s2  }
0xb: {  	[smem:$0x3FB1] =	sst s3  }
0xc: {  	[smem:$0x3FB2] =	sst s4  }
0xd: {  	[smem:$0x3FB3] =	sst s5  }
0xe: {  	[smem:$0x3FB4] =	sst s6  }
0xf: {  	[smem:$0x3FB5] =	sst s7  }
0x10: {  	[smem:$0x3FB6] =	sst s8  }
0x11: {  	[smem:$0x3FB7] =	sst s9;
	s0 =	simm.s32 @!p0 $0x0  }
0x12: {  	s1 =	sld [smem:$0x3F9D];
	s0 =	simm.s32 @p0 $0x1  }
0x13: {  	[smem:$0x3FB8] =	sst s0;
	s0 =	simm.s32 @!p1 $0x0  }
0x14: {  	s2 =	sld [smem:$0x3F9C];
	s0 =	simm.s32 @p1 $0x1  }
0x15: {  	[smem:$0x3FB9] =	sst s0;
	s0 =	simm.s32 @!p2 $0x0  }
0x16: {  	s3 =	sld [smem:$0x3FDB];
	s0 =	simm.s32 @p2 $0x1  }
0x17: {  	s4 =	simm.s32 $0x1BF5;
	[smem:$0x3FBB] =	sst s0  }
0x18: {  	s0 =	sld [smem:$0x3F9E];
	_ =	swait.ge [sflag:s4], $0x0  }
0x19: {  	s7 =	sld [smem:$0x3F9F]  }
0x1a: {  	s8 =	sadd.s32 $0xFFFFE003, lr  }
0x1b: {  	s9 =	sadd.s32 $0xFFFFFEF7, lr;
	s5 =	simm.s32 $0xFFFFFFFF;
	p2 =	slt.u32 s8, $0xFFFFF086  }
0x1c: {  	p1 =	slt.u32 s9, $0xF7A;
	s5 =	simm.s32 @!p2 $0x0  }
0x1d: {  	s5 =	simm.s32 @p1 $0x1;
	p0 =	seq.s32 s7, s2  }
0x1e: {  	s7 =	smul.u32 @!p0 $0xF7A, s2;
	p2 =	seq.s32 @!p0 s5, $0x0  }
0x1f: {  	s9 =	smul.u32 $0xF7A, s1;
	s8 =	simm.s32 @!p0 $0x1BF5;
	p2 =	por !p2, p0  }
0x20: {  	[sflag:s8] =	ssyncset.s32 @!p0 $0xFFFFF086;
	s6 =	sadd.s32 @!p0 s3, s7;
	s7 =	simm.s32 @!p0 $0x108  }
0x21: {  	s3 =	sadd.s32 s3, s9;
	s6 =	sadd.s32 @!p0 $0x88, s6;
	s7 =	simm.s32 @p2 $0x1082  }
0x22: {  	[simem:s7], [sflag:s8] =	dma.local @!p0 [hbm:s6], $0xF7A  }
0x23: {  	s9 =	sor.u32 $0xD0000000, s2;
	s6 =	simm.s32 $0x108;
	_ =	swait.ge @!p0 [sflag:s8], $0x0  }
0x24: {  	s3 =	sadd.s32 $0x88, s3;
	s6 =	simm.s32 @!p1 $0x1082;
	[sflag:s4] =	ssyncset.s32 $0xFFFFF086  }
0x25: {  	[simem:s6], [sflag:s4] =	dma.local [hbm:s3], $0xF7A  }
0x26: {  	[smem:$0x3F9F] =	sst s1;
	(tag) =	ssettag s2;
	_ =	strace s9  }
0x27: {  	s1 =	sld [smem:$0x3FAF]  }
0x28: {  	s2 =	sld [smem:$0x3FB0]  }
0x29: {  	s4 =	sld [smem:$0x3FB2]  }
0x2a: {  	p0 =	seq.s32 s5, $0x0;
	s5 =	sld [smem:$0x3FB3]  }
0x2b: {  	s6 =	sld [smem:$0x3FB4]  }
0x2c: {  	s7 =	sld [smem:$0x3FB5]  }
0x2d: {  	s3 =	simm.s32 $0x108;
	s8 =	sld [smem:$0x3FB6]  }
0x2e: {  	s3 =	simm.s32 @!p0 $0x1082;
	s9 =	sld [smem:$0x3FB7]  }
0x2f: {  	lr =	sadd.s32 s0, s3;
	s0 =	sld [smem:$0x3FAE]  }
0x30: {  	s3 =	sld [smem:$0x3FB1]  }
0x31: {  	[smem:$0x3FBA] =	sst s10  }
0x32: {  	s10 =	sld [smem:$0x3FB8];
	_ =	sdelay $0x3  }
0x33: {  	p0 =	seq.s32 s10, $0x1;
	s10 =	sld [smem:$0x3FBA];
	_ =	sdelay $0x3  }
0x34: {  	[smem:$0x3FBA] =	sst s10  }
0x35: {  	s10 =	sld [smem:$0x3FB9];
	_ =	sdelay $0x3  }
0x36: {  	p1 =	seq.s32 s10, $0x1;
	s10 =	sld [smem:$0x3FBA];
	_ =	sdelay $0x3  }
0x37: {  	[smem:$0x3FBA] =	sst s10  }
0x38: {  	s10 =	sld [smem:$0x3FBB]  }
0x39: {  	_ = 	snop;
	(pc) =	sbr.ind lr, $3  }
0x3a: {  	_ = 	snop  }
0x3b: {  	_ = 	snop  }
0x3c: {  	p2 =	seq.s32 s10, $0x1;
	s10 =	sld [smem:$0x3FBA]  }
0x3d: {  	_ =	shalt  }
0x3e: {  	_ =	shalt  }
0x3f: {  	_ =	shalt  }
0x40: {  	_ =	shalt  }
0x41: {  	_ =	shalt  }
0x42: {  	_ =	shalt  }
0x43: {  	_ =	shalt  }
0x44: {  	_ =	shalt  }
0x45: {  	_ =	shalt  }
0x46: {  	_ =	shalt  }
0x47: {  	_ =	shalt  }
0x48: {  	_ =	shalt  }
0x49: {  	_ =	shalt  }
0x4a: {  	_ =	shalt  }
0x4b: {  	_ =	shalt  }
0x4c: {  	_ =	shalt  }
0x4d: {  	_ =	shalt  }
0x4e: {  	_ =	shalt  }
0x4f: {  	_ =	shalt  }
0x50: {  	_ =	shalt  }
0x51: {  	_ =	shalt  }
0x52: {  	_ =	shalt  }
0x53: {  	_ =	shalt  }
0x54: {  	_ =	shalt  }
0x55: {  	_ =	shalt  }
0x56: {  	_ =	shalt  }
0x57: {  	_ =	shalt  }
0x58: {  	_ =	shalt  }
0x59: {  	_ =	shalt  }
0x5a: {  	_ =	shalt  }
0x5b: {  	_ =	shalt  }
0x5c: {  	_ =	shalt  }
0x5d: {  	_ =	shalt  }
0x5e: {  	_ =	shalt  }
0x5f: {  	_ =	shalt  }
0x60: {  	_ =	shalt  }
0x61: {  	_ =	shalt  }
0x62: {  	_ =	shalt  }
0x63: {  	_ =	shalt  }
0x64: {  	_ =	shalt  }
0x65: {  	_ =	shalt  }
0x66: {  	_ =	shalt  }
0x67: {  	_ =	shalt  }
0x68: {  	_ =	shalt  }
0x69: {  	_ =	shalt  }
0x6a: {  	_ =	shalt  }
0x6b: {  	_ =	shalt  }
0x6c: {  	_ =	shalt  }
0x6d: {  	_ =	shalt  }
0x6e: {  	_ =	shalt  }
0x6f: {  	_ =	shalt  }
0x70: {  	_ =	shalt  }
0x71: {  	_ =	shalt  }
0x72: {  	_ =	shalt  }
0x73: {  	_ =	shalt  }
0x74: {  	_ =	shalt  }
0x75: {  	_ =	shalt  }
0x76: {  	_ =	shalt  }
0x77: {  	_ =	shalt  }
0x78: {  	_ =	shalt  }
0x79: {  	_ =	shalt  }
0x7a: {  	_ =	shalt  }
0x7b: {  	_ =	shalt  }
0x7c: {  	_ =	shalt  }
0x7d: {  	_ =	shalt  }
0x7e: {  	_ =	shalt  }
0x7f: {  	_ =	shalt  }
0x80: {  	_ =	shalt  }
0x81: {  	_ =	shalt  }
0x82: {  	_ =	shalt  }
0x83: {  	_ =	shalt  }
0x84: {  	_ =	shalt  }
0x85: {  	_ =	shalt  }
0x86: {  	_ =	shalt  }
0x87: {  	_ =	shalt  }
.Lfunc_end0:
.L_simem_size_0:
called_computation_lowered:
.L_overlay_start_0:
0x88: {  	s2 =	sld [smem:$0x3FD9]  }
0x89: {  	s3 =	sld [smem:$0x3FFE];
	_ =	sdelay $0x1  }
0x8a: {  	s1 =	srdreg.scid  }
0x8b: {  	s0 =	sand.u32 $0x1, s1  }
0x8c: {  	s18 =	sshll.u32 s0, $0xA;
	s2 =	sadd.s32 s3, s2  }
0x8d: {  	s2 =	sadd.s32 s2, s18  }
0x8e: {  	[smem:$0x3FC6] =	sst s2  }
0x8f: {  	_ = 	snop  }
0x90: {  	s2 =	sld [smem:$0x3FC9]  }
0x91: {  	s19 =	sld [smem:$0x3FC8]  }
0x92: {  	s4 =	sld [smem:$0x3FD0];
	(tm) =	ssettm $0x1  }
0x93: {  	s5 =	sld [smem:$0x3FFB];
	_ =	sdelay $0x3  }
0x94: {  	_ =	strace s5  }
0x95: {  	s5 =	sld [smem:$0x3FFC];
	_ =	sdelay $0x3  }
0x96: {  	_ =	strace s5  }
0x97: {  	s5 =	sld [smem:$0x3FFD];
	_ =	sdelay $0x3  }
0x98: {  	_ =	strace s5  }
0x99: {  	_ =	strace $0x8FFFFFFF  }
0x9a: {  	s20 =	sld [smem:$0x3FDB];
	_ =	sdelay $0x1  }
0x9b: {  	s6 =	simm.s32 $_scs_section_size  }
0x9c: {  	s7 =	simm.s32 $_size__tile_overlayer_lowered;
	s8 =	simm.s32 $_tile_overlayer_lowered  }
0x9d: {  	s23 =	simm.s32 $0x1BFF;
	s22 =	sshll.u32 s8, $0x1;
	s5 =	sadd.s32 s6, s20  }
0x9e: {  	s9 =	simm.s32 $0x0;
	s21 =	sshll.u32 s7, $0x1;
	s7 =	sadd.s32 s22, s5  }
0x9f: {  	[timem:s9], [sflag:s23] =	dma.local [hbm:s7], s21  }
0xa0: {  	_ =	swait.ge [sflag:s23], s21  }
0xa1: {  	s6 =	ssub.s32 $0x0, s21;
	[sflag:s23] =	ssyncset.done $0x0  }
0xa2: {  	[sflag:s23] =	ssyncadd.s32 s6;
	_ =	sdelay $0x1  }
0xa3: {  	s24 =	simm.s32 $0x1B8B  }
0xa4: {  	_ =	swait.ge [sflag:s24], $0x1  }
0xa5: {  	[sflag:s24] =	ssyncset.done $0x0  }
0xa6: {  	s25 =	simm.s32 $0x1B8E;
	[sflag:s24] =	ssyncadd.s32 $0xFFFFFFFF  }
0xa7: {  	s26 =	simm.s32 $execute0_lowered;
	[smem:$0x3FD2] =	sst s25  }
0xa8: {  	s6 =	sshll.u32 s26, $0x1;
	_ =	strace $0x80000046;
	[dreg:$0x1] =	wrdreg $0xFFFFFFFF  }
0xa9: {  	s28 =	simm.s32 $_size_execute0_lowered;
	s5 =	sadd.s32 s5, s6;
	[dreg:$0x0] =	wrdreg $0x0  }
0xaa: {  	s6 =	sshll.u32 s28, $0x1;
	[dreg:$0x2] =	wrdreg s5  }
0xab: {  	[dreg:$0x3] =	wrdreg s6  }
0xac: {  	[dreg:$0x4] =	wrdreg $0xC0  }
0xad: {  	_ =	task [dreg:s9], $0x5FFFF  }
0xae: {  	[dreg:$0x1] =	wrdreg $0xFFFFFFFF  }
0xaf: {  	[dreg:$0x0] =	wrdreg $0x60  }
0xb0: {  	[dreg:$0x2] =	wrdreg s2  }
0xb1: {  	[dreg:$0x3] =	wrdreg s19  }
0xb2: {  	[dreg:$0x4] =	wrdreg s4  }
0xb3: {  	[dreg:$0x5] =	wrdreg $0x9  }
0xb4: {  	_ =	task.clear_ibuf [dreg:s9], $0x6FFFF;
	_ =	strace $0x90000046  }
0xb5: {  	s29 =	simm.s32 $0x9;
	_ =	strace $0x80000048  }
0xb6: {  	_ =	swait.ge [sflag:s29], $0x1  }
0xb7: {  	[sflag:s29] =	ssyncadd.s32 $0xFFFFFFFF  }
0xb8: {  	_ =	strace $0x90000048  }
0xb9: {  	_ =	sfence  }
0xba: {  	s30 =	sld [smem:$0x0];
	_ =	sdelay $0x2  }
0xbb: {  	s31 =	sshll.u32 s1, $0xD;
	s1 =	sshrl.u32 s1, $0x2  }
0xbc: {  	s3 =	sand.u32 $0x4000, s31;
	s1 =	sadd.s32 s1, s30  }
0xbd: {  	s0 =	sor.u32 s3, s0;
	s1 =	sshll.u32 s1, $0x11  }
0xbe: {  	s0 =	sor.u32 s1, s0  }
0xbf: {  	s0 =	sadd.s32 $0x8F2B, s0  }
0xc0: {  	[sflag:s0] =	ssyncadd.remote.s32 $0x1  }
0xc1: {  	_ =	sfence.sel $0xFFFF  }
0xc2: {  	[dreg:$0x0] =	wrdreg $0xFFFFFFFF;
	(pc) =	sbr.abs _section_cstart, $3  }
0xc3: {  	[dreg:$0x1] =	wrdreg $0xFFFFFFFF  }
0xc4: {  	_ =	task.clear_ibuf [dreg:s9], $0x2FFFF;
	_ =	strace $0x9FFFFFFF  }
0xc5: {  	(tm) =	ssettm $0x7FFFFFFF  }
tec
execute0_lowered:
.L_overlay_start_1:
0x0: {  	(tag) =	ssettag $0x1  }
0x1: {  	s0 =	rddreg [dreg:$0x0]  }
0x2: {  	s1 =	rddreg [dreg:$0x1];
	s3 =	srdreg.scid  }
0x3: {  	s11 =	rddreg [dreg:$0x2];
	s6 =	stileid.u32;
	s3 =	sand.u32 $0x1, s3  }
0x4: {  	s6 =	sshll.u32 s6, $0xA;
	s4 =	ssub.s32 $0x2, s3;
	s3 =	sshll.u32 s3, $0x9  }
0x5: {  	s2 =	simm.s32 $0x0;
	s5 =	sshrl.u32 s4, $0x1;
	s13 =	sor.u32 s3, s6  }
0x6: {  	[smem:$0x7FF] =	sst s2;
	s12 =	ssub.s32 s4, s5;
	s3 =	sadd.s32 s0, s13  }
0x7: {  	s4 =	sadd.s32 s1, s13;
	s6 =	sor.u32 $0x80, s13;
	s8 =	sor.u32 $0x100, s13  }
0x8: {  	s10 =	sor.u32 $0x180, s13;
	s5 =	sadd.s32 s0, s6;
	s6 =	sadd.s32 s1, s6  }
0x9: {  	s7 =	sadd.s32 s0, s8;
	s8 =	sadd.s32 s1, s8;
	s9 =	sadd.s32 s0, s10  }
0xa: {  	s10 =	sadd.s32 s1, s10;
	s1 =	sshrl.u32 s13, $0x3;
	s13 =	smax.u32 s12, $0x1  }
0xb: {  	_ =	strace $0x80000047;
	s14 =	sadd.s32 $0x4000, s3;
	[dreg:$0x5] =	wrdreg s13  }
0xc: {  	s15 =	sadd.s32 $0x8000, s3;
	[dreg:$0x6] =	wrdreg s14  }
0xd: {  	s16 =	sadd.s32 $0xC000, s3;
	[dreg:$0x7] =	wrdreg s15  }
0xe: {  	s17 =	sadd.s32 $0x10000, s3;
	[dreg:$0x8] =	wrdreg s16  }
0xf: {  	s18 =	sadd.s32 $0x14000, s3;
	[dreg:$0x9] =	wrdreg s17  }
0x10: {  	s19 =	sadd.s32 $0x18000, s3;
	[dreg:$0xa] =	wrdreg s18  }
0x11: {  	s20 =	sadd.s32 $0x1C000, s3;
	[dreg:$0xb] =	wrdreg s19  }
0x12: {  	s21 =	sadd.s32 $0x4000, s4;
	[dreg:$0xc] =	wrdreg s20  }
0x13: {  	s22 =	sadd.s32 $0x8000, s4;
	[dreg:$0xd] =	wrdreg s21  }
0x14: {  	s23 =	sadd.s32 $0xC000, s4;
	[dreg:$0xe] =	wrdreg s22  }
0x15: {  	s24 =	sadd.s32 $0x10000, s4;
	[dreg:$0xf] =	wrdreg s23  }
0x16: {  	s25 =	sadd.s32 $0x14000, s4;
	[dreg:$0x10] =	wrdreg s24  }
0x17: {  	s26 =	sadd.s32 $0x18000, s4;
	[dreg:$0x11] =	wrdreg s25  }
0x18: {  	s0 =	sadd.s32 s11, s1;
	[dreg:$0x12] =	wrdreg s26  }
0x19: {  	s1 =	sadd.s32 $0x1C000, s4;
	[dreg:$0x4] =	wrdreg s0  }
0x1a: {  	s11 =	sadd.s32 $0x4000, s5;
	[dreg:$0x13] =	wrdreg s1  }
0x1b: {  	s12 =	sadd.s32 $0x8000, s5;
	[dreg:$0x14] =	wrdreg s11  }
0x1c: {  	s13 =	sadd.s32 $0xC000, s5;
	[dreg:$0x15] =	wrdreg s12  }
0x1d: {  	s14 =	sadd.s32 $0x10000, s5;
	[dreg:$0x16] =	wrdreg s13  }
0x1e: {  	s15 =	sadd.s32 $0x14000, s5;
	[dreg:$0x17] =	wrdreg s14  }
0x1f: {  	s16 =	sadd.s32 $0x18000, s5;
	[dreg:$0x18] =	wrdreg s15  }
0x20: {  	s17 =	sadd.s32 $0x1C000, s5;
	[dreg:$0x19] =	wrdreg s16  }
0x21: {  	s18 =	sadd.s32 $0x4000, s6;
	[dreg:$0x1a] =	wrdreg s17  }
0x22: {  	s19 =	sadd.s32 $0x8000, s6;
	[dreg:$0x1b] =	wrdreg s18  }
0x23: {  	s20 =	sadd.s32 $0xC000, s6;
	[dreg:$0x1c] =	wrdreg s19  }
0x24: {  	s21 =	sadd.s32 $0x10000, s6;
	[dreg:$0x1d] =	wrdreg s20  }
0x25: {  	s22 =	sadd.s32 $0x14000, s6;
	[dreg:$0x1e] =	wrdreg s21  }
0x26: {  	s23 =	sadd.s32 $0x18000, s6;
	[dreg:$0x1f] =	wrdreg s22  }
0x27: {  	s24 =	sadd.s32 $0x1C000, s6;
	[smem:$0x7E9] =	sst s23  }
0x28: {  	s25 =	sadd.s32 $0x4000, s7;
	[smem:$0x7EA] =	sst s24  }
0x29: {  	s26 =	sadd.s32 $0x8000, s7;
	[smem:$0x7EB] =	sst s25  }
0x2a: {  	[smem:$0x7EC] =	sst s26;
	s1 =	sadd.s32 $0xC000, s7  }
0x2b: {  	s11 =	sadd.s32 $0x10000, s7;
	[smem:$0x7ED] =	sst s1  }
0x2c: {  	s12 =	sadd.s32 $0x14000, s7;
	[smem:$0x7EE] =	sst s11  }
0x2d: {  	s13 =	sadd.s32 $0x18000, s7;
	[smem:$0x7EF] =	sst s12  }
0x2e: {  	s14 =	sadd.s32 $0x1C000, s7;
	[smem:$0x7F0] =	sst s13  }
0x2f: {  	s15 =	sadd.s32 $0x4000, s8;
	[smem:$0x7F1] =	sst s14  }
0x30: {  	s16 =	sadd.s32 $0x8000, s8;
	[smem:$0x7F2] =	sst s15  }
0x31: {  	s17 =	sadd.s32 $0xC000, s8;
	[smem:$0x7F3] =	sst s16  }
0x32: {  	s18 =	sadd.s32 $0x10000, s8;
	[smem:$0x7F4] =	sst s17  }
0x33: {  	s19 =	sadd.s32 $0x14000, s8;
	[smem:$0x7F5] =	sst s18  }
0x34: {  	s20 =	sadd.s32 $0x18000, s8;
	[smem:$0x7F6] =	sst s19  }
0x35: {  	s21 =	sadd.s32 $0x1C000, s8;
	[smem:$0x7F7] =	sst s20  }
0x36: {  	s28 =	simm.s32 $0x2;
	s22 =	sadd.s32 $0x4000, s9;
	[smem:$0x7F8] =	sst s21  }
0x37: {  	s29 =	simm.s32 $0x6;
	s23 =	sadd.s32 $0x8000, s9;
	[smem:$0x7F9] =	sst s22  }
0x38: {  	s30 =	simm.s32 $0x3;
	s24 =	sadd.s32 $0xC000, s9;
	[smem:$0x7FA] =	sst s23  }
0x39: {  	s31 =	simm.s32 $0x7;
	s25 =	sadd.s32 $0x10000, s9;
	[smem:$0x7FB] =	sst s24  }
0x3a: {  	s26 =	sadd.s32 $0x14000, s9;
	s0 =	simm.s32 $0x4;
	[smem:$0x7FC] =	sst s25  }
0x3b: {  	[smem:$0x7FD] =	sst s26;
	s16 =	sadd.s32 $0x18000, s9;
	s17 =	sadd.s32 $0x1C000, s9  }
0x3c: {  	s18 =	sadd.s32 $0x4000, s10;
	s19 =	sadd.s32 $0x8000, s10;
	s20 =	sadd.s32 $0xC000, s10  }
0x3d: {  	s21 =	sadd.s32 $0x10000, s10;
	s22 =	sadd.s32 $0x14000, s10;
	s23 =	sadd.s32 $0x18000, s10  }
0x3e: {  	s24 =	sadd.s32 $0x1C000, s10;
	s25 =	simm.s32 $0x1;
	s26 =	simm.s32 $0x5  }
0x3f: {  	s1 =	simm.s32 $0x8;
	s11 =	simm.s32 $0x9;
	s12 =	simm.s32 $0x0  }
.LBB2_1:
0x40: {  	[tilespmem:s2], [sflag:$0x1] =	stream.linear.gather [hbm4b:s3+s2], $0x400, $0x38;
	[tilespmem:$0x10200] =	vst v63  }
0x41: {  	s13 =	rddreg [dreg:$0x6];
	s14 =	simm.s32 $0x1000  }
0x42: {  	[tilespmem:s14], [sflag:$0x1] =	stream.linear.gather [hbm4b:s13+s2], $0x400, $0x38;
	[tilespmem:$0x10200] =	vst v63  }
0x43: {  	s15 =	simm.s32 $0x2000;
	s14 =	rddreg [dreg:$0x7]  }
0x44: {  	[tilespmem:s15], [sflag:$0x1] =	stream.linear.gather [hbm4b:s14+s2], $0x400, $0x38;
	[tilespmem:$0x10200] =	vst v63  }
0x45: {  	s14 =	rddreg [dreg:$0x8];
	s15 =	simm.s32 $0x3000  }
0x46: {  	[tilespmem:s15], [sflag:$0x1] =	stream.linear.gather [hbm4b:s14+s2], $0x400, $0x38;
	[tilespmem:$0x10200] =	vst v63  }
0x47: {  	s14 =	rddreg [dreg:$0x9];
	s15 =	simm.s32 $0x4000  }
0x48: {  	[tilespmem:s15], [sflag:$0x1] =	stream.linear.gather [hbm4b:s14+s2], $0x400, $0x38;
	[tilespmem:$0x10200] =	vst v63  }
0x49: {  	s14 =	rddreg [dreg:$0xa];
	s15 =	simm.s32 $0x5000  }
0x4a: {  	[tilespmem:s15], [sflag:$0x1] =	stream.linear.gather [hbm4b:s14+s2], $0x400, $0x38;
	[tilespmem:$0x10200] =	vst v63  }
0x4b: {  	s14 =	rddreg [dreg:$0xb];
	s15 =	simm.s32 $0x6000  }
0x4c: {  	[tilespmem:s15], [sflag:$0x1] =	stream.linear.gather [hbm4b:s14+s2], $0x400, $0x38;
	[tilespmem:$0x10200] =	vst v63  }
0x4d: {  	s14 =	rddreg [dreg:$0xc];
	s15 =	simm.s32 $0x7000  }
0x4e: {  	[tilespmem:s15], [sflag:$0x1] =	stream.linear.gather [hbm4b:s14+s2], $0x400, $0x38;
	[tilespmem:$0x10200] =	vst v63  }
0x4f: {  	s15 =	simm.s32 $0x8000  }
0x50: {  	[tilespmem:s15], [sflag:$0x5] =	stream.linear.gather [hbm4b:s4+s2], $0x400, $0x38;
	[tilespmem:$0x10200] =	vst v63  }
0x51: {  	s14 =	rddreg [dreg:$0xd];
	s15 =	simm.s32 $0x9000  }
0x52: {  	[tilespmem:s15], [sflag:$0x5] =	stream.linear.gather [hbm4b:s14+s2], $0x400, $0x38;
	[tilespmem:$0x10200] =	vst v63  }
0x53: {  	s14 =	rddreg [dreg:$0xe];
	s15 =	simm.s32 $0xA000  }
0x54: {  	[tilespmem:s15], [sflag:$0x5] =	stream.linear.gather [hbm4b:s14+s2], $0x400, $0x38;
	[tilespmem:$0x10200] =	vst v63  }
0x55: {  	s14 =	rddreg [dreg:$0xf];
	s15 =	simm.s32 $0xB000  }
0x56: {  	[tilespmem:s15], [sflag:$0x5] =	stream.linear.gather [hbm4b:s14+s2], $0x400, $0x38;
	[tilespmem:$0x10200] =	vst v63  }
0x57: {  	s14 =	rddreg [dreg:$0x10];
	s15 =	simm.s32 $0xC000  }
0x58: {  	[tilespmem:s15], [sflag:$0x5] =	stream.linear.gather [hbm4b:s14+s2], $0x400, $0x38;
	[tilespmem:$0x10200] =	vst v63  }
0x59: {  	s14 =	rddreg [dreg:$0x11];
	s15 =	simm.s32 $0xD000  }
0x5a: {  	[tilespmem:s15], [sflag:$0x5] =	stream.linear.gather [hbm4b:s14+s2], $0x400, $0x38;
	[tilespmem:$0x10200] =	vst v63  }
0x5b: {  	s14 =	rddreg [dreg:$0x12];
	s15 =	simm.s32 $0xE000  }
0x5c: {  	[tilespmem:s15], [sflag:$0x5] =	stream.linear.gather [hbm4b:s14+s2], $0x400, $0x38;
	[tilespmem:$0x10200] =	vst v63  }
0x5d: {  	s14 =	rddreg [dreg:$0x13];
	s15 =	simm.s32 $0xF000  }
0x5e: {  	[tilespmem:s15], [sflag:$0x5] =	stream.linear.gather [hbm4b:s14+s2], $0x400, $0x38;
	[tilespmem:$0x10200] =	vst v63  }
0x5f: {  	s15 =	simm.s32 $0x400  }
0x60: {  	[tilespmem:s15], [sflag:$0x2] =	stream.linear.gather [hbm4b:s5+s2], $0x400, $0x38;
	[tilespmem:$0x10200] =	vst v63  }
0x61: {  	s14 =	rddreg [dreg:$0x14];
	s15 =	simm.s32 $0x1400  }
0x62: {  	[tilespmem:s15], [sflag:$0x2] =	stream.linear.gather [hbm4b:s14+s2], $0x400, $0x38;
	[tilespmem:$0x10200] =	vst v63  }
0x63: {  	s14 =	rddreg [dreg:$0x15];
	s15 =	simm.s32 $0x2400  }
0x64: {  	[tilespmem:s15], [sflag:$0x2] =	stream.linear.gather [hbm4b:s14+s2], $0x400, $0x38;
	[tilespmem:$0x10200] =	vst v63  }
0x65: {  	s14 =	rddreg [dreg:$0x16];
	s15 =	simm.s32 $0x3400  }
0x66: {  	[tilespmem:s15], [sflag:$0x2] =	stream.linear.gather [hbm4b:s14+s2], $0x400, $0x38;
	[tilespmem:$0x10200] =	vst v63  }
0x67: {  	s14 =	rddreg [dreg:$0x17];
	s15 =	simm.s32 $0x4400  }
0x68: {  	[tilespmem:s15], [sflag:$0x2] =	stream.linear.gather [hbm4b:s14+s2], $0x400, $0x38;
	[tilespmem:$0x10200] =	vst v63  }
0x69: {  	s14 =	rddreg [dreg:$0x18];
	s15 =	simm.s32 $0x5400  }
0x6a: {  	[tilespmem:s15], [sflag:$0x2] =	stream.linear.gather [hbm4b:s14+s2], $0x400, $0x38;
	[tilespmem:$0x10200] =	vst v63  }
0x6b: {  	s14 =	rddreg [dreg:$0x19];
	s15 =	simm.s32 $0x6400  }
0x6c: {  	[tilespmem:s15], [sflag:$0x2] =	stream.linear.gather [hbm4b:s14+s2], $0x400, $0x38;
	[tilespmem:$0x10200] =	vst v63  }
0x6d: {  	s14 =	rddreg [dreg:$0x1a];
	s15 =	simm.s32 $0x7400  }
0x6e: {  	[tilespmem:s15], [sflag:$0x2] =	stream.linear.gather [hbm4b:s14+s2], $0x400, $0x38;
	[tilespmem:$0x10200] =	vst v63  }
0x6f: {  	s15 =	simm.s32 $0x8400  }
0x70: {  	[tilespmem:s15], [sflag:$0x6] =	stream.linear.gather [hbm4b:s6+s2], $0x400, $0x38;
	[tilespmem:$0x10200] =	vst v63  }
0x71: {  	s14 =	rddreg [dreg:$0x1b];
	s15 =	simm.s32 $0x9400  }
0x72: {  	[tilespmem:s15], [sflag:$0x6] =	stream.linear.gather [hbm4b:s14+s2], $0x400, $0x38;
	[tilespmem:$0x10200] =	vst v63  }
0x73: {  	s14 =	rddreg [dreg:$0x1c];
	s15 =	simm.s32 $0xA400  }
0x74: {  	[tilespmem:s15], [sflag:$0x6] =	stream.linear.gather [hbm4b:s14+s2], $0x400, $0x38;
	[tilespmem:$0x10200] =	vst v63  }
0x75: {  	s14 =	rddreg [dreg:$0x1d];
	s15 =	simm.s32 $0xB400  }
0x76: {  	[tilespmem:s15], [sflag:$0x6] =	stream.linear.gather [hbm4b:s14+s2], $0x400, $0x38;
	[tilespmem:$0x10200] =	vst v63  }
0x77: {  	s14 =	rddreg [dreg:$0x1e];
	s15 =	simm.s32 $0xC400  }
0x78: {  	[tilespmem:s15], [sflag:$0x6] =	stream.linear.gather [hbm4b:s14+s2], $0x400, $0x38;
	[tilespmem:$0x10200] =	vst v63  }
0x79: {  	s14 =	rddreg [dreg:$0x1f];
	s15 =	simm.s32 $0xD400  }
0x7a: {  	[tilespmem:s15], [sflag:$0x6] =	stream.linear.gather [hbm4b:s14+s2], $0x400, $0x38;
	[tilespmem:$0x10200] =	vst v63  }
0x7b: {  	s14 =	sld [smem:$0x7E9];
	_ =	sdelay $0x1  }
0x7c: {  	s15 =	simm.s32 $0xE400  }
0x7d: {  	[tilespmem:s15], [sflag:$0x6] =	stream.linear.gather [hbm4b:s14+s2], $0x400, $0x38;
	[tilespmem:$0x10200] =	vst v63  }
0x7e: {  	s14 =	sld [smem:$0x7EA];
	_ =	sdelay $0x1  }
0x7f: {  	s15 =	simm.s32 $0xF400  }
0x80: {  	[tilespmem:s15], [sflag:$0x6] =	stream.linear.gather [hbm4b:s14+s2], $0x400, $0x38;
	[tilespmem:$0x10200] =	vst v63  }
0x81: {  	s15 =	simm.s32 $0x800;
	s14 =	sld [smem:$0x7EB]  }
0x82: {  	[tilespmem:s15], [sflag:$0x3] =	stream.linear.gather [hbm4b:s7+s2], $0x400, $0x38;
	[tilespmem:$0x10200] =	vst v63  }
0x83: {  	s15 =	simm.s32 $0x1800  }
0x84: {  	[tilespmem:s15], [sflag:$0x3] =	stream.linear.gather [hbm4b:s14+s2], $0x400, $0x38;
	[tilespmem:$0x10200] =	vst v63  }
0x85: {  	s14 =	sld [smem:$0x7EC];
	_ =	sdelay $0x1  }
0x86: {  	s15 =	simm.s32 $0x2800  }
0x87: {  	[tilespmem:s15], [sflag:$0x3] =	stream.linear.gather [hbm4b:s14+s2], $0x400, $0x38;
	[tilespmem:$0x10200] =	vst v63  }
0x88: {  	s14 =	sld [smem:$0x7ED];
	_ =	sdelay $0x1  }
0x89: {  	s15 =	simm.s32 $0x3800  }
0x8a: {  	[tilespmem:s15], [sflag:$0x3] =	stream.linear.gather [hbm4b:s14+s2], $0x400, $0x38;
	[tilespmem:$0x10200] =	vst v63  }
0x8b: {  	s14 =	sld [smem:$0x7EE];
	_ =	sdelay $0x1  }
0x8c: {  	s15 =	simm.s32 $0x4800  }
0x8d: {  	[tilespmem:s15], [sflag:$0x3] =	stream.linear.gather [hbm4b:s14+s2], $0x400, $0x38;
	[tilespmem:$0x10200] =	vst v63  }
0x8e: {  	s14 =	sld [smem:$0x7EF];
	_ =	sdelay $0x1  }
0x8f: {  	s15 =	simm.s32 $0x5800  }
0x90: {  	[tilespmem:s15], [sflag:$0x3] =	stream.linear.gather [hbm4b:s14+s2], $0x400, $0x38;
	[tilespmem:$0x10200] =	vst v63  }
0x91: {  	s14 =	sld [smem:$0x7F0];
	_ =	sdelay $0x1  }
0x92: {  	s15 =	simm.s32 $0x6800  }
0x93: {  	[tilespmem:s15], [sflag:$0x3] =	stream.linear.gather [hbm4b:s14+s2], $0x400, $0x38;
	[tilespmem:$0x10200] =	vst v63  }
0x94: {  	s14 =	sld [smem:$0x7F1];
	_ =	sdelay $0x1  }
0x95: {  	s15 =	simm.s32 $0x7800  }
0x96: {  	[tilespmem:s15], [sflag:$0x3] =	stream.linear.gather [hbm4b:s14+s2], $0x400, $0x38;
	[tilespmem:$0x10200] =	vst v63  }
0x97: {  	s15 =	simm.s32 $0x8800;
	s14 =	sld [smem:$0x7F2]  }
0x98: {  	[tilespmem:s15], [sflag:$0x7] =	stream.linear.gather [hbm4b:s8+s2], $0x400, $0x38;
	[tilespmem:$0x10200] =	vst v63  }
0x99: {  	s15 =	simm.s32 $0x9800  }
0x9a: {  	[tilespmem:s15], [sflag:$0x7] =	stream.linear.gather [hbm4b:s14+s2], $0x400, $0x38;
	[tilespmem:$0x10200] =	vst v63  }
0x9b: {  	s14 =	sld [smem:$0x7F3];
	_ =	sdelay $0x1  }
0x9c: {  	s15 =	simm.s32 $0xA800  }
0x9d: {  	[tilespmem:s15], [sflag:$0x7] =	stream.linear.gather [hbm4b:s14+s2], $0x400, $0x38;
	[tilespmem:$0x10200] =	vst v63  }
0x9e: {  	s14 =	sld [smem:$0x7F4];
	_ =	sdelay $0x1  }
0x9f: {  	s15 =	simm.s32 $0xB800  }
0xa0: {  	[tilespmem:s15], [sflag:$0x7] =	stream.linear.gather [hbm4b:s14+s2], $0x400, $0x38;
	[tilespmem:$0x10200] =	vst v63  }
0xa1: {  	s14 =	sld [smem:$0x7F5];
	_ =	sdelay $0x1  }
0xa2: {  	s15 =	simm.s32 $0xC800  }
0xa3: {  	[tilespmem:s15], [sflag:$0x7] =	stream.linear.gather [hbm4b:s14+s2], $0x400, $0x38;
	[tilespmem:$0x10200] =	vst v63  }
0xa4: {  	s14 =	sld [smem:$0x7F6];
	_ =	sdelay $0x1  }
0xa5: {  	s15 =	simm.s32 $0xD800  }
0xa6: {  	[tilespmem:s15], [sflag:$0x7] =	stream.linear.gather [hbm4b:s14+s2], $0x400, $0x38;
	[tilespmem:$0x10200] =	vst v63  }
0xa7: {  	s14 =	sld [smem:$0x7F7];
	_ =	sdelay $0x1  }
0xa8: {  	s15 =	simm.s32 $0xE800  }
0xa9: {  	[tilespmem:s15], [sflag:$0x7] =	stream.linear.gather [hbm4b:s14+s2], $0x400, $0x38;
	[tilespmem:$0x10200] =	vst v63  }
0xaa: {  	s14 =	sld [smem:$0x7F8];
	_ =	sdelay $0x1  }
0xab: {  	s15 =	simm.s32 $0xF800  }
0xac: {  	[tilespmem:s15], [sflag:$0x7] =	stream.linear.gather [hbm4b:s14+s2], $0x400, $0x38;
	[tilespmem:$0x10200] =	vst v63  }
0xad: {  	s15 =	simm.s32 $0xC00;
	s14 =	sld [smem:$0x7F9]  }
0xae: {  	[tilespmem:s15], [sflag:$0x4] =	stream.linear.gather [hbm4b:s9+s2], $0x400, $0x38;
	[tilespmem:$0x10200] =	vst v63  }
0xaf: {  	s15 =	simm.s32 $0x1C00  }
0xb0: {  	[tilespmem:s15], [sflag:$0x4] =	stream.linear.gather [hbm4b:s14+s2], $0x400, $0x38;
	[tilespmem:$0x10200] =	vst v63  }
0xb1: {  	s14 =	sld [smem:$0x7FA];
	_ =	sdelay $0x1  }
0xb2: {  	s15 =	simm.s32 $0x2C00  }
0xb3: {  	[tilespmem:s15], [sflag:$0x4] =	stream.linear.gather [hbm4b:s14+s2], $0x400, $0x38;
	[tilespmem:$0x10200] =	vst v63  }
0xb4: {  	s14 =	sld [smem:$0x7FB];
	_ =	sdelay $0x1  }
0xb5: {  	s15 =	simm.s32 $0x3C00  }
0xb6: {  	[tilespmem:s15], [sflag:$0x4] =	stream.linear.gather [hbm4b:s14+s2], $0x400, $0x38;
	[tilespmem:$0x10200] =	vst v63  }
0xb7: {  	s14 =	sld [smem:$0x7FC];
	_ =	sdelay $0x1  }
0xb8: {  	s15 =	simm.s32 $0x4C00  }
0xb9: {  	[tilespmem:s15], [sflag:$0x4] =	stream.linear.gather [hbm4b:s14+s2], $0x400, $0x38;
	[tilespmem:$0x10200] =	vst v63  }
0xba: {  	s14 =	sld [smem:$0x7FD];
	_ =	sdelay $0x1  }
0xbb: {  	s15 =	simm.s32 $0x5C00  }
0xbc: {  	[tilespmem:s15], [sflag:$0x4] =	stream.linear.gather [hbm4b:s14+s2], $0x400, $0x38;
	[tilespmem:$0x10200] =	vst v63  }
0xbd: {  	s14 =	simm.s32 $0x6C00  }
0xbe: {  	[tilespmem:s14], [sflag:$0x4] =	stream.linear.gather [hbm4b:s16+s2], $0x400, $0x38;
	[tilespmem:$0x10200] =	vst v63  }
0xbf: {  	s15 =	simm.s32 $0x7C00  }
0xc0: {  	[tilespmem:s15], [sflag:$0x4] =	stream.linear.gather [hbm4b:s17+s2], $0x400, $0x38;
	[tilespmem:$0x10200] =	vst v63  }
0xc1: {  	s14 =	simm.s32 $0x8C00  }
0xc2: {  	[tilespmem:s14], [sflag:$0x8] =	stream.linear.gather [hbm4b:s10+s2], $0x400, $0x38;
	[tilespmem:$0x10200] =	vst v63  }
0xc3: {  	s15 =	simm.s32 $0x9C00  }
0xc4: {  	[tilespmem:s15], [sflag:$0x8] =	stream.linear.gather [hbm4b:s18+s2], $0x400, $0x38;
	[tilespmem:$0x10200] =	vst v63  }
0xc5: {  	s14 =	simm.s32 $0xAC00  }
0xc6: {  	[tilespmem:s14], [sflag:$0x8] =	stream.linear.gather [hbm4b:s19+s2], $0x400, $0x38;
	[tilespmem:$0x10200] =	vst v63  }
0xc7: {  	s15 =	simm.s32 $0xBC00  }
0xc8: {  	[tilespmem:s15], [sflag:$0x8] =	stream.linear.gather [hbm4b:s20+s2], $0x400, $0x38;
	[tilespmem:$0x10200] =	vst v63  }
0xc9: {  	s14 =	simm.s32 $0xCC00  }
0xca: {  	[tilespmem:s14], [sflag:$0x8] =	stream.linear.gather [hbm4b:s21+s2], $0x400, $0x38;
	[tilespmem:$0x10200] =	vst v63  }
0xcb: {  	s15 =	simm.s32 $0xDC00  }
0xcc: {  	[tilespmem:s15], [sflag:$0x8] =	stream.linear.gather [hbm4b:s22+s2], $0x400, $0x38;
	[tilespmem:$0x10200] =	vst v63  }
0xcd: {  	s14 =	simm.s32 $0xEC00  }
0xce: {  	[tilespmem:s14], [sflag:$0x8] =	stream.linear.gather [hbm4b:s23+s2], $0x400, $0x38;
	[tilespmem:$0x10200] =	vst v63  }
0xcf: {  	s15 =	simm.s32 $0xFC00  }
0xd0: {  	[tilespmem:s15], [sflag:$0x8] =	stream.linear.gather [hbm4b:s24+s2], $0x400, $0x38;
	[tilespmem:$0x10200] =	vst v63  }
0xd1: {  	_ =	swait.ge [sflag:s25], $0x2000  }
0xd2: {  	[sflag:s25] =	ssyncset.done $0x0  }
0xd3: {  	[sflag:s25] =	ssyncadd.s32 $0xFFFFE000  }
0xd4: {  	_ =	swait.ge [sflag:s26], $0x2000  }
0xd5: {  	[sflag:s26] =	ssyncset.done $0x0  }
0xd6: {  	s13 =	simm.s32 $0x0;
	[sflag:s26] =	ssyncadd.s32 $0xFFFFE000  }
0xd7: {  	v0 =	vld [tilespmem:s13+$0x6280];
	_ =	sdelay $0x4  }
0xd8: {  	[tilespmem:$0x1FF20] =	vst v0;
	v0 =	vld [tilespmem:s13+$0x6000];
	_ =	sdelay $0x4  }
0xd9: {  	[tilespmem:$0x1FF40] =	vst v0;
	v0 =	vld [tilespmem:s13+$0xE100];
	_ =	sdelay $0x3  }
0xda: {  	v17 =	vld [tilespmem:s13+$0x7200]  }
0xdb: {  	[tilespmem:$0x1FE20] =	vst v0;
	v0 =	vld [tilespmem:s13+$0x5200]  }
0xdc: {  	v14 =	vld [tilespmem:s13+$0xF200]  }
0xdd: {  	v15 =	vld [tilespmem:s13+$0x7280]  }
0xde: {  	v4 =	vld [tilespmem:s13+$0xF280]  }
0xdf: {  	v20 =	vld [tilespmem:s13+$0x7300]  }
0xe0: {  	[tilespmem:$0x1FF70] =	vst v0;
	v0 =	vld [tilespmem:s13+$0x5300]  }
0xe1: {  	v22 =	vld [tilespmem:s13+$0xF300]  }
0xe2: {  	v32 =	vld [tilespmem:s13+$0x7000]  }
0xe3: {  	v18 =	vld [tilespmem:s13+$0xF000]  }
0xe4: {  	v19 =	vld [tilespmem:s13+$0x7080]  }
0xe5: {  	[tilespmem:$0x1FE30] =	vst v0;
	v0 =	vld [tilespmem:s13+$0xD300]  }
0xe6: {  	v6 =	vld [tilespmem:s13+$0xF080]  }
0xe7: {  	v23 =	vld [tilespmem:s13+$0x7100]  }
0xe8: {  	v24 =	vld [tilespmem:s13+$0xF100]  }
0xe9: {  	v11 =	vld [tilespmem:s13+$0x6200]  }
0xea: {  	[tilespmem:$0x1FE40] =	vst v0;
	v0 =	vld [tilespmem:s13+$0x5000]  }
0xeb: {  	v21 =	vld [tilespmem:s13+$0xE200]  }
0xec: {  	v1 =	vld [tilespmem:s13+$0xE280]  }
0xed: {  	v25 =	vld [tilespmem:s13+$0x6300]  }
0xee: {  	v26 =	vld [tilespmem:s13+$0xE300]  }
0xef: {  	[tilespmem:$0x1FFA0] =	vst v0;
	v0 =	vld [tilespmem:s13+$0x5100]  }
0xf0: {  	v12 =	vld [tilespmem:s13+$0xE000]  }
0xf1: {  	v13 =	vld [tilespmem:s13+$0x6080]  }
0xf2: {  	v5 =	vld [tilespmem:s13+$0xE080]  }
0xf3: {  	v27 =	vld [tilespmem:s13+$0x6100]  }
0xf4: {  	[tilespmem:$0x1FE50] =	vst v0;
	v0 =	vld [tilespmem:s13+$0xD100]  }
0xf5: {  	v28 =	vld [tilespmem:s13+$0xD200]  }
0xf6: {  	v16 =	vld [tilespmem:s13+$0x5280]  }
0xf7: {  	v7 =	vld [tilespmem:s13+$0xD280]  }
0xf8: {  	v30 =	vld [tilespmem:s13+$0xD000]  }
0xf9: {  	[tilespmem:$0x1FE60] =	vst v0;
	v0 =	vld [tilespmem:s13+$0x4200]  }
0xfa: {  	v31 =	vld [tilespmem:s13+$0x5080]  }
0xfb: {  	v8 =	vld [tilespmem:s13+$0xD080]  }
0xfc: {  	v34 =	vld [tilespmem:s13+$0xC200]  }
0xfd: {  	v55 =	vld [tilespmem:s13+$0x4280]  }
0xfe: {  	[tilespmem:$0x1FFB0] =	vst v0;
	v0 =	vld [tilespmem:s13+$0x4300]  }
0xff: {  	v35 =	vld [tilespmem:s13+$0xC280]  }
0x100: {  	v38 =	vld [tilespmem:s13+$0xC000]  }
0x101: {  	v56 =	vld [tilespmem:s13+$0x4080]  }
0x102: {  	v39 =	vld [tilespmem:s13+$0xC080]  }
0x103: {  	[tilespmem:$0x1FE70] =	vst v0;
	v0 =	vld [tilespmem:s13+$0xC300]  }
0x104: {  	v41 =	vld [tilespmem:s13+$0xB200]  }
0x105: {  	v58 =	vld [tilespmem:s13+$0x3280]  }
0x106: {  	v42 =	vld [tilespmem:s13+$0xB280]  }
0x107: {  	v44 =	vld [tilespmem:s13+$0xB000]  }
0x108: {  	[tilespmem:$0x1FE80] =	vst v0;
	v0 =	vld [tilespmem:s13+$0x4000]  }
0x109: {  	v45 =	vld [tilespmem:s13+$0x3080]  }
0x10a: {  	v9 =	vld [tilespmem:s13+$0xB080]  }
0x10b: {  	v49 =	vld [tilespmem:s13+$0xA200]  }
0x10c: {  	v50 =	vld [tilespmem:s13+$0x2280]  }
0x10d: {  	[tilespmem:$0x1FFC0] =	vst v0;
	v0 =	vld [tilespmem:s13+$0x4100]  }
0x10e: {  	v10 =	vld [tilespmem:s13+$0xA280]  }
0x10f: {  	v21 =	vmul.f32 v21, v11;
	v11 =	vld [tilespmem:$0x1FF20]  }
0x110: {  	v29 =	vld [tilespmem:s13+$0x2300]  }
0x111: {  	v33 =	vld [tilespmem:s13+$0xA300]  }
0x112: {  	[tilespmem:$0x1FE90] =	vst v0;
	v0 =	vld [tilespmem:s13+$0xC100]  }
0x113: {  	v48 =	vld [tilespmem:s13+$0x2000]  }
0x114: {  	v1 =	vmul.f32 v1, v11;
	v11 =	vld [tilespmem:$0x1FF40]  }
0x115: {  	v51 =	vld [tilespmem:s13+$0xA000]  }
0x116: {  	v52 =	vld [tilespmem:s13+$0x2080]  }
0x117: {  	[tilespmem:$0x1FEA0] =	vst v0;
	v0 =	vld [tilespmem:s13+$0x3200]  }
0x118: {  	v53 =	vld [tilespmem:s13+$0xA080]  }
0x119: {  	v36 =	vld [tilespmem:s13+$0x2100];
	v11 =	vmul.f32 v12, v11  }
0x11a: {  	v37 =	vld [tilespmem:s13+$0xA100]  }
0x11b: {  	[tilespmem:$0x1FF50] =	vst v11;
	v11 =	vld [tilespmem:$0x1FF70]  }
0x11c: {  	[tilespmem:$0x1FFD0] =	vst v0;
	v0 =	vld [tilespmem:s13+$0x3300]  }
0x11d: {  	v54 =	vld [tilespmem:s13+$0x1200]  }
0x11e: {  	v57 =	vld [tilespmem:s13+$0x9200]  }
0x11f: {  	v59 =	vld [tilespmem:s13+$0x1280]  }
0x120: {  	v60 =	vld [tilespmem:s13+$0x9280];
	v11 =	vmul.f32 v28, v11  }
0x121: {  	[tilespmem:$0x1FEB0] =	vst v0;
	v0 =	vld [tilespmem:s13+$0xB300]  }
0x122: {  	[tilespmem:$0x1FF80] =	vst v11;
	v11 =	vld [tilespmem:$0x1FFA0]  }
0x123: {  	v40 =	vld [tilespmem:s13+$0x1300]  }
0x124: {  	v43 =	vld [tilespmem:s13+$0x9300]  }
0x125: {  	v61 =	vld [tilespmem:s13+$0x1000]  }
0x126: {  	[tilespmem:$0x1FEC0] =	vst v0;
	v0 =	vld [tilespmem:s13+$0x3000]  }
0x127: {  	v28 =	vmul.f32 v30, v11;
	v11 =	vld [tilespmem:$0x1FFB0]  }
0x128: {  	v62 =	vld [tilespmem:s13+$0x9000]  }
0x129: {  	v63 =	vld [tilespmem:s13+$0x1080]  }
0x12a: {  	v46 =	vld [tilespmem:s13+$0x1100]  }
0x12b: {  	[tilespmem:$0x1FFE0] =	vst v0;
	v0 =	vld [tilespmem:s13+$0x3100]  }
0x12c: {  	v34 =	vmul.f32 v34, v11;
	v11 =	vld [tilespmem:$0x1FFC0]  }
0x12d: {  	v47 =	vld [tilespmem:s13+$0x9100]  }
0x12e: {  	v2 =	vld [tilespmem:s13+$0x200]  }
0x12f: {  	v3 =	vld [tilespmem:s13+$0x8200]  }
0x130: {  	[tilespmem:$0x1FED0] =	vst v0;
	v0 =	vld [tilespmem:s13+$0xB100]  }
0x131: {  	v38 =	vmul.f32 v38, v11;
	v11 =	vld [tilespmem:$0x1FFD0]  }
0x132: {  	v19 =	vmul.f32 v6, v19;
	v6 =	vld [tilespmem:s13+$0x8280]  }
0x133: {  	v31 =	vmul.f32 v8, v31;
	v8 =	vld [tilespmem:s13+$0x8000]  }
0x134: {  	v35 =	vmul.f32 v35, v55;
	v55 =	vld [tilespmem:s13+$0x80]  }
0x135: {  	[tilespmem:$0x1FEE0] =	vst v0;
	v0 =	vld [tilespmem:s13+$0x2200]  }
0x136: {  	v41 =	vmul.f32 v41, v11;
	v11 =	vld [tilespmem:$0x1FFE0]  }
0x137: {  	v39 =	vmul.f32 v39, v56;
	v56 =	vld [tilespmem:s13+$0x8080]  }
0x138: {  	v42 =	vmul.f32 v42, v58;
	v58 =	vld [tilespmem:s13+$0x100]  }
0x139: {  	v14 =	vmul.f32 v14, v17;
	v45 =	vmul.f32 v9, v45;
	v9 =	vld [tilespmem:s13+$0x8100]  }
0x13a: {  	v4 =	vmul.f32 v4, v15;
	v50 =	vmul.f32 v10, v50;
	v10 =	vld [tilespmem:s13+$0x180];
	[tilespmem:$0x1FFF0] =	vst v0  }
0x13b: {  	v5 =	vmul.f32 v5, v13;
	[tilespmem:$0x1FEF0] =	vst v14;
	v44 =	vmul.f32 v44, v11;
	v11 =	vld [tilespmem:$0x1FFF0]  }
0x13c: {  	v7 =	vmul.f32 v7, v16;
	[tilespmem:$0x1FF00] =	vst v4;
	v4 =	vld [tilespmem:s13+$0x280]  }
0x13d: {  	[tilespmem:$0x1FF60] =	vst v5;
	v5 =	vld [tilespmem:s13+$0x8300]  }
0x13e: {  	v32 =	vmul.f32 v18, v32;
	[tilespmem:$0x1FF90] =	vst v7;
	v7 =	vld [tilespmem:s13+$0x0]  }
0x13f: {  	[tilespmem:$0x1FF30] =	vst v1;
	v1 =	vld [tilespmem:s13+$0x300]  }
0x140: {  	s14 =	simm.s32 $0x40;
	[tilespmem:$0x1FF10] =	vst v32;
	v0 =	vld [tilespmem:s13+$0x9080];
	v49 =	vmul.f32 v49, v11  }
.LBB2_2:
0x141: {  	v11 =	vld [tilespmem:s13+$0x8180]  }
0x142: {  	v13 =	vld [tilespmem:s13+$0x380]  }
0x143: {  	v32 =	vld [tilespmem:s13+$0x8380];
	v12 =	vmul.f32 v53, v52;
	v15 =	vmul.f32 v60, v59  }
0x144: {  	v2 =	vmul.f32 v3, v2;
	v3 =	vmul.f32 v6, v4;
	v4 =	vld [tilespmem:s13+$0x1180]  }
0x145: {  	v6 =	vmul.f32 v8, v7;
	v7 =	vmul.f32 v56, v55;
	v8 =	vld [tilespmem:s13+$0x9180]  }
0x146: {  	v9 =	vmul.f32 v9, v58;
	v1 =	vmul.f32 v5, v1;
	v5 =	vld [tilespmem:s13+$0x9380]  }
0x147: {  	v60 =	vmul.f32 v62, v61;
	v61 =	vld [tilespmem:s13+$0x2180];
	v10 =	vmul.f32 v11, v10;
	v6 =	vadd.f32 $0.0e+00, v6  }
0x148: {  	v0 =	vmul.f32 v0, v63;
	v11 =	vld [tilespmem:s13+$0x1380];
	v7 =	vadd.f32 $0.0e+00, v7;
	v9 =	vadd.f32 $0.0e+00, v9  }
0x149: {  	v52 =	vmul.f32 v32, v13;
	v32 =	vld [tilespmem:s13+$0xB380];
	v10 =	vadd.f32 $0.0e+00, v10;
	v2 =	vadd.f32 v2, v6  }
0x14a: {  	v3 =	vadd.f32 v3, v7;
	v6 =	vmul.f32 v47, v46;
	v7 =	vld [tilespmem:s13+$0xA180];
	v1 =	vadd.f32 v1, v9  }
0x14b: {  	v9 =	vadd.f32 v52, v10;
	v4 =	vmul.f32 v8, v4;
	v8 =	vld [tilespmem:s13+$0x2380]  }
0x14c: {  	v10 =	vld [tilespmem:s13+$0xA380];
	v0 =	vadd.f32 v0, v3;
	v3 =	vmul.f32 v43, v40;
	v1 =	vadd.f32 v6, v1  }
0x14d: {  	v5 =	vmul.f32 v5, v11;
	v6 =	vld [tilespmem:s13+$0x3180];
	v4 =	vadd.f32 v4, v9  }
0x14e: {  	v11 =	vld [tilespmem:s13+$0xB180];
	v9 =	vmul.f32 v37, v36;
	v1 =	vadd.f32 v3, v1  }
0x14f: {  	v3 =	vadd.f32 v5, v4;
	v4 =	vmul.f32 v7, v61;
	v5 =	vld [tilespmem:s13+$0x3380]  }
0x150: {  	v0 =	vadd.f32 v15, v0;
	v1 =	vadd.f32 v9, v1;
	v9 =	vld [tilespmem:$0x1FED0]  }
0x151: {  	v7 =	vmul.f32 v33, v29;
	v3 =	vadd.f32 v4, v3;
	v4 =	vmul.f32 v10, v8;
	v10 =	vld [tilespmem:$0x1FEE0]  }
0x152: {  	v0 =	vadd.f32 v12, v0;
	v12 =	vld [tilespmem:$0x1FEA0]  }
0x153: {  	v1 =	vadd.f32 v7, v1;
	v7 =	vld [tilespmem:$0x1FEB0]  }
0x154: {  	v3 =	vadd.f32 v4, v3;
	v4 =	vmul.f32 v11, v6;
	v11 =	vld [tilespmem:$0x1FEC0]  }
0x155: {  	v8 =	vld [tilespmem:s13+$0x4180]  }
0x156: {  	v6 =	vld [tilespmem:s13+$0x4380];
	v9 =	vmul.f32 v10, v9  }
0x157: {  	v10 =	vld [tilespmem:s13+$0xC180]  }
0x158: {  	v1 =	vadd.f32 v9, v1;
	v9 =	vld [tilespmem:$0x1FE90]  }
0x159: {  	v14 =	vmul.f32 v57, v54;
	v2 =	vadd.f32 v60, v2;
	v7 =	vmul.f32 v11, v7;
	v11 =	vld [tilespmem:s13+$0xC380]  }
0x15a: {  	v3 =	vadd.f32 v4, v3;
	v4 =	vmul.f32 v32, v5  }
0x15b: {  	v48 =	vmul.f32 v51, v48;
	v2 =	vadd.f32 v14, v2  }
0x15c: {  	v3 =	vadd.f32 v4, v3;
	v4 =	vmul.f32 v10, v8;
	v8 =	vld [tilespmem:$0x1FE70]  }
0x15d: {  	v2 =	vadd.f32 v48, v2;
	v1 =	vadd.f32 v7, v1;
	v10 =	vld [tilespmem:$0x1FE80];
	v9 =	vmul.f32 v12, v9  }
0x15e: {  	v3 =	vadd.f32 v4, v3;
	v4 =	vmul.f32 v11, v6;
	v11 =	vld [tilespmem:$0x1FE60]  }
0x15f: {  	v2 =	vadd.f32 v49, v2;
	v1 =	vadd.f32 v9, v1;
	v9 =	vld [tilespmem:$0x1FE50]  }
0x160: {  	v16 =	vld [tilespmem:s13+$0xD180]  }
0x161: {  	v62 =	vld [tilespmem:$0x1FE40];
	v2 =	vadd.f32 v44, v2  }
0x162: {  	v5 =	vld [tilespmem:s13+$0x5180];
	v8 =	vmul.f32 v10, v8  }
0x163: {  	v2 =	vadd.f32 v41, v2;
	v7 =	vld [tilespmem:s13+$0x5380]  }
0x164: {  	v0 =	vadd.f32 v50, v0;
	v10 =	vld [tilespmem:s13+$0xD380];
	v1 =	vadd.f32 v8, v1;
	v9 =	vmul.f32 v11, v9  }
0x165: {  	v2 =	vadd.f32 v38, v2;
	v8 =	vld [tilespmem:$0x1FE30]  }
0x166: {  	v0 =	vadd.f32 v45, v0;
	v1 =	vadd.f32 v9, v1;
	v9 =	vld [tilespmem:$0x1FF80]  }
0x167: {  	v2 =	vadd.f32 v34, v2;
	v6 =	vld [tilespmem:s13+$0x6180]  }
0x168: {  	v0 =	vadd.f32 v42, v0;
	v3 =	vadd.f32 v4, v3;
	v4 =	vmul.f32 v16, v5;
	v11 =	vld [tilespmem:s13+$0xE180]  }
0x169: {  	v63 =	vld [tilespmem:s13+$0xE380];
	v2 =	vadd.f32 v28, v2  }
0x16a: {  	v0 =	vadd.f32 v39, v0;
	v5 =	vld [tilespmem:s13+$0x6380];
	v3 =	vadd.f32 v4, v3  }
0x16b: {  	v4 =	vmul.f32 v10, v7;
	v8 =	vmul.f32 v62, v8;
	v2 =	vadd.f32 v9, v2;
	v9 =	vld [tilespmem:$0x1FF90]  }
0x16c: {  	v0 =	vadd.f32 v35, v0  }
0x16d: {  	v3 =	vadd.f32 v4, v3;
	v1 =	vadd.f32 v8, v1;
	v4 =	vmul.f32 v11, v6;
	v8 =	vld [tilespmem:$0x1FF50]  }
0x16e: {  	s15 =	sshra.s32 s14, $0x2;
	v0 =	vadd.f32 v31, v0  }
0x16f: {  	v3 =	vadd.f32 v4, v3;
	v4 =	vmul.f32 v63, v5;
	v5 =	vld [tilespmem:s15+$0xF200]  }
0x170: {  	v0 =	vadd.f32 v9, v0;
	v9 =	vld [tilespmem:$0x1FE20]  }
0x171: {  	v7 =	vld [tilespmem:s13+$0x7180]  }
0x172: {  	v2 =	vadd.f32 v8, v2;
	v8 =	vld [tilespmem:$0x1FF60]  }
0x173: {  	v10 =	vld [tilespmem:s13+$0xF180]  }
0x174: {  	[tilespmem:$0x1FD70] =	vst v5;
	v5 =	vld [tilespmem:$0x1FF30]  }
0x175: {  	v9 =	vmul.f32 v9, v27;
	_ =	sdelay $0x1  }
0x176: {  	v0 =	vadd.f32 v8, v0;
	v8 =	vmul.f32 v26, v25;
	v1 =	vadd.f32 v9, v1  }
0x177: {  	v3 =	vadd.f32 v4, v3;
	v4 =	vmul.f32 v10, v7  }
0x178: {  	v7 =	vld [tilespmem:s15+$0xF280];
	v0 =	vadd.f32 v5, v0;
	v5 =	vmul.f32 v24, v23;
	v1 =	vadd.f32 v8, v1;
	_ =	sdelay $0x1  }
0x179: {  	v1 =	vadd.f32 v5, v1;
	v5 =	vld [tilespmem:s15+$0xF300];
	_ =	sdelay $0x2  }
0x17a: {  	[tilespmem:$0x1FD90] =	vst v7;
	v7 =	vld [tilespmem:$0x1FF10];
	_ =	sdelay $0x1  }
0x17b: {  	[tilespmem:$0x1FDB0] =	vst v5;
	v5 =	vld [tilespmem:$0x1FEF0]  }
0x17c: {  	v6 =	vld [tilespmem:s13+$0x7380];
	v2 =	vadd.f32 v21, v2  }
0x17d: {  	v11 =	vld [tilespmem:s13+$0xF380]  }
0x17e: {  	v2 =	vadd.f32 v7, v2;
	_ =	sdelay $0x1  }
0x17f: {  	v2 =	vadd.f32 v5, v2;
	v5 =	vld [tilespmem:$0x1FF00]  }
0x180: {  	v13 =	vld [tilespmem:s15+$0x7200]  }
0x181: {  	v3 =	vadd.f32 v4, v3;
	v4 =	vmul.f32 v11, v6;
	v21 =	vld [tilespmem:s15+$0x6200]  }
0x182: {  	v6 =	vld [tilespmem:$0x1FD70];
	v0 =	vadd.f32 v19, v0;
	v7 =	vmul.f32 v22, v20  }
0x183: {  	v3 =	vadd.f32 v4, v3;
	v9 =	vld [tilespmem:s15+$0x7280]  }
0x184: {  	v1 =	vadd.f32 v7, v1;
	v0 =	vadd.f32 v5, v0;
	v5 =	vld [tilespmem:s15+$0x7000]  }
0x185: {  	v19 =	vld [tilespmem:s15+$0xF000]  }
0x186: {  	v8 =	vld [tilespmem:s15+$0x7300];
	v1 =	vadd.f32 v3, v1;
	v0 =	vadd.f32 v0, v2  }
0x187: {  	v7 =	vld [tilespmem:s15+$0x7080]  }
0x188: {  	v2 =	vld [tilespmem:s15+$0x7100];
	v0 =	vadd.f32 v1, v0  }
0x189: {  	v1 =	vld [tilespmem:s15+$0xF100];
	[tilespmem:$0x1FDA0] =	vst v5  }
0x18a: {  	v5 =	vld [tilespmem:s15+$0xF080];
	[tilespmem:s13+$0x10000] =	vst v0;
	s13 =	smov.u32 s15  }
0x18b: {  	[tilespmem:$0x1FDD0] =	vst v8;
	v8 =	vld [tilespmem:s13+$0xE200]  }
0x18c: {  	v28 =	vld [tilespmem:s13+$0x6280]  }
0x18d: {  	v35 =	vld [tilespmem:s13+$0xE280]  }
0x18e: {  	v0 =	vld [tilespmem:s13+$0x6300]  }
0x18f: {  	v38 =	vld [tilespmem:s13+$0x6000]  }
0x190: {  	v39 =	vld [tilespmem:s13+$0xE000]  }
0x191: {  	v41 =	vld [tilespmem:s13+$0x6080]  }
0x192: {  	v42 =	vld [tilespmem:s13+$0xE080]  }
0x193: {  	v44 =	vld [tilespmem:s13+$0x5200]  }
0x194: {  	v45 =	vld [tilespmem:s13+$0xD200]  }
0x195: {  	v49 =	vld [tilespmem:s13+$0x5280]  }
0x196: {  	v50 =	vld [tilespmem:s13+$0xD280]  }
0x197: {  	v55 =	vld [tilespmem:s13+$0x5000]  }
0x198: {  	v56 =	vld [tilespmem:s13+$0xD000]  }
0x199: {  	v58 =	vld [tilespmem:s13+$0x5080]  }
0x19a: {  	v31 =	vld [tilespmem:s13+$0xD080]  }
0x19b: {  	v34 =	vld [tilespmem:s13+$0x4200]  }
0x19c: {  	v10 =	vld [tilespmem:s13+$0xC200]  }
0x19d: {  	v12 =	vld [tilespmem:s13+$0x4280]  }
0x19e: {  	[tilespmem:$0x1FE10] =	vst v0;
	v0 =	vld [tilespmem:s13+$0xE300]  }
0x19f: {  	[tilespmem:$0x1FD60] =	vst v13;
	v13 =	vld [tilespmem:s13+$0xC280]  }
0x1a0: {  	v14 =	vld [tilespmem:s13+$0x4000]  }
0x1a1: {  	v15 =	vld [tilespmem:s13+$0xC000]  }
0x1a2: {  	v16 =	vld [tilespmem:s13+$0x4080]  }
0x1a3: {  	[tilespmem:$0x1FDE0] =	vst v0;
	v0 =	vld [tilespmem:s13+$0x6100]  }
0x1a4: {  	v17 =	vld [tilespmem:s13+$0xC080]  }
0x1a5: {  	v18 =	vld [tilespmem:s13+$0x3200]  }
0x1a6: {  	[tilespmem:$0x1FD80] =	vst v9;
	v9 =	vld [tilespmem:s13+$0xB200]  }
0x1a7: {  	v30 =	vld [tilespmem:s13+$0x3280]  }
0x1a8: {  	[tilespmem:$0x1FE00] =	vst v0;
	v0 =	vld [tilespmem:s13+$0xE100]  }
0x1a9: {  	v22 =	vld [tilespmem:s13+$0xB280]  }
0x1aa: {  	v20 =	vld [tilespmem:s13+$0x3000]  }
0x1ab: {  	v23 =	vld [tilespmem:s13+$0xB000]  }
0x1ac: {  	v26 =	vld [tilespmem:s13+$0x3080]  }
0x1ad: {  	[tilespmem:$0x1FE20] =	vst v0;
	v0 =	vld [tilespmem:s13+$0x5300]  }
0x1ae: {  	v24 =	vld [tilespmem:s13+$0xB080]  }
0x1af: {  	v25 =	vld [tilespmem:s13+$0x2200]  }
0x1b0: {  	v27 =	vld [tilespmem:s13+$0xA200]  }
0x1b1: {  	v11 =	vld [tilespmem:s13+$0x2280]  }
0x1b2: {  	[tilespmem:$0x1FE30] =	vst v0;
	v0 =	vld [tilespmem:s13+$0xD300]  }
0x1b3: {  	v32 =	vld [tilespmem:s13+$0xA280]  }
0x1b4: {  	v29 =	vld [tilespmem:s13+$0x2300]  }
0x1b5: {  	v33 =	vld [tilespmem:s13+$0xA300]  }
0x1b6: {  	v48 =	vld [tilespmem:s13+$0x2000]  }
0x1b7: {  	[tilespmem:$0x1FE40] =	vst v0;
	v0 =	vld [tilespmem:s13+$0x5100]  }
0x1b8: {  	v51 =	vld [tilespmem:s13+$0xA000]  }
0x1b9: {  	v52 =	vld [tilespmem:s13+$0x2080]  }
0x1ba: {  	v53 =	vld [tilespmem:s13+$0xA080]  }
0x1bb: {  	v36 =	vld [tilespmem:s13+$0x2100]  }
0x1bc: {  	[tilespmem:$0x1FE50] =	vst v0;
	v0 =	vld [tilespmem:s13+$0xD100]  }
0x1bd: {  	v37 =	vld [tilespmem:s13+$0xA100]  }
0x1be: {  	v54 =	vld [tilespmem:s13+$0x1200]  }
0x1bf: {  	v57 =	vld [tilespmem:s13+$0x9200]  }
0x1c0: {  	v59 =	vld [tilespmem:s13+$0x1280]  }
0x1c1: {  	[tilespmem:$0x1FE60] =	vst v0;
	v0 =	vld [tilespmem:s13+$0x4300]  }
0x1c2: {  	v60 =	vld [tilespmem:s13+$0x9280]  }
0x1c3: {  	v40 =	vld [tilespmem:s13+$0x1300]  }
0x1c4: {  	v43 =	vld [tilespmem:s13+$0x9300]  }
0x1c5: {  	v61 =	vld [tilespmem:s13+$0x1000]  }
0x1c6: {  	[tilespmem:$0x1FE70] =	vst v0;
	v0 =	vld [tilespmem:s13+$0xC300]  }
0x1c7: {  	v62 =	vld [tilespmem:s13+$0x9000]  }
0x1c8: {  	v63 =	vld [tilespmem:s13+$0x1080]  }
0x1c9: {  	v46 =	vld [tilespmem:s13+$0x1100]  }
0x1ca: {  	v47 =	vld [tilespmem:s13+$0x9100]  }
0x1cb: {  	[tilespmem:$0x1FE80] =	vst v0;
	v0 =	vld [tilespmem:s13+$0x4100]  }
0x1cc: {  	[tilespmem:$0x1FDC0] =	vst v2;
	v2 =	vld [tilespmem:s13+$0x200]  }
0x1cd: {  	[tilespmem:$0x1FDF0] =	vst v1;
	v1 =	vld [tilespmem:$0x1FD60]  }
0x1ce: {  	v3 =	vld [tilespmem:s13+$0x8200]  }
0x1cf: {  	v4 =	vld [tilespmem:s13+$0x280]  }
0x1d0: {  	v21 =	vmul.f32 v8, v21;
	[tilespmem:$0x1FE90] =	vst v0;
	v0 =	vld [tilespmem:s13+$0xC100]  }
0x1d1: {  	v8 =	vmul.f32 v45, v44;
	v31 =	vmul.f32 v31, v58;
	v58 =	vld [tilespmem:s13+$0x100]  }
0x1d2: {  	v44 =	vmul.f32 v23, v20;
	v23 =	vld [tilespmem:$0x1FDC0];
	v1 =	vmul.f32 v6, v1  }
0x1d3: {  	v6 =	vld [tilespmem:$0x1FD90]  }
0x1d4: {  	[tilespmem:$0x1FEF0] =	vst v1;
	v1 =	vld [tilespmem:$0x1FD80]  }
0x1d5: {  	[tilespmem:$0x1FEA0] =	vst v0;
	v0 =	vld [tilespmem:s13+$0x3300]  }
0x1d6: {  	v20 =	vld [tilespmem:$0x1FDD0]  }
0x1d7: {  	v45 =	vmul.f32 v24, v26;
	v24 =	vld [tilespmem:$0x1FDF0]  }
0x1d8: {  	v34 =	vmul.f32 v10, v34;
	v10 =	vld [tilespmem:s13+$0x180];
	[tilespmem:$0x1FF80] =	vst v8;
	v8 =	vmul.f32 v50, v49  }
0x1d9: {  	v49 =	vmul.f32 v27, v25;
	v25 =	vld [tilespmem:$0x1FE10];
	v1 =	vmul.f32 v6, v1  }
0x1da: {  	[tilespmem:$0x1FEB0] =	vst v0;
	v0 =	vld [tilespmem:s13+$0xB300]  }
0x1db: {  	[tilespmem:$0x1FF00] =	vst v1;
	v1 =	vld [tilespmem:$0x1FDA0]  }
0x1dc: {  	[tilespmem:$0x1FF90] =	vst v8;
	v8 =	vld [tilespmem:s13+$0x8000]  }
0x1dd: {  	v26 =	vld [tilespmem:$0x1FDE0]  }
0x1de: {  	v6 =	vld [tilespmem:s13+$0x8280]  }
0x1df: {  	[tilespmem:$0x1FEC0] =	vst v0;
	v0 =	vld [tilespmem:s13+$0x3100]  }
0x1e0: {  	v27 =	vld [tilespmem:$0x1FE00];
	v1 =	vmul.f32 v19, v1;
	v19 =	vmul.f32 v5, v7  }
0x1e1: {  	v5 =	vmul.f32 v35, v28;
	v28 =	vmul.f32 v56, v55;
	v55 =	vld [tilespmem:s13+$0x80]  }
0x1e2: {  	v56 =	vld [tilespmem:s13+$0x8080]  }
0x1e3: {  	[tilespmem:$0x1FF10] =	vst v1;
	v1 =	vld [tilespmem:s13+$0x300]  }
0x1e4: {  	p0 =	sne.s32 s14, $0x1C0;
	v7 =	vmul.f32 v39, v38;
	[tilespmem:$0x1FED0] =	vst v0;
	v0 =	vld [tilespmem:s13+$0xB100]  }
.Ltmp0:
0x1e5: {  	[tilespmem:$0x1FF30] =	vst v5;
	v5 =	vld [tilespmem:s13+$0x8300];
	(pc) =	sbr.rel @p0 .LBB2_2-.Ltmp0, $4  }
0x1e6: {  	[tilespmem:$0x1FF50] =	vst v7;
	v7 =	vmul.f32 v42, v41;
	v42 =	vmul.f32 v22, v30;
	v22 =	vld [tilespmem:$0x1FDB0]  }
0x1e7: {  	v41 =	vmul.f32 v9, v18;
	v9 =	vld [tilespmem:s13+$0x8100]  }
0x1e8: {  	v50 =	vmul.f32 v32, v11;
	v35 =	vmul.f32 v13, v12;
	[tilespmem:$0x1FF60] =	vst v7;
	v7 =	vld [tilespmem:s13+$0x0]  }
0x1e9: {  	s14 =	sadd.s32 $0x40, s14;
	v38 =	vmul.f32 v15, v14;
	v39 =	vmul.f32 v17, v16;
	[tilespmem:$0x1FEE0] =	vst v0;
	v0 =	vld [tilespmem:s13+$0x9080]  }
0x1ea: {  	v13 =	vld [tilespmem:s13+$0x8180]  }
0x1eb: {  	v16 =	vld [tilespmem:s13+$0x380]  }
0x1ec: {  	v14 =	vmul.f32 v57, v54;
	v18 =	vld [tilespmem:s13+$0x8380];
	v2 =	vmul.f32 v3, v2  }
0x1ed: {  	v3 =	vmul.f32 v6, v4;
	v4 =	vld [tilespmem:s13+$0x1180];
	v9 =	vmul.f32 v9, v58  }
0x1ee: {  	v6 =	vmul.f32 v8, v7;
	v7 =	vmul.f32 v56, v55;
	v8 =	vld [tilespmem:s13+$0x9180]  }
0x1ef: {  	v57 =	vld [tilespmem:s13+$0x1380];
	v1 =	vmul.f32 v5, v1;
	v9 =	vadd.f32 $0.0e+00, v9;
	v10 =	vmul.f32 v13, v10  }
0x1f0: {  	v17 =	vmul.f32 v62, v61;
	v5 =	vadd.f32 $0.0e+00, v6;
	v6 =	vadd.f32 $0.0e+00, v7;
	v7 =	vld [tilespmem:s13+$0x9380]  }
0x1f1: {  	v58 =	vld [tilespmem:s13+$0xB180];
	v16 =	vmul.f32 v18, v16;
	v1 =	vadd.f32 v1, v9;
	v10 =	vadd.f32 $0.0e+00, v10  }
0x1f2: {  	v0 =	vmul.f32 v0, v63;
	v18 =	vld [tilespmem:s13+$0x2180];
	v2 =	vadd.f32 v2, v5;
	v3 =	vadd.f32 v3, v6  }
0x1f3: {  	v5 =	vmul.f32 v47, v46;
	v6 =	vld [tilespmem:s13+$0xA180];
	v4 =	vmul.f32 v8, v4;
	v9 =	vadd.f32 v16, v10  }
0x1f4: {  	v8 =	vld [tilespmem:s13+$0x2380];
	v2 =	vadd.f32 v17, v2;
	v0 =	vadd.f32 v0, v3;
	v3 =	vmul.f32 v43, v40  }
0x1f5: {  	v10 =	vld [tilespmem:s13+$0xA380];
	v1 =	vadd.f32 v5, v1;
	v5 =	vmul.f32 v7, v57;
	v4 =	vadd.f32 v4, v9  }
0x1f6: {  	v11 =	vmul.f32 v51, v48;
	v7 =	vld [tilespmem:s13+$0x3180];
	v2 =	vadd.f32 v14, v2  }
0x1f7: {  	v9 =	vmul.f32 v37, v36;
	v1 =	vadd.f32 v3, v1;
	v3 =	vadd.f32 v5, v4;
	v5 =	vld [tilespmem:s13+$0x3380]  }
0x1f8: {  	v4 =	vmul.f32 v6, v18;
	v2 =	vadd.f32 v11, v2;
	v11 =	vld [tilespmem:s13+$0xB380]  }
0x1f9: {  	v1 =	vadd.f32 v9, v1;
	v9 =	vld [tilespmem:$0x1FED0]  }
0x1fa: {  	v3 =	vadd.f32 v4, v3;
	v4 =	vmul.f32 v10, v8;
	v10 =	vld [tilespmem:$0x1FEE0];
	_ =	sdelay $0x1  }
0x1fb: {  	v15 =	vmul.f32 v60, v59;
	v59 =	vld [tilespmem:$0x1FEC0];
	v6 =	vmul.f32 v33, v29  }
0x1fc: {  	v8 =	vld [tilespmem:s13+$0x4180];
	v3 =	vadd.f32 v4, v3;
	v4 =	vmul.f32 v58, v7  }
0x1fd: {  	v1 =	vadd.f32 v6, v1;
	v7 =	vld [tilespmem:$0x1FEB0]  }
0x1fe: {  	v3 =	vadd.f32 v4, v3;
	v4 =	vmul.f32 v11, v5;
	v11 =	vld [tilespmem:$0x1FEA0];
	v9 =	vmul.f32 v10, v9  }
0x1ff: {  	v10 =	vld [tilespmem:s13+$0xC180]  }
0x200: {  	v1 =	vadd.f32 v9, v1;
	v9 =	vld [tilespmem:$0x1FE90]  }
0x201: {  	v60 =	vld [tilespmem:s13+$0xC380]  }
0x202: {  	v61 =	vld [tilespmem:$0x1FE60]  }
0x203: {  	v6 =	vld [tilespmem:s13+$0x4380];
	v7 =	vmul.f32 v59, v7  }
0x204: {  	v3 =	vadd.f32 v4, v3;
	v4 =	vmul.f32 v10, v8;
	v8 =	vld [tilespmem:$0x1FE70]  }
0x205: {  	v1 =	vadd.f32 v7, v1;
	v10 =	vld [tilespmem:$0x1FE80];
	v9 =	vmul.f32 v11, v9  }
0x206: {  	v5 =	vld [tilespmem:s13+$0x5180]  }
0x207: {  	v2 =	vadd.f32 v49, v2;
	v1 =	vadd.f32 v9, v1;
	v9 =	vld [tilespmem:$0x1FE50]  }
0x208: {  	v12 =	vmul.f32 v53, v52;
	v0 =	vadd.f32 v15, v0;
	v11 =	vld [tilespmem:s13+$0xD180]  }
0x209: {  	v2 =	vadd.f32 v44, v2  }
0x20a: {  	v0 =	vadd.f32 v12, v0;
	v8 =	vmul.f32 v10, v8  }
0x20b: {  	v2 =	vadd.f32 v41, v2;
	v3 =	vadd.f32 v4, v3;
	v4 =	vmul.f32 v60, v6  }
0x20c: {  	v0 =	vadd.f32 v50, v0;
	v1 =	vadd.f32 v8, v1;
	v8 =	vld [tilespmem:$0x1FE30];
	v9 =	vmul.f32 v61, v9  }
0x20d: {  	v2 =	vadd.f32 v38, v2;
	v3 =	vadd.f32 v4, v3;
	v4 =	vmul.f32 v11, v5;
	v11 =	vld [tilespmem:$0x1FE40]  }
0x20e: {  	v0 =	vadd.f32 v45, v0;
	v1 =	vadd.f32 v9, v1;
	v9 =	vld [tilespmem:$0x1FF80]  }
0x20f: {  	v2 =	vadd.f32 v34, v2  }
0x210: {  	v62 =	vld [tilespmem:s13+$0xE180];
	v0 =	vadd.f32 v42, v0  }
0x211: {  	v7 =	vld [tilespmem:s13+$0x5380];
	v2 =	vadd.f32 v28, v2  }
0x212: {  	v0 =	vadd.f32 v39, v0;
	v10 =	vld [tilespmem:s13+$0xD380]  }
0x213: {  	v8 =	vmul.f32 v11, v8;
	v2 =	vadd.f32 v9, v2;
	v9 =	vld [tilespmem:$0x1FF90]  }
0x214: {  	v0 =	vadd.f32 v35, v0;
	v6 =	vld [tilespmem:s13+$0x6180]  }
0x215: {  	v1 =	vadd.f32 v8, v1;
	v8 =	vld [tilespmem:$0x1FF50]  }
0x216: {  	v0 =	vadd.f32 v31, v0;
	v5 =	vld [tilespmem:s13+$0x6380]  }
0x217: {  	v11 =	vld [tilespmem:s13+$0xE380]  }
0x218: {  	v3 =	vadd.f32 v4, v3;
	v4 =	vmul.f32 v10, v7;
	v0 =	vadd.f32 v9, v0;
	v9 =	vld [tilespmem:$0x1FE20]  }
0x219: {  	v7 =	vld [tilespmem:s13+$0x7180]  }
0x21a: {  	v3 =	vadd.f32 v4, v3;
	v4 =	vmul.f32 v62, v6;
	v2 =	vadd.f32 v8, v2;
	v8 =	vld [tilespmem:$0x1FF60]  }
0x21b: {  	v10 =	vld [tilespmem:s13+$0xF180]  }
0x21c: {  	v3 =	vadd.f32 v4, v3;
	v4 =	vmul.f32 v11, v5;
	v5 =	vld [tilespmem:$0x1FF30]  }
0x21d: {  	v9 =	vmul.f32 v9, v27;
	_ =	sdelay $0x1  }
0x21e: {  	v0 =	vadd.f32 v8, v0;
	v8 =	vmul.f32 v26, v25;
	v1 =	vadd.f32 v9, v1  }
0x21f: {  	v3 =	vadd.f32 v4, v3;
	v4 =	vmul.f32 v10, v7  }
0x220: {  	v7 =	vld [tilespmem:$0x1FF10];
	v0 =	vadd.f32 v5, v0;
	v5 =	vmul.f32 v24, v23;
	v1 =	vadd.f32 v8, v1;
	_ =	sdelay $0x1  }
0x221: {  	v1 =	vadd.f32 v5, v1;
	v5 =	vld [tilespmem:$0x1FEF0]  }
0x222: {  	v63 =	vld [tilespmem:s13+$0xF380];
	v2 =	vadd.f32 v21, v2  }
0x223: {  	v6 =	vld [tilespmem:s13+$0x7380]  }
0x224: {  	v2 =	vadd.f32 v7, v2;
	_ =	sdelay $0x1  }
0x225: {  	v2 =	vadd.f32 v5, v2;
	v5 =	vld [tilespmem:$0x1FF00];
	_ =	sdelay $0x1  }
0x226: {  	v3 =	vadd.f32 v4, v3;
	v4 =	vmul.f32 v63, v6  }
0x227: {  	v7 =	vmul.f32 v22, v20;
	v0 =	vadd.f32 v19, v0  }
0x228: {  	v3 =	vadd.f32 v4, v3  }
0x229: {  	v1 =	vadd.f32 v7, v1;
	v0 =	vadd.f32 v5, v0;
	_ =	sdelay $0x1  }
0x22a: {  	v1 =	vadd.f32 v3, v1;
	v0 =	vadd.f32 v0, v2;
	_ =	sdelay $0x1  }
0x22b: {  	v0 =	vadd.f32 v1, v0;
	_ =	sdelay $0x1  }
0x22c: {  	[tilespmem:s13+$0x10000] =	vst v0  }
0x22d: {  	_ =	swait.ge [sflag:s28], $0x2000  }
0x22e: {  	[sflag:s28] =	ssyncset.done $0x0  }
0x22f: {  	[sflag:s28] =	ssyncadd.s32 $0xFFFFE000  }
0x230: {  	_ =	swait.ge [sflag:s29], $0x2000  }
0x231: {  	[sflag:s29] =	ssyncset.done $0x0  }
0x232: {  	s13 =	simm.s32 $0x0;
	[sflag:s29] =	ssyncadd.s32 $0xFFFFE000  }
0x233: {  	v0 =	vld [tilespmem:s13+$0x6680];
	_ =	sdelay $0x4  }
0x234: {  	[tilespmem:$0x1FC80] =	vst v0;
	v0 =	vld [tilespmem:s13+$0x6400];
	_ =	sdelay $0x4  }
0x235: {  	[tilespmem:$0x1FCA0] =	vst v0;
	v0 =	vld [tilespmem:s13+$0xE500];
	_ =	sdelay $0x3  }
0x236: {  	v17 =	vld [tilespmem:s13+$0x7600]  }
0x237: {  	[tilespmem:$0x1FB80] =	vst v0;
	v0 =	vld [tilespmem:s13+$0x5600]  }
0x238: {  	v14 =	vld [tilespmem:s13+$0xF600]  }
0x239: {  	v15 =	vld [tilespmem:s13+$0x7680]  }
0x23a: {  	v4 =	vld [tilespmem:s13+$0xF680]  }
0x23b: {  	v20 =	vld [tilespmem:s13+$0x7700]  }
0x23c: {  	[tilespmem:$0x1FCD0] =	vst v0;
	v0 =	vld [tilespmem:s13+$0x5700]  }
0x23d: {  	v22 =	vld [tilespmem:s13+$0xF700]  }
0x23e: {  	v32 =	vld [tilespmem:s13+$0x7400]  }
0x23f: {  	v18 =	vld [tilespmem:s13+$0xF400]  }
0x240: {  	v19 =	vld [tilespmem:s13+$0x7480]  }
0x241: {  	[tilespmem:$0x1FB90] =	vst v0;
	v0 =	vld [tilespmem:s13+$0xD700]  }
0x242: {  	v6 =	vld [tilespmem:s13+$0xF480]  }
0x243: {  	v23 =	vld [tilespmem:s13+$0x7500]  }
0x244: {  	v24 =	vld [tilespmem:s13+$0xF500]  }
0x245: {  	v11 =	vld [tilespmem:s13+$0x6600]  }
0x246: {  	[tilespmem:$0x1FBA0] =	vst v0;
	v0 =	vld [tilespmem:s13+$0x5400]  }
0x247: {  	v21 =	vld [tilespmem:s13+$0xE600]  }
0x248: {  	v1 =	vld [tilespmem:s13+$0xE680]  }
0x249: {  	v25 =	vld [tilespmem:s13+$0x6700]  }
0x24a: {  	v26 =	vld [tilespmem:s13+$0xE700]  }
0x24b: {  	[tilespmem:$0x1FD00] =	vst v0;
	v0 =	vld [tilespmem:s13+$0x5500]  }
0x24c: {  	v12 =	vld [tilespmem:s13+$0xE400]  }
0x24d: {  	v13 =	vld [tilespmem:s13+$0x6480]  }
0x24e: {  	v5 =	vld [tilespmem:s13+$0xE480]  }
0x24f: {  	v27 =	vld [tilespmem:s13+$0x6500]  }
0x250: {  	[tilespmem:$0x1FBB0] =	vst v0;
	v0 =	vld [tilespmem:s13+$0xD500]  }
0x251: {  	v28 =	vld [tilespmem:s13+$0xD600]  }
0x252: {  	v16 =	vld [tilespmem:s13+$0x5680]  }
0x253: {  	v7 =	vld [tilespmem:s13+$0xD680]  }
0x254: {  	v30 =	vld [tilespmem:s13+$0xD400]  }
0x255: {  	[tilespmem:$0x1FBC0] =	vst v0;
	v0 =	vld [tilespmem:s13+$0x4600]  }
0x256: {  	v31 =	vld [tilespmem:s13+$0x5480]  }
0x257: {  	v8 =	vld [tilespmem:s13+$0xD480]  }
0x258: {  	v34 =	vld [tilespmem:s13+$0xC600]  }
0x259: {  	v55 =	vld [tilespmem:s13+$0x4680]  }
0x25a: {  	[tilespmem:$0x1FD10] =	vst v0;
	v0 =	vld [tilespmem:s13+$0x4700]  }
0x25b: {  	v35 =	vld [tilespmem:s13+$0xC680]  }
0x25c: {  	v38 =	vld [tilespmem:s13+$0xC400]  }
0x25d: {  	v56 =	vld [tilespmem:s13+$0x4480]  }
0x25e: {  	v39 =	vld [tilespmem:s13+$0xC480]  }
0x25f: {  	[tilespmem:$0x1FBD0] =	vst v0;
	v0 =	vld [tilespmem:s13+$0xC700]  }
0x260: {  	v41 =	vld [tilespmem:s13+$0xB600]  }
0x261: {  	v58 =	vld [tilespmem:s13+$0x3680]  }
0x262: {  	v42 =	vld [tilespmem:s13+$0xB680]  }
0x263: {  	v44 =	vld [tilespmem:s13+$0xB400]  }
0x264: {  	[tilespmem:$0x1FBE0] =	vst v0;
	v0 =	vld [tilespmem:s13+$0x4400]  }
0x265: {  	v45 =	vld [tilespmem:s13+$0x3480]  }
0x266: {  	v9 =	vld [tilespmem:s13+$0xB480]  }
0x267: {  	v49 =	vld [tilespmem:s13+$0xA600]  }
0x268: {  	v50 =	vld [tilespmem:s13+$0x2680]  }
0x269: {  	[tilespmem:$0x1FD20] =	vst v0;
	v0 =	vld [tilespmem:s13+$0x4500]  }
0x26a: {  	v10 =	vld [tilespmem:s13+$0xA680]  }
0x26b: {  	v21 =	vmul.f32 v21, v11;
	v11 =	vld [tilespmem:$0x1FC80]  }
0x26c: {  	v29 =	vld [tilespmem:s13+$0x2700]  }
0x26d: {  	v33 =	vld [tilespmem:s13+$0xA700]  }
0x26e: {  	[tilespmem:$0x1FBF0] =	vst v0;
	v0 =	vld [tilespmem:s13+$0xC500]  }
0x26f: {  	v48 =	vld [tilespmem:s13+$0x2400]  }
0x270: {  	v1 =	vmul.f32 v1, v11;
	v11 =	vld [tilespmem:$0x1FCA0]  }
0x271: {  	v51 =	vld [tilespmem:s13+$0xA400]  }
0x272: {  	v52 =	vld [tilespmem:s13+$0x2480]  }
0x273: {  	[tilespmem:$0x1FC00] =	vst v0;
	v0 =	vld [tilespmem:s13+$0x3600]  }
0x274: {  	v53 =	vld [tilespmem:s13+$0xA480]  }
0x275: {  	v36 =	vld [tilespmem:s13+$0x2500];
	v11 =	vmul.f32 v12, v11  }
0x276: {  	v37 =	vld [tilespmem:s13+$0xA500]  }
0x277: {  	[tilespmem:$0x1FCB0] =	vst v11;
	v11 =	vld [tilespmem:$0x1FCD0]  }
0x278: {  	[tilespmem:$0x1FD30] =	vst v0;
	v0 =	vld [tilespmem:s13+$0x3700]  }
0x279: {  	v54 =	vld [tilespmem:s13+$0x1600]  }
0x27a: {  	v57 =	vld [tilespmem:s13+$0x9600]  }
0x27b: {  	v59 =	vld [tilespmem:s13+$0x1680]  }
0x27c: {  	v60 =	vld [tilespmem:s13+$0x9680];
	v11 =	vmul.f32 v28, v11  }
0x27d: {  	[tilespmem:$0x1FC10] =	vst v0;
	v0 =	vld [tilespmem:s13+$0xB700]  }
0x27e: {  	[tilespmem:$0x1FCE0] =	vst v11;
	v11 =	vld [tilespmem:$0x1FD00]  }
0x27f: {  	v40 =	vld [tilespmem:s13+$0x1700]  }
0x280: {  	v43 =	vld [tilespmem:s13+$0x9700]  }
0x281: {  	v61 =	vld [tilespmem:s13+$0x1400]  }
0x282: {  	[tilespmem:$0x1FC20] =	vst v0;
	v0 =	vld [tilespmem:s13+$0x3400]  }
0x283: {  	v28 =	vmul.f32 v30, v11;
	v11 =	vld [tilespmem:$0x1FD10]  }
0x284: {  	v62 =	vld [tilespmem:s13+$0x9400]  }
0x285: {  	v63 =	vld [tilespmem:s13+$0x1480]  }
0x286: {  	v46 =	vld [tilespmem:s13+$0x1500]  }
0x287: {  	[tilespmem:$0x1FD40] =	vst v0;
	v0 =	vld [tilespmem:s13+$0x3500]  }
0x288: {  	v34 =	vmul.f32 v34, v11;
	v11 =	vld [tilespmem:$0x1FD20]  }
0x289: {  	v47 =	vld [tilespmem:s13+$0x9500]  }
0x28a: {  	v2 =	vld [tilespmem:s13+$0x600]  }
0x28b: {  	v3 =	vld [tilespmem:s13+$0x8600]  }
0x28c: {  	[tilespmem:$0x1FC30] =	vst v0;
	v0 =	vld [tilespmem:s13+$0xB500]  }
0x28d: {  	v38 =	vmul.f32 v38, v11;
	v11 =	vld [tilespmem:$0x1FD30]  }
0x28e: {  	v19 =	vmul.f32 v6, v19;
	v6 =	vld [tilespmem:s13+$0x8680]  }
0x28f: {  	v31 =	vmul.f32 v8, v31;
	v8 =	vld [tilespmem:s13+$0x8400]  }
0x290: {  	v35 =	vmul.f32 v35, v55;
	v55 =	vld [tilespmem:s13+$0x480]  }
0x291: {  	[tilespmem:$0x1FC40] =	vst v0;
	v0 =	vld [tilespmem:s13+$0x2600]  }
0x292: {  	v41 =	vmul.f32 v41, v11;
	v11 =	vld [tilespmem:$0x1FD40]  }
0x293: {  	v39 =	vmul.f32 v39, v56;
	v56 =	vld [tilespmem:s13+$0x8480]  }
0x294: {  	v42 =	vmul.f32 v42, v58;
	v58 =	vld [tilespmem:s13+$0x500]  }
0x295: {  	v14 =	vmul.f32 v14, v17;
	v45 =	vmul.f32 v9, v45;
	v9 =	vld [tilespmem:s13+$0x8500]  }
0x296: {  	v4 =	vmul.f32 v4, v15;
	v50 =	vmul.f32 v10, v50;
	v10 =	vld [tilespmem:s13+$0x580];
	[tilespmem:$0x1FD50] =	vst v0  }
0x297: {  	v5 =	vmul.f32 v5, v13;
	[tilespmem:$0x1FC50] =	vst v14;
	v44 =	vmul.f32 v44, v11;
	v11 =	vld [tilespmem:$0x1FD50]  }
0x298: {  	v7 =	vmul.f32 v7, v16;
	[tilespmem:$0x1FC60] =	vst v4;
	v4 =	vld [tilespmem:s13+$0x680]  }
0x299: {  	[tilespmem:$0x1FCC0] =	vst v5;
	v5 =	vld [tilespmem:s13+$0x8700]  }
0x29a: {  	v32 =	vmul.f32 v18, v32;
	[tilespmem:$0x1FCF0] =	vst v7;
	v7 =	vld [tilespmem:s13+$0x400]  }
0x29b: {  	[tilespmem:$0x1FC90] =	vst v1;
	v1 =	vld [tilespmem:s13+$0x700]  }
0x29c: {  	s14 =	simm.s32 $0x40;
	[tilespmem:$0x1FC70] =	vst v32;
	v0 =	vld [tilespmem:s13+$0x9480];
	v49 =	vmul.f32 v49, v11  }
.LBB2_4:
0x29d: {  	v11 =	vld [tilespmem:s13+$0x8580]  }
0x29e: {  	v13 =	vld [tilespmem:s13+$0x780]  }
0x29f: {  	v32 =	vld [tilespmem:s13+$0x8780];
	v12 =	vmul.f32 v53, v52;
	v15 =	vmul.f32 v60, v59  }
0x2a0: {  	v2 =	vmul.f32 v3, v2;
	v3 =	vmul.f32 v6, v4;
	v4 =	vld [tilespmem:s13+$0x1580]  }
0x2a1: {  	v6 =	vmul.f32 v8, v7;
	v7 =	vmul.f32 v56, v55;
	v8 =	vld [tilespmem:s13+$0x9580]  }
0x2a2: {  	v9 =	vmul.f32 v9, v58;
	v1 =	vmul.f32 v5, v1;
	v5 =	vld [tilespmem:s13+$0x9780]  }
0x2a3: {  	v60 =	vmul.f32 v62, v61;
	v61 =	vld [tilespmem:s13+$0x2580];
	v10 =	vmul.f32 v11, v10;
	v6 =	vadd.f32 $0.0e+00, v6  }
0x2a4: {  	v0 =	vmul.f32 v0, v63;
	v11 =	vld [tilespmem:s13+$0x1780];
	v7 =	vadd.f32 $0.0e+00, v7;
	v9 =	vadd.f32 $0.0e+00, v9  }
0x2a5: {  	v52 =	vmul.f32 v32, v13;
	v32 =	vld [tilespmem:s13+$0xB780];
	v10 =	vadd.f32 $0.0e+00, v10;
	v2 =	vadd.f32 v2, v6  }
0x2a6: {  	v3 =	vadd.f32 v3, v7;
	v6 =	vmul.f32 v47, v46;
	v7 =	vld [tilespmem:s13+$0xA580];
	v1 =	vadd.f32 v1, v9  }
0x2a7: {  	v9 =	vadd.f32 v52, v10;
	v4 =	vmul.f32 v8, v4;
	v8 =	vld [tilespmem:s13+$0x2780]  }
0x2a8: {  	v10 =	vld [tilespmem:s13+$0xA780];
	v0 =	vadd.f32 v0, v3;
	v3 =	vmul.f32 v43, v40;
	v1 =	vadd.f32 v6, v1  }
0x2a9: {  	v5 =	vmul.f32 v5, v11;
	v6 =	vld [tilespmem:s13+$0x3580];
	v4 =	vadd.f32 v4, v9  }
0x2aa: {  	v11 =	vld [tilespmem:s13+$0xB580];
	v9 =	vmul.f32 v37, v36;
	v1 =	vadd.f32 v3, v1  }
0x2ab: {  	v3 =	vadd.f32 v5, v4;
	v4 =	vmul.f32 v7, v61;
	v5 =	vld [tilespmem:s13+$0x3780]  }
0x2ac: {  	v0 =	vadd.f32 v15, v0;
	v1 =	vadd.f32 v9, v1;
	v9 =	vld [tilespmem:$0x1FC30]  }
0x2ad: {  	v7 =	vmul.f32 v33, v29;
	v3 =	vadd.f32 v4, v3;
	v4 =	vmul.f32 v10, v8;
	v10 =	vld [tilespmem:$0x1FC40]  }
0x2ae: {  	v0 =	vadd.f32 v12, v0;
	v12 =	vld [tilespmem:$0x1FC00]  }
0x2af: {  	v1 =	vadd.f32 v7, v1;
	v7 =	vld [tilespmem:$0x1FC10]  }
0x2b0: {  	v3 =	vadd.f32 v4, v3;
	v4 =	vmul.f32 v11, v6;
	v11 =	vld [tilespmem:$0x1FC20]  }
0x2b1: {  	v8 =	vld [tilespmem:s13+$0x4580]  }
0x2b2: {  	v6 =	vld [tilespmem:s13+$0x4780];
	v9 =	vmul.f32 v10, v9  }
0x2b3: {  	v10 =	vld [tilespmem:s13+$0xC580]  }
0x2b4: {  	v1 =	vadd.f32 v9, v1;
	v9 =	vld [tilespmem:$0x1FBF0]  }
0x2b5: {  	v14 =	vmul.f32 v57, v54;
	v2 =	vadd.f32 v60, v2;
	v7 =	vmul.f32 v11, v7;
	v11 =	vld [tilespmem:s13+$0xC780]  }
0x2b6: {  	v3 =	vadd.f32 v4, v3;
	v4 =	vmul.f32 v32, v5  }
0x2b7: {  	v48 =	vmul.f32 v51, v48;
	v2 =	vadd.f32 v14, v2  }
0x2b8: {  	v3 =	vadd.f32 v4, v3;
	v4 =	vmul.f32 v10, v8;
	v8 =	vld [tilespmem:$0x1FBD0]  }
0x2b9: {  	v2 =	vadd.f32 v48, v2;
	v1 =	vadd.f32 v7, v1;
	v10 =	vld [tilespmem:$0x1FBE0];
	v9 =	vmul.f32 v12, v9  }
0x2ba: {  	v3 =	vadd.f32 v4, v3;
	v4 =	vmul.f32 v11, v6;
	v11 =	vld [tilespmem:$0x1FBC0]  }
0x2bb: {  	v2 =	vadd.f32 v49, v2;
	v1 =	vadd.f32 v9, v1;
	v9 =	vld [tilespmem:$0x1FBB0]  }
0x2bc: {  	v16 =	vld [tilespmem:s13+$0xD580]  }
0x2bd: {  	v62 =	vld [tilespmem:$0x1FBA0];
	v2 =	vadd.f32 v44, v2  }
0x2be: {  	v5 =	vld [tilespmem:s13+$0x5580];
	v8 =	vmul.f32 v10, v8  }
0x2bf: {  	v2 =	vadd.f32 v41, v2;
	v7 =	vld [tilespmem:s13+$0x5780]  }
0x2c0: {  	v0 =	vadd.f32 v50, v0;
	v10 =	vld [tilespmem:s13+$0xD780];
	v1 =	vadd.f32 v8, v1;
	v9 =	vmul.f32 v11, v9  }
0x2c1: {  	v2 =	vadd.f32 v38, v2;
	v8 =	vld [tilespmem:$0x1FB90]  }
0x2c2: {  	v0 =	vadd.f32 v45, v0;
	v1 =	vadd.f32 v9, v1;
	v9 =	vld [tilespmem:$0x1FCE0]  }
0x2c3: {  	v2 =	vadd.f32 v34, v2;
	v6 =	vld [tilespmem:s13+$0x6580]  }
0x2c4: {  	v0 =	vadd.f32 v42, v0;
	v3 =	vadd.f32 v4, v3;
	v4 =	vmul.f32 v16, v5;
	v11 =	vld [tilespmem:s13+$0xE580]  }
0x2c5: {  	v63 =	vld [tilespmem:s13+$0xE780];
	v2 =	vadd.f32 v28, v2  }
0x2c6: {  	v0 =	vadd.f32 v39, v0;
	v5 =	vld [tilespmem:s13+$0x6780];
	v3 =	vadd.f32 v4, v3  }
0x2c7: {  	v4 =	vmul.f32 v10, v7;
	v8 =	vmul.f32 v62, v8;
	v2 =	vadd.f32 v9, v2;
	v9 =	vld [tilespmem:$0x1FCF0]  }
0x2c8: {  	v0 =	vadd.f32 v35, v0  }
0x2c9: {  	v3 =	vadd.f32 v4, v3;
	v1 =	vadd.f32 v8, v1;
	v4 =	vmul.f32 v11, v6;
	v8 =	vld [tilespmem:$0x1FCB0]  }
0x2ca: {  	s15 =	sshra.s32 s14, $0x2;
	v0 =	vadd.f32 v31, v0  }
0x2cb: {  	v3 =	vadd.f32 v4, v3;
	v4 =	vmul.f32 v63, v5;
	v5 =	vld [tilespmem:s15+$0xF600]  }
0x2cc: {  	v0 =	vadd.f32 v9, v0;
	v9 =	vld [tilespmem:$0x1FB80]  }
0x2cd: {  	v7 =	vld [tilespmem:s13+$0x7580]  }
0x2ce: {  	v2 =	vadd.f32 v8, v2;
	v8 =	vld [tilespmem:$0x1FCC0]  }
0x2cf: {  	v10 =	vld [tilespmem:s13+$0xF580]  }
0x2d0: {  	[tilespmem:$0x1FAD0] =	vst v5;
	v5 =	vld [tilespmem:$0x1FC90]  }
0x2d1: {  	v9 =	vmul.f32 v9, v27;
	_ =	sdelay $0x1  }
0x2d2: {  	v0 =	vadd.f32 v8, v0;
	v8 =	vmul.f32 v26, v25;
	v1 =	vadd.f32 v9, v1  }
0x2d3: {  	v3 =	vadd.f32 v4, v3;
	v4 =	vmul.f32 v10, v7  }
0x2d4: {  	v7 =	vld [tilespmem:s15+$0xF680];
	v0 =	vadd.f32 v5, v0;
	v5 =	vmul.f32 v24, v23;
	v1 =	vadd.f32 v8, v1;
	_ =	sdelay $0x1  }
0x2d5: {  	v1 =	vadd.f32 v5, v1;
	v5 =	vld [tilespmem:s15+$0xF700];
	_ =	sdelay $0x2  }
0x2d6: {  	[tilespmem:$0x1FAF0] =	vst v7;
	v7 =	vld [tilespmem:$0x1FC70];
	_ =	sdelay $0x1  }
0x2d7: {  	[tilespmem:$0x1FB10] =	vst v5;
	v5 =	vld [tilespmem:$0x1FC50]  }
0x2d8: {  	v6 =	vld [tilespmem:s13+$0x7780];
	v2 =	vadd.f32 v21, v2  }
0x2d9: {  	v11 =	vld [tilespmem:s13+$0xF780]  }
0x2da: {  	v2 =	vadd.f32 v7, v2;
	_ =	sdelay $0x1  }
0x2db: {  	v2 =	vadd.f32 v5, v2;
	v5 =	vld [tilespmem:$0x1FC60]  }
0x2dc: {  	v13 =	vld [tilespmem:s15+$0x7600]  }
0x2dd: {  	v3 =	vadd.f32 v4, v3;
	v4 =	vmul.f32 v11, v6;
	v21 =	vld [tilespmem:s15+$0x6600]  }
0x2de: {  	v6 =	vld [tilespmem:$0x1FAD0];
	v0 =	vadd.f32 v19, v0;
	v7 =	vmul.f32 v22, v20  }
0x2df: {  	v3 =	vadd.f32 v4, v3;
	v9 =	vld [tilespmem:s15+$0x7680]  }
0x2e0: {  	v1 =	vadd.f32 v7, v1;
	v0 =	vadd.f32 v5, v0;
	v5 =	vld [tilespmem:s15+$0x7400]  }
0x2e1: {  	v19 =	vld [tilespmem:s15+$0xF400]  }
0x2e2: {  	v8 =	vld [tilespmem:s15+$0x7700];
	v1 =	vadd.f32 v3, v1;
	v0 =	vadd.f32 v0, v2  }
0x2e3: {  	v7 =	vld [tilespmem:s15+$0x7480]  }
0x2e4: {  	v2 =	vld [tilespmem:s15+$0x7500];
	v0 =	vadd.f32 v1, v0  }
0x2e5: {  	v1 =	vld [tilespmem:s15+$0xF500];
	[tilespmem:$0x1FB00] =	vst v5  }
0x2e6: {  	v5 =	vld [tilespmem:s15+$0xF480];
	[tilespmem:s13+$0x10080] =	vst v0;
	s13 =	smov.u32 s15  }
0x2e7: {  	[tilespmem:$0x1FB30] =	vst v8;
	v8 =	vld [tilespmem:s13+$0xE600]  }
0x2e8: {  	v28 =	vld [tilespmem:s13+$0x6680]  }
0x2e9: {  	v35 =	vld [tilespmem:s13+$0xE680]  }
0x2ea: {  	v0 =	vld [tilespmem:s13+$0x6700]  }
0x2eb: {  	v38 =	vld [tilespmem:s13+$0x6400]  }
0x2ec: {  	v39 =	vld [tilespmem:s13+$0xE400]  }
0x2ed: {  	v41 =	vld [tilespmem:s13+$0x6480]  }
0x2ee: {  	v42 =	vld [tilespmem:s13+$0xE480]  }
0x2ef: {  	v44 =	vld [tilespmem:s13+$0x5600]  }
0x2f0: {  	v45 =	vld [tilespmem:s13+$0xD600]  }
0x2f1: {  	v49 =	vld [tilespmem:s13+$0x5680]  }
0x2f2: {  	v50 =	vld [tilespmem:s13+$0xD680]  }
0x2f3: {  	v55 =	vld [tilespmem:s13+$0x5400]  }
0x2f4: {  	v56 =	vld [tilespmem:s13+$0xD400]  }
0x2f5: {  	v58 =	vld [tilespmem:s13+$0x5480]  }
0x2f6: {  	v31 =	vld [tilespmem:s13+$0xD480]  }
0x2f7: {  	v34 =	vld [tilespmem:s13+$0x4600]  }
0x2f8: {  	v10 =	vld [tilespmem:s13+$0xC600]  }
0x2f9: {  	v12 =	vld [tilespmem:s13+$0x4680]  }
0x2fa: {  	[tilespmem:$0x1FB70] =	vst v0;
	v0 =	vld [tilespmem:s13+$0xE700]  }
0x2fb: {  	[tilespmem:$0x1FAC0] =	vst v13;
	v13 =	vld [tilespmem:s13+$0xC680]  }
0x2fc: {  	v14 =	vld [tilespmem:s13+$0x4400]  }
0x2fd: {  	v15 =	vld [tilespmem:s13+$0xC400]  }
0x2fe: {  	v16 =	vld [tilespmem:s13+$0x4480]  }
0x2ff: {  	[tilespmem:$0x1FB40] =	vst v0;
	v0 =	vld [tilespmem:s13+$0x6500]  }
0x300: {  	v17 =	vld [tilespmem:s13+$0xC480]  }
0x301: {  	v18 =	vld [tilespmem:s13+$0x3600]  }
0x302: {  	[tilespmem:$0x1FAE0] =	vst v9;
	v9 =	vld [tilespmem:s13+$0xB600]  }
0x303: {  	v30 =	vld [tilespmem:s13+$0x3680]  }
0x304: {  	[tilespmem:$0x1FB60] =	vst v0;
	v0 =	vld [tilespmem:s13+$0xE500]  }
0x305: {  	v22 =	vld [tilespmem:s13+$0xB680]  }
0x306: {  	v20 =	vld [tilespmem:s13+$0x3400]  }
0x307: {  	v23 =	vld [tilespmem:s13+$0xB400]  }
0x308: {  	v26 =	vld [tilespmem:s13+$0x3480]  }
0x309: {  	[tilespmem:$0x1FB80] =	vst v0;
	v0 =	vld [tilespmem:s13+$0x5700]  }
0x30a: {  	v24 =	vld [tilespmem:s13+$0xB480]  }
0x30b: {  	v25 =	vld [tilespmem:s13+$0x2600]  }
0x30c: {  	v27 =	vld [tilespmem:s13+$0xA600]  }
0x30d: {  	v11 =	vld [tilespmem:s13+$0x2680]  }
0x30e: {  	[tilespmem:$0x1FB90] =	vst v0;
	v0 =	vld [tilespmem:s13+$0xD700]  }
0x30f: {  	v32 =	vld [tilespmem:s13+$0xA680]  }
0x310: {  	v29 =	vld [tilespmem:s13+$0x2700]  }
0x311: {  	v33 =	vld [tilespmem:s13+$0xA700]  }
0x312: {  	v48 =	vld [tilespmem:s13+$0x2400]  }
0x313: {  	[tilespmem:$0x1FBA0] =	vst v0;
	v0 =	vld [tilespmem:s13+$0x5500]  }
0x314: {  	v51 =	vld [tilespmem:s13+$0xA400]  }
0x315: {  	v52 =	vld [tilespmem:s13+$0x2480]  }
0x316: {  	v53 =	vld [tilespmem:s13+$0xA480]  }
0x317: {  	v36 =	vld [tilespmem:s13+$0x2500]  }
0x318: {  	[tilespmem:$0x1FBB0] =	vst v0;
	v0 =	vld [tilespmem:s13+$0xD500]  }
0x319: {  	v37 =	vld [tilespmem:s13+$0xA500]  }
0x31a: {  	v54 =	vld [tilespmem:s13+$0x1600]  }
0x31b: {  	v57 =	vld [tilespmem:s13+$0x9600]  }
0x31c: {  	v59 =	vld [tilespmem:s13+$0x1680]  }
0x31d: {  	[tilespmem:$0x1FBC0] =	vst v0;
	v0 =	vld [tilespmem:s13+$0x4700]  }
0x31e: {  	v60 =	vld [tilespmem:s13+$0x9680]  }
0x31f: {  	v40 =	vld [tilespmem:s13+$0x1700]  }
0x320: {  	v43 =	vld [tilespmem:s13+$0x9700]  }
0x321: {  	v61 =	vld [tilespmem:s13+$0x1400]  }
0x322: {  	[tilespmem:$0x1FBD0] =	vst v0;
	v0 =	vld [tilespmem:s13+$0xC700]  }
0x323: {  	v62 =	vld [tilespmem:s13+$0x9400]  }
0x324: {  	v63 =	vld [tilespmem:s13+$0x1480]  }
0x325: {  	v46 =	vld [tilespmem:s13+$0x1500]  }
0x326: {  	v47 =	vld [tilespmem:s13+$0x9500]  }
0x327: {  	[tilespmem:$0x1FBE0] =	vst v0;
	v0 =	vld [tilespmem:s13+$0x4500]  }
0x328: {  	[tilespmem:$0x1FB20] =	vst v2;
	v2 =	vld [tilespmem:s13+$0x600]  }
0x329: {  	[tilespmem:$0x1FB50] =	vst v1;
	v1 =	vld [tilespmem:$0x1FAC0]  }
0x32a: {  	v3 =	vld [tilespmem:s13+$0x8600]  }
0x32b: {  	v4 =	vld [tilespmem:s13+$0x680]  }
0x32c: {  	v21 =	vmul.f32 v8, v21;
	[tilespmem:$0x1FBF0] =	vst v0;
	v0 =	vld [tilespmem:s13+$0xC500]  }
0x32d: {  	v8 =	vmul.f32 v45, v44;
	v31 =	vmul.f32 v31, v58;
	v58 =	vld [tilespmem:s13+$0x500]  }
0x32e: {  	v44 =	vmul.f32 v23, v20;
	v23 =	vld [tilespmem:$0x1FB20];
	v1 =	vmul.f32 v6, v1  }
0x32f: {  	v6 =	vld [tilespmem:$0x1FAF0]  }
0x330: {  	[tilespmem:$0x1FC50] =	vst v1;
	v1 =	vld [tilespmem:$0x1FAE0]  }
0x331: {  	[tilespmem:$0x1FC00] =	vst v0;
	v0 =	vld [tilespmem:s13+$0x3700]  }
0x332: {  	v20 =	vld [tilespmem:$0x1FB30]  }
0x333: {  	v45 =	vmul.f32 v24, v26;
	v24 =	vld [tilespmem:$0x1FB50]  }
0x334: {  	v34 =	vmul.f32 v10, v34;
	v10 =	vld [tilespmem:s13+$0x580];
	[tilespmem:$0x1FCE0] =	vst v8;
	v8 =	vmul.f32 v50, v49  }
0x335: {  	v49 =	vmul.f32 v27, v25;
	v25 =	vld [tilespmem:$0x1FB70];
	v1 =	vmul.f32 v6, v1  }
0x336: {  	[tilespmem:$0x1FC10] =	vst v0;
	v0 =	vld [tilespmem:s13+$0xB700]  }
0x337: {  	[tilespmem:$0x1FC60] =	vst v1;
	v1 =	vld [tilespmem:$0x1FB00]  }
0x338: {  	[tilespmem:$0x1FCF0] =	vst v8;
	v8 =	vld [tilespmem:s13+$0x8400]  }
0x339: {  	v26 =	vld [tilespmem:$0x1FB40]  }
0x33a: {  	v6 =	vld [tilespmem:s13+$0x8680]  }
0x33b: {  	[tilespmem:$0x1FC20] =	vst v0;
	v0 =	vld [tilespmem:s13+$0x3500]  }
0x33c: {  	v27 =	vld [tilespmem:$0x1FB60];
	v1 =	vmul.f32 v19, v1;
	v19 =	vmul.f32 v5, v7  }
0x33d: {  	v5 =	vmul.f32 v35, v28;
	v28 =	vmul.f32 v56, v55;
	v55 =	vld [tilespmem:s13+$0x480]  }
0x33e: {  	v56 =	vld [tilespmem:s13+$0x8480]  }
0x33f: {  	[tilespmem:$0x1FC70] =	vst v1;
	v1 =	vld [tilespmem:s13+$0x700]  }
0x340: {  	p0 =	sne.s32 s14, $0x1C0;
	v7 =	vmul.f32 v39, v38;
	[tilespmem:$0x1FC30] =	vst v0;
	v0 =	vld [tilespmem:s13+$0xB500]  }
.Ltmp1:
0x341: {  	[tilespmem:$0x1FC90] =	vst v5;
	v5 =	vld [tilespmem:s13+$0x8700];
	(pc) =	sbr.rel @p0 .LBB2_4-.Ltmp1, $4  }
0x342: {  	[tilespmem:$0x1FCB0] =	vst v7;
	v7 =	vmul.f32 v42, v41;
	v42 =	vmul.f32 v22, v30;
	v22 =	vld [tilespmem:$0x1FB10]  }
0x343: {  	v41 =	vmul.f32 v9, v18;
	v9 =	vld [tilespmem:s13+$0x8500]  }
0x344: {  	v50 =	vmul.f32 v32, v11;
	v35 =	vmul.f32 v13, v12;
	[tilespmem:$0x1FCC0] =	vst v7;
	v7 =	vld [tilespmem:s13+$0x400]  }
0x345: {  	s14 =	sadd.s32 $0x40, s14;
	v38 =	vmul.f32 v15, v14;
	v39 =	vmul.f32 v17, v16;
	[tilespmem:$0x1FC40] =	vst v0;
	v0 =	vld [tilespmem:s13+$0x9480]  }
0x346: {  	v13 =	vld [tilespmem:s13+$0x8580]  }
0x347: {  	v16 =	vld [tilespmem:s13+$0x780]  }
0x348: {  	v14 =	vmul.f32 v57, v54;
	v18 =	vld [tilespmem:s13+$0x8780];
	v2 =	vmul.f32 v3, v2  }
0x349: {  	v3 =	vmul.f32 v6, v4;
	v4 =	vld [tilespmem:s13+$0x1580];
	v9 =	vmul.f32 v9, v58  }
0x34a: {  	v6 =	vmul.f32 v8, v7;
	v7 =	vmul.f32 v56, v55;
	v8 =	vld [tilespmem:s13+$0x9580]  }
0x34b: {  	v57 =	vld [tilespmem:s13+$0x1780];
	v1 =	vmul.f32 v5, v1;
	v9 =	vadd.f32 $0.0e+00, v9;
	v10 =	vmul.f32 v13, v10  }
0x34c: {  	v17 =	vmul.f32 v62, v61;
	v5 =	vadd.f32 $0.0e+00, v6;
	v6 =	vadd.f32 $0.0e+00, v7;
	v7 =	vld [tilespmem:s13+$0x9780]  }
0x34d: {  	v58 =	vld [tilespmem:s13+$0xB580];
	v16 =	vmul.f32 v18, v16;
	v1 =	vadd.f32 v1, v9;
	v10 =	vadd.f32 $0.0e+00, v10  }
0x34e: {  	v0 =	vmul.f32 v0, v63;
	v18 =	vld [tilespmem:s13+$0x2580];
	v2 =	vadd.f32 v2, v5;
	v3 =	vadd.f32 v3, v6  }
0x34f: {  	v5 =	vmul.f32 v47, v46;
	v6 =	vld [tilespmem:s13+$0xA580];
	v4 =	vmul.f32 v8, v4;
	v9 =	vadd.f32 v16, v10  }
0x350: {  	v8 =	vld [tilespmem:s13+$0x2780];
	v2 =	vadd.f32 v17, v2;
	v0 =	vadd.f32 v0, v3;
	v3 =	vmul.f32 v43, v40  }
0x351: {  	v10 =	vld [tilespmem:s13+$0xA780];
	v1 =	vadd.f32 v5, v1;
	v5 =	vmul.f32 v7, v57;
	v4 =	vadd.f32 v4, v9  }
0x352: {  	v11 =	vmul.f32 v51, v48;
	v7 =	vld [tilespmem:s13+$0x3580];
	v2 =	vadd.f32 v14, v2  }
0x353: {  	v9 =	vmul.f32 v37, v36;
	v1 =	vadd.f32 v3, v1;
	v3 =	vadd.f32 v5, v4;
	v5 =	vld [tilespmem:s13+$0x3780]  }
0x354: {  	v4 =	vmul.f32 v6, v18;
	v2 =	vadd.f32 v11, v2;
	v11 =	vld [tilespmem:s13+$0xB780]  }
0x355: {  	v1 =	vadd.f32 v9, v1;
	v9 =	vld [tilespmem:$0x1FC30]  }
0x356: {  	v3 =	vadd.f32 v4, v3;
	v4 =	vmul.f32 v10, v8;
	v10 =	vld [tilespmem:$0x1FC40];
	_ =	sdelay $0x1  }
0x357: {  	v15 =	vmul.f32 v60, v59;
	v59 =	vld [tilespmem:$0x1FC20];
	v6 =	vmul.f32 v33, v29  }
0x358: {  	v8 =	vld [tilespmem:s13+$0x4580];
	v3 =	vadd.f32 v4, v3;
	v4 =	vmul.f32 v58, v7  }
0x359: {  	v1 =	vadd.f32 v6, v1;
	v7 =	vld [tilespmem:$0x1FC10]  }
0x35a: {  	v3 =	vadd.f32 v4, v3;
	v4 =	vmul.f32 v11, v5;
	v11 =	vld [tilespmem:$0x1FC00];
	v9 =	vmul.f32 v10, v9  }
0x35b: {  	v10 =	vld [tilespmem:s13+$0xC580]  }
0x35c: {  	v1 =	vadd.f32 v9, v1;
	v9 =	vld [tilespmem:$0x1FBF0]  }
0x35d: {  	v60 =	vld [tilespmem:s13+$0xC780]  }
0x35e: {  	v61 =	vld [tilespmem:$0x1FBC0]  }
0x35f: {  	v6 =	vld [tilespmem:s13+$0x4780];
	v7 =	vmul.f32 v59, v7  }
0x360: {  	v3 =	vadd.f32 v4, v3;
	v4 =	vmul.f32 v10, v8;
	v8 =	vld [tilespmem:$0x1FBD0]  }
0x361: {  	v1 =	vadd.f32 v7, v1;
	v10 =	vld [tilespmem:$0x1FBE0];
	v9 =	vmul.f32 v11, v9  }
0x362: {  	v5 =	vld [tilespmem:s13+$0x5580]  }
0x363: {  	v2 =	vadd.f32 v49, v2;
	v1 =	vadd.f32 v9, v1;
	v9 =	vld [tilespmem:$0x1FBB0]  }
0x364: {  	v12 =	vmul.f32 v53, v52;
	v0 =	vadd.f32 v15, v0;
	v11 =	vld [tilespmem:s13+$0xD580]  }
0x365: {  	v2 =	vadd.f32 v44, v2  }
0x366: {  	v0 =	vadd.f32 v12, v0;
	v8 =	vmul.f32 v10, v8  }
0x367: {  	v2 =	vadd.f32 v41, v2;
	v3 =	vadd.f32 v4, v3;
	v4 =	vmul.f32 v60, v6  }
0x368: {  	v0 =	vadd.f32 v50, v0;
	v1 =	vadd.f32 v8, v1;
	v8 =	vld [tilespmem:$0x1FB90];
	v9 =	vmul.f32 v61, v9  }
0x369: {  	v2 =	vadd.f32 v38, v2;
	v3 =	vadd.f32 v4, v3;
	v4 =	vmul.f32 v11, v5;
	v11 =	vld [tilespmem:$0x1FBA0]  }
0x36a: {  	v0 =	vadd.f32 v45, v0;
	v1 =	vadd.f32 v9, v1;
	v9 =	vld [tilespmem:$0x1FCE0]  }
0x36b: {  	v2 =	vadd.f32 v34, v2  }
0x36c: {  	v62 =	vld [tilespmem:s13+$0xE580];
	v0 =	vadd.f32 v42, v0  }
0x36d: {  	v7 =	vld [tilespmem:s13+$0x5780];
	v2 =	vadd.f32 v28, v2  }
0x36e: {  	v0 =	vadd.f32 v39, v0;
	v10 =	vld [tilespmem:s13+$0xD780]  }
0x36f: {  	v8 =	vmul.f32 v11, v8;
	v2 =	vadd.f32 v9, v2;
	v9 =	vld [tilespmem:$0x1FCF0]  }
0x370: {  	v0 =	vadd.f32 v35, v0;
	v6 =	vld [tilespmem:s13+$0x6580]  }
0x371: {  	v1 =	vadd.f32 v8, v1;
	v8 =	vld [tilespmem:$0x1FCB0]  }
0x372: {  	v0 =	vadd.f32 v31, v0;
	v5 =	vld [tilespmem:s13+$0x6780]  }
0x373: {  	v11 =	vld [tilespmem:s13+$0xE780]  }
0x374: {  	v3 =	vadd.f32 v4, v3;
	v4 =	vmul.f32 v10, v7;
	v0 =	vadd.f32 v9, v0;
	v9 =	vld [tilespmem:$0x1FB80]  }
0x375: {  	v7 =	vld [tilespmem:s13+$0x7580]  }
0x376: {  	v3 =	vadd.f32 v4, v3;
	v4 =	vmul.f32 v62, v6;
	v2 =	vadd.f32 v8, v2;
	v8 =	vld [tilespmem:$0x1FCC0]  }
0x377: {  	v10 =	vld [tilespmem:s13+$0xF580]  }
0x378: {  	v3 =	vadd.f32 v4, v3;
	v4 =	vmul.f32 v11, v5;
	v5 =	vld [tilespmem:$0x1FC90]  }
0x379: {  	v9 =	vmul.f32 v9, v27;
	_ =	sdelay $0x1  }
0x37a: {  	v0 =	vadd.f32 v8, v0;
	v8 =	vmul.f32 v26, v25;
	v1 =	vadd.f32 v9, v1  }
0x37b: {  	v3 =	vadd.f32 v4, v3;
	v4 =	vmul.f32 v10, v7  }
0x37c: {  	v7 =	vld [tilespmem:$0x1FC70];
	v0 =	vadd.f32 v5, v0;
	v5 =	vmul.f32 v24, v23;
	v1 =	vadd.f32 v8, v1;
	_ =	sdelay $0x1  }
0x37d: {  	v1 =	vadd.f32 v5, v1;
	v5 =	vld [tilespmem:$0x1FC50]  }
0x37e: {  	v63 =	vld [tilespmem:s13+$0xF780];
	v2 =	vadd.f32 v21, v2  }
0x37f: {  	v6 =	vld [tilespmem:s13+$0x7780]  }
0x380: {  	v2 =	vadd.f32 v7, v2;
	_ =	sdelay $0x1  }
0x381: {  	v2 =	vadd.f32 v5, v2;
	v5 =	vld [tilespmem:$0x1FC60];
	_ =	sdelay $0x1  }
0x382: {  	v3 =	vadd.f32 v4, v3;
	v4 =	vmul.f32 v63, v6  }
0x383: {  	v7 =	vmul.f32 v22, v20;
	v0 =	vadd.f32 v19, v0  }
0x384: {  	v3 =	vadd.f32 v4, v3  }
0x385: {  	v1 =	vadd.f32 v7, v1;
	v0 =	vadd.f32 v5, v0;
	_ =	sdelay $0x1  }
0x386: {  	v1 =	vadd.f32 v3, v1;
	v0 =	vadd.f32 v0, v2;
	_ =	sdelay $0x1  }
0x387: {  	v0 =	vadd.f32 v1, v0;
	_ =	sdelay $0x1  }
0x388: {  	[tilespmem:s13+$0x10080] =	vst v0  }
0x389: {  	_ =	swait.ge [sflag:s30], $0x2000  }
0x38a: {  	[sflag:s30] =	ssyncset.done $0x0  }
0x38b: {  	[sflag:s30] =	ssyncadd.s32 $0xFFFFE000  }
0x38c: {  	_ =	swait.ge [sflag:s31], $0x2000  }
0x38d: {  	[sflag:s31] =	ssyncset.done $0x0  }
0x38e: {  	s13 =	simm.s32 $0x0;
	[sflag:s31] =	ssyncadd.s32 $0xFFFFE000  }
0x38f: {  	v0 =	vld [tilespmem:s13+$0x6A80];
	_ =	sdelay $0x4  }
0x390: {  	[tilespmem:$0x1F9E0] =	vst v0;
	v0 =	vld [tilespmem:s13+$0x6800];
	_ =	sdelay $0x4  }
0x391: {  	[tilespmem:$0x1FA00] =	vst v0;
	v0 =	vld [tilespmem:s13+$0xE900];
	_ =	sdelay $0x3  }
0x392: {  	v17 =	vld [tilespmem:s13+$0x7A00]  }
0x393: {  	[tilespmem:$0x1F8E0] =	vst v0;
	v0 =	vld [tilespmem:s13+$0x5A00]  }
0x394: {  	v14 =	vld [tilespmem:s13+$0xFA00]  }
0x395: {  	v15 =	vld [tilespmem:s13+$0x7A80]  }
0x396: {  	v4 =	vld [tilespmem:s13+$0xFA80]  }
0x397: {  	v20 =	vld [tilespmem:s13+$0x7B00]  }
0x398: {  	[tilespmem:$0x1FA30] =	vst v0;
	v0 =	vld [tilespmem:s13+$0x5B00]  }
0x399: {  	v22 =	vld [tilespmem:s13+$0xFB00]  }
0x39a: {  	v32 =	vld [tilespmem:s13+$0x7800]  }
0x39b: {  	v18 =	vld [tilespmem:s13+$0xF800]  }
0x39c: {  	v19 =	vld [tilespmem:s13+$0x7880]  }
0x39d: {  	[tilespmem:$0x1F8F0] =	vst v0;
	v0 =	vld [tilespmem:s13+$0xDB00]  }
0x39e: {  	v6 =	vld [tilespmem:s13+$0xF880]  }
0x39f: {  	v23 =	vld [tilespmem:s13+$0x7900]  }
0x3a0: {  	v24 =	vld [tilespmem:s13+$0xF900]  }
0x3a1: {  	v11 =	vld [tilespmem:s13+$0x6A00]  }
0x3a2: {  	[tilespmem:$0x1F900] =	vst v0;
	v0 =	vld [tilespmem:s13+$0x5800]  }
0x3a3: {  	v21 =	vld [tilespmem:s13+$0xEA00]  }
0x3a4: {  	v1 =	vld [tilespmem:s13+$0xEA80]  }
0x3a5: {  	v25 =	vld [tilespmem:s13+$0x6B00]  }
0x3a6: {  	v26 =	vld [tilespmem:s13+$0xEB00]  }
0x3a7: {  	[tilespmem:$0x1FA60] =	vst v0;
	v0 =	vld [tilespmem:s13+$0x5900]  }
0x3a8: {  	v12 =	vld [tilespmem:s13+$0xE800]  }
0x3a9: {  	v13 =	vld [tilespmem:s13+$0x6880]  }
0x3aa: {  	v5 =	vld [tilespmem:s13+$0xE880]  }
0x3ab: {  	v27 =	vld [tilespmem:s13+$0x6900]  }
0x3ac: {  	[tilespmem:$0x1F910] =	vst v0;
	v0 =	vld [tilespmem:s13+$0xD900]  }
0x3ad: {  	v28 =	vld [tilespmem:s13+$0xDA00]  }
0x3ae: {  	v16 =	vld [tilespmem:s13+$0x5A80]  }
0x3af: {  	v7 =	vld [tilespmem:s13+$0xDA80]  }
0x3b0: {  	v30 =	vld [tilespmem:s13+$0xD800]  }
0x3b1: {  	[tilespmem:$0x1F920] =	vst v0;
	v0 =	vld [tilespmem:s13+$0x4A00]  }
0x3b2: {  	v31 =	vld [tilespmem:s13+$0x5880]  }
0x3b3: {  	v8 =	vld [tilespmem:s13+$0xD880]  }
0x3b4: {  	v34 =	vld [tilespmem:s13+$0xCA00]  }
0x3b5: {  	v55 =	vld [tilespmem:s13+$0x4A80]  }
0x3b6: {  	[tilespmem:$0x1FA70] =	vst v0;
	v0 =	vld [tilespmem:s13+$0x4B00]  }
0x3b7: {  	v35 =	vld [tilespmem:s13+$0xCA80]  }
0x3b8: {  	v38 =	vld [tilespmem:s13+$0xC800]  }
0x3b9: {  	v56 =	vld [tilespmem:s13+$0x4880]  }
0x3ba: {  	v39 =	vld [tilespmem:s13+$0xC880]  }
0x3bb: {  	[tilespmem:$0x1F930] =	vst v0;
	v0 =	vld [tilespmem:s13+$0xCB00]  }
0x3bc: {  	v41 =	vld [tilespmem:s13+$0xBA00]  }
0x3bd: {  	v58 =	vld [tilespmem:s13+$0x3A80]  }
0x3be: {  	v42 =	vld [tilespmem:s13+$0xBA80]  }
0x3bf: {  	v44 =	vld [tilespmem:s13+$0xB800]  }
0x3c0: {  	[tilespmem:$0x1F940] =	vst v0;
	v0 =	vld [tilespmem:s13+$0x4800]  }
0x3c1: {  	v45 =	vld [tilespmem:s13+$0x3880]  }
0x3c2: {  	v9 =	vld [tilespmem:s13+$0xB880]  }
0x3c3: {  	v49 =	vld [tilespmem:s13+$0xAA00]  }
0x3c4: {  	v50 =	vld [tilespmem:s13+$0x2A80]  }
0x3c5: {  	[tilespmem:$0x1FA80] =	vst v0;
	v0 =	vld [tilespmem:s13+$0x4900]  }
0x3c6: {  	v10 =	vld [tilespmem:s13+$0xAA80]  }
0x3c7: {  	v21 =	vmul.f32 v21, v11;
	v11 =	vld [tilespmem:$0x1F9E0]  }
0x3c8: {  	v29 =	vld [tilespmem:s13+$0x2B00]  }
0x3c9: {  	v33 =	vld [tilespmem:s13+$0xAB00]  }
0x3ca: {  	[tilespmem:$0x1F950] =	vst v0;
	v0 =	vld [tilespmem:s13+$0xC900]  }
0x3cb: {  	v48 =	vld [tilespmem:s13+$0x2800]  }
0x3cc: {  	v1 =	vmul.f32 v1, v11;
	v11 =	vld [tilespmem:$0x1FA00]  }
0x3cd: {  	v51 =	vld [tilespmem:s13+$0xA800]  }
0x3ce: {  	v52 =	vld [tilespmem:s13+$0x2880]  }
0x3cf: {  	[tilespmem:$0x1F960] =	vst v0;
	v0 =	vld [tilespmem:s13+$0x3A00]  }
0x3d0: {  	v53 =	vld [tilespmem:s13+$0xA880]  }
0x3d1: {  	v36 =	vld [tilespmem:s13+$0x2900];
	v11 =	vmul.f32 v12, v11  }
0x3d2: {  	v37 =	vld [tilespmem:s13+$0xA900]  }
0x3d3: {  	[tilespmem:$0x1FA10] =	vst v11;
	v11 =	vld [tilespmem:$0x1FA30]  }
0x3d4: {  	[tilespmem:$0x1FA90] =	vst v0;
	v0 =	vld [tilespmem:s13+$0x3B00]  }
0x3d5: {  	v54 =	vld [tilespmem:s13+$0x1A00]  }
0x3d6: {  	v57 =	vld [tilespmem:s13+$0x9A00]  }
0x3d7: {  	v59 =	vld [tilespmem:s13+$0x1A80]  }
0x3d8: {  	v60 =	vld [tilespmem:s13+$0x9A80];
	v11 =	vmul.f32 v28, v11  }
0x3d9: {  	[tilespmem:$0x1F970] =	vst v0;
	v0 =	vld [tilespmem:s13+$0xBB00]  }
0x3da: {  	[tilespmem:$0x1FA40] =	vst v11;
	v11 =	vld [tilespmem:$0x1FA60]  }
0x3db: {  	v40 =	vld [tilespmem:s13+$0x1B00]  }
0x3dc: {  	v43 =	vld [tilespmem:s13+$0x9B00]  }
0x3dd: {  	v61 =	vld [tilespmem:s13+$0x1800]  }
0x3de: {  	[tilespmem:$0x1F980] =	vst v0;
	v0 =	vld [tilespmem:s13+$0x3800]  }
0x3df: {  	v28 =	vmul.f32 v30, v11;
	v11 =	vld [tilespmem:$0x1FA70]  }
0x3e0: {  	v62 =	vld [tilespmem:s13+$0x9800]  }
0x3e1: {  	v63 =	vld [tilespmem:s13+$0x1880]  }
0x3e2: {  	v46 =	vld [tilespmem:s13+$0x1900]  }
0x3e3: {  	[tilespmem:$0x1FAA0] =	vst v0;
	v0 =	vld [tilespmem:s13+$0x3900]  }
0x3e4: {  	v34 =	vmul.f32 v34, v11;
	v11 =	vld [tilespmem:$0x1FA80]  }
0x3e5: {  	v47 =	vld [tilespmem:s13+$0x9900]  }
0x3e6: {  	v2 =	vld [tilespmem:s13+$0xA00]  }
0x3e7: {  	v3 =	vld [tilespmem:s13+$0x8A00]  }
0x3e8: {  	[tilespmem:$0x1F990] =	vst v0;
	v0 =	vld [tilespmem:s13+$0xB900]  }
0x3e9: {  	v38 =	vmul.f32 v38, v11;
	v11 =	vld [tilespmem:$0x1FA90]  }
0x3ea: {  	v19 =	vmul.f32 v6, v19;
	v6 =	vld [tilespmem:s13+$0x8A80]  }
0x3eb: {  	v31 =	vmul.f32 v8, v31;
	v8 =	vld [tilespmem:s13+$0x8800]  }
0x3ec: {  	v35 =	vmul.f32 v35, v55;
	v55 =	vld [tilespmem:s13+$0x880]  }
0x3ed: {  	[tilespmem:$0x1F9A0] =	vst v0;
	v0 =	vld [tilespmem:s13+$0x2A00]  }
0x3ee: {  	v41 =	vmul.f32 v41, v11;
	v11 =	vld [tilespmem:$0x1FAA0]  }
0x3ef: {  	v39 =	vmul.f32 v39, v56;
	v56 =	vld [tilespmem:s13+$0x8880]  }
0x3f0: {  	v42 =	vmul.f32 v42, v58;
	v58 =	vld [tilespmem:s13+$0x900]  }
0x3f1: {  	v14 =	vmul.f32 v14, v17;
	v45 =	vmul.f32 v9, v45;
	v9 =	vld [tilespmem:s13+$0x8900]  }
0x3f2: {  	v4 =	vmul.f32 v4, v15;
	v50 =	vmul.f32 v10, v50;
	v10 =	vld [tilespmem:s13+$0x980];
	[tilespmem:$0x1FAB0] =	vst v0  }
0x3f3: {  	v5 =	vmul.f32 v5, v13;
	[tilespmem:$0x1F9B0] =	vst v14;
	v44 =	vmul.f32 v44, v11;
	v11 =	vld [tilespmem:$0x1FAB0]  }
0x3f4: {  	v7 =	vmul.f32 v7, v16;
	[tilespmem:$0x1F9C0] =	vst v4;
	v4 =	vld [tilespmem:s13+$0xA80]  }
0x3f5: {  	[tilespmem:$0x1FA20] =	vst v5;
	v5 =	vld [tilespmem:s13+$0x8B00]  }
0x3f6: {  	v32 =	vmul.f32 v18, v32;
	[tilespmem:$0x1FA50] =	vst v7;
	v7 =	vld [tilespmem:s13+$0x800]  }
0x3f7: {  	[tilespmem:$0x1F9F0] =	vst v1;
	v1 =	vld [tilespmem:s13+$0xB00]  }
0x3f8: {  	s14 =	simm.s32 $0x40;
	[tilespmem:$0x1F9D0] =	vst v32;
	v0 =	vld [tilespmem:s13+$0x9880];
	v49 =	vmul.f32 v49, v11  }
.LBB2_6:
0x3f9: {  	v11 =	vld [tilespmem:s13+$0x8980]  }
0x3fa: {  	v13 =	vld [tilespmem:s13+$0xB80]  }
0x3fb: {  	v32 =	vld [tilespmem:s13+$0x8B80];
	v12 =	vmul.f32 v53, v52;
	v15 =	vmul.f32 v60, v59  }
0x3fc: {  	v2 =	vmul.f32 v3, v2;
	v3 =	vmul.f32 v6, v4;
	v4 =	vld [tilespmem:s13+$0x1980]  }
0x3fd: {  	v6 =	vmul.f32 v8, v7;
	v7 =	vmul.f32 v56, v55;
	v8 =	vld [tilespmem:s13+$0x9980]  }
0x3fe: {  	v9 =	vmul.f32 v9, v58;
	v1 =	vmul.f32 v5, v1;
	v5 =	vld [tilespmem:s13+$0x9B80]  }
0x3ff: {  	v60 =	vmul.f32 v62, v61;
	v61 =	vld [tilespmem:s13+$0x2980];
	v10 =	vmul.f32 v11, v10;
	v6 =	vadd.f32 $0.0e+00, v6  }
0x400: {  	v0 =	vmul.f32 v0, v63;
	v11 =	vld [tilespmem:s13+$0x1B80];
	v7 =	vadd.f32 $0.0e+00, v7;
	v9 =	vadd.f32 $0.0e+00, v9  }
0x401: {  	v52 =	vmul.f32 v32, v13;
	v32 =	vld [tilespmem:s13+$0xBB80];
	v10 =	vadd.f32 $0.0e+00, v10;
	v2 =	vadd.f32 v2, v6  }
0x402: {  	v3 =	vadd.f32 v3, v7;
	v6 =	vmul.f32 v47, v46;
	v7 =	vld [tilespmem:s13+$0xA980];
	v1 =	vadd.f32 v1, v9  }
0x403: {  	v9 =	vadd.f32 v52, v10;
	v4 =	vmul.f32 v8, v4;
	v8 =	vld [tilespmem:s13+$0x2B80]  }
0x404: {  	v10 =	vld [tilespmem:s13+$0xAB80];
	v0 =	vadd.f32 v0, v3;
	v3 =	vmul.f32 v43, v40;
	v1 =	vadd.f32 v6, v1  }
0x405: {  	v5 =	vmul.f32 v5, v11;
	v6 =	vld [tilespmem:s13+$0x3980];
	v4 =	vadd.f32 v4, v9  }
0x406: {  	v11 =	vld [tilespmem:s13+$0xB980];
	v9 =	vmul.f32 v37, v36;
	v1 =	vadd.f32 v3, v1  }
0x407: {  	v3 =	vadd.f32 v5, v4;
	v4 =	vmul.f32 v7, v61;
	v5 =	vld [tilespmem:s13+$0x3B80]  }
0x408: {  	v0 =	vadd.f32 v15, v0;
	v1 =	vadd.f32 v9, v1;
	v9 =	vld [tilespmem:$0x1F990]  }
0x409: {  	v7 =	vmul.f32 v33, v29;
	v3 =	vadd.f32 v4, v3;
	v4 =	vmul.f32 v10, v8;
	v10 =	vld [tilespmem:$0x1F9A0]  }
0x40a: {  	v0 =	vadd.f32 v12, v0;
	v12 =	vld [tilespmem:$0x1F960]  }
0x40b: {  	v1 =	vadd.f32 v7, v1;
	v7 =	vld [tilespmem:$0x1F970]  }
0x40c: {  	v3 =	vadd.f32 v4, v3;
	v4 =	vmul.f32 v11, v6;
	v11 =	vld [tilespmem:$0x1F980]  }
0x40d: {  	v8 =	vld [tilespmem:s13+$0x4980]  }
0x40e: {  	v6 =	vld [tilespmem:s13+$0x4B80];
	v9 =	vmul.f32 v10, v9  }
0x40f: {  	v10 =	vld [tilespmem:s13+$0xC980]  }
0x410: {  	v1 =	vadd.f32 v9, v1;
	v9 =	vld [tilespmem:$0x1F950]  }
0x411: {  	v14 =	vmul.f32 v57, v54;
	v2 =	vadd.f32 v60, v2;
	v7 =	vmul.f32 v11, v7;
	v11 =	vld [tilespmem:s13+$0xCB80]  }
0x412: {  	v3 =	vadd.f32 v4, v3;
	v4 =	vmul.f32 v32, v5  }
0x413: {  	v48 =	vmul.f32 v51, v48;
	v2 =	vadd.f32 v14, v2  }
0x414: {  	v3 =	vadd.f32 v4, v3;
	v4 =	vmul.f32 v10, v8;
	v8 =	vld [tilespmem:$0x1F930]  }
0x415: {  	v2 =	vadd.f32 v48, v2;
	v1 =	vadd.f32 v7, v1;
	v10 =	vld [tilespmem:$0x1F940];
	v9 =	vmul.f32 v12, v9  }
0x416: {  	v3 =	vadd.f32 v4, v3;
	v4 =	vmul.f32 v11, v6;
	v11 =	vld [tilespmem:$0x1F920]  }
0x417: {  	v2 =	vadd.f32 v49, v2;
	v1 =	vadd.f32 v9, v1;
	v9 =	vld [tilespmem:$0x1F910]  }
0x418: {  	v16 =	vld [tilespmem:s13+$0xD980]  }
0x419: {  	v62 =	vld [tilespmem:$0x1F900];
	v2 =	vadd.f32 v44, v2  }
0x41a: {  	v5 =	vld [tilespmem:s13+$0x5980];
	v8 =	vmul.f32 v10, v8  }
0x41b: {  	v2 =	vadd.f32 v41, v2;
	v7 =	vld [tilespmem:s13+$0x5B80]  }
0x41c: {  	v0 =	vadd.f32 v50, v0;
	v10 =	vld [tilespmem:s13+$0xDB80];
	v1 =	vadd.f32 v8, v1;
	v9 =	vmul.f32 v11, v9  }
0x41d: {  	v2 =	vadd.f32 v38, v2;
	v8 =	vld [tilespmem:$0x1F8F0]  }
0x41e: {  	v0 =	vadd.f32 v45, v0;
	v1 =	vadd.f32 v9, v1;
	v9 =	vld [tilespmem:$0x1FA40]  }
0x41f: {  	v2 =	vadd.f32 v34, v2;
	v6 =	vld [tilespmem:s13+$0x6980]  }
0x420: {  	v0 =	vadd.f32 v42, v0;
	v3 =	vadd.f32 v4, v3;
	v4 =	vmul.f32 v16, v5;
	v11 =	vld [tilespmem:s13+$0xE980]  }
0x421: {  	v63 =	vld [tilespmem:s13+$0xEB80];
	v2 =	vadd.f32 v28, v2  }
0x422: {  	v0 =	vadd.f32 v39, v0;
	v5 =	vld [tilespmem:s13+$0x6B80];
	v3 =	vadd.f32 v4, v3  }
0x423: {  	v4 =	vmul.f32 v10, v7;
	v8 =	vmul.f32 v62, v8;
	v2 =	vadd.f32 v9, v2;
	v9 =	vld [tilespmem:$0x1FA50]  }
0x424: {  	v0 =	vadd.f32 v35, v0  }
0x425: {  	v3 =	vadd.f32 v4, v3;
	v1 =	vadd.f32 v8, v1;
	v4 =	vmul.f32 v11, v6;
	v8 =	vld [tilespmem:$0x1FA10]  }
0x426: {  	s15 =	sshra.s32 s14, $0x2;
	v0 =	vadd.f32 v31, v0  }
0x427: {  	v3 =	vadd.f32 v4, v3;
	v4 =	vmul.f32 v63, v5;
	v5 =	vld [tilespmem:s15+$0xFA00]  }
0x428: {  	v0 =	vadd.f32 v9, v0;
	v9 =	vld [tilespmem:$0x1F8E0]  }
0x429: {  	v7 =	vld [tilespmem:s13+$0x7980]  }
0x42a: {  	v2 =	vadd.f32 v8, v2;
	v8 =	vld [tilespmem:$0x1FA20]  }
0x42b: {  	v10 =	vld [tilespmem:s13+$0xF980]  }
0x42c: {  	[tilespmem:$0x1F830] =	vst v5;
	v5 =	vld [tilespmem:$0x1F9F0]  }
0x42d: {  	v9 =	vmul.f32 v9, v27;
	_ =	sdelay $0x1  }
0x42e: {  	v0 =	vadd.f32 v8, v0;
	v8 =	vmul.f32 v26, v25;
	v1 =	vadd.f32 v9, v1  }
0x42f: {  	v3 =	vadd.f32 v4, v3;
	v4 =	vmul.f32 v10, v7  }
0x430: {  	v7 =	vld [tilespmem:s15+$0xFA80];
	v0 =	vadd.f32 v5, v0;
	v5 =	vmul.f32 v24, v23;
	v1 =	vadd.f32 v8, v1;
	_ =	sdelay $0x1  }
0x431: {  	v1 =	vadd.f32 v5, v1;
	v5 =	vld [tilespmem:s15+$0xFB00];
	_ =	sdelay $0x2  }
0x432: {  	[tilespmem:$0x1F850] =	vst v7;
	v7 =	vld [tilespmem:$0x1F9D0];
	_ =	sdelay $0x1  }
0x433: {  	[tilespmem:$0x1F870] =	vst v5;
	v5 =	vld [tilespmem:$0x1F9B0]  }
0x434: {  	v6 =	vld [tilespmem:s13+$0x7B80];
	v2 =	vadd.f32 v21, v2  }
0x435: {  	v11 =	vld [tilespmem:s13+$0xFB80]  }
0x436: {  	v2 =	vadd.f32 v7, v2;
	_ =	sdelay $0x1  }
0x437: {  	v2 =	vadd.f32 v5, v2;
	v5 =	vld [tilespmem:$0x1F9C0]  }
0x438: {  	v13 =	vld [tilespmem:s15+$0x7A00]  }
0x439: {  	v3 =	vadd.f32 v4, v3;
	v4 =	vmul.f32 v11, v6;
	v21 =	vld [tilespmem:s15+$0x6A00]  }
0x43a: {  	v6 =	vld [tilespmem:$0x1F830];
	v0 =	vadd.f32 v19, v0;
	v7 =	vmul.f32 v22, v20  }
0x43b: {  	v3 =	vadd.f32 v4, v3;
	v9 =	vld [tilespmem:s15+$0x7A80]  }
0x43c: {  	v1 =	vadd.f32 v7, v1;
	v0 =	vadd.f32 v5, v0;
	v5 =	vld [tilespmem:s15+$0x7800]  }
0x43d: {  	v19 =	vld [tilespmem:s15+$0xF800]  }
0x43e: {  	v8 =	vld [tilespmem:s15+$0x7B00];
	v1 =	vadd.f32 v3, v1;
	v0 =	vadd.f32 v0, v2  }
0x43f: {  	v7 =	vld [tilespmem:s15+$0x7880]  }
0x440: {  	v2 =	vld [tilespmem:s15+$0x7900];
	v0 =	vadd.f32 v1, v0  }
0x441: {  	v1 =	vld [tilespmem:s15+$0xF900];
	[tilespmem:$0x1F860] =	vst v5  }
0x442: {  	v5 =	vld [tilespmem:s15+$0xF880];
	[tilespmem:s13+$0x10100] =	vst v0;
	s13 =	smov.u32 s15  }
0x443: {  	[tilespmem:$0x1F890] =	vst v8;
	v8 =	vld [tilespmem:s13+$0xEA00]  }
0x444: {  	v28 =	vld [tilespmem:s13+$0x6A80]  }
0x445: {  	v35 =	vld [tilespmem:s13+$0xEA80]  }
0x446: {  	v0 =	vld [tilespmem:s13+$0x6B00]  }
0x447: {  	v38 =	vld [tilespmem:s13+$0x6800]  }
0x448: {  	v39 =	vld [tilespmem:s13+$0xE800]  }
0x449: {  	v41 =	vld [tilespmem:s13+$0x6880]  }
0x44a: {  	v42 =	vld [tilespmem:s13+$0xE880]  }
0x44b: {  	v44 =	vld [tilespmem:s13+$0x5A00]  }
0x44c: {  	v45 =	vld [tilespmem:s13+$0xDA00]  }
0x44d: {  	v49 =	vld [tilespmem:s13+$0x5A80]  }
0x44e: {  	v50 =	vld [tilespmem:s13+$0xDA80]  }
0x44f: {  	v55 =	vld [tilespmem:s13+$0x5800]  }
0x450: {  	v56 =	vld [tilespmem:s13+$0xD800]  }
0x451: {  	v58 =	vld [tilespmem:s13+$0x5880]  }
0x452: {  	v31 =	vld [tilespmem:s13+$0xD880]  }
0x453: {  	v34 =	vld [tilespmem:s13+$0x4A00]  }
0x454: {  	v10 =	vld [tilespmem:s13+$0xCA00]  }
0x455: {  	v12 =	vld [tilespmem:s13+$0x4A80]  }
0x456: {  	[tilespmem:$0x1F8D0] =	vst v0;
	v0 =	vld [tilespmem:s13+$0xEB00]  }
0x457: {  	[tilespmem:$0x1F820] =	vst v13;
	v13 =	vld [tilespmem:s13+$0xCA80]  }
0x458: {  	v14 =	vld [tilespmem:s13+$0x4800]  }
0x459: {  	v15 =	vld [tilespmem:s13+$0xC800]  }
0x45a: {  	v16 =	vld [tilespmem:s13+$0x4880]  }
0x45b: {  	[tilespmem:$0x1F8A0] =	vst v0;
	v0 =	vld [tilespmem:s13+$0x6900]  }
0x45c: {  	v17 =	vld [tilespmem:s13+$0xC880]  }
0x45d: {  	v18 =	vld [tilespmem:s13+$0x3A00]  }
0x45e: {  	[tilespmem:$0x1F840] =	vst v9;
	v9 =	vld [tilespmem:s13+$0xBA00]  }
0x45f: {  	v30 =	vld [tilespmem:s13+$0x3A80]  }
0x460: {  	[tilespmem:$0x1F8C0] =	vst v0;
	v0 =	vld [tilespmem:s13+$0xE900]  }
0x461: {  	v22 =	vld [tilespmem:s13+$0xBA80]  }
0x462: {  	v20 =	vld [tilespmem:s13+$0x3800]  }
0x463: {  	v23 =	vld [tilespmem:s13+$0xB800]  }
0x464: {  	v26 =	vld [tilespmem:s13+$0x3880]  }
0x465: {  	[tilespmem:$0x1F8E0] =	vst v0;
	v0 =	vld [tilespmem:s13+$0x5B00]  }
0x466: {  	v24 =	vld [tilespmem:s13+$0xB880]  }
0x467: {  	v25 =	vld [tilespmem:s13+$0x2A00]  }
0x468: {  	v27 =	vld [tilespmem:s13+$0xAA00]  }
0x469: {  	v11 =	vld [tilespmem:s13+$0x2A80]  }
0x46a: {  	[tilespmem:$0x1F8F0] =	vst v0;
	v0 =	vld [tilespmem:s13+$0xDB00]  }
0x46b: {  	v32 =	vld [tilespmem:s13+$0xAA80]  }
0x46c: {  	v29 =	vld [tilespmem:s13+$0x2B00]  }
0x46d: {  	v33 =	vld [tilespmem:s13+$0xAB00]  }
0x46e: {  	v48 =	vld [tilespmem:s13+$0x2800]  }
0x46f: {  	[tilespmem:$0x1F900] =	vst v0;
	v0 =	vld [tilespmem:s13+$0x5900]  }
0x470: {  	v51 =	vld [tilespmem:s13+$0xA800]  }
0x471: {  	v52 =	vld [tilespmem:s13+$0x2880]  }
0x472: {  	v53 =	vld [tilespmem:s13+$0xA880]  }
0x473: {  	v36 =	vld [tilespmem:s13+$0x2900]  }
0x474: {  	[tilespmem:$0x1F910] =	vst v0;
	v0 =	vld [tilespmem:s13+$0xD900]  }
0x475: {  	v37 =	vld [tilespmem:s13+$0xA900]  }
0x476: {  	v54 =	vld [tilespmem:s13+$0x1A00]  }
0x477: {  	v57 =	vld [tilespmem:s13+$0x9A00]  }
0x478: {  	v59 =	vld [tilespmem:s13+$0x1A80]  }
0x479: {  	[tilespmem:$0x1F920] =	vst v0;
	v0 =	vld [tilespmem:s13+$0x4B00]  }
0x47a: {  	v60 =	vld [tilespmem:s13+$0x9A80]  }
0x47b: {  	v40 =	vld [tilespmem:s13+$0x1B00]  }
0x47c: {  	v43 =	vld [tilespmem:s13+$0x9B00]  }
0x47d: {  	v61 =	vld [tilespmem:s13+$0x1800]  }
0x47e: {  	[tilespmem:$0x1F930] =	vst v0;
	v0 =	vld [tilespmem:s13+$0xCB00]  }
0x47f: {  	v62 =	vld [tilespmem:s13+$0x9800]  }
0x480: {  	v63 =	vld [tilespmem:s13+$0x1880]  }
0x481: {  	v46 =	vld [tilespmem:s13+$0x1900]  }
0x482: {  	v47 =	vld [tilespmem:s13+$0x9900]  }
0x483: {  	[tilespmem:$0x1F940] =	vst v0;
	v0 =	vld [tilespmem:s13+$0x4900]  }
0x484: {  	[tilespmem:$0x1F880] =	vst v2;
	v2 =	vld [tilespmem:s13+$0xA00]  }
0x485: {  	[tilespmem:$0x1F8B0] =	vst v1;
	v1 =	vld [tilespmem:$0x1F820]  }
0x486: {  	v3 =	vld [tilespmem:s13+$0x8A00]  }
0x487: {  	v4 =	vld [tilespmem:s13+$0xA80]  }
0x488: {  	v21 =	vmul.f32 v8, v21;
	[tilespmem:$0x1F950] =	vst v0;
	v0 =	vld [tilespmem:s13+$0xC900]  }
0x489: {  	v8 =	vmul.f32 v45, v44;
	v31 =	vmul.f32 v31, v58;
	v58 =	vld [tilespmem:s13+$0x900]  }
0x48a: {  	v44 =	vmul.f32 v23, v20;
	v23 =	vld [tilespmem:$0x1F880];
	v1 =	vmul.f32 v6, v1  }
0x48b: {  	v6 =	vld [tilespmem:$0x1F850]  }
0x48c: {  	[tilespmem:$0x1F9B0] =	vst v1;
	v1 =	vld [tilespmem:$0x1F840]  }
0x48d: {  	[tilespmem:$0x1F960] =	vst v0;
	v0 =	vld [tilespmem:s13+$0x3B00]  }
0x48e: {  	v20 =	vld [tilespmem:$0x1F890]  }
0x48f: {  	v45 =	vmul.f32 v24, v26;
	v24 =	vld [tilespmem:$0x1F8B0]  }
0x490: {  	v34 =	vmul.f32 v10, v34;
	v10 =	vld [tilespmem:s13+$0x980];
	[tilespmem:$0x1FA40] =	vst v8;
	v8 =	vmul.f32 v50, v49  }
0x491: {  	v49 =	vmul.f32 v27, v25;
	v25 =	vld [tilespmem:$0x1F8D0];
	v1 =	vmul.f32 v6, v1  }
0x492: {  	[tilespmem:$0x1F970] =	vst v0;
	v0 =	vld [tilespmem:s13+$0xBB00]  }
0x493: {  	[tilespmem:$0x1F9C0] =	vst v1;
	v1 =	vld [tilespmem:$0x1F860]  }
0x494: {  	[tilespmem:$0x1FA50] =	vst v8;
	v8 =	vld [tilespmem:s13+$0x8800]  }
0x495: {  	v26 =	vld [tilespmem:$0x1F8A0]  }
0x496: {  	v6 =	vld [tilespmem:s13+$0x8A80]  }
0x497: {  	[tilespmem:$0x1F980] =	vst v0;
	v0 =	vld [tilespmem:s13+$0x3900]  }
0x498: {  	v27 =	vld [tilespmem:$0x1F8C0];
	v1 =	vmul.f32 v19, v1;
	v19 =	vmul.f32 v5, v7  }
0x499: {  	v5 =	vmul.f32 v35, v28;
	v28 =	vmul.f32 v56, v55;
	v55 =	vld [tilespmem:s13+$0x880]  }
0x49a: {  	v56 =	vld [tilespmem:s13+$0x8880]  }
0x49b: {  	[tilespmem:$0x1F9D0] =	vst v1;
	v1 =	vld [tilespmem:s13+$0xB00]  }
0x49c: {  	p0 =	sne.s32 s14, $0x1C0;
	v7 =	vmul.f32 v39, v38;
	[tilespmem:$0x1F990] =	vst v0;
	v0 =	vld [tilespmem:s13+$0xB900]  }
.Ltmp2:
0x49d: {  	[tilespmem:$0x1F9F0] =	vst v5;
	v5 =	vld [tilespmem:s13+$0x8B00];
	(pc) =	sbr.rel @p0 .LBB2_6-.Ltmp2, $4  }
0x49e: {  	[tilespmem:$0x1FA10] =	vst v7;
	v7 =	vmul.f32 v42, v41;
	v42 =	vmul.f32 v22, v30;
	v22 =	vld [tilespmem:$0x1F870]  }
0x49f: {  	v41 =	vmul.f32 v9, v18;
	v9 =	vld [tilespmem:s13+$0x8900]  }
0x4a0: {  	v50 =	vmul.f32 v32, v11;
	v35 =	vmul.f32 v13, v12;
	[tilespmem:$0x1FA20] =	vst v7;
	v7 =	vld [tilespmem:s13+$0x800]  }
0x4a1: {  	s14 =	sadd.s32 $0x40, s14;
	v38 =	vmul.f32 v15, v14;
	v39 =	vmul.f32 v17, v16;
	[tilespmem:$0x1F9A0] =	vst v0;
	v0 =	vld [tilespmem:s13+$0x9880]  }
0x4a2: {  	v13 =	vld [tilespmem:s13+$0x8980]  }
0x4a3: {  	v16 =	vld [tilespmem:s13+$0xB80]  }
0x4a4: {  	v14 =	vmul.f32 v57, v54;
	v18 =	vld [tilespmem:s13+$0x8B80];
	v2 =	vmul.f32 v3, v2  }
0x4a5: {  	v3 =	vmul.f32 v6, v4;
	v4 =	vld [tilespmem:s13+$0x1980];
	v9 =	vmul.f32 v9, v58  }
0x4a6: {  	v6 =	vmul.f32 v8, v7;
	v7 =	vmul.f32 v56, v55;
	v8 =	vld [tilespmem:s13+$0x9980]  }
0x4a7: {  	v57 =	vld [tilespmem:s13+$0x1B80];
	v1 =	vmul.f32 v5, v1;
	v9 =	vadd.f32 $0.0e+00, v9;
	v10 =	vmul.f32 v13, v10  }
0x4a8: {  	v17 =	vmul.f32 v62, v61;
	v5 =	vadd.f32 $0.0e+00, v6;
	v6 =	vadd.f32 $0.0e+00, v7;
	v7 =	vld [tilespmem:s13+$0x9B80]  }
0x4a9: {  	v58 =	vld [tilespmem:s13+$0xB980];
	v16 =	vmul.f32 v18, v16;
	v1 =	vadd.f32 v1, v9;
	v10 =	vadd.f32 $0.0e+00, v10  }
0x4aa: {  	v0 =	vmul.f32 v0, v63;
	v18 =	vld [tilespmem:s13+$0x2980];
	v2 =	vadd.f32 v2, v5;
	v3 =	vadd.f32 v3, v6  }
0x4ab: {  	v5 =	vmul.f32 v47, v46;
	v6 =	vld [tilespmem:s13+$0xA980];
	v4 =	vmul.f32 v8, v4;
	v9 =	vadd.f32 v16, v10  }
0x4ac: {  	v8 =	vld [tilespmem:s13+$0x2B80];
	v2 =	vadd.f32 v17, v2;
	v0 =	vadd.f32 v0, v3;
	v3 =	vmul.f32 v43, v40  }
0x4ad: {  	v10 =	vld [tilespmem:s13+$0xAB80];
	v1 =	vadd.f32 v5, v1;
	v5 =	vmul.f32 v7, v57;
	v4 =	vadd.f32 v4, v9  }
0x4ae: {  	v11 =	vmul.f32 v51, v48;
	v7 =	vld [tilespmem:s13+$0x3980];
	v2 =	vadd.f32 v14, v2  }
0x4af: {  	v9 =	vmul.f32 v37, v36;
	v1 =	vadd.f32 v3, v1;
	v3 =	vadd.f32 v5, v4;
	v5 =	vld [tilespmem:s13+$0x3B80]  }
0x4b0: {  	v4 =	vmul.f32 v6, v18;
	v2 =	vadd.f32 v11, v2;
	v11 =	vld [tilespmem:s13+$0xBB80]  }
0x4b1: {  	v1 =	vadd.f32 v9, v1;
	v9 =	vld [tilespmem:$0x1F990]  }
0x4b2: {  	v3 =	vadd.f32 v4, v3;
	v4 =	vmul.f32 v10, v8;
	v10 =	vld [tilespmem:$0x1F9A0];
	_ =	sdelay $0x1  }
0x4b3: {  	v15 =	vmul.f32 v60, v59;
	v59 =	vld [tilespmem:$0x1F980];
	v6 =	vmul.f32 v33, v29  }
0x4b4: {  	v8 =	vld [tilespmem:s13+$0x4980];
	v3 =	vadd.f32 v4, v3;
	v4 =	vmul.f32 v58, v7  }
0x4b5: {  	v1 =	vadd.f32 v6, v1;
	v7 =	vld [tilespmem:$0x1F970]  }
0x4b6: {  	v3 =	vadd.f32 v4, v3;
	v4 =	vmul.f32 v11, v5;
	v11 =	vld [tilespmem:$0x1F960];
	v9 =	vmul.f32 v10, v9  }
0x4b7: {  	v10 =	vld [tilespmem:s13+$0xC980]  }
0x4b8: {  	v1 =	vadd.f32 v9, v1;
	v9 =	vld [tilespmem:$0x1F950]  }
0x4b9: {  	v60 =	vld [tilespmem:s13+$0xCB80]  }
0x4ba: {  	v61 =	vld [tilespmem:$0x1F920]  }
0x4bb: {  	v6 =	vld [tilespmem:s13+$0x4B80];
	v7 =	vmul.f32 v59, v7  }
0x4bc: {  	v3 =	vadd.f32 v4, v3;
	v4 =	vmul.f32 v10, v8;
	v8 =	vld [tilespmem:$0x1F930]  }
0x4bd: {  	v1 =	vadd.f32 v7, v1;
	v10 =	vld [tilespmem:$0x1F940];
	v9 =	vmul.f32 v11, v9  }
0x4be: {  	v5 =	vld [tilespmem:s13+$0x5980]  }
0x4bf: {  	v2 =	vadd.f32 v49, v2;
	v1 =	vadd.f32 v9, v1;
	v9 =	vld [tilespmem:$0x1F910]  }
0x4c0: {  	v12 =	vmul.f32 v53, v52;
	v0 =	vadd.f32 v15, v0;
	v11 =	vld [tilespmem:s13+$0xD980]  }
0x4c1: {  	v2 =	vadd.f32 v44, v2  }
0x4c2: {  	v0 =	vadd.f32 v12, v0;
	v8 =	vmul.f32 v10, v8  }
0x4c3: {  	v2 =	vadd.f32 v41, v2;
	v3 =	vadd.f32 v4, v3;
	v4 =	vmul.f32 v60, v6  }
0x4c4: {  	v0 =	vadd.f32 v50, v0;
	v1 =	vadd.f32 v8, v1;
	v8 =	vld [tilespmem:$0x1F8F0];
	v9 =	vmul.f32 v61, v9  }
0x4c5: {  	v2 =	vadd.f32 v38, v2;
	v3 =	vadd.f32 v4, v3;
	v4 =	vmul.f32 v11, v5;
	v11 =	vld [tilespmem:$0x1F900]  }
0x4c6: {  	v0 =	vadd.f32 v45, v0;
	v1 =	vadd.f32 v9, v1;
	v9 =	vld [tilespmem:$0x1FA40]  }
0x4c7: {  	v2 =	vadd.f32 v34, v2  }
0x4c8: {  	v62 =	vld [tilespmem:s13+$0xE980];
	v0 =	vadd.f32 v42, v0  }
0x4c9: {  	v7 =	vld [tilespmem:s13+$0x5B80];
	v2 =	vadd.f32 v28, v2  }
0x4ca: {  	v0 =	vadd.f32 v39, v0;
	v10 =	vld [tilespmem:s13+$0xDB80]  }
0x4cb: {  	v8 =	vmul.f32 v11, v8;
	v2 =	vadd.f32 v9, v2;
	v9 =	vld [tilespmem:$0x1FA50]  }
0x4cc: {  	v0 =	vadd.f32 v35, v0;
	v6 =	vld [tilespmem:s13+$0x6980]  }
0x4cd: {  	v1 =	vadd.f32 v8, v1;
	v8 =	vld [tilespmem:$0x1FA10]  }
0x4ce: {  	v0 =	vadd.f32 v31, v0;
	v5 =	vld [tilespmem:s13+$0x6B80]  }
0x4cf: {  	v11 =	vld [tilespmem:s13+$0xEB80]  }
0x4d0: {  	v3 =	vadd.f32 v4, v3;
	v4 =	vmul.f32 v10, v7;
	v0 =	vadd.f32 v9, v0;
	v9 =	vld [tilespmem:$0x1F8E0]  }
0x4d1: {  	v7 =	vld [tilespmem:s13+$0x7980]  }
0x4d2: {  	v3 =	vadd.f32 v4, v3;
	v4 =	vmul.f32 v62, v6;
	v2 =	vadd.f32 v8, v2;
	v8 =	vld [tilespmem:$0x1FA20]  }
0x4d3: {  	v10 =	vld [tilespmem:s13+$0xF980]  }
0x4d4: {  	v3 =	vadd.f32 v4, v3;
	v4 =	vmul.f32 v11, v5;
	v5 =	vld [tilespmem:$0x1F9F0]  }
0x4d5: {  	v9 =	vmul.f32 v9, v27;
	_ =	sdelay $0x1  }
0x4d6: {  	v0 =	vadd.f32 v8, v0;
	v8 =	vmul.f32 v26, v25;
	v1 =	vadd.f32 v9, v1  }
0x4d7: {  	v3 =	vadd.f32 v4, v3;
	v4 =	vmul.f32 v10, v7  }
0x4d8: {  	v7 =	vld [tilespmem:$0x1F9D0];
	v0 =	vadd.f32 v5, v0;
	v5 =	vmul.f32 v24, v23;
	v1 =	vadd.f32 v8, v1;
	_ =	sdelay $0x1  }
0x4d9: {  	v1 =	vadd.f32 v5, v1;
	v5 =	vld [tilespmem:$0x1F9B0]  }
0x4da: {  	v63 =	vld [tilespmem:s13+$0xFB80];
	v2 =	vadd.f32 v21, v2  }
0x4db: {  	v6 =	vld [tilespmem:s13+$0x7B80]  }
0x4dc: {  	v2 =	vadd.f32 v7, v2;
	_ =	sdelay $0x1  }
0x4dd: {  	v2 =	vadd.f32 v5, v2;
	v5 =	vld [tilespmem:$0x1F9C0];
	_ =	sdelay $0x1  }
0x4de: {  	v3 =	vadd.f32 v4, v3;
	v4 =	vmul.f32 v63, v6  }
0x4df: {  	v7 =	vmul.f32 v22, v20;
	v0 =	vadd.f32 v19, v0  }
0x4e0: {  	v3 =	vadd.f32 v4, v3  }
0x4e1: {  	v1 =	vadd.f32 v7, v1;
	v0 =	vadd.f32 v5, v0;
	_ =	sdelay $0x1  }
0x4e2: {  	v1 =	vadd.f32 v3, v1;
	v0 =	vadd.f32 v0, v2;
	_ =	sdelay $0x1  }
0x4e3: {  	v0 =	vadd.f32 v1, v0;
	_ =	sdelay $0x1  }
0x4e4: {  	[tilespmem:s13+$0x10100] =	vst v0  }
0x4e5: {  	_ =	swait.ge [sflag:s0], $0x2000  }
0x4e6: {  	[sflag:s0] =	ssyncset.done $0x0  }
0x4e7: {  	[sflag:s0] =	ssyncadd.s32 $0xFFFFE000  }
0x4e8: {  	_ =	swait.ge [sflag:s1], $0x2000  }
0x4e9: {  	[sflag:s1] =	ssyncset.done $0x0  }
0x4ea: {  	s13 =	simm.s32 $0x0;
	[sflag:s1] =	ssyncadd.s32 $0xFFFFE000  }
0x4eb: {  	v0 =	vld [tilespmem:s13+$0x6E80];
	_ =	sdelay $0x4  }
0x4ec: {  	[tilespmem:$0x1F740] =	vst v0;
	v0 =	vld [tilespmem:s13+$0x6C00];
	_ =	sdelay $0x4  }
0x4ed: {  	[tilespmem:$0x1F760] =	vst v0;
	v0 =	vld [tilespmem:s13+$0xED00];
	_ =	sdelay $0x3  }
0x4ee: {  	v17 =	vld [tilespmem:s13+$0x7E00]  }
0x4ef: {  	[tilespmem:$0x1F640] =	vst v0;
	v0 =	vld [tilespmem:s13+$0x5E00]  }
0x4f0: {  	v14 =	vld [tilespmem:s13+$0xFE00]  }
0x4f1: {  	v15 =	vld [tilespmem:s13+$0x7E80]  }
0x4f2: {  	v4 =	vld [tilespmem:s13+$0xFE80]  }
0x4f3: {  	v20 =	vld [tilespmem:s13+$0x7F00]  }
0x4f4: {  	[tilespmem:$0x1F790] =	vst v0;
	v0 =	vld [tilespmem:s13+$0x5F00]  }
0x4f5: {  	v22 =	vld [tilespmem:s13+$0xFF00]  }
0x4f6: {  	v32 =	vld [tilespmem:s13+$0x7C00]  }
0x4f7: {  	v18 =	vld [tilespmem:s13+$0xFC00]  }
0x4f8: {  	v19 =	vld [tilespmem:s13+$0x7C80]  }
0x4f9: {  	[tilespmem:$0x1F650] =	vst v0;
	v0 =	vld [tilespmem:s13+$0xDF00]  }
0x4fa: {  	v6 =	vld [tilespmem:s13+$0xFC80]  }
0x4fb: {  	v23 =	vld [tilespmem:s13+$0x7D00]  }
0x4fc: {  	v24 =	vld [tilespmem:s13+$0xFD00]  }
0x4fd: {  	v11 =	vld [tilespmem:s13+$0x6E00]  }
0x4fe: {  	[tilespmem:$0x1F660] =	vst v0;
	v0 =	vld [tilespmem:s13+$0x5C00]  }
0x4ff: {  	v21 =	vld [tilespmem:s13+$0xEE00]  }
0x500: {  	v1 =	vld [tilespmem:s13+$0xEE80]  }
0x501: {  	v25 =	vld [tilespmem:s13+$0x6F00]  }
0x502: {  	v26 =	vld [tilespmem:s13+$0xEF00]  }
0x503: {  	[tilespmem:$0x1F7C0] =	vst v0;
	v0 =	vld [tilespmem:s13+$0x5D00]  }
0x504: {  	v12 =	vld [tilespmem:s13+$0xEC00]  }
0x505: {  	v13 =	vld [tilespmem:s13+$0x6C80]  }
0x506: {  	v5 =	vld [tilespmem:s13+$0xEC80]  }
0x507: {  	v27 =	vld [tilespmem:s13+$0x6D00]  }
0x508: {  	[tilespmem:$0x1F670] =	vst v0;
	v0 =	vld [tilespmem:s13+$0xDD00]  }
0x509: {  	v28 =	vld [tilespmem:s13+$0xDE00]  }
0x50a: {  	v16 =	vld [tilespmem:s13+$0x5E80]  }
0x50b: {  	v7 =	vld [tilespmem:s13+$0xDE80]  }
0x50c: {  	v30 =	vld [tilespmem:s13+$0xDC00]  }
0x50d: {  	[tilespmem:$0x1F680] =	vst v0;
	v0 =	vld [tilespmem:s13+$0x4E00]  }
0x50e: {  	v31 =	vld [tilespmem:s13+$0x5C80]  }
0x50f: {  	v8 =	vld [tilespmem:s13+$0xDC80]  }
0x510: {  	v34 =	vld [tilespmem:s13+$0xCE00]  }
0x511: {  	v55 =	vld [tilespmem:s13+$0x4E80]  }
0x512: {  	[tilespmem:$0x1F7D0] =	vst v0;
	v0 =	vld [tilespmem:s13+$0x4F00]  }
0x513: {  	v35 =	vld [tilespmem:s13+$0xCE80]  }
0x514: {  	v38 =	vld [tilespmem:s13+$0xCC00]  }
0x515: {  	v56 =	vld [tilespmem:s13+$0x4C80]  }
0x516: {  	v39 =	vld [tilespmem:s13+$0xCC80]  }
0x517: {  	[tilespmem:$0x1F690] =	vst v0;
	v0 =	vld [tilespmem:s13+$0xCF00]  }
0x518: {  	v41 =	vld [tilespmem:s13+$0xBE00]  }
0x519: {  	v58 =	vld [tilespmem:s13+$0x3E80]  }
0x51a: {  	v42 =	vld [tilespmem:s13+$0xBE80]  }
0x51b: {  	v44 =	vld [tilespmem:s13+$0xBC00]  }
0x51c: {  	[tilespmem:$0x1F6A0] =	vst v0;
	v0 =	vld [tilespmem:s13+$0x4C00]  }
0x51d: {  	v45 =	vld [tilespmem:s13+$0x3C80]  }
0x51e: {  	v9 =	vld [tilespmem:s13+$0xBC80]  }
0x51f: {  	v49 =	vld [tilespmem:s13+$0xAE00]  }
0x520: {  	v50 =	vld [tilespmem:s13+$0x2E80]  }
0x521: {  	[tilespmem:$0x1F7E0] =	vst v0;
	v0 =	vld [tilespmem:s13+$0x4D00]  }
0x522: {  	v10 =	vld [tilespmem:s13+$0xAE80]  }
0x523: {  	v21 =	vmul.f32 v21, v11;
	v11 =	vld [tilespmem:$0x1F740]  }
0x524: {  	v29 =	vld [tilespmem:s13+$0x2F00]  }
0x525: {  	v33 =	vld [tilespmem:s13+$0xAF00]  }
0x526: {  	[tilespmem:$0x1F6B0] =	vst v0;
	v0 =	vld [tilespmem:s13+$0xCD00]  }
0x527: {  	v48 =	vld [tilespmem:s13+$0x2C00]  }
0x528: {  	v1 =	vmul.f32 v1, v11;
	v11 =	vld [tilespmem:$0x1F760]  }
0x529: {  	v51 =	vld [tilespmem:s13+$0xAC00]  }
0x52a: {  	v52 =	vld [tilespmem:s13+$0x2C80]  }
0x52b: {  	[tilespmem:$0x1F6C0] =	vst v0;
	v0 =	vld [tilespmem:s13+$0x3E00]  }
0x52c: {  	v53 =	vld [tilespmem:s13+$0xAC80]  }
0x52d: {  	v36 =	vld [tilespmem:s13+$0x2D00];
	v11 =	vmul.f32 v12, v11  }
0x52e: {  	v37 =	vld [tilespmem:s13+$0xAD00]  }
0x52f: {  	[tilespmem:$0x1F770] =	vst v11;
	v11 =	vld [tilespmem:$0x1F790]  }
0x530: {  	[tilespmem:$0x1F7F0] =	vst v0;
	v0 =	vld [tilespmem:s13+$0x3F00]  }
0x531: {  	v54 =	vld [tilespmem:s13+$0x1E00]  }
0x532: {  	v57 =	vld [tilespmem:s13+$0x9E00]  }
0x533: {  	v59 =	vld [tilespmem:s13+$0x1E80]  }
0x534: {  	v60 =	vld [tilespmem:s13+$0x9E80];
	v11 =	vmul.f32 v28, v11  }
0x535: {  	[tilespmem:$0x1F6D0] =	vst v0;
	v0 =	vld [tilespmem:s13+$0xBF00]  }
0x536: {  	[tilespmem:$0x1F7A0] =	vst v11;
	v11 =	vld [tilespmem:$0x1F7C0]  }
0x537: {  	v40 =	vld [tilespmem:s13+$0x1F00]  }
0x538: {  	v43 =	vld [tilespmem:s13+$0x9F00]  }
0x539: {  	v61 =	vld [tilespmem:s13+$0x1C00]  }
0x53a: {  	[tilespmem:$0x1F6E0] =	vst v0;
	v0 =	vld [tilespmem:s13+$0x3C00]  }
0x53b: {  	v28 =	vmul.f32 v30, v11;
	v11 =	vld [tilespmem:$0x1F7D0]  }
0x53c: {  	v62 =	vld [tilespmem:s13+$0x9C00]  }
0x53d: {  	v63 =	vld [tilespmem:s13+$0x1C80]  }
0x53e: {  	v46 =	vld [tilespmem:s13+$0x1D00]  }
0x53f: {  	[tilespmem:$0x1F800] =	vst v0;
	v0 =	vld [tilespmem:s13+$0x3D00]  }
0x540: {  	v34 =	vmul.f32 v34, v11;
	v11 =	vld [tilespmem:$0x1F7E0]  }
0x541: {  	v47 =	vld [tilespmem:s13+$0x9D00]  }
0x542: {  	v2 =	vld [tilespmem:s13+$0xE00]  }
0x543: {  	v3 =	vld [tilespmem:s13+$0x8E00]  }
0x544: {  	[tilespmem:$0x1F6F0] =	vst v0;
	v0 =	vld [tilespmem:s13+$0xBD00]  }
0x545: {  	v38 =	vmul.f32 v38, v11;
	v11 =	vld [tilespmem:$0x1F7F0]  }
0x546: {  	v19 =	vmul.f32 v6, v19;
	v6 =	vld [tilespmem:s13+$0x8E80]  }
0x547: {  	v31 =	vmul.f32 v8, v31;
	v8 =	vld [tilespmem:s13+$0x8C00]  }
0x548: {  	v35 =	vmul.f32 v35, v55;
	v55 =	vld [tilespmem:s13+$0xC80]  }
0x549: {  	[tilespmem:$0x1F700] =	vst v0;
	v0 =	vld [tilespmem:s13+$0x2E00]  }
0x54a: {  	v41 =	vmul.f32 v41, v11;
	v11 =	vld [tilespmem:$0x1F800]  }
0x54b: {  	v39 =	vmul.f32 v39, v56;
	v56 =	vld [tilespmem:s13+$0x8C80]  }
0x54c: {  	v42 =	vmul.f32 v42, v58;
	v58 =	vld [tilespmem:s13+$0xD00]  }
0x54d: {  	v14 =	vmul.f32 v14, v17;
	v45 =	vmul.f32 v9, v45;
	v9 =	vld [tilespmem:s13+$0x8D00]  }
0x54e: {  	v4 =	vmul.f32 v4, v15;
	v50 =	vmul.f32 v10, v50;
	v10 =	vld [tilespmem:s13+$0xD80];
	[tilespmem:$0x1F810] =	vst v0  }
0x54f: {  	v5 =	vmul.f32 v5, v13;
	[tilespmem:$0x1F710] =	vst v14;
	v44 =	vmul.f32 v44, v11;
	v11 =	vld [tilespmem:$0x1F810]  }
0x550: {  	v7 =	vmul.f32 v7, v16;
	[tilespmem:$0x1F720] =	vst v4;
	v4 =	vld [tilespmem:s13+$0xE80]  }
0x551: {  	[tilespmem:$0x1F780] =	vst v5;
	v5 =	vld [tilespmem:s13+$0x8F00]  }
0x552: {  	v32 =	vmul.f32 v18, v32;
	[tilespmem:$0x1F7B0] =	vst v7;
	v7 =	vld [tilespmem:s13+$0xC00]  }
0x553: {  	[tilespmem:$0x1F750] =	vst v1;
	v1 =	vld [tilespmem:s13+$0xF00]  }
0x554: {  	s14 =	simm.s32 $0x40;
	[tilespmem:$0x1F730] =	vst v32;
	v0 =	vld [tilespmem:s13+$0x9C80];
	v49 =	vmul.f32 v49, v11  }
.LBB2_8:
0x555: {  	v11 =	vld [tilespmem:s13+$0x8D80]  }
0x556: {  	v13 =	vld [tilespmem:s13+$0xF80]  }
0x557: {  	v32 =	vld [tilespmem:s13+$0x8F80];
	v12 =	vmul.f32 v53, v52;
	v15 =	vmul.f32 v60, v59  }
0x558: {  	v2 =	vmul.f32 v3, v2;
	v3 =	vmul.f32 v6, v4;
	v4 =	vld [tilespmem:s13+$0x1D80]  }
0x559: {  	v6 =	vmul.f32 v8, v7;
	v7 =	vmul.f32 v56, v55;
	v8 =	vld [tilespmem:s13+$0x9D80]  }
0x55a: {  	v9 =	vmul.f32 v9, v58;
	v1 =	vmul.f32 v5, v1;
	v5 =	vld [tilespmem:s13+$0x9F80]  }
0x55b: {  	v60 =	vmul.f32 v62, v61;
	v61 =	vld [tilespmem:s13+$0x2D80];
	v10 =	vmul.f32 v11, v10;
	v6 =	vadd.f32 $0.0e+00, v6  }
0x55c: {  	v0 =	vmul.f32 v0, v63;
	v11 =	vld [tilespmem:s13+$0x1F80];
	v7 =	vadd.f32 $0.0e+00, v7;
	v9 =	vadd.f32 $0.0e+00, v9  }
0x55d: {  	v52 =	vmul.f32 v32, v13;
	v32 =	vld [tilespmem:s13+$0xBF80];
	v10 =	vadd.f32 $0.0e+00, v10;
	v2 =	vadd.f32 v2, v6  }
0x55e: {  	v3 =	vadd.f32 v3, v7;
	v6 =	vmul.f32 v47, v46;
	v7 =	vld [tilespmem:s13+$0xAD80];
	v1 =	vadd.f32 v1, v9  }
0x55f: {  	v9 =	vadd.f32 v52, v10;
	v4 =	vmul.f32 v8, v4;
	v8 =	vld [tilespmem:s13+$0x2F80]  }
0x560: {  	v10 =	vld [tilespmem:s13+$0xAF80];
	v0 =	vadd.f32 v0, v3;
	v3 =	vmul.f32 v43, v40;
	v1 =	vadd.f32 v6, v1  }
0x561: {  	v5 =	vmul.f32 v5, v11;
	v6 =	vld [tilespmem:s13+$0x3D80];
	v4 =	vadd.f32 v4, v9  }
0x562: {  	v11 =	vld [tilespmem:s13+$0xBD80];
	v9 =	vmul.f32 v37, v36;
	v1 =	vadd.f32 v3, v1  }
0x563: {  	v3 =	vadd.f32 v5, v4;
	v4 =	vmul.f32 v7, v61;
	v5 =	vld [tilespmem:s13+$0x3F80]  }
0x564: {  	v0 =	vadd.f32 v15, v0;
	v1 =	vadd.f32 v9, v1;
	v9 =	vld [tilespmem:$0x1F6F0]  }
0x565: {  	v7 =	vmul.f32 v33, v29;
	v3 =	vadd.f32 v4, v3;
	v4 =	vmul.f32 v10, v8;
	v10 =	vld [tilespmem:$0x1F700]  }
0x566: {  	v0 =	vadd.f32 v12, v0;
	v12 =	vld [tilespmem:$0x1F6C0]  }
0x567: {  	v1 =	vadd.f32 v7, v1;
	v7 =	vld [tilespmem:$0x1F6D0]  }
0x568: {  	v3 =	vadd.f32 v4, v3;
	v4 =	vmul.f32 v11, v6;
	v11 =	vld [tilespmem:$0x1F6E0]  }
0x569: {  	v8 =	vld [tilespmem:s13+$0x4D80]  }
0x56a: {  	v6 =	vld [tilespmem:s13+$0x4F80];
	v9 =	vmul.f32 v10, v9  }
0x56b: {  	v10 =	vld [tilespmem:s13+$0xCD80]  }
0x56c: {  	v1 =	vadd.f32 v9, v1;
	v9 =	vld [tilespmem:$0x1F6B0]  }
0x56d: {  	v14 =	vmul.f32 v57, v54;
	v2 =	vadd.f32 v60, v2;
	v7 =	vmul.f32 v11, v7;
	v11 =	vld [tilespmem:s13+$0xCF80]  }
0x56e: {  	v3 =	vadd.f32 v4, v3;
	v4 =	vmul.f32 v32, v5  }
0x56f: {  	v48 =	vmul.f32 v51, v48;
	v2 =	vadd.f32 v14, v2  }
0x570: {  	v3 =	vadd.f32 v4, v3;
	v4 =	vmul.f32 v10, v8;
	v8 =	vld [tilespmem:$0x1F690]  }
0x571: {  	v2 =	vadd.f32 v48, v2;
	v1 =	vadd.f32 v7, v1;
	v10 =	vld [tilespmem:$0x1F6A0];
	v9 =	vmul.f32 v12, v9  }
0x572: {  	v3 =	vadd.f32 v4, v3;
	v4 =	vmul.f32 v11, v6;
	v11 =	vld [tilespmem:$0x1F680]  }
0x573: {  	v2 =	vadd.f32 v49, v2;
	v1 =	vadd.f32 v9, v1;
	v9 =	vld [tilespmem:$0x1F670]  }
0x574: {  	v16 =	vld [tilespmem:s13+$0xDD80]  }
0x575: {  	v62 =	vld [tilespmem:$0x1F660];
	v2 =	vadd.f32 v44, v2  }
0x576: {  	v5 =	vld [tilespmem:s13+$0x5D80];
	v8 =	vmul.f32 v10, v8  }
0x577: {  	v2 =	vadd.f32 v41, v2;
	v7 =	vld [tilespmem:s13+$0x5F80]  }
0x578: {  	v0 =	vadd.f32 v50, v0;
	v10 =	vld [tilespmem:s13+$0xDF80];
	v1 =	vadd.f32 v8, v1;
	v9 =	vmul.f32 v11, v9  }
0x579: {  	v2 =	vadd.f32 v38, v2;
	v8 =	vld [tilespmem:$0x1F650]  }
0x57a: {  	v0 =	vadd.f32 v45, v0;
	v1 =	vadd.f32 v9, v1;
	v9 =	vld [tilespmem:$0x1F7A0]  }
0x57b: {  	v2 =	vadd.f32 v34, v2;
	v6 =	vld [tilespmem:s13+$0x6D80]  }
0x57c: {  	v0 =	vadd.f32 v42, v0;
	v3 =	vadd.f32 v4, v3;
	v4 =	vmul.f32 v16, v5;
	v11 =	vld [tilespmem:s13+$0xED80]  }
0x57d: {  	v63 =	vld [tilespmem:s13+$0xEF80];
	v2 =	vadd.f32 v28, v2  }
0x57e: {  	v0 =	vadd.f32 v39, v0;
	v5 =	vld [tilespmem:s13+$0x6F80];
	v3 =	vadd.f32 v4, v3  }
0x57f: {  	v4 =	vmul.f32 v10, v7;
	v8 =	vmul.f32 v62, v8;
	v2 =	vadd.f32 v9, v2;
	v9 =	vld [tilespmem:$0x1F7B0]  }
0x580: {  	v0 =	vadd.f32 v35, v0  }
0x581: {  	v3 =	vadd.f32 v4, v3;
	v1 =	vadd.f32 v8, v1;
	v4 =	vmul.f32 v11, v6;
	v8 =	vld [tilespmem:$0x1F770]  }
0x582: {  	s15 =	sshra.s32 s14, $0x2;
	v0 =	vadd.f32 v31, v0  }
0x583: {  	v3 =	vadd.f32 v4, v3;
	v4 =	vmul.f32 v63, v5;
	v5 =	vld [tilespmem:s15+$0xFE00]  }
0x584: {  	v0 =	vadd.f32 v9, v0;
	v9 =	vld [tilespmem:$0x1F640]  }
0x585: {  	v7 =	vld [tilespmem:s13+$0x7D80]  }
0x586: {  	v2 =	vadd.f32 v8, v2;
	v8 =	vld [tilespmem:$0x1F780]  }
0x587: {  	v10 =	vld [tilespmem:s13+$0xFD80]  }
0x588: {  	[tilespmem:$0x1F590] =	vst v5;
	v5 =	vld [tilespmem:$0x1F750]  }
0x589: {  	v9 =	vmul.f32 v9, v27;
	_ =	sdelay $0x1  }
0x58a: {  	v0 =	vadd.f32 v8, v0;
	v8 =	vmul.f32 v26, v25;
	v1 =	vadd.f32 v9, v1  }
0x58b: {  	v3 =	vadd.f32 v4, v3;
	v4 =	vmul.f32 v10, v7  }
0x58c: {  	v7 =	vld [tilespmem:s15+$0xFE80];
	v0 =	vadd.f32 v5, v0;
	v5 =	vmul.f32 v24, v23;
	v1 =	vadd.f32 v8, v1;
	_ =	sdelay $0x1  }
0x58d: {  	v1 =	vadd.f32 v5, v1;
	v5 =	vld [tilespmem:s15+$0xFF00];
	_ =	sdelay $0x2  }
0x58e: {  	[tilespmem:$0x1F5B0] =	vst v7;
	v7 =	vld [tilespmem:$0x1F730];
	_ =	sdelay $0x1  }
0x58f: {  	[tilespmem:$0x1F5D0] =	vst v5;
	v5 =	vld [tilespmem:$0x1F710]  }
0x590: {  	v6 =	vld [tilespmem:s13+$0x7F80];
	v2 =	vadd.f32 v21, v2  }
0x591: {  	v11 =	vld [tilespmem:s13+$0xFF80]  }
0x592: {  	v2 =	vadd.f32 v7, v2;
	_ =	sdelay $0x1  }
0x593: {  	v2 =	vadd.f32 v5, v2;
	v5 =	vld [tilespmem:$0x1F720]  }
0x594: {  	v13 =	vld [tilespmem:s15+$0x7E00]  }
0x595: {  	v3 =	vadd.f32 v4, v3;
	v4 =	vmul.f32 v11, v6;
	v21 =	vld [tilespmem:s15+$0x6E00]  }
0x596: {  	v6 =	vld [tilespmem:$0x1F590];
	v0 =	vadd.f32 v19, v0;
	v7 =	vmul.f32 v22, v20  }
0x597: {  	v3 =	vadd.f32 v4, v3;
	v9 =	vld [tilespmem:s15+$0x7E80]  }
0x598: {  	v1 =	vadd.f32 v7, v1;
	v0 =	vadd.f32 v5, v0;
	v5 =	vld [tilespmem:s15+$0x7C00]  }
0x599: {  	v19 =	vld [tilespmem:s15+$0xFC00]  }
0x59a: {  	v8 =	vld [tilespmem:s15+$0x7F00];
	v1 =	vadd.f32 v3, v1;
	v0 =	vadd.f32 v0, v2  }
0x59b: {  	v7 =	vld [tilespmem:s15+$0x7C80]  }
0x59c: {  	v2 =	vld [tilespmem:s15+$0x7D00];
	v0 =	vadd.f32 v1, v0  }
0x59d: {  	v1 =	vld [tilespmem:s15+$0xFD00];
	[tilespmem:$0x1F5C0] =	vst v5  }
0x59e: {  	v5 =	vld [tilespmem:s15+$0xFC80];
	[tilespmem:s13+$0x10180] =	vst v0;
	s13 =	smov.u32 s15  }
0x59f: {  	[tilespmem:$0x1F5F0] =	vst v8;
	v8 =	vld [tilespmem:s13+$0xEE00]  }
0x5a0: {  	v28 =	vld [tilespmem:s13+$0x6E80]  }
0x5a1: {  	v35 =	vld [tilespmem:s13+$0xEE80]  }
0x5a2: {  	v0 =	vld [tilespmem:s13+$0x6F00]  }
0x5a3: {  	v38 =	vld [tilespmem:s13+$0x6C00]  }
0x5a4: {  	v39 =	vld [tilespmem:s13+$0xEC00]  }
0x5a5: {  	v41 =	vld [tilespmem:s13+$0x6C80]  }
0x5a6: {  	v42 =	vld [tilespmem:s13+$0xEC80]  }
0x5a7: {  	v44 =	vld [tilespmem:s13+$0x5E00]  }
0x5a8: {  	v45 =	vld [tilespmem:s13+$0xDE00]  }
0x5a9: {  	v49 =	vld [tilespmem:s13+$0x5E80]  }
0x5aa: {  	v50 =	vld [tilespmem:s13+$0xDE80]  }
0x5ab: {  	v55 =	vld [tilespmem:s13+$0x5C00]  }
0x5ac: {  	v56 =	vld [tilespmem:s13+$0xDC00]  }
0x5ad: {  	v58 =	vld [tilespmem:s13+$0x5C80]  }
0x5ae: {  	v31 =	vld [tilespmem:s13+$0xDC80]  }
0x5af: {  	v34 =	vld [tilespmem:s13+$0x4E00]  }
0x5b0: {  	v10 =	vld [tilespmem:s13+$0xCE00]  }
0x5b1: {  	v12 =	vld [tilespmem:s13+$0x4E80]  }
0x5b2: {  	[tilespmem:$0x1F630] =	vst v0;
	v0 =	vld [tilespmem:s13+$0xEF00]  }
0x5b3: {  	[tilespmem:$0x1F580] =	vst v13;
	v13 =	vld [tilespmem:s13+$0xCE80]  }
0x5b4: {  	v14 =	vld [tilespmem:s13+$0x4C00]  }
0x5b5: {  	v15 =	vld [tilespmem:s13+$0xCC00]  }
0x5b6: {  	v16 =	vld [tilespmem:s13+$0x4C80]  }
0x5b7: {  	[tilespmem:$0x1F600] =	vst v0;
	v0 =	vld [tilespmem:s13+$0x6D00]  }
0x5b8: {  	v17 =	vld [tilespmem:s13+$0xCC80]  }
0x5b9: {  	v18 =	vld [tilespmem:s13+$0x3E00]  }
0x5ba: {  	[tilespmem:$0x1F5A0] =	vst v9;
	v9 =	vld [tilespmem:s13+$0xBE00]  }
0x5bb: {  	v30 =	vld [tilespmem:s13+$0x3E80]  }
0x5bc: {  	[tilespmem:$0x1F620] =	vst v0;
	v0 =	vld [tilespmem:s13+$0xED00]  }
0x5bd: {  	v22 =	vld [tilespmem:s13+$0xBE80]  }
0x5be: {  	v20 =	vld [tilespmem:s13+$0x3C00]  }
0x5bf: {  	v23 =	vld [tilespmem:s13+$0xBC00]  }
0x5c0: {  	v26 =	vld [tilespmem:s13+$0x3C80]  }
0x5c1: {  	[tilespmem:$0x1F640] =	vst v0;
	v0 =	vld [tilespmem:s13+$0x5F00]  }
0x5c2: {  	v24 =	vld [tilespmem:s13+$0xBC80]  }
0x5c3: {  	v25 =	vld [tilespmem:s13+$0x2E00]  }
0x5c4: {  	v27 =	vld [tilespmem:s13+$0xAE00]  }
0x5c5: {  	v11 =	vld [tilespmem:s13+$0x2E80]  }
0x5c6: {  	[tilespmem:$0x1F650] =	vst v0;
	v0 =	vld [tilespmem:s13+$0xDF00]  }
0x5c7: {  	v32 =	vld [tilespmem:s13+$0xAE80]  }
0x5c8: {  	v29 =	vld [tilespmem:s13+$0x2F00]  }
0x5c9: {  	v33 =	vld [tilespmem:s13+$0xAF00]  }
0x5ca: {  	v48 =	vld [tilespmem:s13+$0x2C00]  }
0x5cb: {  	[tilespmem:$0x1F660] =	vst v0;
	v0 =	vld [tilespmem:s13+$0x5D00]  }
0x5cc: {  	v51 =	vld [tilespmem:s13+$0xAC00]  }
0x5cd: {  	v52 =	vld [tilespmem:s13+$0x2C80]  }
0x5ce: {  	v53 =	vld [tilespmem:s13+$0xAC80]  }
0x5cf: {  	v36 =	vld [tilespmem:s13+$0x2D00]  }
0x5d0: {  	[tilespmem:$0x1F670] =	vst v0;
	v0 =	vld [tilespmem:s13+$0xDD00]  }
0x5d1: {  	v37 =	vld [tilespmem:s13+$0xAD00]  }
0x5d2: {  	v54 =	vld [tilespmem:s13+$0x1E00]  }
0x5d3: {  	v57 =	vld [tilespmem:s13+$0x9E00]  }
0x5d4: {  	v59 =	vld [tilespmem:s13+$0x1E80]  }
0x5d5: {  	[tilespmem:$0x1F680] =	vst v0;
	v0 =	vld [tilespmem:s13+$0x4F00]  }
0x5d6: {  	v60 =	vld [tilespmem:s13+$0x9E80]  }
0x5d7: {  	v40 =	vld [tilespmem:s13+$0x1F00]  }
0x5d8: {  	v43 =	vld [tilespmem:s13+$0x9F00]  }
0x5d9: {  	v61 =	vld [tilespmem:s13+$0x1C00]  }
0x5da: {  	[tilespmem:$0x1F690] =	vst v0;
	v0 =	vld [tilespmem:s13+$0xCF00]  }
0x5db: {  	v62 =	vld [tilespmem:s13+$0x9C00]  }
0x5dc: {  	v63 =	vld [tilespmem:s13+$0x1C80]  }
0x5dd: {  	v46 =	vld [tilespmem:s13+$0x1D00]  }
0x5de: {  	v47 =	vld [tilespmem:s13+$0x9D00]  }
0x5df: {  	[tilespmem:$0x1F6A0] =	vst v0;
	v0 =	vld [tilespmem:s13+$0x4D00]  }
0x5e0: {  	[tilespmem:$0x1F5E0] =	vst v2;
	v2 =	vld [tilespmem:s13+$0xE00]  }
0x5e1: {  	[tilespmem:$0x1F610] =	vst v1;
	v1 =	vld [tilespmem:$0x1F580]  }
0x5e2: {  	v3 =	vld [tilespmem:s13+$0x8E00]  }
0x5e3: {  	v4 =	vld [tilespmem:s13+$0xE80]  }
0x5e4: {  	v21 =	vmul.f32 v8, v21;
	[tilespmem:$0x1F6B0] =	vst v0;
	v0 =	vld [tilespmem:s13+$0xCD00]  }
0x5e5: {  	v8 =	vmul.f32 v45, v44;
	v31 =	vmul.f32 v31, v58;
	v58 =	vld [tilespmem:s13+$0xD00]  }
0x5e6: {  	v44 =	vmul.f32 v23, v20;
	v23 =	vld [tilespmem:$0x1F5E0];
	v1 =	vmul.f32 v6, v1  }
0x5e7: {  	v6 =	vld [tilespmem:$0x1F5B0]  }
0x5e8: {  	[tilespmem:$0x1F710] =	vst v1;
	v1 =	vld [tilespmem:$0x1F5A0]  }
0x5e9: {  	[tilespmem:$0x1F6C0] =	vst v0;
	v0 =	vld [tilespmem:s13+$0x3F00]  }
0x5ea: {  	v20 =	vld [tilespmem:$0x1F5F0]  }
0x5eb: {  	v45 =	vmul.f32 v24, v26;
	v24 =	vld [tilespmem:$0x1F610]  }
0x5ec: {  	v34 =	vmul.f32 v10, v34;
	v10 =	vld [tilespmem:s13+$0xD80];
	[tilespmem:$0x1F7A0] =	vst v8;
	v8 =	vmul.f32 v50, v49  }
0x5ed: {  	v49 =	vmul.f32 v27, v25;
	v25 =	vld [tilespmem:$0x1F630];
	v1 =	vmul.f32 v6, v1  }
0x5ee: {  	[tilespmem:$0x1F6D0] =	vst v0;
	v0 =	vld [tilespmem:s13+$0xBF00]  }
0x5ef: {  	[tilespmem:$0x1F720] =	vst v1;
	v1 =	vld [tilespmem:$0x1F5C0]  }
0x5f0: {  	[tilespmem:$0x1F7B0] =	vst v8;
	v8 =	vld [tilespmem:s13+$0x8C00]  }
0x5f1: {  	v26 =	vld [tilespmem:$0x1F600]  }
0x5f2: {  	v6 =	vld [tilespmem:s13+$0x8E80]  }
0x5f3: {  	[tilespmem:$0x1F6E0] =	vst v0;
	v0 =	vld [tilespmem:s13+$0x3D00]  }
0x5f4: {  	v27 =	vld [tilespmem:$0x1F620];
	v1 =	vmul.f32 v19, v1;
	v19 =	vmul.f32 v5, v7  }
0x5f5: {  	v5 =	vmul.f32 v35, v28;
	v28 =	vmul.f32 v56, v55;
	v55 =	vld [tilespmem:s13+$0xC80]  }
0x5f6: {  	v56 =	vld [tilespmem:s13+$0x8C80]  }
0x5f7: {  	[tilespmem:$0x1F730] =	vst v1;
	v1 =	vld [tilespmem:s13+$0xF00]  }
0x5f8: {  	p0 =	sne.s32 s14, $0x1C0;
	v7 =	vmul.f32 v39, v38;
	[tilespmem:$0x1F6F0] =	vst v0;
	v0 =	vld [tilespmem:s13+$0xBD00]  }
.Ltmp3:
0x5f9: {  	[tilespmem:$0x1F750] =	vst v5;
	v5 =	vld [tilespmem:s13+$0x8F00];
	(pc) =	sbr.rel @p0 .LBB2_8-.Ltmp3, $4  }
0x5fa: {  	[tilespmem:$0x1F770] =	vst v7;
	v7 =	vmul.f32 v42, v41;
	v42 =	vmul.f32 v22, v30;
	v22 =	vld [tilespmem:$0x1F5D0]  }
0x5fb: {  	v41 =	vmul.f32 v9, v18;
	v9 =	vld [tilespmem:s13+$0x8D00]  }
0x5fc: {  	v50 =	vmul.f32 v32, v11;
	v35 =	vmul.f32 v13, v12;
	[tilespmem:$0x1F780] =	vst v7;
	v7 =	vld [tilespmem:s13+$0xC00]  }
0x5fd: {  	s14 =	sadd.s32 $0x40, s14;
	v38 =	vmul.f32 v15, v14;
	v39 =	vmul.f32 v17, v16;
	[tilespmem:$0x1F700] =	vst v0;
	v0 =	vld [tilespmem:s13+$0x9C80]  }
0x5fe: {  	v13 =	vld [tilespmem:s13+$0x8D80]  }
0x5ff: {  	v16 =	vld [tilespmem:s13+$0xF80]  }
0x600: {  	v18 =	vld [tilespmem:s13+$0x8F80]  }
0x601: {  	v32 =	vld [tilespmem:s13+$0x1D80]  }
0x602: {  	v12 =	vmul.f32 v53, v52;
	v52 =	vld [tilespmem:s13+$0x9D80]  }
0x603: {  	v53 =	vld [tilespmem:s13+$0x1F80]  }
0x604: {  	v11 =	vmul.f32 v51, v48;
	v51 =	vmul.f32 v56, v55;
	v56 =	vld [tilespmem:s13+$0x9F80]  }
0x605: {  	v14 =	vmul.f32 v57, v54;
	v57 =	vld [tilespmem:s13+$0x2D80]  }
0x606: {  	v15 =	vmul.f32 v60, v59;
	v59 =	vld [tilespmem:s13+$0xAD80]  }
0x607: {  	v17 =	vmul.f32 v62, v61;
	v61 =	vld [tilespmem:s13+$0x2F80]  }
0x608: {  	v62 =	vmul.f32 v43, v40;
	v40 =	vld [tilespmem:s13+$0x3F80]  }
0x609: {  	v43 =	vmul.f32 v33, v29;
	v29 =	vld [tilespmem:$0x1F6A0]  }
0x60a: {  	v33 =	vld [tilespmem:s13+$0x6D80]  }
0x60b: {  	v9 =	vmul.f32 v9, v58;
	v58 =	vmul.f32 v47, v46;
	v46 =	vld [tilespmem:s13+$0xBF80]  }
0x60c: {  	v30 =	vmul.f32 v6, v4;
	v55 =	vadd.f32 $0.0e+00, v51;
	v51 =	vld [tilespmem:$0x1F6F0]  }
0x60d: {  	v0 =	vmul.f32 v0, v63;
	v63 =	vld [tilespmem:s13+$0xAF80]  }
0x60e: {  	v2 =	vmul.f32 v3, v2;
	v48 =	vmul.f32 v8, v7;
	v3 =	vadd.f32 v30, v55;
	v55 =	vld [tilespmem:s13+$0x4F80]  }
0x60f: {  	v4 =	vmul.f32 v52, v32;
	v32 =	vld [tilespmem:s13+$0xBD80]  }
0x610: {  	v54 =	vadd.f32 $0.0e+00, v48;
	v48 =	vld [tilespmem:s13+$0x4D80]  }
0x611: {  	v1 =	vmul.f32 v5, v1;
	v52 =	vld [tilespmem:$0x1F700]  }
0x612: {  	v9 =	vadd.f32 $0.0e+00, v9;
	v30 =	vmul.f32 v37, v36;
	v37 =	vmul.f32 v59, v57;
	v57 =	vld [tilespmem:$0x1F6E0]  }
0x613: {  	v16 =	vmul.f32 v18, v16;
	v18 =	vld [tilespmem:$0x1F690]  }
0x614: {  	v10 =	vmul.f32 v13, v10;
	v1 =	vadd.f32 v1, v9;
	v59 =	vmul.f32 v46, v40;
	v40 =	vld [tilespmem:$0x1F650]  }
0x615: {  	v2 =	vadd.f32 v2, v54;
	v46 =	vld [tilespmem:$0x1F7B0]  }
0x616: {  	v10 =	vadd.f32 $0.0e+00, v10;
	v1 =	vadd.f32 v58, v1;
	v58 =	vld [tilespmem:s13+$0xCF80]  }
0x617: {  	v2 =	vadd.f32 v17, v2;
	v17 =	vld [tilespmem:s13+$0x3D80]  }
0x618: {  	v0 =	vadd.f32 v0, v3;
	v60 =	vadd.f32 v16, v10;
	v16 =	vmul.f32 v56, v53;
	v53 =	vld [tilespmem:s13+$0xCD80]  }
0x619: {  	v56 =	vld [tilespmem:$0x1F6D0]  }
0x61a: {  	v0 =	vadd.f32 v15, v0;
	v47 =	vmul.f32 v63, v61;
	v61 =	vld [tilespmem:$0x1F6B0]  }
0x61b: {  	v63 =	vld [tilespmem:s13+$0xDD80]  }
0x61c: {  	v1 =	vadd.f32 v62, v1;
	v0 =	vadd.f32 v12, v0;
	v62 =	vld [tilespmem:$0x1F6C0]  }
0x61d: {  	v9 =	vmul.f32 v52, v51;
	v51 =	vld [tilespmem:$0x1F770];
	v4 =	vadd.f32 v4, v60  }
0x61e: {  	v52 =	vld [tilespmem:$0x1F780];
	v2 =	vadd.f32 v14, v2;
	v0 =	vadd.f32 v50, v0  }
0x61f: {  	v60 =	vld [tilespmem:s13+$0x5D80];
	v1 =	vadd.f32 v30, v1;
	v36 =	vadd.f32 v16, v4  }
0x620: {  	v30 =	vld [tilespmem:s13+$0xDF80];
	v2 =	vadd.f32 v11, v2;
	v0 =	vadd.f32 v45, v0  }
0x621: {  	v50 =	vld [tilespmem:s13+$0x7F80];
	v3 =	vadd.f32 v37, v36  }
0x622: {  	v54 =	vmul.f32 v32, v17;
	v17 =	vld [tilespmem:s13+$0x5F80];
	v2 =	vadd.f32 v49, v2;
	v0 =	vadd.f32 v42, v0  }
0x623: {  	v1 =	vadd.f32 v43, v1;
	v45 =	vld [tilespmem:$0x1F7A0];
	v3 =	vadd.f32 v47, v3  }
0x624: {  	v16 =	vmul.f32 v53, v48;
	v48 =	vld [tilespmem:s13+$0xFD80];
	v2 =	vadd.f32 v44, v2;
	v0 =	vadd.f32 v39, v0  }
0x625: {  	v7 =	vmul.f32 v57, v56;
	v36 =	vld [tilespmem:$0x1F680];
	v1 =	vadd.f32 v9, v1;
	v3 =	vadd.f32 v54, v3  }
0x626: {  	v2 =	vadd.f32 v41, v2;
	v0 =	vadd.f32 v35, v0;
	v35 =	vld [tilespmem:$0x1F670]  }
0x627: {  	v56 =	vld [tilespmem:$0x1F750];
	v9 =	vmul.f32 v62, v61;
	v1 =	vadd.f32 v7, v1;
	v3 =	vadd.f32 v59, v3  }
0x628: {  	v8 =	vmul.f32 v29, v18;
	v41 =	vld [tilespmem:$0x1F660];
	v2 =	vadd.f32 v38, v2  }
0x629: {  	v32 =	vmul.f32 v58, v55;
	v37 =	vld [tilespmem:s13+$0xED80];
	v1 =	vadd.f32 v9, v1;
	v3 =	vadd.f32 v16, v3  }
0x62a: {  	v47 =	vld [tilespmem:$0x1F640];
	v38 =	vmul.f32 v63, v60;
	v2 =	vadd.f32 v34, v2  }
0x62b: {  	v42 =	vld [tilespmem:s13+$0xEF80];
	v1 =	vadd.f32 v8, v1;
	v9 =	vmul.f32 v36, v35;
	v3 =	vadd.f32 v32, v3  }
0x62c: {  	v39 =	vld [tilespmem:s13+$0x6F80];
	v43 =	vmul.f32 v30, v17;
	v0 =	vadd.f32 v31, v0;
	v2 =	vadd.f32 v28, v2  }
0x62d: {  	v62 =	vld [tilespmem:$0x1F710];
	v8 =	vmul.f32 v41, v40;
	v1 =	vadd.f32 v9, v1;
	v3 =	vadd.f32 v38, v3  }
0x62e: {  	v44 =	vld [tilespmem:s13+$0x7D80];
	v49 =	vmul.f32 v37, v33;
	v0 =	vadd.f32 v46, v0;
	v2 =	vadd.f32 v45, v2  }
0x62f: {  	v59 =	vld [tilespmem:$0x1F730];
	v9 =	vmul.f32 v47, v27;
	v1 =	vadd.f32 v8, v1;
	v3 =	vadd.f32 v43, v3  }
0x630: {  	v53 =	vmul.f32 v26, v25;
	v54 =	vld [tilespmem:s13+$0xFF80];
	v0 =	vadd.f32 v52, v0;
	v2 =	vadd.f32 v51, v2  }
0x631: {  	v63 =	vld [tilespmem:$0x1F720];
	v55 =	vmul.f32 v42, v39;
	v1 =	vadd.f32 v9, v1;
	v3 =	vadd.f32 v49, v3  }
0x632: {  	v57 =	vmul.f32 v24, v23;
	v0 =	vadd.f32 v56, v0;
	v2 =	vadd.f32 v21, v2  }
0x633: {  	v58 =	vmul.f32 v48, v44;
	v1 =	vadd.f32 v53, v1;
	v3 =	vadd.f32 v55, v3  }
0x634: {  	v60 =	vmul.f32 v22, v20;
	v0 =	vadd.f32 v19, v0;
	v2 =	vadd.f32 v59, v2  }
0x635: {  	v61 =	vmul.f32 v54, v50;
	v1 =	vadd.f32 v57, v1;
	v3 =	vadd.f32 v58, v3  }
0x636: {  	v0 =	vadd.f32 v63, v0;
	v2 =	vadd.f32 v62, v2  }
0x637: {  	v1 =	vadd.f32 v60, v1;
	v3 =	vadd.f32 v61, v3;
	_ =	sdelay $0x1  }
0x638: {  	v0 =	vadd.f32 v0, v2;
	v1 =	vadd.f32 v3, v1;
	_ =	sdelay $0x1  }
0x639: {  	v0 =	vadd.f32 v1, v0;
	_ =	sdelay $0x1  }
0x63a: {  	s15 =	rddreg [dreg:$0x4];
	s14 =	simm.s32 $0x10000;
	[tilespmem:s13+$0x10180] =	vst v0  }
0x63b: {  	[hbm4b:s15+s2] =	stream.linear.scatter [tilespmem:s14], [sflag:$0x9], $0x200, $0x38;
	[tilespmem:$0x10200] =	vst v63  }
0x63c: {  	_ =	swait.ge [sflag:s11], $0x200  }
0x63d: {  	s12 =	sadd.s32 $0x1, s12;
	s15 =	rddreg [dreg:$0x5]  }
0x63e: {  	p0 =	sne.s32 s12, s15  }
.Ltmp4:
0x63f: {  	_ = 	snop;
	(pc) =	sbr.rel @p0 .LBB2_1-.Ltmp4, $3  }
0x640: {  	_ =	sdelay $0x1  }
0x641: {  	[sflag:s11] =	ssyncset.done $0x0  }
0x642: {  	[sflag:s11] =	ssyncadd.s32 $0xFFFFFE00  }
0x643: {  	_ =	sfence.sel $0x180000  }
0x644: {  	[bflag:$0x0] =	sbarrier.arrive $0xFFFF  }
0x645: {  	_ =	strace $0x90000047  }
0x646: {  	s0 =	stileid.u32;
	[bflag:$0x2] =	sbarrier.arrive $0xFFFF  }
0x647: {  	p0 =	sne.s32 s0, $0x0;
	s0 =	rddreg [dreg:$0x3]  }
0x648: {  	s0 =	sadd.s32 @!p0 $0x100000, s0  }
0x649: {  	[sflag:s0] =	ssyncadd.tile.s32 @!p0 $0x1;
	_ =	shalt  }
.Lfunc_end2:
_tile_overlayer_lowered:
.L_overlay_start_2:
0x64a: {  	(tag) =	ssettag $0x2  }
0x64b: {  	s0 =	rddreg [dreg:$0x0];
	s2 =	stileid.u32  }
0x64c: {  	s1 =	rddreg [dreg:$0x1];
	p0 =	sne.s32 s2, $0x0  }
0x64d: {  	s3 =	rddreg [dreg:$0x2];
	[bflag:$0x3] =	sbarrier.arrive $0xFFFF;
	s2 =	simm.s32 @!p0 $0x1C09  }
0x64e: {  	[timem:s3], [sflag:s2] =	dma.local @!p0 [hbm:s0], s1  }
0x64f: {  	s0 =	simm.s32 @!p0 $0x9  }
0x650: {  	_ =	swait.ge @!p0 [sflag:s0], s1  }
0x651: {  	s1 =	ssub.s32 @!p0 $0x0, s1;
	[sflag:s0] =	ssyncset.done @!p0 $0x0  }
0x652: {  	[sflag:s0] =	ssyncadd.s32 @!p0 s1  }
0x653: {  	[bflag:$0x3] =	sbarrier.arrive $0xFFFF  }
0x654: {  	_ =	shalt  }

</sc_bundles>
